<compile_context>
chip_gen: v7x
topology: tpu7x:2x2x1
jax: 0.10.2.dev20260603
libtpu: 0.0.44.dev20260713+nightly
codegen_flags: <defaults>
</compile_context>

<pallas_src>
import functools

import jax
import jax.numpy as jnp
from jax import lax
from jax.experimental import pallas as pl
from jax.experimental.pallas import tpu as pltpu
from jax.experimental.pallas import tpu_sc as plsc

N_NODES = 100000
N_EDGES = 3200000
D = 16

NC = 2
NS = 16
NW = NC * NS

N_PAD = 100352
E_PAD = N_PAD * NW
SUB = 64
ROWS = E_PAD // SUB
RPW = ROWS // NW
ZROW = N_PAD // NS

BM = 2048
GRID = N_PAD // BM

_MESH = plsc.VectorSubcoreMesh(
    core_axis_name="c", subcore_axis_name="s", num_cores=NC, num_subcores=NS
)



@functools.partial(
    pl.kernel,
    mesh=_MESH,
    out_type=jax.ShapeDtypeStruct((NC, N_PAD, D), jnp.float32),
    compiler_params=pltpu.CompilerParams(needs_layout_passes=False),
    scratch_types=[
        pltpu.VMEM((1, SUB), jnp.int32),
        pltpu.VMEM((SUB, D), jnp.float32),
        pltpu.VMEM((SUB, D), jnp.float32),
        pltpu.VMEM((1, SUB), jnp.int32),
        pltpu.VMEM_SHARED((N_PAD, D), jnp.float32),
        pltpu.SemaphoreType.DMA,
    ],
)
def _sc_degree(dst2_hbm, out_hbm, dst_v, buf_v, zbuf_v, iid_v, deg_sh, sem):
    cid = lax.axis_index("c")
    sid = lax.axis_index("s")
    wid = sid * NC + cid
    iota16 = lax.iota(jnp.int32, 16)

    for i in range(SUB):
        buf_v[i] = jnp.ones((16,), jnp.float32)
        zbuf_v[i] = jnp.zeros((16,), jnp.float32)
    base = sid * ZROW

    @pl.loop(0, ZROW // SUB)
    def _init(t):
        r = base + t * SUB
        for k in range(SUB // 16):
            iid_v[0, pl.ds(k * 16, 16)] = iota16 + (r + k * 16)
        pltpu.sync_copy(zbuf_v, deg_sh.at[iid_v.at[0]])

    plsc.subcore_barrier()

    @pl.loop(0, RPW)
    def _body(g):
        r0 = wid * RPW + g
        pltpu.sync_copy(dst2_hbm.at[pl.ds(r0, 1)], dst_v)
        pltpu.sync_copy(buf_v, deg_sh.at[dst_v.at[0]], add=True)

    plsc.subcore_barrier()

    @pl.loop(0, ZROW // SUB)
    def _read(t):
        r = base + t * SUB
        for k in range(SUB // 16):
            iid_v[0, pl.ds(k * 16, 16)] = iota16 + (r + k * 16)
        pltpu.async_copy(deg_sh.at[iid_v.at[0]], zbuf_v, sem).wait()
        pltpu.sync_copy(zbuf_v, out_hbm.at[cid, pl.ds(r, SUB)])


@functools.partial(
    pl.kernel,
    mesh=_MESH,
    out_type=jax.ShapeDtypeStruct((E_PAD, D), jnp.float32),
    compiler_params=pltpu.CompilerParams(needs_layout_passes=False),
    scratch_types=[
        pltpu.VMEM((1, SUB), jnp.int32),
        pltpu.VMEM((SUB, D), jnp.float32),
        pltpu.VMEM((1, SUB), jnp.int32),
        pltpu.VMEM_SHARED((N_PAD, D), jnp.float32),
        pltpu.SemaphoreType.DMA,
    ],
)
def _sc_gather(hs_hbm, src2_hbm, msg_hbm, idx_v, buf_v, iid_v, hs_sh, sem):
    cid = lax.axis_index("c")
    sid = lax.axis_index("s")
    wid = sid * NC + cid
    iota16 = lax.iota(jnp.int32, 16)
    base = sid * ZROW

    @pl.loop(0, ZROW // SUB)
    def _load(t):
        r = base + t * SUB
        pltpu.sync_copy(hs_hbm.at[pl.ds(r, SUB)], buf_v)
        for k in range(SUB // 16):
            iid_v[0, pl.ds(k * 16, 16)] = iota16 + (r + k * 16)
        pltpu.sync_copy(buf_v, hs_sh.at[iid_v.at[0]])

    plsc.subcore_barrier()

    @pl.loop(0, RPW)
    def _body(g):
        r0 = wid * RPW + g
        pltpu.sync_copy(src2_hbm.at[pl.ds(r0, 1)], idx_v)
        pltpu.async_copy(hs_sh.at[idx_v.at[0]], buf_v, sem).wait()
        pltpu.sync_copy(buf_v, msg_hbm.at[pl.ds(r0 * SUB, SUB)])


@functools.partial(
    pl.kernel,
    mesh=_MESH,
    out_type=jax.ShapeDtypeStruct((NC, N_PAD, D), jnp.float32),
    compiler_params=pltpu.CompilerParams(needs_layout_passes=False),
    scratch_types=[
        pltpu.VMEM((1, SUB), jnp.int32),
        pltpu.VMEM((SUB, D), jnp.float32),
        pltpu.VMEM((SUB, D), jnp.float32),
        pltpu.VMEM((1, SUB), jnp.int32),
        pltpu.VMEM_SHARED((N_PAD, D), jnp.float32),
        pltpu.SemaphoreType.DMA,
    ],
)
def _sc_accum(msg_hbm, dst2_hbm, out_hbm, idx_v, buf_v, zbuf_v, iid_v, acc_sh, sem):
    cid = lax.axis_index("c")
    sid = lax.axis_index("s")
    wid = sid * NC + cid
    iota16 = lax.iota(jnp.int32, 16)

    for i in range(SUB):
        zbuf_v[i] = jnp.zeros((16,), jnp.float32)
    base = sid * ZROW

    @pl.loop(0, ZROW // SUB)
    def _init(t):
        r = base + t * SUB
        for k in range(SUB // 16):
            iid_v[0, pl.ds(k * 16, 16)] = iota16 + (r + k * 16)
        pltpu.sync_copy(zbuf_v, acc_sh.at[iid_v.at[0]])

    plsc.subcore_barrier()

    @pl.loop(0, RPW)
    def _body(g):
        r0 = wid * RPW + g
        pltpu.sync_copy(dst2_hbm.at[pl.ds(r0, 1)], idx_v)
        pltpu.sync_copy(msg_hbm.at[pl.ds(r0 * SUB, SUB)], buf_v)
        pltpu.sync_copy(buf_v, acc_sh.at[idx_v.at[0]], add=True)

    plsc.subcore_barrier()

    @pl.loop(0, ZROW // SUB)
    def _read(t):
        r = base + t * SUB
        for k in range(SUB // 16):
            iid_v[0, pl.ds(k * 16, 16)] = iota16 + (r + k * 16)
        pltpu.async_copy(acc_sh.at[iid_v.at[0]], zbuf_v, sem).wait()
        pltpu.sync_copy(zbuf_v, out_hbm.at[cid, pl.ds(r, SUB)])



def _tc_a_body(x_ref, degt_ref, w1_ref, hs_ref, dis_ref):
    deg = degt_ref[0, :, 0:1] + degt_ref[1, :, 0:1] + 1.0
    dis = lax.rsqrt(deg)
    h = jnp.dot(x_ref[...], w1_ref[...], preferred_element_type=jnp.float32)
    hs_ref[...] = h * dis
    dis_ref[...] = dis


def _tc_b_body(acc_ref, hs_ref, dis_ref, b1_ref, w2_ref, hs2_ref):
    dis = dis_ref[...]
    o1 = dis * (acc_ref[0] + acc_ref[1] + hs_ref[...]) + b1_ref[...]
    o1 = jnp.maximum(o1, 0.0)
    h2 = jnp.dot(o1, w2_ref[...], preferred_element_type=jnp.float32)
    hs2_ref[...] = h2 * dis


def _tc_c_body(acc_ref, hs2_ref, dis_ref, b2_ref, wl_ref, bl_ref, y_ref):
    dis = dis_ref[...]
    o2 = dis * (acc_ref[0] + acc_ref[1] + hs2_ref[...]) + b2_ref[...]
    y_ref[...] = jnp.dot(o2, wl_ref[...], preferred_element_type=jnp.float32) + bl_ref[...]


def _row_spec(width):
    return pl.BlockSpec((BM, width), lambda i: (i, 0))


def _full_spec(shape):
    return pl.BlockSpec(shape, lambda i: tuple(0 for _ in shape))


_acc_spec = pl.BlockSpec((NC, BM, D), lambda i: (0, i, 0))

_tc_a = pl.pallas_call(
    _tc_a_body,
    grid=(GRID,),
    in_specs=[_row_spec(D), _acc_spec, _full_spec((D, D))],
    out_specs=[_row_spec(D), _row_spec(1)],
    out_shape=[
        jax.ShapeDtypeStruct((N_PAD, D), jnp.float32),
        jax.ShapeDtypeStruct((N_PAD, 1), jnp.float32),
    ],
)

_tc_b = pl.pallas_call(
    _tc_b_body,
    grid=(GRID,),
    in_specs=[_acc_spec, _row_spec(D), _row_spec(1), _full_spec((1, D)), _full_spec((D, D))],
    out_specs=_row_spec(D),
    out_shape=jax.ShapeDtypeStruct((N_PAD, D), jnp.float32),
)

_tc_c = pl.pallas_call(
    _tc_c_body,
    grid=(GRID,),
    in_specs=[
        _acc_spec,
        _row_spec(D),
        _row_spec(1),
        _full_spec((1, D)),
        _full_spec((D, 1)),
        _full_spec((1, 1)),
    ],
    out_specs=_row_spec(1),
    out_shape=jax.ShapeDtypeStruct((N_PAD, 1), jnp.float32),
)



def kernel(x, edge_index, W1, b1, W2, b2, Wl, bl):
    ei = edge_index.astype(jnp.int32)
    src = ei[0]
    dst = ei[1]
    npad = E_PAD - N_EDGES
    fill = N_NODES + (jnp.arange(npad, dtype=jnp.int32) % 256)
    src2 = jnp.concatenate([src, fill]).reshape(ROWS, SUB)
    dst2 = jnp.concatenate([dst, fill]).reshape(ROWS, SUB)
    x_p = jnp.concatenate([x, jnp.zeros((N_PAD - N_NODES, D), jnp.float32)])

    degp = _sc_degree(dst2)
    hs1, dis = _tc_a(x_p, degp, W1)
    acc1 = _sc_accum(_sc_gather(hs1, src2), dst2)
    hs2 = _tc_b(acc1, hs1, dis, b1.reshape(1, D), W2)
    acc2 = _sc_accum(_sc_gather(hs2, src2), dst2)
    y = _tc_c(acc2, hs2, dis, b2.reshape(1, D), Wl, bl.reshape(1, 1))
    return y[:N_NODES]

# --- scband reference (transcript-rebuilt; emitter-appended) ---
"""Pipeline reference for scband-net-18966575579589 (READ-ONLY COPY).

The authoritative reference and input builder live on the scoring server;
editing this copy changes nothing except your own understanding.
"""

import jax, jax.numpy as jnp
import numpy as np

N_NODES = 100000
N_EDGES = 3200000
D = 16

def setup_inputs(seed: int = 0) -> dict:
    key = jax.random.key(seed)
    ks = jax.random.split(key, 8)
    x = jax.random.normal(ks[0], (N_NODES, D), dtype=jnp.float32)
    edge_index = jax.random.randint(ks[1], (2, N_EDGES), 0, N_NODES, dtype=jnp.int64)
    s = 1.0 / np.sqrt(D)
    W1 = jax.random.uniform(ks[2], (D, D), jnp.float32, -s, s)
    b1 = jnp.zeros((D,), jnp.float32)
    W2 = jax.random.uniform(ks[3], (D, D), jnp.float32, -s, s)
    b2 = jnp.zeros((D,), jnp.float32)
    Wl = jax.random.uniform(ks[4], (D, 1), jnp.float32, -s, s)
    bl = jnp.zeros((1,), jnp.float32)
    return {"x": x, "edge_index": edge_index, "W1": W1, "b1": b1, "W2": W2, "b2": b2, "Wl": Wl, "bl": bl}

def gcn_conv(x, src, dst, W, b, num_nodes):
    # PyG GCNConv: add self-loops, symmetric normalization, linear transform, scatter-add, bias
    loop = jnp.arange(num_nodes, dtype=src.dtype)
    src_f = jnp.concatenate([src, loop])
    dst_f = jnp.concatenate([dst, loop])
    ones = jnp.ones(src_f.shape[0], dtype=x.dtype)
    deg = jnp.zeros((num_nodes,), dtype=x.dtype).at[dst_f].add(ones)
    deg_inv_sqrt = jnp.where(deg > 0, deg ** -0.5, 0.0)
    norm = deg_inv_sqrt[src_f] * deg_inv_sqrt[dst_f]
    h = x @ W
    msg = h[src_f] * norm[:, None]
    out = jnp.zeros((num_nodes, h.shape[1]), dtype=x.dtype).at[dst_f].add(msg)
    return out + b

def reference(x, edge_index, W1, b1, W2, b2, Wl, bl):
    src = edge_index[0]
    dst = edge_index[1]
    n = x.shape[0]
    h = gcn_conv(x, src, dst, W1, b1, n)
    h = jax.nn.relu(h)
    # dropout is identity in eval mode (deterministic reference)
    h = gcn_conv(h, src, dst, W2, b2, n)
    out = h @ Wl + bl
    return out

if __name__ == "__main__":
    import jax
    _d = setup_inputs()
    print(jax.jit(kernel)(*tuple(_d.values())))

</pallas_src>

<mosaic_0001>
#map = affine_map<(d0, d1) -> (0, 0)>
#map1 = affine_map<(d0, d1) -> (0, 0, 0)>
module attributes {stable_mosaic.version = 14 : i64} {
  func.func @_sc_accum(%arg0: i32, %arg1: i32, %arg2: memref<3211264x16xf32, #tpu.memory_space<hbm>>, %arg3: memref<50176x64xi32, #tpu.memory_space<hbm>>, %arg4: memref<2x100352x16xf32, #tpu.memory_space<hbm>>, %arg5: memref<1x64xi32, #tpu.memory_space<vmem>>, %arg6: memref<64x16xf32, #tpu.memory_space<vmem>>, %arg7: memref<64x16xf32, #tpu.memory_space<vmem>>, %arg8: memref<1x64xi32, #tpu.memory_space<vmem>>, %arg9: memref<100352x16xf32, #tpu.memory_space<vmem_shared>>, %arg10: memref<!tpu.dma_semaphore, #tpu.memory_space<semaphore_mem>>) attributes {dimension_semantics = [#tpu.dimension_semantics<core_parallel>, #tpu.dimension_semantics<subcore_parallel>], iteration_bounds = array<i64: 2, 16>, scalar_prefetch = 0 : i64, scratch_operands = 6 : i64, tpu.core_type = #tpu.core_type<sc_vector_subcore>, window_params = [{transform_indices = #map}, {transform_indices = #map}, {transform_indices = #map1}]} {
    %mul3A = arith.constant 2 : i32
    %mul3A_0 = arith.muli %arg1, %mul3A : i32
    %add3A = arith.addi %mul3A_0, %arg0 : i32
    %iota3A = tpu.iota {dimensions = array<i32: 0>} : vector<16xi32>
    %broadcast_in_dim3A = arith.constant 0.000000e+00 : f32
    %broadcast_in_dim3A_1 = vector.broadcast %broadcast_in_dim3A : f32 to vector<16xf32>
    %swap3A = arith.constant 0 : i32
    %swap3A_2 = arith.index_cast %swap3A : i32 to index
    %swap3A_3 = arith.constant 0 : index
    %swap3A_4 = tpu.vector_load %arg7[%swap3A_2, %swap3A_3] {strides = array<i32>} : memref<64x16xf32, #tpu.memory_space<vmem>>, vector<16xf32>,
    tpu.vector_store %arg7[%swap3A_2, %swap3A_3], %broadcast_in_dim3A_1 {strides = array<i32>} : memref<64x16xf32, #tpu.memory_space<vmem>>, vector<16xf32>,
    %broadcast_in_dim3A_5 = arith.constant 0.000000e+00 : f32
    %broadcast_in_dim3A_6 = vector.broadcast %broadcast_in_dim3A_5 : f32 to vector<16xf32>
    %swap3A_7 = arith.constant 1 : i32
    %swap3A_8 = arith.index_cast %swap3A_7 : i32 to index
    %swap3A_9 = arith.constant 0 : index
    %swap3A_10 = tpu.vector_load %arg7[%swap3A_8, %swap3A_9] {strides = array<i32>} : memref<64x16xf32, #tpu.memory_space<vmem>>, vector<16xf32>,
    tpu.vector_store %arg7[%swap3A_8, %swap3A_9], %broadcast_in_dim3A_6 {strides = array<i32>} : memref<64x16xf32, #tpu.memory_space<vmem>>, vector<16xf32>,
    %broadcast_in_dim3A_11 = arith.constant 0.000000e+00 : f32
    %broadcast_in_dim3A_12 = vector.broadcast %broadcast_in_dim3A_11 : f32 to vector<16xf32>
    %swap3A_13 = arith.constant 2 : i32
    %swap3A_14 = arith.index_cast %swap3A_13 : i32 to index
    %swap3A_15 = arith.constant 0 : index
    %swap3A_16 = tpu.vector_load %arg7[%swap3A_14, %swap3A_15] {strides = array<i32>} : memref<64x16xf32, #tpu.memory_space<vmem>>, vector<16xf32>,
    tpu.vector_store %arg7[%swap3A_14, %swap3A_15], %broadcast_in_dim3A_12 {strides = array<i32>} : memref<64x16xf32, #tpu.memory_space<vmem>>, vector<16xf32>,
    %broadcast_in_dim3A_17 = arith.constant 0.000000e+00 : f32
    %broadcast_in_dim3A_18 = vector.broadcast %broadcast_in_dim3A_17 : f32 to vector<16xf32>
    %swap3A_19 = arith.constant 3 : i32
    %swap3A_20 = arith.index_cast %swap3A_19 : i32 to index
    %swap3A_21 = arith.constant 0 : index
    %swap3A_22 = tpu.vector_load %arg7[%swap3A_20, %swap3A_21] {strides = array<i32>} : memref<64x16xf32, #tpu.memory_space<vmem>>, vector<16xf32>,
    tpu.vector_store %arg7[%swap3A_20, %swap3A_21], %broadcast_in_dim3A_18 {strides = array<i32>} : memref<64x16xf32, #tpu.memory_space<vmem>>, vector<16xf32>,
    %broadcast_in_dim3A_23 = arith.constant 0.000000e+00 : f32
    %broadcast_in_dim3A_24 = vector.broadcast %broadcast_in_dim3A_23 : f32 to vector<16xf32>
    %swap3A_25 = arith.constant 4 : i32
    %swap3A_26 = arith.index_cast %swap3A_25 : i32 to index
    %swap3A_27 = arith.constant 0 : index
    %swap3A_28 = tpu.vector_load %arg7[%swap3A_26, %swap3A_27] {strides = array<i32>} : memref<64x16xf32, #tpu.memory_space<vmem>>, vector<16xf32>,
    tpu.vector_store %arg7[%swap3A_26, %swap3A_27], %broadcast_in_dim3A_24 {strides = array<i32>} : memref<64x16xf32, #tpu.memory_space<vmem>>, vector<16xf32>,
    %broadcast_in_dim3A_29 = arith.constant 0.000000e+00 : f32
    %broadcast_in_dim3A_30 = vector.broadcast %broadcast_in_dim3A_29 : f32 to vector<16xf32>
    %swap3A_31 = arith.constant 5 : i32
    %swap3A_32 = arith.index_cast %swap3A_31 : i32 to index
    %swap3A_33 = arith.constant 0 : index
    %swap3A_34 = tpu.vector_load %arg7[%swap3A_32, %swap3A_33] {strides = array<i32>} : memref<64x16xf32, #tpu.memory_space<vmem>>, vector<16xf32>,
    tpu.vector_store %arg7[%swap3A_32, %swap3A_33], %broadcast_in_dim3A_30 {strides = array<i32>} : memref<64x16xf32, #tpu.memory_space<vmem>>, vector<16xf32>,
    %broadcast_in_dim3A_35 = arith.constant 0.000000e+00 : f32
    %broadcast_in_dim3A_36 = vector.broadcast %broadcast_in_dim3A_35 : f32 to vector<16xf32>
    %swap3A_37 = arith.constant 6 : i32
    %swap3A_38 = arith.index_cast %swap3A_37 : i32 to index
    %swap3A_39 = arith.constant 0 : index
    %swap3A_40 = tpu.vector_load %arg7[%swap3A_38, %swap3A_39] {strides = array<i32>} : memref<64x16xf32, #tpu.memory_space<vmem>>, vector<16xf32>,
    tpu.vector_store %arg7[%swap3A_38, %swap3A_39], %broadcast_in_dim3A_36 {strides = array<i32>} : memref<64x16xf32, #tpu.memory_space<vmem>>, vector<16xf32>,
    %broadcast_in_dim3A_41 = arith.constant 0.000000e+00 : f32
    %broadcast_in_dim3A_42 = vector.broadcast %broadcast_in_dim3A_41 : f32 to vector<16xf32>
    %swap3A_43 = arith.constant 7 : i32
    %swap3A_44 = arith.index_cast %swap3A_43 : i32 to index
    %swap3A_45 = arith.constant 0 : index
    %swap3A_46 = tpu.vector_load %arg7[%swap3A_44, %swap3A_45] {strides = array<i32>} : memref<64x16xf32, #tpu.memory_space<vmem>>, vector<16xf32>,
    tpu.vector_store %arg7[%swap3A_44, %swap3A_45], %broadcast_in_dim3A_42 {strides = array<i32>} : memref<64x16xf32, #tpu.memory_space<vmem>>, vector<16xf32>,
    %broadcast_in_dim3A_47 = arith.constant 0.000000e+00 : f32
    %broadcast_in_dim3A_48 = vector.broadcast %broadcast_in_dim3A_47 : f32 to vector<16xf32>
    %swap3A_49 = arith.constant 8 : i32
    %swap3A_50 = arith.index_cast %swap3A_49 : i32 to index
    %swap3A_51 = arith.constant 0 : index
    %swap3A_52 = tpu.vector_load %arg7[%swap3A_50, %swap3A_51] {strides = array<i32>} : memref<64x16xf32, #tpu.memory_space<vmem>>, vector<16xf32>,
    tpu.vector_store %arg7[%swap3A_50, %swap3A_51], %broadcast_in_dim3A_48 {strides = array<i32>} : memref<64x16xf32, #tpu.memory_space<vmem>>, vector<16xf32>,
    %broadcast_in_dim3A_53 = arith.constant 0.000000e+00 : f32
    %broadcast_in_dim3A_54 = vector.broadcast %broadcast_in_dim3A_53 : f32 to vector<16xf32>
    %swap3A_55 = arith.constant 9 : i32
    %swap3A_56 = arith.index_cast %swap3A_55 : i32 to index
    %swap3A_57 = arith.constant 0 : index
    %swap3A_58 = tpu.vector_load %arg7[%swap3A_56, %swap3A_57] {strides = array<i32>} : memref<64x16xf32, #tpu.memory_space<vmem>>, vector<16xf32>,
    tpu.vector_store %arg7[%swap3A_56, %swap3A_57], %broadcast_in_dim3A_54 {strides = array<i32>} : memref<64x16xf32, #tpu.memory_space<vmem>>, vector<16xf32>,
    %broadcast_in_dim3A_59 = arith.constant 0.000000e+00 : f32
    %broadcast_in_dim3A_60 = vector.broadcast %broadcast_in_dim3A_59 : f32 to vector<16xf32>
    %swap3A_61 = arith.constant 10 : i32
    %swap3A_62 = arith.index_cast %swap3A_61 : i32 to index
    %swap3A_63 = arith.constant 0 : index
    %swap3A_64 = tpu.vector_load %arg7[%swap3A_62, %swap3A_63] {strides = array<i32>} : memref<64x16xf32, #tpu.memory_space<vmem>>, vector<16xf32>,
    tpu.vector_store %arg7[%swap3A_62, %swap3A_63], %broadcast_in_dim3A_60 {strides = array<i32>} : memref<64x16xf32, #tpu.memory_space<vmem>>, vector<16xf32>,
    %broadcast_in_dim3A_65 = arith.constant 0.000000e+00 : f32
    %broadcast_in_dim3A_66 = vector.broadcast %broadcast_in_dim3A_65 : f32 to vector<16xf32>
    %swap3A_67 = arith.constant 11 : i32
    %swap3A_68 = arith.index_cast %swap3A_67 : i32 to index
    %swap3A_69 = arith.constant 0 : index
    %swap3A_70 = tpu.vector_load %arg7[%swap3A_68, %swap3A_69] {strides = array<i32>} : memref<64x16xf32, #tpu.memory_space<vmem>>, vector<16xf32>,
    tpu.vector_store %arg7[%swap3A_68, %swap3A_69], %broadcast_in_dim3A_66 {strides = array<i32>} : memref<64x16xf32, #tpu.memory_space<vmem>>, vector<16xf32>,
    %broadcast_in_dim3A_71 = arith.constant 0.000000e+00 : f32
    %broadcast_in_dim3A_72 = vector.broadcast %broadcast_in_dim3A_71 : f32 to vector<16xf32>
    %swap3A_73 = arith.constant 12 : i32
    %swap3A_74 = arith.index_cast %swap3A_73 : i32 to index
    %swap3A_75 = arith.constant 0 : index
    %swap3A_76 = tpu.vector_load %arg7[%swap3A_74, %swap3A_75] {strides = array<i32>} : memref<64x16xf32, #tpu.memory_space<vmem>>, vector<16xf32>,
    tpu.vector_store %arg7[%swap3A_74, %swap3A_75], %broadcast_in_dim3A_72 {strides = array<i32>} : memref<64x16xf32, #tpu.memory_space<vmem>>, vector<16xf32>,
    %broadcast_in_dim3A_77 = arith.constant 0.000000e+00 : f32
    %broadcast_in_dim3A_78 = vector.broadcast %broadcast_in_dim3A_77 : f32 to vector<16xf32>
    %swap3A_79 = arith.constant 13 : i32
    %swap3A_80 = arith.index_cast %swap3A_79 : i32 to index
    %swap3A_81 = arith.constant 0 : index
    %swap3A_82 = tpu.vector_load %arg7[%swap3A_80, %swap3A_81] {strides = array<i32>} : memref<64x16xf32, #tpu.memory_space<vmem>>, vector<16xf32>,
    tpu.vector_store %arg7[%swap3A_80, %swap3A_81], %broadcast_in_dim3A_78 {strides = array<i32>} : memref<64x16xf32, #tpu.memory_space<vmem>>, vector<16xf32>,
    %broadcast_in_dim3A_83 = arith.constant 0.000000e+00 : f32
    %broadcast_in_dim3A_84 = vector.broadcast %broadcast_in_dim3A_83 : f32 to vector<16xf32>
    %swap3A_85 = arith.constant 14 : i32
    %swap3A_86 = arith.index_cast %swap3A_85 : i32 to index
    %swap3A_87 = arith.constant 0 : index
    %swap3A_88 = tpu.vector_load %arg7[%swap3A_86, %swap3A_87] {strides = array<i32>} : memref<64x16xf32, #tpu.memory_space<vmem>>, vector<16xf32>,
    tpu.vector_store %arg7[%swap3A_86, %swap3A_87], %broadcast_in_dim3A_84 {strides = array<i32>} : memref<64x16xf32, #tpu.memory_space<vmem>>, vector<16xf32>,
    %broadcast_in_dim3A_89 = arith.constant 0.000000e+00 : f32
    %broadcast_in_dim3A_90 = vector.broadcast %broadcast_in_dim3A_89 : f32 to vector<16xf32>
    %swap3A_91 = arith.constant 15 : i32
    %swap3A_92 = arith.index_cast %swap3A_91 : i32 to index
    %swap3A_93 = arith.constant 0 : index
    %swap3A_94 = tpu.vector_load %arg7[%swap3A_92, %swap3A_93] {strides = array<i32>} : memref<64x16xf32, #tpu.memory_space<vmem>>, vector<16xf32>,
    tpu.vector_store %arg7[%swap3A_92, %swap3A_93], %broadcast_in_dim3A_90 {strides = array<i32>} : memref<64x16xf32, #tpu.memory_space<vmem>>, vector<16xf32>,
    %broadcast_in_dim3A_95 = arith.constant 0.000000e+00 : f32
    %broadcast_in_dim3A_96 = vector.broadcast %broadcast_in_dim3A_95 : f32 to vector<16xf32>
    %swap3A_97 = arith.constant 16 : i32
    %swap3A_98 = arith.index_cast %swap3A_97 : i32 to index
    %swap3A_99 = arith.constant 0 : index
    %swap3A_100 = tpu.vector_load %arg7[%swap3A_98, %swap3A_99] {strides = array<i32>} : memref<64x16xf32, #tpu.memory_space<vmem>>, vector<16xf32>,
    tpu.vector_store %arg7[%swap3A_98, %swap3A_99], %broadcast_in_dim3A_96 {strides = array<i32>} : memref<64x16xf32, #tpu.memory_space<vmem>>, vector<16xf32>,
    %broadcast_in_dim3A_101 = arith.constant 0.000000e+00 : f32
    %broadcast_in_dim3A_102 = vector.broadcast %broadcast_in_dim3A_101 : f32 to vector<16xf32>
    %swap3A_103 = arith.constant 17 : i32
    %swap3A_104 = arith.index_cast %swap3A_103 : i32 to index
    %swap3A_105 = arith.constant 0 : index
    %swap3A_106 = tpu.vector_load %arg7[%swap3A_104, %swap3A_105] {strides = array<i32>} : memref<64x16xf32, #tpu.memory_space<vmem>>, vector<16xf32>,
    tpu.vector_store %arg7[%swap3A_104, %swap3A_105], %broadcast_in_dim3A_102 {strides = array<i32>} : memref<64x16xf32, #tpu.memory_space<vmem>>, vector<16xf32>,
    %broadcast_in_dim3A_107 = arith.constant 0.000000e+00 : f32
    %broadcast_in_dim3A_108 = vector.broadcast %broadcast_in_dim3A_107 : f32 to vector<16xf32>
    %swap3A_109 = arith.constant 18 : i32
    %swap3A_110 = arith.index_cast %swap3A_109 : i32 to index
    %swap3A_111 = arith.constant 0 : index
    %swap3A_112 = tpu.vector_load %arg7[%swap3A_110, %swap3A_111] {strides = array<i32>} : memref<64x16xf32, #tpu.memory_space<vmem>>, vector<16xf32>,
    tpu.vector_store %arg7[%swap3A_110, %swap3A_111], %broadcast_in_dim3A_108 {strides = array<i32>} : memref<64x16xf32, #tpu.memory_space<vmem>>, vector<16xf32>,
    %broadcast_in_dim3A_113 = arith.constant 0.000000e+00 : f32
    %broadcast_in_dim3A_114 = vector.broadcast %broadcast_in_dim3A_113 : f32 to vector<16xf32>
    %swap3A_115 = arith.constant 19 : i32
    %swap3A_116 = arith.index_cast %swap3A_115 : i32 to index
    %swap3A_117 = arith.constant 0 : index
    %swap3A_118 = tpu.vector_load %arg7[%swap3A_116, %swap3A_117] {strides = array<i32>} : memref<64x16xf32, #tpu.memory_space<vmem>>, vector<16xf32>,
    tpu.vector_store %arg7[%swap3A_116, %swap3A_117], %broadcast_in_dim3A_114 {strides = array<i32>} : memref<64x16xf32, #tpu.memory_space<vmem>>, vector<16xf32>,
    %broadcast_in_dim3A_119 = arith.constant 0.000000e+00 : f32
    %broadcast_in_dim3A_120 = vector.broadcast %broadcast_in_dim3A_119 : f32 to vector<16xf32>
    %swap3A_121 = arith.constant 20 : i32
    %swap3A_122 = arith.index_cast %swap3A_121 : i32 to index
    %swap3A_123 = arith.constant 0 : index
    %swap3A_124 = tpu.vector_load %arg7[%swap3A_122, %swap3A_123] {strides = array<i32>} : memref<64x16xf32, #tpu.memory_space<vmem>>, vector<16xf32>,
    tpu.vector_store %arg7[%swap3A_122, %swap3A_123], %broadcast_in_dim3A_120 {strides = array<i32>} : memref<64x16xf32, #tpu.memory_space<vmem>>, vector<16xf32>,
    %broadcast_in_dim3A_125 = arith.constant 0.000000e+00 : f32
    %broadcast_in_dim3A_126 = vector.broadcast %broadcast_in_dim3A_125 : f32 to vector<16xf32>
    %swap3A_127 = arith.constant 21 : i32
    %swap3A_128 = arith.index_cast %swap3A_127 : i32 to index
    %swap3A_129 = arith.constant 0 : index
    %swap3A_130 = tpu.vector_load %arg7[%swap3A_128, %swap3A_129] {strides = array<i32>} : memref<64x16xf32, #tpu.memory_space<vmem>>, vector<16xf32>,
    tpu.vector_store %arg7[%swap3A_128, %swap3A_129], %broadcast_in_dim3A_126 {strides = array<i32>} : memref<64x16xf32, #tpu.memory_space<vmem>>, vector<16xf32>,
    %broadcast_in_dim3A_131 = arith.constant 0.000000e+00 : f32
    %broadcast_in_dim3A_132 = vector.broadcast %broadcast_in_dim3A_131 : f32 to vector<16xf32>
    %swap3A_133 = arith.constant 22 : i32
    %swap3A_134 = arith.index_cast %swap3A_133 : i32 to index
    %swap3A_135 = arith.constant 0 : index
    %swap3A_136 = tpu.vector_load %arg7[%swap3A_134, %swap3A_135] {strides = array<i32>} : memref<64x16xf32, #tpu.memory_space<vmem>>, vector<16xf32>,
    tpu.vector_store %arg7[%swap3A_134, %swap3A_135], %broadcast_in_dim3A_132 {strides = array<i32>} : memref<64x16xf32, #tpu.memory_space<vmem>>, vector<16xf32>,
    %broadcast_in_dim3A_137 = arith.constant 0.000000e+00 : f32
    %broadcast_in_dim3A_138 = vector.broadcast %broadcast_in_dim3A_137 : f32 to vector<16xf32>
    %swap3A_139 = arith.constant 23 : i32
    %swap3A_140 = arith.index_cast %swap3A_139 : i32 to index
    %swap3A_141 = arith.constant 0 : index
    %swap3A_142 = tpu.vector_load %arg7[%swap3A_140, %swap3A_141] {strides = array<i32>} : memref<64x16xf32, #tpu.memory_space<vmem>>, vector<16xf32>,
    tpu.vector_store %arg7[%swap3A_140, %swap3A_141], %broadcast_in_dim3A_138 {strides = array<i32>} : memref<64x16xf32, #tpu.memory_space<vmem>>, vector<16xf32>,
    %broadcast_in_dim3A_143 = arith.constant 0.000000e+00 : f32
    %broadcast_in_dim3A_144 = vector.broadcast %broadcast_in_dim3A_143 : f32 to vector<16xf32>
    %swap3A_145 = arith.constant 24 : i32
    %swap3A_146 = arith.index_cast %swap3A_145 : i32 to index
    %swap3A_147 = arith.constant 0 : index
    %swap3A_148 = tpu.vector_load %arg7[%swap3A_146, %swap3A_147] {strides = array<i32>} : memref<64x16xf32, #tpu.memory_space<vmem>>, vector<16xf32>,
    tpu.vector_store %arg7[%swap3A_146, %swap3A_147], %broadcast_in_dim3A_144 {strides = array<i32>} : memref<64x16xf32, #tpu.memory_space<vmem>>, vector<16xf32>,
    %broadcast_in_dim3A_149 = arith.constant 0.000000e+00 : f32
    %broadcast_in_dim3A_150 = vector.broadcast %broadcast_in_dim3A_149 : f32 to vector<16xf32>
    %swap3A_151 = arith.constant 25 : i32
    %swap3A_152 = arith.index_cast %swap3A_151 : i32 to index
    %swap3A_153 = arith.constant 0 : index
    %swap3A_154 = tpu.vector_load %arg7[%swap3A_152, %swap3A_153] {strides = array<i32>} : memref<64x16xf32, #tpu.memory_space<vmem>>, vector<16xf32>,
    tpu.vector_store %arg7[%swap3A_152, %swap3A_153], %broadcast_in_dim3A_150 {strides = array<i32>} : memref<64x16xf32, #tpu.memory_space<vmem>>, vector<16xf32>,
    %broadcast_in_dim3A_155 = arith.constant 0.000000e+00 : f32
    %broadcast_in_dim3A_156 = vector.broadcast %broadcast_in_dim3A_155 : f32 to vector<16xf32>
    %swap3A_157 = arith.constant 26 : i32
    %swap3A_158 = arith.index_cast %swap3A_157 : i32 to index
    %swap3A_159 = arith.constant 0 : index
    %swap3A_160 = tpu.vector_load %arg7[%swap3A_158, %swap3A_159] {strides = array<i32>} : memref<64x16xf32, #tpu.memory_space<vmem>>, vector<16xf32>,
    tpu.vector_store %arg7[%swap3A_158, %swap3A_159], %broadcast_in_dim3A_156 {strides = array<i32>} : memref<64x16xf32, #tpu.memory_space<vmem>>, vector<16xf32>,
    %broadcast_in_dim3A_161 = arith.constant 0.000000e+00 : f32
    %broadcast_in_dim3A_162 = vector.broadcast %broadcast_in_dim3A_161 : f32 to vector<16xf32>
    %swap3A_163 = arith.constant 27 : i32
    %swap3A_164 = arith.index_cast %swap3A_163 : i32 to index
    %swap3A_165 = arith.constant 0 : index
    %swap3A_166 = tpu.vector_load %arg7[%swap3A_164, %swap3A_165] {strides = array<i32>} : memref<64x16xf32, #tpu.memory_space<vmem>>, vector<16xf32>,
    tpu.vector_store %arg7[%swap3A_164, %swap3A_165], %broadcast_in_dim3A_162 {strides = array<i32>} : memref<64x16xf32, #tpu.memory_space<vmem>>, vector<16xf32>,
    %broadcast_in_dim3A_167 = arith.constant 0.000000e+00 : f32
    %broadcast_in_dim3A_168 = vector.broadcast %broadcast_in_dim3A_167 : f32 to vector<16xf32>
    %swap3A_169 = arith.constant 28 : i32
    %swap3A_170 = arith.index_cast %swap3A_169 : i32 to index
    %swap3A_171 = arith.constant 0 : index
    %swap3A_172 = tpu.vector_load %arg7[%swap3A_170, %swap3A_171] {strides = array<i32>} : memref<64x16xf32, #tpu.memory_space<vmem>>, vector<16xf32>,
    tpu.vector_store %arg7[%swap3A_170, %swap3A_171], %broadcast_in_dim3A_168 {strides = array<i32>} : memref<64x16xf32, #tpu.memory_space<vmem>>, vector<16xf32>,
    %broadcast_in_dim3A_173 = arith.constant 0.000000e+00 : f32
    %broadcast_in_dim3A_174 = vector.broadcast %broadcast_in_dim3A_173 : f32 to vector<16xf32>
    %swap3A_175 = arith.constant 29 : i32
    %swap3A_176 = arith.index_cast %swap3A_175 : i32 to index
    %swap3A_177 = arith.constant 0 : index
    %swap3A_178 = tpu.vector_load %arg7[%swap3A_176, %swap3A_177] {strides = array<i32>} : memref<64x16xf32, #tpu.memory_space<vmem>>, vector<16xf32>,
    tpu.vector_store %arg7[%swap3A_176, %swap3A_177], %broadcast_in_dim3A_174 {strides = array<i32>} : memref<64x16xf32, #tpu.memory_space<vmem>>, vector<16xf32>,
    %broadcast_in_dim3A_179 = arith.constant 0.000000e+00 : f32
    %broadcast_in_dim3A_180 = vector.broadcast %broadcast_in_dim3A_179 : f32 to vector<16xf32>
    %swap3A_181 = arith.constant 30 : i32
    %swap3A_182 = arith.index_cast %swap3A_181 : i32 to index
    %swap3A_183 = arith.constant 0 : index
    %swap3A_184 = tpu.vector_load %arg7[%swap3A_182, %swap3A_183] {strides = array<i32>} : memref<64x16xf32, #tpu.memory_space<vmem>>, vector<16xf32>,
    tpu.vector_store %arg7[%swap3A_182, %swap3A_183], %broadcast_in_dim3A_180 {strides = array<i32>} : memref<64x16xf32, #tpu.memory_space<vmem>>, vector<16xf32>,
    %broadcast_in_dim3A_185 = arith.constant 0.000000e+00 : f32
    %broadcast_in_dim3A_186 = vector.broadcast %broadcast_in_dim3A_185 : f32 to vector<16xf32>
    %swap3A_187 = arith.constant 31 : i32
    %swap3A_188 = arith.index_cast %swap3A_187 : i32 to index
    %swap3A_189 = arith.constant 0 : index
    %swap3A_190 = tpu.vector_load %arg7[%swap3A_188, %swap3A_189] {strides = array<i32>} : memref<64x16xf32, #tpu.memory_space<vmem>>, vector<16xf32>,
    tpu.vector_store %arg7[%swap3A_188, %swap3A_189], %broadcast_in_dim3A_186 {strides = array<i32>} : memref<64x16xf32, #tpu.memory_space<vmem>>, vector<16xf32>,
    %broadcast_in_dim3A_191 = arith.constant 0.000000e+00 : f32
    %broadcast_in_dim3A_192 = vector.broadcast %broadcast_in_dim3A_191 : f32 to vector<16xf32>
    %swap3A_193 = arith.constant 32 : i32
    %swap3A_194 = arith.index_cast %swap3A_193 : i32 to index
    %swap3A_195 = arith.constant 0 : index
    %swap3A_196 = tpu.vector_load %arg7[%swap3A_194, %swap3A_195] {strides = array<i32>} : memref<64x16xf32, #tpu.memory_space<vmem>>, vector<16xf32>,
    tpu.vector_store %arg7[%swap3A_194, %swap3A_195], %broadcast_in_dim3A_192 {strides = array<i32>} : memref<64x16xf32, #tpu.memory_space<vmem>>, vector<16xf32>,
    %broadcast_in_dim3A_197 = arith.constant 0.000000e+00 : f32
    %broadcast_in_dim3A_198 = vector.broadcast %broadcast_in_dim3A_197 : f32 to vector<16xf32>
    %swap3A_199 = arith.constant 33 : i32
    %swap3A_200 = arith.index_cast %swap3A_199 : i32 to index
    %swap3A_201 = arith.constant 0 : index
    %swap3A_202 = tpu.vector_load %arg7[%swap3A_200, %swap3A_201] {strides = array<i32>} : memref<64x16xf32, #tpu.memory_space<vmem>>, vector<16xf32>,
    tpu.vector_store %arg7[%swap3A_200, %swap3A_201], %broadcast_in_dim3A_198 {strides = array<i32>} : memref<64x16xf32, #tpu.memory_space<vmem>>, vector<16xf32>,
    %broadcast_in_dim3A_203 = arith.constant 0.000000e+00 : f32
    %broadcast_in_dim3A_204 = vector.broadcast %broadcast_in_dim3A_203 : f32 to vector<16xf32>
    %swap3A_205 = arith.constant 34 : i32
    %swap3A_206 = arith.index_cast %swap3A_205 : i32 to index
    %swap3A_207 = arith.constant 0 : index
    %swap3A_208 = tpu.vector_load %arg7[%swap3A_206, %swap3A_207] {strides = array<i32>} : memref<64x16xf32, #tpu.memory_space<vmem>>, vector<16xf32>,
    tpu.vector_store %arg7[%swap3A_206, %swap3A_207], %broadcast_in_dim3A_204 {strides = array<i32>} : memref<64x16xf32, #tpu.memory_space<vmem>>, vector<16xf32>,
    %broadcast_in_dim3A_209 = arith.constant 0.000000e+00 : f32
    %broadcast_in_dim3A_210 = vector.broadcast %broadcast_in_dim3A_209 : f32 to vector<16xf32>
    %swap3A_211 = arith.constant 35 : i32
    %swap3A_212 = arith.index_cast %swap3A_211 : i32 to index
    %swap3A_213 = arith.constant 0 : index
    %swap3A_214 = tpu.vector_load %arg7[%swap3A_212, %swap3A_213] {strides = array<i32>} : memref<64x16xf32, #tpu.memory_space<vmem>>, vector<16xf32>,
    tpu.vector_store %arg7[%swap3A_212, %swap3A_213], %broadcast_in_dim3A_210 {strides = array<i32>} : memref<64x16xf32, #tpu.memory_space<vmem>>, vector<16xf32>,
    %broadcast_in_dim3A_215 = arith.constant 0.000000e+00 : f32
    %broadcast_in_dim3A_216 = vector.broadcast %broadcast_in_dim3A_215 : f32 to vector<16xf32>
    %swap3A_217 = arith.constant 36 : i32
    %swap3A_218 = arith.index_cast %swap3A_217 : i32 to index
    %swap3A_219 = arith.constant 0 : index
    %swap3A_220 = tpu.vector_load %arg7[%swap3A_218, %swap3A_219] {strides = array<i32>} : memref<64x16xf32, #tpu.memory_space<vmem>>, vector<16xf32>,
    tpu.vector_store %arg7[%swap3A_218, %swap3A_219], %broadcast_in_dim3A_216 {strides = array<i32>} : memref<64x16xf32, #tpu.memory_space<vmem>>, vector<16xf32>,
    %broadcast_in_dim3A_221 = arith.constant 0.000000e+00 : f32
    %broadcast_in_dim3A_222 = vector.broadcast %broadcast_in_dim3A_221 : f32 to vector<16xf32>
    %swap3A_223 = arith.constant 37 : i32
    %swap3A_224 = arith.index_cast %swap3A_223 : i32 to index
    %swap3A_225 = arith.constant 0 : index
    %swap3A_226 = tpu.vector_load %arg7[%swap3A_224, %swap3A_225] {strides = array<i32>} : memref<64x16xf32, #tpu.memory_space<vmem>>, vector<16xf32>,
    tpu.vector_store %arg7[%swap3A_224, %swap3A_225], %broadcast_in_dim3A_222 {strides = array<i32>} : memref<64x16xf32, #tpu.memory_space<vmem>>, vector<16xf32>,
    %broadcast_in_dim3A_227 = arith.constant 0.000000e+00 : f32
    %broadcast_in_dim3A_228 = vector.broadcast %broadcast_in_dim3A_227 : f32 to vector<16xf32>
    %swap3A_229 = arith.constant 38 : i32
    %swap3A_230 = arith.index_cast %swap3A_229 : i32 to index
    %swap3A_231 = arith.constant 0 : index
    %swap3A_232 = tpu.vector_load %arg7[%swap3A_230, %swap3A_231] {strides = array<i32>} : memref<64x16xf32, #tpu.memory_space<vmem>>, vector<16xf32>,
    tpu.vector_store %arg7[%swap3A_230, %swap3A_231], %broadcast_in_dim3A_228 {strides = array<i32>} : memref<64x16xf32, #tpu.memory_space<vmem>>, vector<16xf32>,
    %broadcast_in_dim3A_233 = arith.constant 0.000000e+00 : f32
    %broadcast_in_dim3A_234 = vector.broadcast %broadcast_in_dim3A_233 : f32 to vector<16xf32>
    %swap3A_235 = arith.constant 39 : i32
    %swap3A_236 = arith.index_cast %swap3A_235 : i32 to index
    %swap3A_237 = arith.constant 0 : index
    %swap3A_238 = tpu.vector_load %arg7[%swap3A_236, %swap3A_237] {strides = array<i32>} : memref<64x16xf32, #tpu.memory_space<vmem>>, vector<16xf32>,
    tpu.vector_store %arg7[%swap3A_236, %swap3A_237], %broadcast_in_dim3A_234 {strides = array<i32>} : memref<64x16xf32, #tpu.memory_space<vmem>>, vector<16xf32>,
    %broadcast_in_dim3A_239 = arith.constant 0.000000e+00 : f32
    %broadcast_in_dim3A_240 = vector.broadcast %broadcast_in_dim3A_239 : f32 to vector<16xf32>
    %swap3A_241 = arith.constant 40 : i32
    %swap3A_242 = arith.index_cast %swap3A_241 : i32 to index
    %swap3A_243 = arith.constant 0 : index
    %swap3A_244 = tpu.vector_load %arg7[%swap3A_242, %swap3A_243] {strides = array<i32>} : memref<64x16xf32, #tpu.memory_space<vmem>>, vector<16xf32>,
    tpu.vector_store %arg7[%swap3A_242, %swap3A_243], %broadcast_in_dim3A_240 {strides = array<i32>} : memref<64x16xf32, #tpu.memory_space<vmem>>, vector<16xf32>,
    %broadcast_in_dim3A_245 = arith.constant 0.000000e+00 : f32
    %broadcast_in_dim3A_246 = vector.broadcast %broadcast_in_dim3A_245 : f32 to vector<16xf32>
    %swap3A_247 = arith.constant 41 : i32
    %swap3A_248 = arith.index_cast %swap3A_247 : i32 to index
    %swap3A_249 = arith.constant 0 : index
    %swap3A_250 = tpu.vector_load %arg7[%swap3A_248, %swap3A_249] {strides = array<i32>} : memref<64x16xf32, #tpu.memory_space<vmem>>, vector<16xf32>,
    tpu.vector_store %arg7[%swap3A_248, %swap3A_249], %broadcast_in_dim3A_246 {strides = array<i32>} : memref<64x16xf32, #tpu.memory_space<vmem>>, vector<16xf32>,
    %broadcast_in_dim3A_251 = arith.constant 0.000000e+00 : f32
    %broadcast_in_dim3A_252 = vector.broadcast %broadcast_in_dim3A_251 : f32 to vector<16xf32>
    %swap3A_253 = arith.constant 42 : i32
    %swap3A_254 = arith.index_cast %swap3A_253 : i32 to index
    %swap3A_255 = arith.constant 0 : index
    %swap3A_256 = tpu.vector_load %arg7[%swap3A_254, %swap3A_255] {strides = array<i32>} : memref<64x16xf32, #tpu.memory_space<vmem>>, vector<16xf32>,
    tpu.vector_store %arg7[%swap3A_254, %swap3A_255], %broadcast_in_dim3A_252 {strides = array<i32>} : memref<64x16xf32, #tpu.memory_space<vmem>>, vector<16xf32>,
    %broadcast_in_dim3A_257 = arith.constant 0.000000e+00 : f32
    %broadcast_in_dim3A_258 = vector.broadcast %broadcast_in_dim3A_257 : f32 to vector<16xf32>
    %swap3A_259 = arith.constant 43 : i32
    %swap3A_260 = arith.index_cast %swap3A_259 : i32 to index
    %swap3A_261 = arith.constant 0 : index
    %swap3A_262 = tpu.vector_load %arg7[%swap3A_260, %swap3A_261] {strides = array<i32>} : memref<64x16xf32, #tpu.memory_space<vmem>>, vector<16xf32>,
    tpu.vector_store %arg7[%swap3A_260, %swap3A_261], %broadcast_in_dim3A_258 {strides = array<i32>} : memref<64x16xf32, #tpu.memory_space<vmem>>, vector<16xf32>,
    %broadcast_in_dim3A_263 = arith.constant 0.000000e+00 : f32
    %broadcast_in_dim3A_264 = vector.broadcast %broadcast_in_dim3A_263 : f32 to vector<16xf32>
    %swap3A_265 = arith.constant 44 : i32
    %swap3A_266 = arith.index_cast %swap3A_265 : i32 to index
    %swap3A_267 = arith.constant 0 : index
    %swap3A_268 = tpu.vector_load %arg7[%swap3A_266, %swap3A_267] {strides = array<i32>} : memref<64x16xf32, #tpu.memory_space<vmem>>, vector<16xf32>,
    tpu.vector_store %arg7[%swap3A_266, %swap3A_267], %broadcast_in_dim3A_264 {strides = array<i32>} : memref<64x16xf32, #tpu.memory_space<vmem>>, vector<16xf32>,
    %broadcast_in_dim3A_269 = arith.constant 0.000000e+00 : f32
    %broadcast_in_dim3A_270 = vector.broadcast %broadcast_in_dim3A_269 : f32 to vector<16xf32>
    %swap3A_271 = arith.constant 45 : i32
    %swap3A_272 = arith.index_cast %swap3A_271 : i32 to index
    %swap3A_273 = arith.constant 0 : index
    %swap3A_274 = tpu.vector_load %arg7[%swap3A_272, %swap3A_273] {strides = array<i32>} : memref<64x16xf32, #tpu.memory_space<vmem>>, vector<16xf32>,
    tpu.vector_store %arg7[%swap3A_272, %swap3A_273], %broadcast_in_dim3A_270 {strides = array<i32>} : memref<64x16xf32, #tpu.memory_space<vmem>>, vector<16xf32>,
    %broadcast_in_dim3A_275 = arith.constant 0.000000e+00 : f32
    %broadcast_in_dim3A_276 = vector.broadcast %broadcast_in_dim3A_275 : f32 to vector<16xf32>
    %swap3A_277 = arith.constant 46 : i32
    %swap3A_278 = arith.index_cast %swap3A_277 : i32 to index
    %swap3A_279 = arith.constant 0 : index
    %swap3A_280 = tpu.vector_load %arg7[%swap3A_278, %swap3A_279] {strides = array<i32>} : memref<64x16xf32, #tpu.memory_space<vmem>>, vector<16xf32>,
    tpu.vector_store %arg7[%swap3A_278, %swap3A_279], %broadcast_in_dim3A_276 {strides = array<i32>} : memref<64x16xf32, #tpu.memory_space<vmem>>, vector<16xf32>,
    %broadcast_in_dim3A_281 = arith.constant 0.000000e+00 : f32
    %broadcast_in_dim3A_282 = vector.broadcast %broadcast_in_dim3A_281 : f32 to vector<16xf32>
    %swap3A_283 = arith.constant 47 : i32
    %swap3A_284 = arith.index_cast %swap3A_283 : i32 to index
    %swap3A_285 = arith.constant 0 : index
    %swap3A_286 = tpu.vector_load %arg7[%swap3A_284, %swap3A_285] {strides = array<i32>} : memref<64x16xf32, #tpu.memory_space<vmem>>, vector<16xf32>,
    tpu.vector_store %arg7[%swap3A_284, %swap3A_285], %broadcast_in_dim3A_282 {strides = array<i32>} : memref<64x16xf32, #tpu.memory_space<vmem>>, vector<16xf32>,
    %broadcast_in_dim3A_287 = arith.constant 0.000000e+00 : f32
    %broadcast_in_dim3A_288 = vector.broadcast %broadcast_in_dim3A_287 : f32 to vector<16xf32>
    %swap3A_289 = arith.constant 48 : i32
    %swap3A_290 = arith.index_cast %swap3A_289 : i32 to index
    %swap3A_291 = arith.constant 0 : index
    %swap3A_292 = tpu.vector_load %arg7[%swap3A_290, %swap3A_291] {strides = array<i32>} : memref<64x16xf32, #tpu.memory_space<vmem>>, vector<16xf32>,
    tpu.vector_store %arg7[%swap3A_290, %swap3A_291], %broadcast_in_dim3A_288 {strides = array<i32>} : memref<64x16xf32, #tpu.memory_space<vmem>>, vector<16xf32>,
    %broadcast_in_dim3A_293 = arith.constant 0.000000e+00 : f32
    %broadcast_in_dim3A_294 = vector.broadcast %broadcast_in_dim3A_293 : f32 to vector<16xf32>
    %swap3A_295 = arith.constant 49 : i32
    %swap3A_296 = arith.index_cast %swap3A_295 : i32 to index
    %swap3A_297 = arith.constant 0 : index
    %swap3A_298 = tpu.vector_load %arg7[%swap3A_296, %swap3A_297] {strides = array<i32>} : memref<64x16xf32, #tpu.memory_space<vmem>>, vector<16xf32>,
    tpu.vector_store %arg7[%swap3A_296, %swap3A_297], %broadcast_in_dim3A_294 {strides = array<i32>} : memref<64x16xf32, #tpu.memory_space<vmem>>, vector<16xf32>,
    %broadcast_in_dim3A_299 = arith.constant 0.000000e+00 : f32
    %broadcast_in_dim3A_300 = vector.broadcast %broadcast_in_dim3A_299 : f32 to vector<16xf32>
    %swap3A_301 = arith.constant 50 : i32
    %swap3A_302 = arith.index_cast %swap3A_301 : i32 to index
    %swap3A_303 = arith.constant 0 : index
    %swap3A_304 = tpu.vector_load %arg7[%swap3A_302, %swap3A_303] {strides = array<i32>} : memref<64x16xf32, #tpu.memory_space<vmem>>, vector<16xf32>,
    tpu.vector_store %arg7[%swap3A_302, %swap3A_303], %broadcast_in_dim3A_300 {strides = array<i32>} : memref<64x16xf32, #tpu.memory_space<vmem>>, vector<16xf32>,
    %broadcast_in_dim3A_305 = arith.constant 0.000000e+00 : f32
    %broadcast_in_dim3A_306 = vector.broadcast %broadcast_in_dim3A_305 : f32 to vector<16xf32>
    %swap3A_307 = arith.constant 51 : i32
    %swap3A_308 = arith.index_cast %swap3A_307 : i32 to index
    %swap3A_309 = arith.constant 0 : index
    %swap3A_310 = tpu.vector_load %arg7[%swap3A_308, %swap3A_309] {strides = array<i32>} : memref<64x16xf32, #tpu.memory_space<vmem>>, vector<16xf32>,
    tpu.vector_store %arg7[%swap3A_308, %swap3A_309], %broadcast_in_dim3A_306 {strides = array<i32>} : memref<64x16xf32, #tpu.memory_space<vmem>>, vector<16xf32>,
    %broadcast_in_dim3A_311 = arith.constant 0.000000e+00 : f32
    %broadcast_in_dim3A_312 = vector.broadcast %broadcast_in_dim3A_311 : f32 to vector<16xf32>
    %swap3A_313 = arith.constant 52 : i32
    %swap3A_314 = arith.index_cast %swap3A_313 : i32 to index
    %swap3A_315 = arith.constant 0 : index
    %swap3A_316 = tpu.vector_load %arg7[%swap3A_314, %swap3A_315] {strides = array<i32>} : memref<64x16xf32, #tpu.memory_space<vmem>>, vector<16xf32>,
    tpu.vector_store %arg7[%swap3A_314, %swap3A_315], %broadcast_in_dim3A_312 {strides = array<i32>} : memref<64x16xf32, #tpu.memory_space<vmem>>, vector<16xf32>,
    %broadcast_in_dim3A_317 = arith.constant 0.000000e+00 : f32
    %broadcast_in_dim3A_318 = vector.broadcast %broadcast_in_dim3A_317 : f32 to vector<16xf32>
    %swap3A_319 = arith.constant 53 : i32
    %swap3A_320 = arith.index_cast %swap3A_319 : i32 to index
    %swap3A_321 = arith.constant 0 : index
    %swap3A_322 = tpu.vector_load %arg7[%swap3A_320, %swap3A_321] {strides = array<i32>} : memref<64x16xf32, #tpu.memory_space<vmem>>, vector<16xf32>,
    tpu.vector_store %arg7[%swap3A_320, %swap3A_321], %broadcast_in_dim3A_318 {strides = array<i32>} : memref<64x16xf32, #tpu.memory_space<vmem>>, vector<16xf32>,
    %broadcast_in_dim3A_323 = arith.constant 0.000000e+00 : f32
    %broadcast_in_dim3A_324 = vector.broadcast %broadcast_in_dim3A_323 : f32 to vector<16xf32>
    %swap3A_325 = arith.constant 54 : i32
    %swap3A_326 = arith.index_cast %swap3A_325 : i32 to index
    %swap3A_327 = arith.constant 0 : index
    %swap3A_328 = tpu.vector_load %arg7[%swap3A_326, %swap3A_327] {strides = array<i32>} : memref<64x16xf32, #tpu.memory_space<vmem>>, vector<16xf32>,
    tpu.vector_store %arg7[%swap3A_326, %swap3A_327], %broadcast_in_dim3A_324 {strides = array<i32>} : memref<64x16xf32, #tpu.memory_space<vmem>>, vector<16xf32>,
    %broadcast_in_dim3A_329 = arith.constant 0.000000e+00 : f32
    %broadcast_in_dim3A_330 = vector.broadcast %broadcast_in_dim3A_329 : f32 to vector<16xf32>
    %swap3A_331 = arith.constant 55 : i32
    %swap3A_332 = arith.index_cast %swap3A_331 : i32 to index
    %swap3A_333 = arith.constant 0 : index
    %swap3A_334 = tpu.vector_load %arg7[%swap3A_332, %swap3A_333] {strides = array<i32>} : memref<64x16xf32, #tpu.memory_space<vmem>>, vector<16xf32>,
    tpu.vector_store %arg7[%swap3A_332, %swap3A_333], %broadcast_in_dim3A_330 {strides = array<i32>} : memref<64x16xf32, #tpu.memory_space<vmem>>, vector<16xf32>,
    %broadcast_in_dim3A_335 = arith.constant 0.000000e+00 : f32
    %broadcast_in_dim3A_336 = vector.broadcast %broadcast_in_dim3A_335 : f32 to vector<16xf32>
    %swap3A_337 = arith.constant 56 : i32
    %swap3A_338 = arith.index_cast %swap3A_337 : i32 to index
    %swap3A_339 = arith.constant 0 : index
    %swap3A_340 = tpu.vector_load %arg7[%swap3A_338, %swap3A_339] {strides = array<i32>} : memref<64x16xf32, #tpu.memory_space<vmem>>, vector<16xf32>,
    tpu.vector_store %arg7[%swap3A_338, %swap3A_339], %broadcast_in_dim3A_336 {strides = array<i32>} : memref<64x16xf32, #tpu.memory_space<vmem>>, vector<16xf32>,
    %broadcast_in_dim3A_341 = arith.constant 0.000000e+00 : f32
    %broadcast_in_dim3A_342 = vector.broadcast %broadcast_in_dim3A_341 : f32 to vector<16xf32>
    %swap3A_343 = arith.constant 57 : i32
    %swap3A_344 = arith.index_cast %swap3A_343 : i32 to index
    %swap3A_345 = arith.constant 0 : index
    %swap3A_346 = tpu.vector_load %arg7[%swap3A_344, %swap3A_345] {strides = array<i32>} : memref<64x16xf32, #tpu.memory_space<vmem>>, vector<16xf32>,
    tpu.vector_store %arg7[%swap3A_344, %swap3A_345], %broadcast_in_dim3A_342 {strides = array<i32>} : memref<64x16xf32, #tpu.memory_space<vmem>>, vector<16xf32>,
    %broadcast_in_dim3A_347 = arith.constant 0.000000e+00 : f32
    %broadcast_in_dim3A_348 = vector.broadcast %broadcast_in_dim3A_347 : f32 to vector<16xf32>
    %swap3A_349 = arith.constant 58 : i32
    %swap3A_350 = arith.index_cast %swap3A_349 : i32 to index
    %swap3A_351 = arith.constant 0 : index
    %swap3A_352 = tpu.vector_load %arg7[%swap3A_350, %swap3A_351] {strides = array<i32>} : memref<64x16xf32, #tpu.memory_space<vmem>>, vector<16xf32>,
    tpu.vector_store %arg7[%swap3A_350, %swap3A_351], %broadcast_in_dim3A_348 {strides = array<i32>} : memref<64x16xf32, #tpu.memory_space<vmem>>, vector<16xf32>,
    %broadcast_in_dim3A_353 = arith.constant 0.000000e+00 : f32
    %broadcast_in_dim3A_354 = vector.broadcast %broadcast_in_dim3A_353 : f32 to vector<16xf32>
    %swap3A_355 = arith.constant 59 : i32
    %swap3A_356 = arith.index_cast %swap3A_355 : i32 to index
    %swap3A_357 = arith.constant 0 : index
    %swap3A_358 = tpu.vector_load %arg7[%swap3A_356, %swap3A_357] {strides = array<i32>} : memref<64x16xf32, #tpu.memory_space<vmem>>, vector<16xf32>,
    tpu.vector_store %arg7[%swap3A_356, %swap3A_357], %broadcast_in_dim3A_354 {strides = array<i32>} : memref<64x16xf32, #tpu.memory_space<vmem>>, vector<16xf32>,
    %broadcast_in_dim3A_359 = arith.constant 0.000000e+00 : f32
    %broadcast_in_dim3A_360 = vector.broadcast %broadcast_in_dim3A_359 : f32 to vector<16xf32>
    %swap3A_361 = arith.constant 60 : i32
    %swap3A_362 = arith.index_cast %swap3A_361 : i32 to index
    %swap3A_363 = arith.constant 0 : index
    %swap3A_364 = tpu.vector_load %arg7[%swap3A_362, %swap3A_363] {strides = array<i32>} : memref<64x16xf32, #tpu.memory_space<vmem>>, vector<16xf32>,
    tpu.vector_store %arg7[%swap3A_362, %swap3A_363], %broadcast_in_dim3A_360 {strides = array<i32>} : memref<64x16xf32, #tpu.memory_space<vmem>>, vector<16xf32>,
    %broadcast_in_dim3A_365 = arith.constant 0.000000e+00 : f32
    %broadcast_in_dim3A_366 = vector.broadcast %broadcast_in_dim3A_365 : f32 to vector<16xf32>
    %swap3A_367 = arith.constant 61 : i32
    %swap3A_368 = arith.index_cast %swap3A_367 : i32 to index
    %swap3A_369 = arith.constant 0 : index
    %swap3A_370 = tpu.vector_load %arg7[%swap3A_368, %swap3A_369] {strides = array<i32>} : memref<64x16xf32, #tpu.memory_space<vmem>>, vector<16xf32>,
    tpu.vector_store %arg7[%swap3A_368, %swap3A_369], %broadcast_in_dim3A_366 {strides = array<i32>} : memref<64x16xf32, #tpu.memory_space<vmem>>, vector<16xf32>,
    %broadcast_in_dim3A_371 = arith.constant 0.000000e+00 : f32
    %broadcast_in_dim3A_372 = vector.broadcast %broadcast_in_dim3A_371 : f32 to vector<16xf32>
    %swap3A_373 = arith.constant 62 : i32
    %swap3A_374 = arith.index_cast %swap3A_373 : i32 to index
    %swap3A_375 = arith.constant 0 : index
    %swap3A_376 = tpu.vector_load %arg7[%swap3A_374, %swap3A_375] {strides = array<i32>} : memref<64x16xf32, #tpu.memory_space<vmem>>, vector<16xf32>,
    tpu.vector_store %arg7[%swap3A_374, %swap3A_375], %broadcast_in_dim3A_372 {strides = array<i32>} : memref<64x16xf32, #tpu.memory_space<vmem>>, vector<16xf32>,
    %broadcast_in_dim3A_377 = arith.constant 0.000000e+00 : f32
    %broadcast_in_dim3A_378 = vector.broadcast %broadcast_in_dim3A_377 : f32 to vector<16xf32>
    %swap3A_379 = arith.constant 63 : i32
    %swap3A_380 = arith.index_cast %swap3A_379 : i32 to index
    %swap3A_381 = arith.constant 0 : index
    %swap3A_382 = tpu.vector_load %arg7[%swap3A_380, %swap3A_381] {strides = array<i32>} : memref<64x16xf32, #tpu.memory_space<vmem>>, vector<16xf32>,
    tpu.vector_store %arg7[%swap3A_380, %swap3A_381], %broadcast_in_dim3A_378 {strides = array<i32>} : memref<64x16xf32, #tpu.memory_space<vmem>>, vector<16xf32>,
    %mul3A_383 = arith.constant 6272 : i32
    %mul3A_384 = arith.muli %arg1, %mul3A_383 : i32
    %scan3A = arith.constant 0 : i32
    %scan3A_385 = arith.constant 98 : i32
    %scan3A_386 = arith.addi %scan3A, %scan3A_385 : i32
    %scan3A_387 = arith.constant 1 : i32
    scf.for %scan3A_400 = %scan3A to %scan3A_386 step %scan3A_387  : i32 {
      %mul3A_401 = arith.constant 1 : i32
      %mul3A_402 = arith.muli %scan3A_400, %mul3A_401 : i32
      %add3A_403 = arith.constant 0 : i32
      %add3A_404 = arith.addi %add3A_403, %mul3A_402 : i32
      %mul3A_405 = arith.constant 64 : i32
      %mul3A_406 = arith.muli %add3A_404, %mul3A_405 : i32
      %add3A_407 = arith.addi %mul3A_384, %mul3A_406 : i32
      %add3A_408 = arith.constant 0 : i32
      %add3A_409 = arith.addi %add3A_407, %add3A_408 : i32
      %add3A_410 = vector.broadcast %add3A_409 : i32 to vector<16xi32>
      %add3A_411 = arith.addi %iota3A, %add3A_410 : vector<16xi32>
      %swap3A_412 = arith.constant 0 : i32
      %swap3A_413 = arith.index_cast %swap3A_412 : i32 to index
      %swap3A_414 = arith.constant 0 : index
      %swap3A_415 = tpu.vector_load %arg8[%swap3A_413, %swap3A_414] {strides = array<i32>} : memref<1x64xi32, #tpu.memory_space<vmem>>, vector<16xi32>,
      tpu.vector_store %arg8[%swap3A_413, %swap3A_414], %add3A_411 {strides = array<i32>} : memref<1x64xi32, #tpu.memory_space<vmem>>, vector<16xi32>,
      %add3A_416 = arith.constant 16 : i32
      %add3A_417 = arith.addi %add3A_407, %add3A_416 : i32
      %add3A_418 = vector.broadcast %add3A_417 : i32 to vector<16xi32>
      %add3A_419 = arith.addi %iota3A, %add3A_418 : vector<16xi32>
      %swap3A_420 = arith.constant 0 : i32
      %swap3A_421 = arith.index_cast %swap3A_420 : i32 to index
      %swap3A_422 = arith.constant 16 : index
      %swap3A_423 = tpu.vector_load %arg8[%swap3A_421, %swap3A_422] {strides = array<i32>} : memref<1x64xi32, #tpu.memory_space<vmem>>, vector<16xi32>,
      tpu.vector_store %arg8[%swap3A_421, %swap3A_422], %add3A_419 {strides = array<i32>} : memref<1x64xi32, #tpu.memory_space<vmem>>, vector<16xi32>,
      %add3A_424 = arith.constant 32 : i32
      %add3A_425 = arith.addi %add3A_407, %add3A_424 : i32
      %add3A_426 = vector.broadcast %add3A_425 : i32 to vector<16xi32>
      %add3A_427 = arith.addi %iota3A, %add3A_426 : vector<16xi32>
      %swap3A_428 = arith.constant 0 : i32
      %swap3A_429 = arith.index_cast %swap3A_428 : i32 to index
      %swap3A_430 = arith.constant 32 : index
      %swap3A_431 = tpu.vector_load %arg8[%swap3A_429, %swap3A_430] {strides = array<i32>} : memref<1x64xi32, #tpu.memory_space<vmem>>, vector<16xi32>,
      tpu.vector_store %arg8[%swap3A_429, %swap3A_430], %add3A_427 {strides = array<i32>} : memref<1x64xi32, #tpu.memory_space<vmem>>, vector<16xi32>,
      %add3A_432 = arith.constant 48 : i32
      %add3A_433 = arith.addi %add3A_407, %add3A_432 : i32
      %add3A_434 = vector.broadcast %add3A_433 : i32 to vector<16xi32>
      %add3A_435 = arith.addi %iota3A, %add3A_434 : vector<16xi32>
      %swap3A_436 = arith.constant 0 : i32
      %swap3A_437 = arith.index_cast %swap3A_436 : i32 to index
      %swap3A_438 = arith.constant 48 : index
      %swap3A_439 = tpu.vector_load %arg8[%swap3A_437, %swap3A_438] {strides = array<i32>} : memref<1x64xi32, #tpu.memory_space<vmem>>, vector<16xi32>,
      tpu.vector_store %arg8[%swap3A_437, %swap3A_438], %add3A_435 {strides = array<i32>} : memref<1x64xi32, #tpu.memory_space<vmem>>, vector<16xi32>,
      %run_scoped3A = arith.constant 0 : i32
      "tpu.region"() ({
        %run_scoped3A_440 = tpu.sem_alloc : memref<!tpu.dma_semaphore, #tpu.memory_space<semaphore_mem>>
        %dma_start3A = arith.constant 0 : i32
        %dma_start3A_441 = tpu.memref_slice %arg8[%run_scoped3A, %dma_start3A] : memref<1x64xi32, #tpu.memory_space<vmem>> -> memref<1x64xi32, #tpu.memory_space<vmem>>
        %dma_start3A_442 = tpu.memref_squeeze %dma_start3A_441 : memref<1x64xi32, #tpu.memory_space<vmem>> -> memref<64xi32, #tpu.memory_space<vmem>>
        %dma_start3A_443 = arith.constant 0 : i32
        %dma_start3A_444 = arith.constant 0 : i32
        %dma_start3A_445 = tpu.memref_slice %arg9[%dma_start3A_443, %dma_start3A_444] : memref<100352x16xf32, #tpu.memory_space<vmem_shared>> -> memref<100352x16xf32, #tpu.memory_space<vmem_shared>>
        tpu.enqueue_indirect_dma source(%arg7 : memref<64x16xf32, #tpu.memory_space<vmem>>) target(%dma_start3A_445 : memref<100352x16xf32, #tpu.memory_space<vmem_shared>>) offsets(%dma_start3A_442 : memref<64xi32, #tpu.memory_space<vmem>>) semaphore(%run_scoped3A_440 : memref<!tpu.dma_semaphore, #tpu.memory_space<semaphore_mem>>)
        %dma_wait3A = arith.constant 0 : i32
        %dma_wait3A_446 = tpu.memref_slice %arg8[%run_scoped3A, %dma_wait3A] : memref<1x64xi32, #tpu.memory_space<vmem>> -> memref<1x64xi32, #tpu.memory_space<vmem>>
        %dma_wait3A_447 = tpu.memref_squeeze %dma_wait3A_446 : memref<1x64xi32, #tpu.memory_space<vmem>> -> memref<64xi32, #tpu.memory_space<vmem>>
        %dma_wait3A_448 = arith.constant 0 : i32
        %dma_wait3A_449 = arith.constant 0 : i32
        %dma_wait3A_450 = tpu.memref_slice %arg9[%dma_wait3A_448, %dma_wait3A_449] : memref<100352x16xf32, #tpu.memory_space<vmem_shared>> -> memref<100352x16xf32, #tpu.memory_space<vmem_shared>>
        tpu.wait_indirect_dma semaphore(%run_scoped3A_440 : memref<!tpu.dma_semaphore, #tpu.memory_space<semaphore_mem>>) src(%arg7 : memref<64x16xf32, #tpu.memory_space<vmem>>) dst(%dma_wait3A_450 : memref<100352x16xf32, #tpu.memory_space<vmem_shared>>)
        tpu.yield
      }) : () -> ()
    }
    %scan3A_388 = arith.constant 98 : i32
    %barrier3A = arith.constant 0 : index
    tpu.barrier barrier_id(%barrier3A)
    %scan3A_389 = arith.constant 0 : i32
    %scan3A_390 = arith.constant 1568 : i32
    %scan3A_391 = arith.addi %scan3A_389, %scan3A_390 : i32
    %scan3A_392 = arith.constant 1 : i32
    scf.for %scan3A_400 = %scan3A_389 to %scan3A_391 step %scan3A_392  : i32 {
      %mul3A_401 = arith.constant 1 : i32
      %mul3A_402 = arith.muli %scan3A_400, %mul3A_401 : i32
      %add3A_403 = arith.constant 0 : i32
      %add3A_404 = arith.addi %add3A_403, %mul3A_402 : i32
      %mul3A_405 = arith.constant 1568 : i32
      %mul3A_406 = arith.muli %add3A, %mul3A_405 : i32
      %add3A_407 = arith.addi %mul3A_406, %add3A_404 : i32
      "tpu.region"() ({
        %run_scoped3A_410 = tpu.sem_alloc : memref<!tpu.dma_semaphore, #tpu.memory_space<semaphore_mem>>
        %dma_start3A = arith.constant 0 : i32
        %dma_start3A_411 = tpu.memref_slice %arg3[%add3A_407, %dma_start3A] : memref<50176x64xi32, #tpu.memory_space<hbm>> -> memref<1x64xi32, #tpu.memory_space<hbm>>
        %dma_start3A_412 = arith.constant 0 : i32
        %dma_start3A_413 = tpu.memref_slice %arg3[%add3A_407, %dma_start3A_412] : memref<50176x64xi32, #tpu.memory_space<hbm>> -> memref<1x64xi32, #tpu.memory_space<hbm>>
        tpu.enqueue_dma source(%dma_start3A_413 : memref<1x64xi32, #tpu.memory_space<hbm>>) target(%arg5 : memref<1x64xi32, #tpu.memory_space<vmem>>) target_semaphore(%run_scoped3A_410 : memref<!tpu.dma_semaphore, #tpu.memory_space<semaphore_mem>>)
        %dma_wait3A = arith.constant 0 : i32
        %dma_wait3A_414 = tpu.memref_slice %arg3[%add3A_407, %dma_wait3A] : memref<50176x64xi32, #tpu.memory_space<hbm>> -> memref<1x64xi32, #tpu.memory_space<hbm>>
        %dma_wait3A_415 = arith.constant 0 : i32
        %dma_wait3A_416 = tpu.memref_slice %arg3[%add3A_407, %dma_wait3A_415] : memref<50176x64xi32, #tpu.memory_space<hbm>> -> memref<1x64xi32, #tpu.memory_space<hbm>>
        tpu.wait_dma2 semaphore(%run_scoped3A_410 : memref<!tpu.dma_semaphore, #tpu.memory_space<semaphore_mem>>) src(%dma_wait3A_416 : memref<1x64xi32, #tpu.memory_space<hbm>>) dst(%arg5 : memref<1x64xi32, #tpu.memory_space<vmem>>)
        tpu.yield
      }) : () -> ()
      %mul3A_408 = arith.constant 64 : i32
      %mul3A_409 = arith.muli %add3A_407, %mul3A_408 : i32
      "tpu.region"() ({
        %run_scoped3A_410 = tpu.sem_alloc : memref<!tpu.dma_semaphore, #tpu.memory_space<semaphore_mem>>
        %dma_start3A = arith.constant 0 : i32
        %dma_start3A_411 = tpu.memref_slice %arg2[%mul3A_409, %dma_start3A] : memref<3211264x16xf32, #tpu.memory_space<hbm>> -> memref<64x16xf32, #tpu.memory_space<hbm>>
        %dma_start3A_412 = arith.constant 0 : i32
        %dma_start3A_413 = tpu.memref_slice %arg2[%mul3A_409, %dma_start3A_412] : memref<3211264x16xf32, #tpu.memory_space<hbm>> -> memref<64x16xf32, #tpu.memory_space<hbm>>
        tpu.enqueue_dma source(%dma_start3A_413 : memref<64x16xf32, #tpu.memory_space<hbm>>) target(%arg6 : memref<64x16xf32, #tpu.memory_space<vmem>>) target_semaphore(%run_scoped3A_410 : memref<!tpu.dma_semaphore, #tpu.memory_space<semaphore_mem>>)
        %dma_wait3A = arith.constant 0 : i32
        %dma_wait3A_414 = tpu.memref_slice %arg2[%mul3A_409, %dma_wait3A] : memref<3211264x16xf32, #tpu.memory_space<hbm>> -> memref<64x16xf32, #tpu.memory_space<hbm>>
        %dma_wait3A_415 = arith.constant 0 : i32
        %dma_wait3A_416 = tpu.memref_slice %arg2[%mul3A_409, %dma_wait3A_415] : memref<3211264x16xf32, #tpu.memory_space<hbm>> -> memref<64x16xf32, #tpu.memory_space<hbm>>
        tpu.wait_dma2 semaphore(%run_scoped3A_410 : memref<!tpu.dma_semaphore, #tpu.memory_space<semaphore_mem>>) src(%dma_wait3A_416 : memref<64x16xf32, #tpu.memory_space<hbm>>) dst(%arg6 : memref<64x16xf32, #tpu.memory_space<vmem>>)
        tpu.yield
      }) : () -> ()
      %run_scoped3A = arith.constant 0 : i32
      "tpu.region"() ({
        %run_scoped3A_410 = tpu.sem_alloc : memref<!tpu.dma_semaphore, #tpu.memory_space<semaphore_mem>>
        %dma_start3A = arith.constant 0 : i32
        %dma_start3A_411 = tpu.memref_slice %arg5[%run_scoped3A, %dma_start3A] : memref<1x64xi32, #tpu.memory_space<vmem>> -> memref<1x64xi32, #tpu.memory_space<vmem>>
        %dma_start3A_412 = tpu.memref_squeeze %dma_start3A_411 : memref<1x64xi32, #tpu.memory_space<vmem>> -> memref<64xi32, #tpu.memory_space<vmem>>
        %dma_start3A_413 = arith.constant 0 : i32
        %dma_start3A_414 = arith.constant 0 : i32
        %dma_start3A_415 = tpu.memref_slice %arg9[%dma_start3A_413, %dma_start3A_414] : memref<100352x16xf32, #tpu.memory_space<vmem_shared>> -> memref<100352x16xf32, #tpu.memory_space<vmem_shared>>
        tpu.enqueue_indirect_dma source(%arg6 : memref<64x16xf32, #tpu.memory_space<vmem>>) target(%dma_start3A_415 : memref<100352x16xf32, #tpu.memory_space<vmem_shared>>) offsets(%dma_start3A_412 : memref<64xi32, #tpu.memory_space<vmem>>) semaphore(%run_scoped3A_410 : memref<!tpu.dma_semaphore, #tpu.memory_space<semaphore_mem>>) {add = true}
        %dma_wait3A = arith.constant 0 : i32
        %dma_wait3A_416 = tpu.memref_slice %arg5[%run_scoped3A, %dma_wait3A] : memref<1x64xi32, #tpu.memory_space<vmem>> -> memref<1x64xi32, #tpu.memory_space<vmem>>
        %dma_wait3A_417 = tpu.memref_squeeze %dma_wait3A_416 : memref<1x64xi32, #tpu.memory_space<vmem>> -> memref<64xi32, #tpu.memory_space<vmem>>
        %dma_wait3A_418 = arith.constant 0 : i32
        %dma_wait3A_419 = arith.constant 0 : i32
        %dma_wait3A_420 = tpu.memref_slice %arg9[%dma_wait3A_418, %dma_wait3A_419] : memref<100352x16xf32, #tpu.memory_space<vmem_shared>> -> memref<100352x16xf32, #tpu.memory_space<vmem_shared>>
        tpu.wait_indirect_dma semaphore(%run_scoped3A_410 : memref<!tpu.dma_semaphore, #tpu.memory_space<semaphore_mem>>) src(%arg6 : memref<64x16xf32, #tpu.memory_space<vmem>>) dst(%dma_wait3A_420 : memref<100352x16xf32, #tpu.memory_space<vmem_shared>>)
        tpu.yield
      }) : () -> ()
    }
    %scan3A_393 = arith.constant 1568 : i32
    %barrier3A_394 = arith.constant 0 : index
    tpu.barrier barrier_id(%barrier3A_394)
    %scan3A_395 = arith.constant 0 : i32
    %scan3A_396 = arith.constant 98 : i32
    %scan3A_397 = arith.addi %scan3A_395, %scan3A_396 : i32
    %scan3A_398 = arith.constant 1 : i32
    scf.for %scan3A_400 = %scan3A_395 to %scan3A_397 step %scan3A_398  : i32 {
      %mul3A_401 = arith.constant 1 : i32
      %mul3A_402 = arith.muli %scan3A_400, %mul3A_401 : i32
      %add3A_403 = arith.constant 0 : i32
      %add3A_404 = arith.addi %add3A_403, %mul3A_402 : i32
      %mul3A_405 = arith.constant 64 : i32
      %mul3A_406 = arith.muli %add3A_404, %mul3A_405 : i32
      %add3A_407 = arith.addi %mul3A_384, %mul3A_406 : i32
      %add3A_408 = arith.constant 0 : i32
      %add3A_409 = arith.addi %add3A_407, %add3A_408 : i32
      %add3A_410 = vector.broadcast %add3A_409 : i32 to vector<16xi32>
      %add3A_411 = arith.addi %iota3A, %add3A_410 : vector<16xi32>
      %swap3A_412 = arith.constant 0 : i32
      %swap3A_413 = arith.index_cast %swap3A_412 : i32 to index
      %swap3A_414 = arith.constant 0 : index
      %swap3A_415 = tpu.vector_load %arg8[%swap3A_413, %swap3A_414] {strides = array<i32>} : memref<1x64xi32, #tpu.memory_space<vmem>>, vector<16xi32>,
      tpu.vector_store %arg8[%swap3A_413, %swap3A_414], %add3A_411 {strides = array<i32>} : memref<1x64xi32, #tpu.memory_space<vmem>>, vector<16xi32>,
      %add3A_416 = arith.constant 16 : i32
      %add3A_417 = arith.addi %add3A_407, %add3A_416 : i32
      %add3A_418 = vector.broadcast %add3A_417 : i32 to vector<16xi32>
      %add3A_419 = arith.addi %iota3A, %add3A_418 : vector<16xi32>
      %swap3A_420 = arith.constant 0 : i32
      %swap3A_421 = arith.index_cast %swap3A_420 : i32 to index
      %swap3A_422 = arith.constant 16 : index
      %swap3A_423 = tpu.vector_load %arg8[%swap3A_421, %swap3A_422] {strides = array<i32>} : memref<1x64xi32, #tpu.memory_space<vmem>>, vector<16xi32>,
      tpu.vector_store %arg8[%swap3A_421, %swap3A_422], %add3A_419 {strides = array<i32>} : memref<1x64xi32, #tpu.memory_space<vmem>>, vector<16xi32>,
      %add3A_424 = arith.constant 32 : i32
      %add3A_425 = arith.addi %add3A_407, %add3A_424 : i32
      %add3A_426 = vector.broadcast %add3A_425 : i32 to vector<16xi32>
      %add3A_427 = arith.addi %iota3A, %add3A_426 : vector<16xi32>
      %swap3A_428 = arith.constant 0 : i32
      %swap3A_429 = arith.index_cast %swap3A_428 : i32 to index
      %swap3A_430 = arith.constant 32 : index
      %swap3A_431 = tpu.vector_load %arg8[%swap3A_429, %swap3A_430] {strides = array<i32>} : memref<1x64xi32, #tpu.memory_space<vmem>>, vector<16xi32>,
      tpu.vector_store %arg8[%swap3A_429, %swap3A_430], %add3A_427 {strides = array<i32>} : memref<1x64xi32, #tpu.memory_space<vmem>>, vector<16xi32>,
      %add3A_432 = arith.constant 48 : i32
      %add3A_433 = arith.addi %add3A_407, %add3A_432 : i32
      %add3A_434 = vector.broadcast %add3A_433 : i32 to vector<16xi32>
      %add3A_435 = arith.addi %iota3A, %add3A_434 : vector<16xi32>
      %swap3A_436 = arith.constant 0 : i32
      %swap3A_437 = arith.index_cast %swap3A_436 : i32 to index
      %swap3A_438 = arith.constant 48 : index
      %swap3A_439 = tpu.vector_load %arg8[%swap3A_437, %swap3A_438] {strides = array<i32>} : memref<1x64xi32, #tpu.memory_space<vmem>>, vector<16xi32>,
      tpu.vector_store %arg8[%swap3A_437, %swap3A_438], %add3A_435 {strides = array<i32>} : memref<1x64xi32, #tpu.memory_space<vmem>>, vector<16xi32>,
      %dma_start3A = arith.constant 0 : i32
      %dma_start3A_440 = arith.constant 0 : i32
      %dma_start3A_441 = tpu.memref_slice %arg8[%dma_start3A, %dma_start3A_440] : memref<1x64xi32, #tpu.memory_space<vmem>> -> memref<1x64xi32, #tpu.memory_space<vmem>>
      %dma_start3A_442 = tpu.memref_squeeze %dma_start3A_441 : memref<1x64xi32, #tpu.memory_space<vmem>> -> memref<64xi32, #tpu.memory_space<vmem>>
      %dma_start3A_443 = arith.constant 0 : i32
      %dma_start3A_444 = arith.constant 0 : i32
      %dma_start3A_445 = tpu.memref_slice %arg9[%dma_start3A_443, %dma_start3A_444] : memref<100352x16xf32, #tpu.memory_space<vmem_shared>> -> memref<100352x16xf32, #tpu.memory_space<vmem_shared>>
      tpu.enqueue_indirect_dma source(%dma_start3A_445 : memref<100352x16xf32, #tpu.memory_space<vmem_shared>>) target(%arg7 : memref<64x16xf32, #tpu.memory_space<vmem>>) offsets(%dma_start3A_442 : memref<64xi32, #tpu.memory_space<vmem>>) semaphore(%arg10 : memref<!tpu.dma_semaphore, #tpu.memory_space<semaphore_mem>>)
      %dma_wait3A = arith.constant 0 : i32
      %dma_wait3A_446 = arith.constant 0 : i32
      %dma_wait3A_447 = tpu.memref_slice %arg8[%dma_wait3A, %dma_wait3A_446] : memref<1x64xi32, #tpu.memory_space<vmem>> -> memref<1x64xi32, #tpu.memory_space<vmem>>
      %dma_wait3A_448 = tpu.memref_squeeze %dma_wait3A_447 : memref<1x64xi32, #tpu.memory_space<vmem>> -> memref<64xi32, #tpu.memory_space<vmem>>
      %dma_wait3A_449 = arith.constant 0 : i32
      %dma_wait3A_450 = arith.constant 0 : i32
      %dma_wait3A_451 = tpu.memref_slice %arg9[%dma_wait3A_449, %dma_wait3A_450] : memref<100352x16xf32, #tpu.memory_space<vmem_shared>> -> memref<100352x16xf32, #tpu.memory_space<vmem_shared>>
      tpu.wait_indirect_dma semaphore(%arg10 : memref<!tpu.dma_semaphore, #tpu.memory_space<semaphore_mem>>) src(%dma_wait3A_451 : memref<100352x16xf32, #tpu.memory_space<vmem_shared>>) dst(%arg7 : memref<64x16xf32, #tpu.memory_space<vmem>>)
      "tpu.region"() ({
        %run_scoped3A = tpu.sem_alloc : memref<!tpu.dma_semaphore, #tpu.memory_space<semaphore_mem>>
        %dma_start3A_452 = arith.constant 0 : i32
        %dma_start3A_453 = tpu.memref_slice %arg4[%arg0, %add3A_407, %dma_start3A_452] : memref<2x100352x16xf32, #tpu.memory_space<hbm>> -> memref<1x64x16xf32, #tpu.memory_space<hbm>>
        %dma_start3A_454 = tpu.memref_squeeze %dma_start3A_453 : memref<1x64x16xf32, #tpu.memory_space<hbm>> -> memref<64x16xf32, #tpu.memory_space<hbm>>
        %dma_start3A_455 = arith.constant 0 : i32
        %dma_start3A_456 = tpu.memref_slice %arg4[%arg0, %add3A_407, %dma_start3A_455] : memref<2x100352x16xf32, #tpu.memory_space<hbm>> -> memref<1x64x16xf32, #tpu.memory_space<hbm>>
        %dma_start3A_457 = tpu.memref_squeeze %dma_start3A_456 : memref<1x64x16xf32, #tpu.memory_space<hbm>> -> memref<64x16xf32, #tpu.memory_space<hbm>>
        tpu.enqueue_dma source(%arg7 : memref<64x16xf32, #tpu.memory_space<vmem>>) target(%dma_start3A_457 : memref<64x16xf32, #tpu.memory_space<hbm>>) target_semaphore(%run_scoped3A : memref<!tpu.dma_semaphore, #tpu.memory_space<semaphore_mem>>)
        %dma_wait3A_458 = arith.constant 0 : i32
        %dma_wait3A_459 = tpu.memref_slice %arg4[%arg0, %add3A_407, %dma_wait3A_458] : memref<2x100352x16xf32, #tpu.memory_space<hbm>> -> memref<1x64x16xf32, #tpu.memory_space<hbm>>
        %dma_wait3A_460 = tpu.memref_squeeze %dma_wait3A_459 : memref<1x64x16xf32, #tpu.memory_space<hbm>> -> memref<64x16xf32, #tpu.memory_space<hbm>>
        %dma_wait3A_461 = arith.constant 0 : i32
        %dma_wait3A_462 = tpu.memref_slice %arg4[%arg0, %add3A_407, %dma_wait3A_461] : memref<2x100352x16xf32, #tpu.memory_space<hbm>> -> memref<1x64x16xf32, #tpu.memory_space<hbm>>
        %dma_wait3A_463 = tpu.memref_squeeze %dma_wait3A_462 : memref<1x64x16xf32, #tpu.memory_space<hbm>> -> memref<64x16xf32, #tpu.memory_space<hbm>>
        tpu.wait_dma2 semaphore(%run_scoped3A : memref<!tpu.dma_semaphore, #tpu.memory_space<semaphore_mem>>) src(%arg7 : memref<64x16xf32, #tpu.memory_space<vmem>>) dst(%dma_wait3A_463 : memref<64x16xf32, #tpu.memory_space<hbm>>)
        tpu.yield
      }) : () -> ()
    }
    %scan3A_399 = arith.constant 98 : i32
    return
  }
}

#map = affine_map<(d0, d1) -> (0, 0)>
module attributes {stable_mosaic.version = 14 : i64} {
  func.func @_sc_gather(%arg0: i32, %arg1: i32, %arg2: memref<100352x16xf32, #tpu.memory_space<hbm>>, %arg3: memref<50176x64xi32, #tpu.memory_space<hbm>>, %arg4: memref<3211264x16xf32, #tpu.memory_space<hbm>>, %arg5: memref<1x64xi32, #tpu.memory_space<vmem>>, %arg6: memref<64x16xf32, #tpu.memory_space<vmem>>, %arg7: memref<1x64xi32, #tpu.memory_space<vmem>>, %arg8: memref<100352x16xf32, #tpu.memory_space<vmem_shared>>, %arg9: memref<!tpu.dma_semaphore, #tpu.memory_space<semaphore_mem>>) attributes {dimension_semantics = [#tpu.dimension_semantics<core_parallel>, #tpu.dimension_semantics<subcore_parallel>], iteration_bounds = array<i64: 2, 16>, scalar_prefetch = 0 : i64, scratch_operands = 5 : i64, tpu.core_type = #tpu.core_type<sc_vector_subcore>, window_params = [{transform_indices = #map}, {transform_indices = #map}, {transform_indices = #map}]} {
    %mul3A = arith.constant 2 : i32
    %mul3A_0 = arith.muli %arg1, %mul3A : i32
    %add3A = arith.addi %mul3A_0, %arg0 : i32
    %iota3A = tpu.iota {dimensions = array<i32: 0>} : vector<16xi32>
    %mul3A_1 = arith.constant 6272 : i32
    %mul3A_2 = arith.muli %arg1, %mul3A_1 : i32
    %scan3A = arith.constant 0 : i32
    %scan3A_3 = arith.constant 98 : i32
    %scan3A_4 = arith.addi %scan3A, %scan3A_3 : i32
    %scan3A_5 = arith.constant 1 : i32
    scf.for %scan3A_12 = %scan3A to %scan3A_4 step %scan3A_5  : i32 {
      %mul3A_13 = arith.constant 1 : i32
      %mul3A_14 = arith.muli %scan3A_12, %mul3A_13 : i32
      %add3A_15 = arith.constant 0 : i32
      %add3A_16 = arith.addi %add3A_15, %mul3A_14 : i32
      %mul3A_17 = arith.constant 64 : i32
      %mul3A_18 = arith.muli %add3A_16, %mul3A_17 : i32
      %add3A_19 = arith.addi %mul3A_2, %mul3A_18 : i32
      "tpu.region"() ({
        %run_scoped3A_51 = tpu.sem_alloc : memref<!tpu.dma_semaphore, #tpu.memory_space<semaphore_mem>>
        %dma_start3A = arith.constant 0 : i32
        %dma_start3A_52 = tpu.memref_slice %arg2[%add3A_19, %dma_start3A] : memref<100352x16xf32, #tpu.memory_space<hbm>> -> memref<64x16xf32, #tpu.memory_space<hbm>>
        %dma_start3A_53 = arith.constant 0 : i32
        %dma_start3A_54 = tpu.memref_slice %arg2[%add3A_19, %dma_start3A_53] : memref<100352x16xf32, #tpu.memory_space<hbm>> -> memref<64x16xf32, #tpu.memory_space<hbm>>
        tpu.enqueue_dma source(%dma_start3A_54 : memref<64x16xf32, #tpu.memory_space<hbm>>) target(%arg6 : memref<64x16xf32, #tpu.memory_space<vmem>>) target_semaphore(%run_scoped3A_51 : memref<!tpu.dma_semaphore, #tpu.memory_space<semaphore_mem>>)
        %dma_wait3A = arith.constant 0 : i32
        %dma_wait3A_55 = tpu.memref_slice %arg2[%add3A_19, %dma_wait3A] : memref<100352x16xf32, #tpu.memory_space<hbm>> -> memref<64x16xf32, #tpu.memory_space<hbm>>
        %dma_wait3A_56 = arith.constant 0 : i32
        %dma_wait3A_57 = tpu.memref_slice %arg2[%add3A_19, %dma_wait3A_56] : memref<100352x16xf32, #tpu.memory_space<hbm>> -> memref<64x16xf32, #tpu.memory_space<hbm>>
        tpu.wait_dma2 semaphore(%run_scoped3A_51 : memref<!tpu.dma_semaphore, #tpu.memory_space<semaphore_mem>>) src(%dma_wait3A_57 : memref<64x16xf32, #tpu.memory_space<hbm>>) dst(%arg6 : memref<64x16xf32, #tpu.memory_space<vmem>>)
        tpu.yield
      }) : () -> ()
      %add3A_20 = arith.constant 0 : i32
      %add3A_21 = arith.addi %add3A_19, %add3A_20 : i32
      %add3A_22 = vector.broadcast %add3A_21 : i32 to vector<16xi32>
      %add3A_23 = arith.addi %iota3A, %add3A_22 : vector<16xi32>
      %swap3A = arith.constant 0 : i32
      %swap3A_24 = arith.index_cast %swap3A : i32 to index
      %swap3A_25 = arith.constant 0 : index
      %swap3A_26 = tpu.vector_load %arg7[%swap3A_24, %swap3A_25] {strides = array<i32>} : memref<1x64xi32, #tpu.memory_space<vmem>>, vector<16xi32>,
      tpu.vector_store %arg7[%swap3A_24, %swap3A_25], %add3A_23 {strides = array<i32>} : memref<1x64xi32, #tpu.memory_space<vmem>>, vector<16xi32>,
      %add3A_27 = arith.constant 16 : i32
      %add3A_28 = arith.addi %add3A_19, %add3A_27 : i32
      %add3A_29 = vector.broadcast %add3A_28 : i32 to vector<16xi32>
      %add3A_30 = arith.addi %iota3A, %add3A_29 : vector<16xi32>
      %swap3A_31 = arith.constant 0 : i32
      %swap3A_32 = arith.index_cast %swap3A_31 : i32 to index
      %swap3A_33 = arith.constant 16 : index
      %swap3A_34 = tpu.vector_load %arg7[%swap3A_32, %swap3A_33] {strides = array<i32>} : memref<1x64xi32, #tpu.memory_space<vmem>>, vector<16xi32>,
      tpu.vector_store %arg7[%swap3A_32, %swap3A_33], %add3A_30 {strides = array<i32>} : memref<1x64xi32, #tpu.memory_space<vmem>>, vector<16xi32>,
      %add3A_35 = arith.constant 32 : i32
      %add3A_36 = arith.addi %add3A_19, %add3A_35 : i32
      %add3A_37 = vector.broadcast %add3A_36 : i32 to vector<16xi32>
      %add3A_38 = arith.addi %iota3A, %add3A_37 : vector<16xi32>
      %swap3A_39 = arith.constant 0 : i32
      %swap3A_40 = arith.index_cast %swap3A_39 : i32 to index
      %swap3A_41 = arith.constant 32 : index
      %swap3A_42 = tpu.vector_load %arg7[%swap3A_40, %swap3A_41] {strides = array<i32>} : memref<1x64xi32, #tpu.memory_space<vmem>>, vector<16xi32>,
      tpu.vector_store %arg7[%swap3A_40, %swap3A_41], %add3A_38 {strides = array<i32>} : memref<1x64xi32, #tpu.memory_space<vmem>>, vector<16xi32>,
      %add3A_43 = arith.constant 48 : i32
      %add3A_44 = arith.addi %add3A_19, %add3A_43 : i32
      %add3A_45 = vector.broadcast %add3A_44 : i32 to vector<16xi32>
      %add3A_46 = arith.addi %iota3A, %add3A_45 : vector<16xi32>
      %swap3A_47 = arith.constant 0 : i32
      %swap3A_48 = arith.index_cast %swap3A_47 : i32 to index
      %swap3A_49 = arith.constant 48 : index
      %swap3A_50 = tpu.vector_load %arg7[%swap3A_48, %swap3A_49] {strides = array<i32>} : memref<1x64xi32, #tpu.memory_space<vmem>>, vector<16xi32>,
      tpu.vector_store %arg7[%swap3A_48, %swap3A_49], %add3A_46 {strides = array<i32>} : memref<1x64xi32, #tpu.memory_space<vmem>>, vector<16xi32>,
      %run_scoped3A = arith.constant 0 : i32
      "tpu.region"() ({
        %run_scoped3A_51 = tpu.sem_alloc : memref<!tpu.dma_semaphore, #tpu.memory_space<semaphore_mem>>
        %dma_start3A = arith.constant 0 : i32
        %dma_start3A_52 = tpu.memref_slice %arg7[%run_scoped3A, %dma_start3A] : memref<1x64xi32, #tpu.memory_space<vmem>> -> memref<1x64xi32, #tpu.memory_space<vmem>>
        %dma_start3A_53 = tpu.memref_squeeze %dma_start3A_52 : memref<1x64xi32, #tpu.memory_space<vmem>> -> memref<64xi32, #tpu.memory_space<vmem>>
        %dma_start3A_54 = arith.constant 0 : i32
        %dma_start3A_55 = arith.constant 0 : i32
        %dma_start3A_56 = tpu.memref_slice %arg8[%dma_start3A_54, %dma_start3A_55] : memref<100352x16xf32, #tpu.memory_space<vmem_shared>> -> memref<100352x16xf32, #tpu.memory_space<vmem_shared>>
        tpu.enqueue_indirect_dma source(%arg6 : memref<64x16xf32, #tpu.memory_space<vmem>>) target(%dma_start3A_56 : memref<100352x16xf32, #tpu.memory_space<vmem_shared>>) offsets(%dma_start3A_53 : memref<64xi32, #tpu.memory_space<vmem>>) semaphore(%run_scoped3A_51 : memref<!tpu.dma_semaphore, #tpu.memory_space<semaphore_mem>>)
        %dma_wait3A = arith.constant 0 : i32
        %dma_wait3A_57 = tpu.memref_slice %arg7[%run_scoped3A, %dma_wait3A] : memref<1x64xi32, #tpu.memory_space<vmem>> -> memref<1x64xi32, #tpu.memory_space<vmem>>
        %dma_wait3A_58 = tpu.memref_squeeze %dma_wait3A_57 : memref<1x64xi32, #tpu.memory_space<vmem>> -> memref<64xi32, #tpu.memory_space<vmem>>
        %dma_wait3A_59 = arith.constant 0 : i32
        %dma_wait3A_60 = arith.constant 0 : i32
        %dma_wait3A_61 = tpu.memref_slice %arg8[%dma_wait3A_59, %dma_wait3A_60] : memref<100352x16xf32, #tpu.memory_space<vmem_shared>> -> memref<100352x16xf32, #tpu.memory_space<vmem_shared>>
        tpu.wait_indirect_dma semaphore(%run_scoped3A_51 : memref<!tpu.dma_semaphore, #tpu.memory_space<semaphore_mem>>) src(%arg6 : memref<64x16xf32, #tpu.memory_space<vmem>>) dst(%dma_wait3A_61 : memref<100352x16xf32, #tpu.memory_space<vmem_shared>>)
        tpu.yield
      }) : () -> ()
    }
    %scan3A_6 = arith.constant 98 : i32
    %barrier3A = arith.constant 0 : index
    tpu.barrier barrier_id(%barrier3A)
    %scan3A_7 = arith.constant 0 : i32
    %scan3A_8 = arith.constant 1568 : i32
    %scan3A_9 = arith.addi %scan3A_7, %scan3A_8 : i32
    %scan3A_10 = arith.constant 1 : i32
    scf.for %scan3A_12 = %scan3A_7 to %scan3A_9 step %scan3A_10  : i32 {
      %mul3A_13 = arith.constant 1 : i32
      %mul3A_14 = arith.muli %scan3A_12, %mul3A_13 : i32
      %add3A_15 = arith.constant 0 : i32
      %add3A_16 = arith.addi %add3A_15, %mul3A_14 : i32
      %mul3A_17 = arith.constant 1568 : i32
      %mul3A_18 = arith.muli %add3A, %mul3A_17 : i32
      %add3A_19 = arith.addi %mul3A_18, %add3A_16 : i32
      "tpu.region"() ({
        %run_scoped3A = tpu.sem_alloc : memref<!tpu.dma_semaphore, #tpu.memory_space<semaphore_mem>>
        %dma_start3A_34 = arith.constant 0 : i32
        %dma_start3A_35 = tpu.memref_slice %arg3[%add3A_19, %dma_start3A_34] : memref<50176x64xi32, #tpu.memory_space<hbm>> -> memref<1x64xi32, #tpu.memory_space<hbm>>
        %dma_start3A_36 = arith.constant 0 : i32
        %dma_start3A_37 = tpu.memref_slice %arg3[%add3A_19, %dma_start3A_36] : memref<50176x64xi32, #tpu.memory_space<hbm>> -> memref<1x64xi32, #tpu.memory_space<hbm>>
        tpu.enqueue_dma source(%dma_start3A_37 : memref<1x64xi32, #tpu.memory_space<hbm>>) target(%arg5 : memref<1x64xi32, #tpu.memory_space<vmem>>) target_semaphore(%run_scoped3A : memref<!tpu.dma_semaphore, #tpu.memory_space<semaphore_mem>>)
        %dma_wait3A_38 = arith.constant 0 : i32
        %dma_wait3A_39 = tpu.memref_slice %arg3[%add3A_19, %dma_wait3A_38] : memref<50176x64xi32, #tpu.memory_space<hbm>> -> memref<1x64xi32, #tpu.memory_space<hbm>>
        %dma_wait3A_40 = arith.constant 0 : i32
        %dma_wait3A_41 = tpu.memref_slice %arg3[%add3A_19, %dma_wait3A_40] : memref<50176x64xi32, #tpu.memory_space<hbm>> -> memref<1x64xi32, #tpu.memory_space<hbm>>
        tpu.wait_dma2 semaphore(%run_scoped3A : memref<!tpu.dma_semaphore, #tpu.memory_space<semaphore_mem>>) src(%dma_wait3A_41 : memref<1x64xi32, #tpu.memory_space<hbm>>) dst(%arg5 : memref<1x64xi32, #tpu.memory_space<vmem>>)
        tpu.yield
      }) : () -> ()
      %dma_start3A = arith.constant 0 : i32
      %dma_start3A_20 = arith.constant 0 : i32
      %dma_start3A_21 = tpu.memref_slice %arg5[%dma_start3A, %dma_start3A_20] : memref<1x64xi32, #tpu.memory_space<vmem>> -> memref<1x64xi32, #tpu.memory_space<vmem>>
      %dma_start3A_22 = tpu.memref_squeeze %dma_start3A_21 : memref<1x64xi32, #tpu.memory_space<vmem>> -> memref<64xi32, #tpu.memory_space<vmem>>
      %dma_start3A_23 = arith.constant 0 : i32
      %dma_start3A_24 = arith.constant 0 : i32
      %dma_start3A_25 = tpu.memref_slice %arg8[%dma_start3A_23, %dma_start3A_24] : memref<100352x16xf32, #tpu.memory_space<vmem_shared>> -> memref<100352x16xf32, #tpu.memory_space<vmem_shared>>
      tpu.enqueue_indirect_dma source(%dma_start3A_25 : memref<100352x16xf32, #tpu.memory_space<vmem_shared>>) target(%arg6 : memref<64x16xf32, #tpu.memory_space<vmem>>) offsets(%dma_start3A_22 : memref<64xi32, #tpu.memory_space<vmem>>) semaphore(%arg9 : memref<!tpu.dma_semaphore, #tpu.memory_space<semaphore_mem>>)
      %dma_wait3A = arith.constant 0 : i32
      %dma_wait3A_26 = arith.constant 0 : i32
      %dma_wait3A_27 = tpu.memref_slice %arg5[%dma_wait3A, %dma_wait3A_26] : memref<1x64xi32, #tpu.memory_space<vmem>> -> memref<1x64xi32, #tpu.memory_space<vmem>>
      %dma_wait3A_28 = tpu.memref_squeeze %dma_wait3A_27 : memref<1x64xi32, #tpu.memory_space<vmem>> -> memref<64xi32, #tpu.memory_space<vmem>>
      %dma_wait3A_29 = arith.constant 0 : i32
      %dma_wait3A_30 = arith.constant 0 : i32
      %dma_wait3A_31 = tpu.memref_slice %arg8[%dma_wait3A_29, %dma_wait3A_30] : memref<100352x16xf32, #tpu.memory_space<vmem_shared>> -> memref<100352x16xf32, #tpu.memory_space<vmem_shared>>
      tpu.wait_indirect_dma semaphore(%arg9 : memref<!tpu.dma_semaphore, #tpu.memory_space<semaphore_mem>>) src(%dma_wait3A_31 : memref<100352x16xf32, #tpu.memory_space<vmem_shared>>) dst(%arg6 : memref<64x16xf32, #tpu.memory_space<vmem>>)
      %mul3A_32 = arith.constant 64 : i32
      %mul3A_33 = arith.muli %add3A_19, %mul3A_32 : i32
      "tpu.region"() ({
        %run_scoped3A = tpu.sem_alloc : memref<!tpu.dma_semaphore, #tpu.memory_space<semaphore_mem>>
        %dma_start3A_34 = arith.constant 0 : i32
        %dma_start3A_35 = tpu.memref_slice %arg4[%mul3A_33, %dma_start3A_34] : memref<3211264x16xf32, #tpu.memory_space<hbm>> -> memref<64x16xf32, #tpu.memory_space<hbm>>
        %dma_start3A_36 = arith.constant 0 : i32
        %dma_start3A_37 = tpu.memref_slice %arg4[%mul3A_33, %dma_start3A_36] : memref<3211264x16xf32, #tpu.memory_space<hbm>> -> memref<64x16xf32, #tpu.memory_space<hbm>>
        tpu.enqueue_dma source(%arg6 : memref<64x16xf32, #tpu.memory_space<vmem>>) target(%dma_start3A_37 : memref<64x16xf32, #tpu.memory_space<hbm>>) target_semaphore(%run_scoped3A : memref<!tpu.dma_semaphore, #tpu.memory_space<semaphore_mem>>)
        %dma_wait3A_38 = arith.constant 0 : i32
        %dma_wait3A_39 = tpu.memref_slice %arg4[%mul3A_33, %dma_wait3A_38] : memref<3211264x16xf32, #tpu.memory_space<hbm>> -> memref<64x16xf32, #tpu.memory_space<hbm>>
        %dma_wait3A_40 = arith.constant 0 : i32
        %dma_wait3A_41 = tpu.memref_slice %arg4[%mul3A_33, %dma_wait3A_40] : memref<3211264x16xf32, #tpu.memory_space<hbm>> -> memref<64x16xf32, #tpu.memory_space<hbm>>
        tpu.wait_dma2 semaphore(%run_scoped3A : memref<!tpu.dma_semaphore, #tpu.memory_space<semaphore_mem>>) src(%arg6 : memref<64x16xf32, #tpu.memory_space<vmem>>) dst(%dma_wait3A_41 : memref<64x16xf32, #tpu.memory_space<hbm>>)
        tpu.yield
      }) : () -> ()
    }
    %scan3A_11 = arith.constant 1568 : i32
    return
  }
}

#map = affine_map<(d0, d1) -> (0, 0)>
module attributes {stable_mosaic.version = 14 : i64} {
  func.func @_sc_gather(%arg0: i32, %arg1: i32, %arg2: memref<100352x16xf32, #tpu.memory_space<hbm>>, %arg3: memref<50176x64xi32, #tpu.memory_space<hbm>>, %arg4: memref<3211264x16xf32, #tpu.memory_space<hbm>>, %arg5: memref<1x64xi32, #tpu.memory_space<vmem>>, %arg6: memref<64x16xf32, #tpu.memory_space<vmem>>, %arg7: memref<1x64xi32, #tpu.memory_space<vmem>>, %arg8: memref<100352x16xf32, #tpu.memory_space<vmem_shared>>, %arg9: memref<!tpu.dma_semaphore, #tpu.memory_space<semaphore_mem>>) attributes {dimension_semantics = [#tpu.dimension_semantics<core_parallel>, #tpu.dimension_semantics<subcore_parallel>], iteration_bounds = array<i64: 2, 16>, scalar_prefetch = 0 : i64, scratch_operands = 5 : i64, tpu.core_type = #tpu.core_type<sc_vector_subcore>, window_params = [{transform_indices = #map}, {transform_indices = #map}, {transform_indices = #map}]} {
    %mul3A = arith.constant 2 : i32
    %mul3A_0 = arith.muli %arg1, %mul3A : i32
    %add3A = arith.addi %mul3A_0, %arg0 : i32
    %iota3A = tpu.iota {dimensions = array<i32: 0>} : vector<16xi32>
    %mul3A_1 = arith.constant 6272 : i32
    %mul3A_2 = arith.muli %arg1, %mul3A_1 : i32
    %scan3A = arith.constant 0 : i32
    %scan3A_3 = arith.constant 98 : i32
    %scan3A_4 = arith.addi %scan3A, %scan3A_3 : i32
    %scan3A_5 = arith.constant 1 : i32
    scf.for %scan3A_12 = %scan3A to %scan3A_4 step %scan3A_5  : i32 {
      %mul3A_13 = arith.constant 1 : i32
      %mul3A_14 = arith.muli %scan3A_12, %mul3A_13 : i32
      %add3A_15 = arith.constant 0 : i32
      %add3A_16 = arith.addi %add3A_15, %mul3A_14 : i32
      %mul3A_17 = arith.constant 64 : i32
      %mul3A_18 = arith.muli %add3A_16, %mul3A_17 : i32
      %add3A_19 = arith.addi %mul3A_2, %mul3A_18 : i32
      "tpu.region"() ({
        %run_scoped3A_51 = tpu.sem_alloc : memref<!tpu.dma_semaphore, #tpu.memory_space<semaphore_mem>>
        %dma_start3A = arith.constant 0 : i32
        %dma_start3A_52 = tpu.memref_slice %arg2[%add3A_19, %dma_start3A] : memref<100352x16xf32, #tpu.memory_space<hbm>> -> memref<64x16xf32, #tpu.memory_space<hbm>>
        %dma_start3A_53 = arith.constant 0 : i32
        %dma_start3A_54 = tpu.memref_slice %arg2[%add3A_19, %dma_start3A_53] : memref<100352x16xf32, #tpu.memory_space<hbm>> -> memref<64x16xf32, #tpu.memory_space<hbm>>
        tpu.enqueue_dma source(%dma_start3A_54 : memref<64x16xf32, #tpu.memory_space<hbm>>) target(%arg6 : memref<64x16xf32, #tpu.memory_space<vmem>>) target_semaphore(%run_scoped3A_51 : memref<!tpu.dma_semaphore, #tpu.memory_space<semaphore_mem>>)
        %dma_wait3A = arith.constant 0 : i32
        %dma_wait3A_55 = tpu.memref_slice %arg2[%add3A_19, %dma_wait3A] : memref<100352x16xf32, #tpu.memory_space<hbm>> -> memref<64x16xf32, #tpu.memory_space<hbm>>
        %dma_wait3A_56 = arith.constant 0 : i32
        %dma_wait3A_57 = tpu.memref_slice %arg2[%add3A_19, %dma_wait3A_56] : memref<100352x16xf32, #tpu.memory_space<hbm>> -> memref<64x16xf32, #tpu.memory_space<hbm>>
        tpu.wait_dma2 semaphore(%run_scoped3A_51 : memref<!tpu.dma_semaphore, #tpu.memory_space<semaphore_mem>>) src(%dma_wait3A_57 : memref<64x16xf32, #tpu.memory_space<hbm>>) dst(%arg6 : memref<64x16xf32, #tpu.memory_space<vmem>>)
        tpu.yield
      }) : () -> ()
      %add3A_20 = arith.constant 0 : i32
      %add3A_21 = arith.addi %add3A_19, %add3A_20 : i32
      %add3A_22 = vector.broadcast %add3A_21 : i32 to vector<16xi32>
      %add3A_23 = arith.addi %iota3A, %add3A_22 : vector<16xi32>
      %swap3A = arith.constant 0 : i32
      %swap3A_24 = arith.index_cast %swap3A : i32 to index
      %swap3A_25 = arith.constant 0 : index
      %swap3A_26 = tpu.vector_load %arg7[%swap3A_24, %swap3A_25] {strides = array<i32>} : memref<1x64xi32, #tpu.memory_space<vmem>>, vector<16xi32>,
      tpu.vector_store %arg7[%swap3A_24, %swap3A_25], %add3A_23 {strides = array<i32>} : memref<1x64xi32, #tpu.memory_space<vmem>>, vector<16xi32>,
      %add3A_27 = arith.constant 16 : i32
      %add3A_28 = arith.addi %add3A_19, %add3A_27 : i32
      %add3A_29 = vector.broadcast %add3A_28 : i32 to vector<16xi32>
      %add3A_30 = arith.addi %iota3A, %add3A_29 : vector<16xi32>
      %swap3A_31 = arith.constant 0 : i32
      %swap3A_32 = arith.index_cast %swap3A_31 : i32 to index
      %swap3A_33 = arith.constant 16 : index
      %swap3A_34 = tpu.vector_load %arg7[%swap3A_32, %swap3A_33] {strides = array<i32>} : memref<1x64xi32, #tpu.memory_space<vmem>>, vector<16xi32>,
      tpu.vector_store %arg7[%swap3A_32, %swap3A_33], %add3A_30 {strides = array<i32>} : memref<1x64xi32, #tpu.memory_space<vmem>>, vector<16xi32>,
      %add3A_35 = arith.constant 32 : i32
      %add3A_36 = arith.addi %add3A_19, %add3A_35 : i32
      %add3A_37 = vector.broadcast %add3A_36 : i32 to vector<16xi32>
      %add3A_38 = arith.addi %iota3A, %add3A_37 : vector<16xi32>
      %swap3A_39 = arith.constant 0 : i32
      %swap3A_40 = arith.index_cast %swap3A_39 : i32 to index
      %swap3A_41 = arith.constant 32 : index
      %swap3A_42 = tpu.vector_load %arg7[%swap3A_40, %swap3A_41] {strides = array<i32>} : memref<1x64xi32, #tpu.memory_space<vmem>>, vector<16xi32>,
      tpu.vector_store %arg7[%swap3A_40, %swap3A_41], %add3A_38 {strides = array<i32>} : memref<1x64xi32, #tpu.memory_space<vmem>>, vector<16xi32>,
      %add3A_43 = arith.constant 48 : i32
      %add3A_44 = arith.addi %add3A_19, %add3A_43 : i32
      %add3A_45 = vector.broadcast %add3A_44 : i32 to vector<16xi32>
      %add3A_46 = arith.addi %iota3A, %add3A_45 : vector<16xi32>
      %swap3A_47 = arith.constant 0 : i32
      %swap3A_48 = arith.index_cast %swap3A_47 : i32 to index
      %swap3A_49 = arith.constant 48 : index
      %swap3A_50 = tpu.vector_load %arg7[%swap3A_48, %swap3A_49] {strides = array<i32>} : memref<1x64xi32, #tpu.memory_space<vmem>>, vector<16xi32>,
      tpu.vector_store %arg7[%swap3A_48, %swap3A_49], %add3A_46 {strides = array<i32>} : memref<1x64xi32, #tpu.memory_space<vmem>>, vector<16xi32>,
      %run_scoped3A = arith.constant 0 : i32
      "tpu.region"() ({
        %run_scoped3A_51 = tpu.sem_alloc : memref<!tpu.dma_semaphore, #tpu.memory_space<semaphore_mem>>
        %dma_start3A = arith.constant 0 : i32
        %dma_start3A_52 = tpu.memref_slice %arg7[%run_scoped3A, %dma_start3A] : memref<1x64xi32, #tpu.memory_space<vmem>> -> memref<1x64xi32, #tpu.memory_space<vmem>>
        %dma_start3A_53 = tpu.memref_squeeze %dma_start3A_52 : memref<1x64xi32, #tpu.memory_space<vmem>> -> memref<64xi32, #tpu.memory_space<vmem>>
        %dma_start3A_54 = arith.constant 0 : i32
        %dma_start3A_55 = arith.constant 0 : i32
        %dma_start3A_56 = tpu.memref_slice %arg8[%dma_start3A_54, %dma_start3A_55] : memref<100352x16xf32, #tpu.memory_space<vmem_shared>> -> memref<100352x16xf32, #tpu.memory_space<vmem_shared>>
        tpu.enqueue_indirect_dma source(%arg6 : memref<64x16xf32, #tpu.memory_space<vmem>>) target(%dma_start3A_56 : memref<100352x16xf32, #tpu.memory_space<vmem_shared>>) offsets(%dma_start3A_53 : memref<64xi32, #tpu.memory_space<vmem>>) semaphore(%run_scoped3A_51 : memref<!tpu.dma_semaphore, #tpu.memory_space<semaphore_mem>>)
        %dma_wait3A = arith.constant 0 : i32
        %dma_wait3A_57 = tpu.memref_slice %arg7[%run_scoped3A, %dma_wait3A] : memref<1x64xi32, #tpu.memory_space<vmem>> -> memref<1x64xi32, #tpu.memory_space<vmem>>
        %dma_wait3A_58 = tpu.memref_squeeze %dma_wait3A_57 : memref<1x64xi32, #tpu.memory_space<vmem>> -> memref<64xi32, #tpu.memory_space<vmem>>
        %dma_wait3A_59 = arith.constant 0 : i32
        %dma_wait3A_60 = arith.constant 0 : i32
        %dma_wait3A_61 = tpu.memref_slice %arg8[%dma_wait3A_59, %dma_wait3A_60] : memref<100352x16xf32, #tpu.memory_space<vmem_shared>> -> memref<100352x16xf32, #tpu.memory_space<vmem_shared>>
        tpu.wait_indirect_dma semaphore(%run_scoped3A_51 : memref<!tpu.dma_semaphore, #tpu.memory_space<semaphore_mem>>) src(%arg6 : memref<64x16xf32, #tpu.memory_space<vmem>>) dst(%dma_wait3A_61 : memref<100352x16xf32, #tpu.memory_space<vmem_shared>>)
        tpu.yield
      }) : () -> ()
    }
    %scan3A_6 = arith.constant 98 : i32
    %barrier3A = arith.constant 0 : index
    tpu.barrier barrier_id(%barrier3A)
    %scan3A_7 = arith.constant 0 : i32
    %scan3A_8 = arith.constant 1568 : i32
    %scan3A_9 = arith.addi %scan3A_7, %scan3A_8 : i32
    %scan3A_10 = arith.constant 1 : i32
    scf.for %scan3A_12 = %scan3A_7 to %scan3A_9 step %scan3A_10  : i32 {
      %mul3A_13 = arith.constant 1 : i32
      %mul3A_14 = arith.muli %scan3A_12, %mul3A_13 : i32
      %add3A_15 = arith.constant 0 : i32
      %add3A_16 = arith.addi %add3A_15, %mul3A_14 : i32
      %mul3A_17 = arith.constant 1568 : i32
      %mul3A_18 = arith.muli %add3A, %mul3A_17 : i32
      %add3A_19 = arith.addi %mul3A_18, %add3A_16 : i32
      "tpu.region"() ({
        %run_scoped3A = tpu.sem_alloc : memref<!tpu.dma_semaphore, #tpu.memory_space<semaphore_mem>>
        %dma_start3A_34 = arith.constant 0 : i32
        %dma_start3A_35 = tpu.memref_slice %arg3[%add3A_19, %dma_start3A_34] : memref<50176x64xi32, #tpu.memory_space<hbm>> -> memref<1x64xi32, #tpu.memory_space<hbm>>
        %dma_start3A_36 = arith.constant 0 : i32
        %dma_start3A_37 = tpu.memref_slice %arg3[%add3A_19, %dma_start3A_36] : memref<50176x64xi32, #tpu.memory_space<hbm>> -> memref<1x64xi32, #tpu.memory_space<hbm>>
        tpu.enqueue_dma source(%dma_start3A_37 : memref<1x64xi32, #tpu.memory_space<hbm>>) target(%arg5 : memref<1x64xi32, #tpu.memory_space<vmem>>) target_semaphore(%run_scoped3A : memref<!tpu.dma_semaphore, #tpu.memory_space<semaphore_mem>>)
        %dma_wait3A_38 = arith.constant 0 : i32
        %dma_wait3A_39 = tpu.memref_slice %arg3[%add3A_19, %dma_wait3A_38] : memref<50176x64xi32, #tpu.memory_space<hbm>> -> memref<1x64xi32, #tpu.memory_space<hbm>>
        %dma_wait3A_40 = arith.constant 0 : i32
        %dma_wait3A_41 = tpu.memref_slice %arg3[%add3A_19, %dma_wait3A_40] : memref<50176x64xi32, #tpu.memory_space<hbm>> -> memref<1x64xi32, #tpu.memory_space<hbm>>
        tpu.wait_dma2 semaphore(%run_scoped3A : memref<!tpu.dma_semaphore, #tpu.memory_space<semaphore_mem>>) src(%dma_wait3A_41 : memref<1x64xi32, #tpu.memory_space<hbm>>) dst(%arg5 : memref<1x64xi32, #tpu.memory_space<vmem>>)
        tpu.yield
      }) : () -> ()
      %dma_start3A = arith.constant 0 : i32
      %dma_start3A_20 = arith.constant 0 : i32
      %dma_start3A_21 = tpu.memref_slice %arg5[%dma_start3A, %dma_start3A_20] : memref<1x64xi32, #tpu.memory_space<vmem>> -> memref<1x64xi32, #tpu.memory_space<vmem>>
      %dma_start3A_22 = tpu.memref_squeeze %dma_start3A_21 : memref<1x64xi32, #tpu.memory_space<vmem>> -> memref<64xi32, #tpu.memory_space<vmem>>
      %dma_start3A_23 = arith.constant 0 : i32
      %dma_start3A_24 = arith.constant 0 : i32
      %dma_start3A_25 = tpu.memref_slice %arg8[%dma_start3A_23, %dma_start3A_24] : memref<100352x16xf32, #tpu.memory_space<vmem_shared>> -> memref<100352x16xf32, #tpu.memory_space<vmem_shared>>
      tpu.enqueue_indirect_dma source(%dma_start3A_25 : memref<100352x16xf32, #tpu.memory_space<vmem_shared>>) target(%arg6 : memref<64x16xf32, #tpu.memory_space<vmem>>) offsets(%dma_start3A_22 : memref<64xi32, #tpu.memory_space<vmem>>) semaphore(%arg9 : memref<!tpu.dma_semaphore, #tpu.memory_space<semaphore_mem>>)
      %dma_wait3A = arith.constant 0 : i32
      %dma_wait3A_26 = arith.constant 0 : i32
      %dma_wait3A_27 = tpu.memref_slice %arg5[%dma_wait3A, %dma_wait3A_26] : memref<1x64xi32, #tpu.memory_space<vmem>> -> memref<1x64xi32, #tpu.memory_space<vmem>>
      %dma_wait3A_28 = tpu.memref_squeeze %dma_wait3A_27 : memref<1x64xi32, #tpu.memory_space<vmem>> -> memref<64xi32, #tpu.memory_space<vmem>>
      %dma_wait3A_29 = arith.constant 0 : i32
      %dma_wait3A_30 = arith.constant 0 : i32
      %dma_wait3A_31 = tpu.memref_slice %arg8[%dma_wait3A_29, %dma_wait3A_30] : memref<100352x16xf32, #tpu.memory_space<vmem_shared>> -> memref<100352x16xf32, #tpu.memory_space<vmem_shared>>
      tpu.wait_indirect_dma semaphore(%arg9 : memref<!tpu.dma_semaphore, #tpu.memory_space<semaphore_mem>>) src(%dma_wait3A_31 : memref<100352x16xf32, #tpu.memory_space<vmem_shared>>) dst(%arg6 : memref<64x16xf32, #tpu.memory_space<vmem>>)
      %mul3A_32 = arith.constant 64 : i32
      %mul3A_33 = arith.muli %add3A_19, %mul3A_32 : i32
      "tpu.region"() ({
        %run_scoped3A = tpu.sem_alloc : memref<!tpu.dma_semaphore, #tpu.memory_space<semaphore_mem>>
        %dma_start3A_34 = arith.constant 0 : i32
        %dma_start3A_35 = tpu.memref_slice %arg4[%mul3A_33, %dma_start3A_34] : memref<3211264x16xf32, #tpu.memory_space<hbm>> -> memref<64x16xf32, #tpu.memory_space<hbm>>
        %dma_start3A_36 = arith.constant 0 : i32
        %dma_start3A_37 = tpu.memref_slice %arg4[%mul3A_33, %dma_start3A_36] : memref<3211264x16xf32, #tpu.memory_space<hbm>> -> memref<64x16xf32, #tpu.memory_space<hbm>>
        tpu.enqueue_dma source(%arg6 : memref<64x16xf32, #tpu.memory_space<vmem>>) target(%dma_start3A_37 : memref<64x16xf32, #tpu.memory_space<hbm>>) target_semaphore(%run_scoped3A : memref<!tpu.dma_semaphore, #tpu.memory_space<semaphore_mem>>)
        %dma_wait3A_38 = arith.constant 0 : i32
        %dma_wait3A_39 = tpu.memref_slice %arg4[%mul3A_33, %dma_wait3A_38] : memref<3211264x16xf32, #tpu.memory_space<hbm>> -> memref<64x16xf32, #tpu.memory_space<hbm>>
        %dma_wait3A_40 = arith.constant 0 : i32
        %dma_wait3A_41 = tpu.memref_slice %arg4[%mul3A_33, %dma_wait3A_40] : memref<3211264x16xf32, #tpu.memory_space<hbm>> -> memref<64x16xf32, #tpu.memory_space<hbm>>
        tpu.wait_dma2 semaphore(%run_scoped3A : memref<!tpu.dma_semaphore, #tpu.memory_space<semaphore_mem>>) src(%arg6 : memref<64x16xf32, #tpu.memory_space<vmem>>) dst(%dma_wait3A_41 : memref<64x16xf32, #tpu.memory_space<hbm>>)
        tpu.yield
      }) : () -> ()
    }
    %scan3A_11 = arith.constant 1568 : i32
    return
  }
}

#map = affine_map<(d0, d1) -> (0, 0)>
#map1 = affine_map<(d0, d1) -> (0, 0, 0)>
module attributes {stable_mosaic.version = 14 : i64} {
  func.func @_sc_degree(%arg0: i32, %arg1: i32, %arg2: memref<50176x64xi32, #tpu.memory_space<hbm>>, %arg3: memref<2x100352x16xf32, #tpu.memory_space<hbm>>, %arg4: memref<1x64xi32, #tpu.memory_space<vmem>>, %arg5: memref<64x16xf32, #tpu.memory_space<vmem>>, %arg6: memref<64x16xf32, #tpu.memory_space<vmem>>, %arg7: memref<1x64xi32, #tpu.memory_space<vmem>>, %arg8: memref<100352x16xf32, #tpu.memory_space<vmem_shared>>, %arg9: memref<!tpu.dma_semaphore, #tpu.memory_space<semaphore_mem>>) attributes {dimension_semantics = [#tpu.dimension_semantics<core_parallel>, #tpu.dimension_semantics<subcore_parallel>], iteration_bounds = array<i64: 2, 16>, scalar_prefetch = 0 : i64, scratch_operands = 6 : i64, tpu.core_type = #tpu.core_type<sc_vector_subcore>, window_params = [{transform_indices = #map}, {transform_indices = #map1}]} {
    %mul3A = arith.constant 2 : i32
    %mul3A_0 = arith.muli %arg1, %mul3A : i32
    %add3A = arith.addi %mul3A_0, %arg0 : i32
    %iota3A = tpu.iota {dimensions = array<i32: 0>} : vector<16xi32>
    %broadcast_in_dim3A = arith.constant 1.000000e+00 : f32
    %broadcast_in_dim3A_1 = vector.broadcast %broadcast_in_dim3A : f32 to vector<16xf32>
    %swap3A = arith.constant 0 : i32
    %swap3A_2 = arith.index_cast %swap3A : i32 to index
    %swap3A_3 = arith.constant 0 : index
    %swap3A_4 = tpu.vector_load %arg5[%swap3A_2, %swap3A_3] {strides = array<i32>} : memref<64x16xf32, #tpu.memory_space<vmem>>, vector<16xf32>,
    tpu.vector_store %arg5[%swap3A_2, %swap3A_3], %broadcast_in_dim3A_1 {strides = array<i32>} : memref<64x16xf32, #tpu.memory_space<vmem>>, vector<16xf32>,
    %broadcast_in_dim3A_5 = arith.constant 0.000000e+00 : f32
    %broadcast_in_dim3A_6 = vector.broadcast %broadcast_in_dim3A_5 : f32 to vector<16xf32>
    %swap3A_7 = arith.constant 0 : i32
    %swap3A_8 = arith.index_cast %swap3A_7 : i32 to index
    %swap3A_9 = arith.constant 0 : index
    %swap3A_10 = tpu.vector_load %arg6[%swap3A_8, %swap3A_9] {strides = array<i32>} : memref<64x16xf32, #tpu.memory_space<vmem>>, vector<16xf32>,
    tpu.vector_store %arg6[%swap3A_8, %swap3A_9], %broadcast_in_dim3A_6 {strides = array<i32>} : memref<64x16xf32, #tpu.memory_space<vmem>>, vector<16xf32>,
    %broadcast_in_dim3A_11 = arith.constant 1.000000e+00 : f32
    %broadcast_in_dim3A_12 = vector.broadcast %broadcast_in_dim3A_11 : f32 to vector<16xf32>
    %swap3A_13 = arith.constant 1 : i32
    %swap3A_14 = arith.index_cast %swap3A_13 : i32 to index
    %swap3A_15 = arith.constant 0 : index
    %swap3A_16 = tpu.vector_load %arg5[%swap3A_14, %swap3A_15] {strides = array<i32>} : memref<64x16xf32, #tpu.memory_space<vmem>>, vector<16xf32>,
    tpu.vector_store %arg5[%swap3A_14, %swap3A_15], %broadcast_in_dim3A_12 {strides = array<i32>} : memref<64x16xf32, #tpu.memory_space<vmem>>, vector<16xf32>,
    %broadcast_in_dim3A_17 = arith.constant 0.000000e+00 : f32
    %broadcast_in_dim3A_18 = vector.broadcast %broadcast_in_dim3A_17 : f32 to vector<16xf32>
    %swap3A_19 = arith.constant 1 : i32
    %swap3A_20 = arith.index_cast %swap3A_19 : i32 to index
    %swap3A_21 = arith.constant 0 : index
    %swap3A_22 = tpu.vector_load %arg6[%swap3A_20, %swap3A_21] {strides = array<i32>} : memref<64x16xf32, #tpu.memory_space<vmem>>, vector<16xf32>,
    tpu.vector_store %arg6[%swap3A_20, %swap3A_21], %broadcast_in_dim3A_18 {strides = array<i32>} : memref<64x16xf32, #tpu.memory_space<vmem>>, vector<16xf32>,
    %broadcast_in_dim3A_23 = arith.constant 1.000000e+00 : f32
    %broadcast_in_dim3A_24 = vector.broadcast %broadcast_in_dim3A_23 : f32 to vector<16xf32>
    %swap3A_25 = arith.constant 2 : i32
    %swap3A_26 = arith.index_cast %swap3A_25 : i32 to index
    %swap3A_27 = arith.constant 0 : index
    %swap3A_28 = tpu.vector_load %arg5[%swap3A_26, %swap3A_27] {strides = array<i32>} : memref<64x16xf32, #tpu.memory_space<vmem>>, vector<16xf32>,
    tpu.vector_store %arg5[%swap3A_26, %swap3A_27], %broadcast_in_dim3A_24 {strides = array<i32>} : memref<64x16xf32, #tpu.memory_space<vmem>>, vector<16xf32>,
    %broadcast_in_dim3A_29 = arith.constant 0.000000e+00 : f32
    %broadcast_in_dim3A_30 = vector.broadcast %broadcast_in_dim3A_29 : f32 to vector<16xf32>
    %swap3A_31 = arith.constant 2 : i32
    %swap3A_32 = arith.index_cast %swap3A_31 : i32 to index
    %swap3A_33 = arith.constant 0 : index
    %swap3A_34 = tpu.vector_load %arg6[%swap3A_32, %swap3A_33] {strides = array<i32>} : memref<64x16xf32, #tpu.memory_space<vmem>>, vector<16xf32>,
    tpu.vector_store %arg6[%swap3A_32, %swap3A_33], %broadcast_in_dim3A_30 {strides = array<i32>} : memref<64x16xf32, #tpu.memory_space<vmem>>, vector<16xf32>,
    %broadcast_in_dim3A_35 = arith.constant 1.000000e+00 : f32
    %broadcast_in_dim3A_36 = vector.broadcast %broadcast_in_dim3A_35 : f32 to vector<16xf32>
    %swap3A_37 = arith.constant 3 : i32
    %swap3A_38 = arith.index_cast %swap3A_37 : i32 to index
    %swap3A_39 = arith.constant 0 : index
    %swap3A_40 = tpu.vector_load %arg5[%swap3A_38, %swap3A_39] {strides = array<i32>} : memref<64x16xf32, #tpu.memory_space<vmem>>, vector<16xf32>,
    tpu.vector_store %arg5[%swap3A_38, %swap3A_39], %broadcast_in_dim3A_36 {strides = array<i32>} : memref<64x16xf32, #tpu.memory_space<vmem>>, vector<16xf32>,
    %broadcast_in_dim3A_41 = arith.constant 0.000000e+00 : f32
    %broadcast_in_dim3A_42 = vector.broadcast %broadcast_in_dim3A_41 : f32 to vector<16xf32>
    %swap3A_43 = arith.constant 3 : i32
    %swap3A_44 = arith.index_cast %swap3A_43 : i32 to index
    %swap3A_45 = arith.constant 0 : index
    %swap3A_46 = tpu.vector_load %arg6[%swap3A_44, %swap3A_45] {strides = array<i32>} : memref<64x16xf32, #tpu.memory_space<vmem>>, vector<16xf32>,
    tpu.vector_store %arg6[%swap3A_44, %swap3A_45], %broadcast_in_dim3A_42 {strides = array<i32>} : memref<64x16xf32, #tpu.memory_space<vmem>>, vector<16xf32>,
    %broadcast_in_dim3A_47 = arith.constant 1.000000e+00 : f32
    %broadcast_in_dim3A_48 = vector.broadcast %broadcast_in_dim3A_47 : f32 to vector<16xf32>
    %swap3A_49 = arith.constant 4 : i32
    %swap3A_50 = arith.index_cast %swap3A_49 : i32 to index
    %swap3A_51 = arith.constant 0 : index
    %swap3A_52 = tpu.vector_load %arg5[%swap3A_50, %swap3A_51] {strides = array<i32>} : memref<64x16xf32, #tpu.memory_space<vmem>>, vector<16xf32>,
    tpu.vector_store %arg5[%swap3A_50, %swap3A_51], %broadcast_in_dim3A_48 {strides = array<i32>} : memref<64x16xf32, #tpu.memory_space<vmem>>, vector<16xf32>,
    %broadcast_in_dim3A_53 = arith.constant 0.000000e+00 : f32
    %broadcast_in_dim3A_54 = vector.broadcast %broadcast_in_dim3A_53 : f32 to vector<16xf32>
    %swap3A_55 = arith.constant 4 : i32
    %swap3A_56 = arith.index_cast %swap3A_55 : i32 to index
    %swap3A_57 = arith.constant 0 : index
    %swap3A_58 = tpu.vector_load %arg6[%swap3A_56, %swap3A_57] {strides = array<i32>} : memref<64x16xf32, #tpu.memory_space<vmem>>, vector<16xf32>,
    tpu.vector_store %arg6[%swap3A_56, %swap3A_57], %broadcast_in_dim3A_54 {strides = array<i32>} : memref<64x16xf32, #tpu.memory_space<vmem>>, vector<16xf32>,
    %broadcast_in_dim3A_59 = arith.constant 1.000000e+00 : f32
    %broadcast_in_dim3A_60 = vector.broadcast %broadcast_in_dim3A_59 : f32 to vector<16xf32>
    %swap3A_61 = arith.constant 5 : i32
    %swap3A_62 = arith.index_cast %swap3A_61 : i32 to index
    %swap3A_63 = arith.constant 0 : index
    %swap3A_64 = tpu.vector_load %arg5[%swap3A_62, %swap3A_63] {strides = array<i32>} : memref<64x16xf32, #tpu.memory_space<vmem>>, vector<16xf32>,
    tpu.vector_store %arg5[%swap3A_62, %swap3A_63], %broadcast_in_dim3A_60 {strides = array<i32>} : memref<64x16xf32, #tpu.memory_space<vmem>>, vector<16xf32>,
    %broadcast_in_dim3A_65 = arith.constant 0.000000e+00 : f32
    %broadcast_in_dim3A_66 = vector.broadcast %broadcast_in_dim3A_65 : f32 to vector<16xf32>
    %swap3A_67 = arith.constant 5 : i32
    %swap3A_68 = arith.index_cast %swap3A_67 : i32 to index
    %swap3A_69 = arith.constant 0 : index
    %swap3A_70 = tpu.vector_load %arg6[%swap3A_68, %swap3A_69] {strides = array<i32>} : memref<64x16xf32, #tpu.memory_space<vmem>>, vector<16xf32>,
    tpu.vector_store %arg6[%swap3A_68, %swap3A_69], %broadcast_in_dim3A_66 {strides = array<i32>} : memref<64x16xf32, #tpu.memory_space<vmem>>, vector<16xf32>,
    %broadcast_in_dim3A_71 = arith.constant 1.000000e+00 : f32
    %broadcast_in_dim3A_72 = vector.broadcast %broadcast_in_dim3A_71 : f32 to vector<16xf32>
    %swap3A_73 = arith.constant 6 : i32
    %swap3A_74 = arith.index_cast %swap3A_73 : i32 to index
    %swap3A_75 = arith.constant 0 : index
    %swap3A_76 = tpu.vector_load %arg5[%swap3A_74, %swap3A_75] {strides = array<i32>} : memref<64x16xf32, #tpu.memory_space<vmem>>, vector<16xf32>,
    tpu.vector_store %arg5[%swap3A_74, %swap3A_75], %broadcast_in_dim3A_72 {strides = array<i32>} : memref<64x16xf32, #tpu.memory_space<vmem>>, vector<16xf32>,
    %broadcast_in_dim3A_77 = arith.constant 0.000000e+00 : f32
    %broadcast_in_dim3A_78 = vector.broadcast %broadcast_in_dim3A_77 : f32 to vector<16xf32>
    %swap3A_79 = arith.constant 6 : i32
    %swap3A_80 = arith.index_cast %swap3A_79 : i32 to index
    %swap3A_81 = arith.constant 0 : index
    %swap3A_82 = tpu.vector_load %arg6[%swap3A_80, %swap3A_81] {strides = array<i32>} : memref<64x16xf32, #tpu.memory_space<vmem>>, vector<16xf32>,
    tpu.vector_store %arg6[%swap3A_80, %swap3A_81], %broadcast_in_dim3A_78 {strides = array<i32>} : memref<64x16xf32, #tpu.memory_space<vmem>>, vector<16xf32>,
    %broadcast_in_dim3A_83 = arith.constant 1.000000e+00 : f32
    %broadcast_in_dim3A_84 = vector.broadcast %broadcast_in_dim3A_83 : f32 to vector<16xf32>
    %swap3A_85 = arith.constant 7 : i32
    %swap3A_86 = arith.index_cast %swap3A_85 : i32 to index
    %swap3A_87 = arith.constant 0 : index
    %swap3A_88 = tpu.vector_load %arg5[%swap3A_86, %swap3A_87] {strides = array<i32>} : memref<64x16xf32, #tpu.memory_space<vmem>>, vector<16xf32>,
    tpu.vector_store %arg5[%swap3A_86, %swap3A_87], %broadcast_in_dim3A_84 {strides = array<i32>} : memref<64x16xf32, #tpu.memory_space<vmem>>, vector<16xf32>,
    %broadcast_in_dim3A_89 = arith.constant 0.000000e+00 : f32
    %broadcast_in_dim3A_90 = vector.broadcast %broadcast_in_dim3A_89 : f32 to vector<16xf32>
    %swap3A_91 = arith.constant 7 : i32
    %swap3A_92 = arith.index_cast %swap3A_91 : i32 to index
    %swap3A_93 = arith.constant 0 : index
    %swap3A_94 = tpu.vector_load %arg6[%swap3A_92, %swap3A_93] {strides = array<i32>} : memref<64x16xf32, #tpu.memory_space<vmem>>, vector<16xf32>,
    tpu.vector_store %arg6[%swap3A_92, %swap3A_93], %broadcast_in_dim3A_90 {strides = array<i32>} : memref<64x16xf32, #tpu.memory_space<vmem>>, vector<16xf32>,
    %broadcast_in_dim3A_95 = arith.constant 1.000000e+00 : f32
    %broadcast_in_dim3A_96 = vector.broadcast %broadcast_in_dim3A_95 : f32 to vector<16xf32>
    %swap3A_97 = arith.constant 8 : i32
    %swap3A_98 = arith.index_cast %swap3A_97 : i32 to index
    %swap3A_99 = arith.constant 0 : index
    %swap3A_100 = tpu.vector_load %arg5[%swap3A_98, %swap3A_99] {strides = array<i32>} : memref<64x16xf32, #tpu.memory_space<vmem>>, vector<16xf32>,
    tpu.vector_store %arg5[%swap3A_98, %swap3A_99], %broadcast_in_dim3A_96 {strides = array<i32>} : memref<64x16xf32, #tpu.memory_space<vmem>>, vector<16xf32>,
    %broadcast_in_dim3A_101 = arith.constant 0.000000e+00 : f32
    %broadcast_in_dim3A_102 = vector.broadcast %broadcast_in_dim3A_101 : f32 to vector<16xf32>
    %swap3A_103 = arith.constant 8 : i32
    %swap3A_104 = arith.index_cast %swap3A_103 : i32 to index
    %swap3A_105 = arith.constant 0 : index
    %swap3A_106 = tpu.vector_load %arg6[%swap3A_104, %swap3A_105] {strides = array<i32>} : memref<64x16xf32, #tpu.memory_space<vmem>>, vector<16xf32>,
    tpu.vector_store %arg6[%swap3A_104, %swap3A_105], %broadcast_in_dim3A_102 {strides = array<i32>} : memref<64x16xf32, #tpu.memory_space<vmem>>, vector<16xf32>,
    %broadcast_in_dim3A_107 = arith.constant 1.000000e+00 : f32
    %broadcast_in_dim3A_108 = vector.broadcast %broadcast_in_dim3A_107 : f32 to vector<16xf32>
    %swap3A_109 = arith.constant 9 : i32
    %swap3A_110 = arith.index_cast %swap3A_109 : i32 to index
    %swap3A_111 = arith.constant 0 : index
    %swap3A_112 = tpu.vector_load %arg5[%swap3A_110, %swap3A_111] {strides = array<i32>} : memref<64x16xf32, #tpu.memory_space<vmem>>, vector<16xf32>,
    tpu.vector_store %arg5[%swap3A_110, %swap3A_111], %broadcast_in_dim3A_108 {strides = array<i32>} : memref<64x16xf32, #tpu.memory_space<vmem>>, vector<16xf32>,
    %broadcast_in_dim3A_113 = arith.constant 0.000000e+00 : f32
    %broadcast_in_dim3A_114 = vector.broadcast %broadcast_in_dim3A_113 : f32 to vector<16xf32>
    %swap3A_115 = arith.constant 9 : i32
    %swap3A_116 = arith.index_cast %swap3A_115 : i32 to index
    %swap3A_117 = arith.constant 0 : index
    %swap3A_118 = tpu.vector_load %arg6[%swap3A_116, %swap3A_117] {strides = array<i32>} : memref<64x16xf32, #tpu.memory_space<vmem>>, vector<16xf32>,
    tpu.vector_store %arg6[%swap3A_116, %swap3A_117], %broadcast_in_dim3A_114 {strides = array<i32>} : memref<64x16xf32, #tpu.memory_space<vmem>>, vector<16xf32>,
    %broadcast_in_dim3A_119 = arith.constant 1.000000e+00 : f32
    %broadcast_in_dim3A_120 = vector.broadcast %broadcast_in_dim3A_119 : f32 to vector<16xf32>
    %swap3A_121 = arith.constant 10 : i32
    %swap3A_122 = arith.index_cast %swap3A_121 : i32 to index
    %swap3A_123 = arith.constant 0 : index
    %swap3A_124 = tpu.vector_load %arg5[%swap3A_122, %swap3A_123] {strides = array<i32>} : memref<64x16xf32, #tpu.memory_space<vmem>>, vector<16xf32>,
    tpu.vector_store %arg5[%swap3A_122, %swap3A_123], %broadcast_in_dim3A_120 {strides = array<i32>} : memref<64x16xf32, #tpu.memory_space<vmem>>, vector<16xf32>,
    %broadcast_in_dim3A_125 = arith.constant 0.000000e+00 : f32
    %broadcast_in_dim3A_126 = vector.broadcast %broadcast_in_dim3A_125 : f32 to vector<16xf32>
    %swap3A_127 = arith.constant 10 : i32
    %swap3A_128 = arith.index_cast %swap3A_127 : i32 to index
    %swap3A_129 = arith.constant 0 : index
    %swap3A_130 = tpu.vector_load %arg6[%swap3A_128, %swap3A_129] {strides = array<i32>} : memref<64x16xf32, #tpu.memory_space<vmem>>, vector<16xf32>,
    tpu.vector_store %arg6[%swap3A_128, %swap3A_129], %broadcast_in_dim3A_126 {strides = array<i32>} : memref<64x16xf32, #tpu.memory_space<vmem>>, vector<16xf32>,
    %broadcast_in_dim3A_131 = arith.constant 1.000000e+00 : f32
    %broadcast_in_dim3A_132 = vector.broadcast %broadcast_in_dim3A_131 : f32 to vector<16xf32>
    %swap3A_133 = arith.constant 11 : i32
    %swap3A_134 = arith.index_cast %swap3A_133 : i32 to index
    %swap3A_135 = arith.constant 0 : index
    %swap3A_136 = tpu.vector_load %arg5[%swap3A_134, %swap3A_135] {strides = array<i32>} : memref<64x16xf32, #tpu.memory_space<vmem>>, vector<16xf32>,
    tpu.vector_store %arg5[%swap3A_134, %swap3A_135], %broadcast_in_dim3A_132 {strides = array<i32>} : memref<64x16xf32, #tpu.memory_space<vmem>>, vector<16xf32>,
    %broadcast_in_dim3A_137 = arith.constant 0.000000e+00 : f32
    %broadcast_in_dim3A_138 = vector.broadcast %broadcast_in_dim3A_137 : f32 to vector<16xf32>
    %swap3A_139 = arith.constant 11 : i32
    %swap3A_140 = arith.index_cast %swap3A_139 : i32 to index
    %swap3A_141 = arith.constant 0 : index
    %swap3A_142 = tpu.vector_load %arg6[%swap3A_140, %swap3A_141] {strides = array<i32>} : memref<64x16xf32, #tpu.memory_space<vmem>>, vector<16xf32>,
    tpu.vector_store %arg6[%swap3A_140, %swap3A_141], %broadcast_in_dim3A_138 {strides = array<i32>} : memref<64x16xf32, #tpu.memory_space<vmem>>, vector<16xf32>,
    %broadcast_in_dim3A_143 = arith.constant 1.000000e+00 : f32
    %broadcast_in_dim3A_144 = vector.broadcast %broadcast_in_dim3A_143 : f32 to vector<16xf32>
    %swap3A_145 = arith.constant 12 : i32
    %swap3A_146 = arith.index_cast %swap3A_145 : i32 to index
    %swap3A_147 = arith.constant 0 : index
    %swap3A_148 = tpu.vector_load %arg5[%swap3A_146, %swap3A_147] {strides = array<i32>} : memref<64x16xf32, #tpu.memory_space<vmem>>, vector<16xf32>,
    tpu.vector_store %arg5[%swap3A_146, %swap3A_147], %broadcast_in_dim3A_144 {strides = array<i32>} : memref<64x16xf32, #tpu.memory_space<vmem>>, vector<16xf32>,
    %broadcast_in_dim3A_149 = arith.constant 0.000000e+00 : f32
    %broadcast_in_dim3A_150 = vector.broadcast %broadcast_in_dim3A_149 : f32 to vector<16xf32>
    %swap3A_151 = arith.constant 12 : i32
    %swap3A_152 = arith.index_cast %swap3A_151 : i32 to index
    %swap3A_153 = arith.constant 0 : index
    %swap3A_154 = tpu.vector_load %arg6[%swap3A_152, %swap3A_153] {strides = array<i32>} : memref<64x16xf32, #tpu.memory_space<vmem>>, vector<16xf32>,
    tpu.vector_store %arg6[%swap3A_152, %swap3A_153], %broadcast_in_dim3A_150 {strides = array<i32>} : memref<64x16xf32, #tpu.memory_space<vmem>>, vector<16xf32>,
    %broadcast_in_dim3A_155 = arith.constant 1.000000e+00 : f32
    %broadcast_in_dim3A_156 = vector.broadcast %broadcast_in_dim3A_155 : f32 to vector<16xf32>
    %swap3A_157 = arith.constant 13 : i32
    %swap3A_158 = arith.index_cast %swap3A_157 : i32 to index
    %swap3A_159 = arith.constant 0 : index
    %swap3A_160 = tpu.vector_load %arg5[%swap3A_158, %swap3A_159] {strides = array<i32>} : memref<64x16xf32, #tpu.memory_space<vmem>>, vector<16xf32>,
    tpu.vector_store %arg5[%swap3A_158, %swap3A_159], %broadcast_in_dim3A_156 {strides = array<i32>} : memref<64x16xf32, #tpu.memory_space<vmem>>, vector<16xf32>,
    %broadcast_in_dim3A_161 = arith.constant 0.000000e+00 : f32
    %broadcast_in_dim3A_162 = vector.broadcast %broadcast_in_dim3A_161 : f32 to vector<16xf32>
    %swap3A_163 = arith.constant 13 : i32
    %swap3A_164 = arith.index_cast %swap3A_163 : i32 to index
    %swap3A_165 = arith.constant 0 : index
    %swap3A_166 = tpu.vector_load %arg6[%swap3A_164, %swap3A_165] {strides = array<i32>} : memref<64x16xf32, #tpu.memory_space<vmem>>, vector<16xf32>,
    tpu.vector_store %arg6[%swap3A_164, %swap3A_165], %broadcast_in_dim3A_162 {strides = array<i32>} : memref<64x16xf32, #tpu.memory_space<vmem>>, vector<16xf32>,
    %broadcast_in_dim3A_167 = arith.constant 1.000000e+00 : f32
    %broadcast_in_dim3A_168 = vector.broadcast %broadcast_in_dim3A_167 : f32 to vector<16xf32>
    %swap3A_169 = arith.constant 14 : i32
    %swap3A_170 = arith.index_cast %swap3A_169 : i32 to index
    %swap3A_171 = arith.constant 0 : index
    %swap3A_172 = tpu.vector_load %arg5[%swap3A_170, %swap3A_171] {strides = array<i32>} : memref<64x16xf32, #tpu.memory_space<vmem>>, vector<16xf32>,
    tpu.vector_store %arg5[%swap3A_170, %swap3A_171], %broadcast_in_dim3A_168 {strides = array<i32>} : memref<64x16xf32, #tpu.memory_space<vmem>>, vector<16xf32>,
    %broadcast_in_dim3A_173 = arith.constant 0.000000e+00 : f32
    %broadcast_in_dim3A_174 = vector.broadcast %broadcast_in_dim3A_173 : f32 to vector<16xf32>
    %swap3A_175 = arith.constant 14 : i32
    %swap3A_176 = arith.index_cast %swap3A_175 : i32 to index
    %swap3A_177 = arith.constant 0 : index
    %swap3A_178 = tpu.vector_load %arg6[%swap3A_176, %swap3A_177] {strides = array<i32>} : memref<64x16xf32, #tpu.memory_space<vmem>>, vector<16xf32>,
    tpu.vector_store %arg6[%swap3A_176, %swap3A_177], %broadcast_in_dim3A_174 {strides = array<i32>} : memref<64x16xf32, #tpu.memory_space<vmem>>, vector<16xf32>,
    %broadcast_in_dim3A_179 = arith.constant 1.000000e+00 : f32
    %broadcast_in_dim3A_180 = vector.broadcast %broadcast_in_dim3A_179 : f32 to vector<16xf32>
    %swap3A_181 = arith.constant 15 : i32
    %swap3A_182 = arith.index_cast %swap3A_181 : i32 to index
    %swap3A_183 = arith.constant 0 : index
    %swap3A_184 = tpu.vector_load %arg5[%swap3A_182, %swap3A_183] {strides = array<i32>} : memref<64x16xf32, #tpu.memory_space<vmem>>, vector<16xf32>,
    tpu.vector_store %arg5[%swap3A_182, %swap3A_183], %broadcast_in_dim3A_180 {strides = array<i32>} : memref<64x16xf32, #tpu.memory_space<vmem>>, vector<16xf32>,
    %broadcast_in_dim3A_185 = arith.constant 0.000000e+00 : f32
    %broadcast_in_dim3A_186 = vector.broadcast %broadcast_in_dim3A_185 : f32 to vector<16xf32>
    %swap3A_187 = arith.constant 15 : i32
    %swap3A_188 = arith.index_cast %swap3A_187 : i32 to index
    %swap3A_189 = arith.constant 0 : index
    %swap3A_190 = tpu.vector_load %arg6[%swap3A_188, %swap3A_189] {strides = array<i32>} : memref<64x16xf32, #tpu.memory_space<vmem>>, vector<16xf32>,
    tpu.vector_store %arg6[%swap3A_188, %swap3A_189], %broadcast_in_dim3A_186 {strides = array<i32>} : memref<64x16xf32, #tpu.memory_space<vmem>>, vector<16xf32>,
    %broadcast_in_dim3A_191 = arith.constant 1.000000e+00 : f32
    %broadcast_in_dim3A_192 = vector.broadcast %broadcast_in_dim3A_191 : f32 to vector<16xf32>
    %swap3A_193 = arith.constant 16 : i32
    %swap3A_194 = arith.index_cast %swap3A_193 : i32 to index
    %swap3A_195 = arith.constant 0 : index
    %swap3A_196 = tpu.vector_load %arg5[%swap3A_194, %swap3A_195] {strides = array<i32>} : memref<64x16xf32, #tpu.memory_space<vmem>>, vector<16xf32>,
    tpu.vector_store %arg5[%swap3A_194, %swap3A_195], %broadcast_in_dim3A_192 {strides = array<i32>} : memref<64x16xf32, #tpu.memory_space<vmem>>, vector<16xf32>,
    %broadcast_in_dim3A_197 = arith.constant 0.000000e+00 : f32
    %broadcast_in_dim3A_198 = vector.broadcast %broadcast_in_dim3A_197 : f32 to vector<16xf32>
    %swap3A_199 = arith.constant 16 : i32
    %swap3A_200 = arith.index_cast %swap3A_199 : i32 to index
    %swap3A_201 = arith.constant 0 : index
    %swap3A_202 = tpu.vector_load %arg6[%swap3A_200, %swap3A_201] {strides = array<i32>} : memref<64x16xf32, #tpu.memory_space<vmem>>, vector<16xf32>,
    tpu.vector_store %arg6[%swap3A_200, %swap3A_201], %broadcast_in_dim3A_198 {strides = array<i32>} : memref<64x16xf32, #tpu.memory_space<vmem>>, vector<16xf32>,
    %broadcast_in_dim3A_203 = arith.constant 1.000000e+00 : f32
    %broadcast_in_dim3A_204 = vector.broadcast %broadcast_in_dim3A_203 : f32 to vector<16xf32>
    %swap3A_205 = arith.constant 17 : i32
    %swap3A_206 = arith.index_cast %swap3A_205 : i32 to index
    %swap3A_207 = arith.constant 0 : index
    %swap3A_208 = tpu.vector_load %arg5[%swap3A_206, %swap3A_207] {strides = array<i32>} : memref<64x16xf32, #tpu.memory_space<vmem>>, vector<16xf32>,
    tpu.vector_store %arg5[%swap3A_206, %swap3A_207], %broadcast_in_dim3A_204 {strides = array<i32>} : memref<64x16xf32, #tpu.memory_space<vmem>>, vector<16xf32>,
    %broadcast_in_dim3A_209 = arith.constant 0.000000e+00 : f32
    %broadcast_in_dim3A_210 = vector.broadcast %broadcast_in_dim3A_209 : f32 to vector<16xf32>
    %swap3A_211 = arith.constant 17 : i32
    %swap3A_212 = arith.index_cast %swap3A_211 : i32 to index
    %swap3A_213 = arith.constant 0 : index
    %swap3A_214 = tpu.vector_load %arg6[%swap3A_212, %swap3A_213] {strides = array<i32>} : memref<64x16xf32, #tpu.memory_space<vmem>>, vector<16xf32>,
    tpu.vector_store %arg6[%swap3A_212, %swap3A_213], %broadcast_in_dim3A_210 {strides = array<i32>} : memref<64x16xf32, #tpu.memory_space<vmem>>, vector<16xf32>,
    %broadcast_in_dim3A_215 = arith.constant 1.000000e+00 : f32
    %broadcast_in_dim3A_216 = vector.broadcast %broadcast_in_dim3A_215 : f32 to vector<16xf32>
    %swap3A_217 = arith.constant 18 : i32
    %swap3A_218 = arith.index_cast %swap3A_217 : i32 to index
    %swap3A_219 = arith.constant 0 : index
    %swap3A_220 = tpu.vector_load %arg5[%swap3A_218, %swap3A_219] {strides = array<i32>} : memref<64x16xf32, #tpu.memory_space<vmem>>, vector<16xf32>,
    tpu.vector_store %arg5[%swap3A_218, %swap3A_219], %broadcast_in_dim3A_216 {strides = array<i32>} : memref<64x16xf32, #tpu.memory_space<vmem>>, vector<16xf32>,
    %broadcast_in_dim3A_221 = arith.constant 0.000000e+00 : f32
    %broadcast_in_dim3A_222 = vector.broadcast %broadcast_in_dim3A_221 : f32 to vector<16xf32>
    %swap3A_223 = arith.constant 18 : i32
    %swap3A_224 = arith.index_cast %swap3A_223 : i32 to index
    %swap3A_225 = arith.constant 0 : index
    %swap3A_226 = tpu.vector_load %arg6[%swap3A_224, %swap3A_225] {strides = array<i32>} : memref<64x16xf32, #tpu.memory_space<vmem>>, vector<16xf32>,
    tpu.vector_store %arg6[%swap3A_224, %swap3A_225], %broadcast_in_dim3A_222 {strides = array<i32>} : memref<64x16xf32, #tpu.memory_space<vmem>>, vector<16xf32>,
    %broadcast_in_dim3A_227 = arith.constant 1.000000e+00 : f32
    %broadcast_in_dim3A_228 = vector.broadcast %broadcast_in_dim3A_227 : f32 to vector<16xf32>
    %swap3A_229 = arith.constant 19 : i32
    %swap3A_230 = arith.index_cast %swap3A_229 : i32 to index
    %swap3A_231 = arith.constant 0 : index
    %swap3A_232 = tpu.vector_load %arg5[%swap3A_230, %swap3A_231] {strides = array<i32>} : memref<64x16xf32, #tpu.memory_space<vmem>>, vector<16xf32>,
    tpu.vector_store %arg5[%swap3A_230, %swap3A_231], %broadcast_in_dim3A_228 {strides = array<i32>} : memref<64x16xf32, #tpu.memory_space<vmem>>, vector<16xf32>,
    %broadcast_in_dim3A_233 = arith.constant 0.000000e+00 : f32
    %broadcast_in_dim3A_234 = vector.broadcast %broadcast_in_dim3A_233 : f32 to vector<16xf32>
    %swap3A_235 = arith.constant 19 : i32
    %swap3A_236 = arith.index_cast %swap3A_235 : i32 to index
    %swap3A_237 = arith.constant 0 : index
    %swap3A_238 = tpu.vector_load %arg6[%swap3A_236, %swap3A_237] {strides = array<i32>} : memref<64x16xf32, #tpu.memory_space<vmem>>, vector<16xf32>,
    tpu.vector_store %arg6[%swap3A_236, %swap3A_237], %broadcast_in_dim3A_234 {strides = array<i32>} : memref<64x16xf32, #tpu.memory_space<vmem>>, vector<16xf32>,
    %broadcast_in_dim3A_239 = arith.constant 1.000000e+00 : f32
    %broadcast_in_dim3A_240 = vector.broadcast %broadcast_in_dim3A_239 : f32 to vector<16xf32>
    %swap3A_241 = arith.constant 20 : i32
    %swap3A_242 = arith.index_cast %swap3A_241 : i32 to index
    %swap3A_243 = arith.constant 0 : index
    %swap3A_244 = tpu.vector_load %arg5[%swap3A_242, %swap3A_243] {strides = array<i32>} : memref<64x16xf32, #tpu.memory_space<vmem>>, vector<16xf32>,
    tpu.vector_store %arg5[%swap3A_242, %swap3A_243], %broadcast_in_dim3A_240 {strides = array<i32>} : memref<64x16xf32, #tpu.memory_space<vmem>>, vector<16xf32>,
    %broadcast_in_dim3A_245 = arith.constant 0.000000e+00 : f32
    %broadcast_in_dim3A_246 = vector.broadcast %broadcast_in_dim3A_245 : f32 to vector<16xf32>
    %swap3A_247 = arith.constant 20 : i32
    %swap3A_248 = arith.index_cast %swap3A_247 : i32 to index
    %swap3A_249 = arith.constant 0 : index
    %swap3A_250 = tpu.vector_load %arg6[%swap3A_248, %swap3A_249] {strides = array<i32>} : memref<64x16xf32, #tpu.memory_space<vmem>>, vector<16xf32>,
    tpu.vector_store %arg6[%swap3A_248, %swap3A_249], %broadcast_in_dim3A_246 {strides = array<i32>} : memref<64x16xf32, #tpu.memory_space<vmem>>, vector<16xf32>,
    %broadcast_in_dim3A_251 = arith.constant 1.000000e+00 : f32
    %broadcast_in_dim3A_252 = vector.broadcast %broadcast_in_dim3A_251 : f32 to vector<16xf32>
    %swap3A_253 = arith.constant 21 : i32
    %swap3A_254 = arith.index_cast %swap3A_253 : i32 to index
    %swap3A_255 = arith.constant 0 : index
    %swap3A_256 = tpu.vector_load %arg5[%swap3A_254, %swap3A_255] {strides = array<i32>} : memref<64x16xf32, #tpu.memory_space<vmem>>, vector<16xf32>,
    tpu.vector_store %arg5[%swap3A_254, %swap3A_255], %broadcast_in_dim3A_252 {strides = array<i32>} : memref<64x16xf32, #tpu.memory_space<vmem>>, vector<16xf32>,
    %broadcast_in_dim3A_257 = arith.constant 0.000000e+00 : f32
    %broadcast_in_dim3A_258 = vector.broadcast %broadcast_in_dim3A_257 : f32 to vector<16xf32>
    %swap3A_259 = arith.constant 21 : i32
    %swap3A_260 = arith.index_cast %swap3A_259 : i32 to index
    %swap3A_261 = arith.constant 0 : index
    %swap3A_262 = tpu.vector_load %arg6[%swap3A_260, %swap3A_261] {strides = array<i32>} : memref<64x16xf32, #tpu.memory_space<vmem>>, vector<16xf32>,
    tpu.vector_store %arg6[%swap3A_260, %swap3A_261], %broadcast_in_dim3A_258 {strides = array<i32>} : memref<64x16xf32, #tpu.memory_space<vmem>>, vector<16xf32>,
    %broadcast_in_dim3A_263 = arith.constant 1.000000e+00 : f32
    %broadcast_in_dim3A_264 = vector.broadcast %broadcast_in_dim3A_263 : f32 to vector<16xf32>
    %swap3A_265 = arith.constant 22 : i32
    %swap3A_266 = arith.index_cast %swap3A_265 : i32 to index
    %swap3A_267 = arith.constant 0 : index
    %swap3A_268 = tpu.vector_load %arg5[%swap3A_266, %swap3A_267] {strides = array<i32>} : memref<64x16xf32, #tpu.memory_space<vmem>>, vector<16xf32>,
    tpu.vector_store %arg5[%swap3A_266, %swap3A_267], %broadcast_in_dim3A_264 {strides = array<i32>} : memref<64x16xf32, #tpu.memory_space<vmem>>, vector<16xf32>,
    %broadcast_in_dim3A_269 = arith.constant 0.000000e+00 : f32
    %broadcast_in_dim3A_270 = vector.broadcast %broadcast_in_dim3A_269 : f32 to vector<16xf32>
    %swap3A_271 = arith.constant 22 : i32
    %swap3A_272 = arith.index_cast %swap3A_271 : i32 to index
    %swap3A_273 = arith.constant 0 : index
    %swap3A_274 = tpu.vector_load %arg6[%swap3A_272, %swap3A_273] {strides = array<i32>} : memref<64x16xf32, #tpu.memory_space<vmem>>, vector<16xf32>,
    tpu.vector_store %arg6[%swap3A_272, %swap3A_273], %broadcast_in_dim3A_270 {strides = array<i32>} : memref<64x16xf32, #tpu.memory_space<vmem>>, vector<16xf32>,
    %broadcast_in_dim3A_275 = arith.constant 1.000000e+00 : f32
    %broadcast_in_dim3A_276 = vector.broadcast %broadcast_in_dim3A_275 : f32 to vector<16xf32>
    %swap3A_277 = arith.constant 23 : i32
    %swap3A_278 = arith.index_cast %swap3A_277 : i32 to index
    %swap3A_279 = arith.constant 0 : index
    %swap3A_280 = tpu.vector_load %arg5[%swap3A_278, %swap3A_279] {strides = array<i32>} : memref<64x16xf32, #tpu.memory_space<vmem>>, vector<16xf32>,
    tpu.vector_store %arg5[%swap3A_278, %swap3A_279], %broadcast_in_dim3A_276 {strides = array<i32>} : memref<64x16xf32, #tpu.memory_space<vmem>>, vector<16xf32>,
    %broadcast_in_dim3A_281 = arith.constant 0.000000e+00 : f32
    %broadcast_in_dim3A_282 = vector.broadcast %broadcast_in_dim3A_281 : f32 to vector<16xf32>
    %swap3A_283 = arith.constant 23 : i32
    %swap3A_284 = arith.index_cast %swap3A_283 : i32 to index
    %swap3A_285 = arith.constant 0 : index
    %swap3A_286 = tpu.vector_load %arg6[%swap3A_284, %swap3A_285] {strides = array<i32>} : memref<64x16xf32, #tpu.memory_space<vmem>>, vector<16xf32>,
    tpu.vector_store %arg6[%swap3A_284, %swap3A_285], %broadcast_in_dim3A_282 {strides = array<i32>} : memref<64x16xf32, #tpu.memory_space<vmem>>, vector<16xf32>,
    %broadcast_in_dim3A_287 = arith.constant 1.000000e+00 : f32
    %broadcast_in_dim3A_288 = vector.broadcast %broadcast_in_dim3A_287 : f32 to vector<16xf32>
    %swap3A_289 = arith.constant 24 : i32
    %swap3A_290 = arith.index_cast %swap3A_289 : i32 to index
    %swap3A_291 = arith.constant 0 : index
    %swap3A_292 = tpu.vector_load %arg5[%swap3A_290, %swap3A_291] {strides = array<i32>} : memref<64x16xf32, #tpu.memory_space<vmem>>, vector<16xf32>,
    tpu.vector_store %arg5[%swap3A_290, %swap3A_291], %broadcast_in_dim3A_288 {strides = array<i32>} : memref<64x16xf32, #tpu.memory_space<vmem>>, vector<16xf32>,
    %broadcast_in_dim3A_293 = arith.constant 0.000000e+00 : f32
    %broadcast_in_dim3A_294 = vector.broadcast %broadcast_in_dim3A_293 : f32 to vector<16xf32>
    %swap3A_295 = arith.constant 24 : i32
    %swap3A_296 = arith.index_cast %swap3A_295 : i32 to index
    %swap3A_297 = arith.constant 0 : index
    %swap3A_298 = tpu.vector_load %arg6[%swap3A_296, %swap3A_297] {strides = array<i32>} : memref<64x16xf32, #tpu.memory_space<vmem>>, vector<16xf32>,
    tpu.vector_store %arg6[%swap3A_296, %swap3A_297], %broadcast_in_dim3A_294 {strides = array<i32>} : memref<64x16xf32, #tpu.memory_space<vmem>>, vector<16xf32>,
    %broadcast_in_dim3A_299 = arith.constant 1.000000e+00 : f32
    %broadcast_in_dim3A_300 = vector.broadcast %broadcast_in_dim3A_299 : f32 to vector<16xf32>
    %swap3A_301 = arith.constant 25 : i32
    %swap3A_302 = arith.index_cast %swap3A_301 : i32 to index
    %swap3A_303 = arith.constant 0 : index
    %swap3A_304 = tpu.vector_load %arg5[%swap3A_302, %swap3A_303] {strides = array<i32>} : memref<64x16xf32, #tpu.memory_space<vmem>>, vector<16xf32>,
    tpu.vector_store %arg5[%swap3A_302, %swap3A_303], %broadcast_in_dim3A_300 {strides = array<i32>} : memref<64x16xf32, #tpu.memory_space<vmem>>, vector<16xf32>,
    %broadcast_in_dim3A_305 = arith.constant 0.000000e+00 : f32
    %broadcast_in_dim3A_306 = vector.broadcast %broadcast_in_dim3A_305 : f32 to vector<16xf32>
    %swap3A_307 = arith.constant 25 : i32
    %swap3A_308 = arith.index_cast %swap3A_307 : i32 to index
    %swap3A_309 = arith.constant 0 : index
    %swap3A_310 = tpu.vector_load %arg6[%swap3A_308, %swap3A_309] {strides = array<i32>} : memref<64x16xf32, #tpu.memory_space<vmem>>, vector<16xf32>,
    tpu.vector_store %arg6[%swap3A_308, %swap3A_309], %broadcast_in_dim3A_306 {strides = array<i32>} : memref<64x16xf32, #tpu.memory_space<vmem>>, vector<16xf32>,
    %broadcast_in_dim3A_311 = arith.constant 1.000000e+00 : f32
    %broadcast_in_dim3A_312 = vector.broadcast %broadcast_in_dim3A_311 : f32 to vector<16xf32>
    %swap3A_313 = arith.constant 26 : i32
    %swap3A_314 = arith.index_cast %swap3A_313 : i32 to index
    %swap3A_315 = arith.constant 0 : index
    %swap3A_316 = tpu.vector_load %arg5[%swap3A_314, %swap3A_315] {strides = array<i32>} : memref<64x16xf32, #tpu.memory_space<vmem>>, vector<16xf32>,
    tpu.vector_store %arg5[%swap3A_314, %swap3A_315], %broadcast_in_dim3A_312 {strides = array<i32>} : memref<64x16xf32, #tpu.memory_space<vmem>>, vector<16xf32>,
    %broadcast_in_dim3A_317 = arith.constant 0.000000e+00 : f32
    %broadcast_in_dim3A_318 = vector.broadcast %broadcast_in_dim3A_317 : f32 to vector<16xf32>
    %swap3A_319 = arith.constant 26 : i32
    %swap3A_320 = arith.index_cast %swap3A_319 : i32 to index
    %swap3A_321 = arith.constant 0 : index
    %swap3A_322 = tpu.vector_load %arg6[%swap3A_320, %swap3A_321] {strides = array<i32>} : memref<64x16xf32, #tpu.memory_space<vmem>>, vector<16xf32>,
    tpu.vector_store %arg6[%swap3A_320, %swap3A_321], %broadcast_in_dim3A_318 {strides = array<i32>} : memref<64x16xf32, #tpu.memory_space<vmem>>, vector<16xf32>,
    %broadcast_in_dim3A_323 = arith.constant 1.000000e+00 : f32
    %broadcast_in_dim3A_324 = vector.broadcast %broadcast_in_dim3A_323 : f32 to vector<16xf32>
    %swap3A_325 = arith.constant 27 : i32
    %swap3A_326 = arith.index_cast %swap3A_325 : i32 to index
    %swap3A_327 = arith.constant 0 : index
    %swap3A_328 = tpu.vector_load %arg5[%swap3A_326, %swap3A_327] {strides = array<i32>} : memref<64x16xf32, #tpu.memory_space<vmem>>, vector<16xf32>,
    tpu.vector_store %arg5[%swap3A_326, %swap3A_327], %broadcast_in_dim3A_324 {strides = array<i32>} : memref<64x16xf32, #tpu.memory_space<vmem>>, vector<16xf32>,
    %broadcast_in_dim3A_329 = arith.constant 0.000000e+00 : f32
    %broadcast_in_dim3A_330 = vector.broadcast %broadcast_in_dim3A_329 : f32 to vector<16xf32>
    %swap3A_331 = arith.constant 27 : i32
    %swap3A_332 = arith.index_cast %swap3A_331 : i32 to index
    %swap3A_333 = arith.constant 0 : index
    %swap3A_334 = tpu.vector_load %arg6[%swap3A_332, %swap3A_333] {strides = array<i32>} : memref<64x16xf32, #tpu.memory_space<vmem>>, vector<16xf32>,
    tpu.vector_store %arg6[%swap3A_332, %swap3A_333], %broadcast_in_dim3A_330 {strides = array<i32>} : memref<64x16xf32, #tpu.memory_space<vmem>>, vector<16xf32>,
    %broadcast_in_dim3A_335 = arith.constant 1.000000e+00 : f32
    %broadcast_in_dim3A_336 = vector.broadcast %broadcast_in_dim3A_335 : f32 to vector<16xf32>
    %swap3A_337 = arith.constant 28 : i32
    %swap3A_338 = arith.index_cast %swap3A_337 : i32 to index
    %swap3A_339 = arith.constant 0 : index
    %swap3A_340 = tpu.vector_load %arg5[%swap3A_338, %swap3A_339] {strides = array<i32>} : memref<64x16xf32, #tpu.memory_space<vmem>>, vector<16xf32>,
    tpu.vector_store %arg5[%swap3A_338, %swap3A_339], %broadcast_in_dim3A_336 {strides = array<i32>} : memref<64x16xf32, #tpu.memory_space<vmem>>, vector<16xf32>,
    %broadcast_in_dim3A_341 = arith.constant 0.000000e+00 : f32
    %broadcast_in_dim3A_342 = vector.broadcast %broadcast_in_dim3A_341 : f32 to vector<16xf32>
    %swap3A_343 = arith.constant 28 : i32
    %swap3A_344 = arith.index_cast %swap3A_343 : i32 to index
    %swap3A_345 = arith.constant 0 : index
    %swap3A_346 = tpu.vector_load %arg6[%swap3A_344, %swap3A_345] {strides = array<i32>} : memref<64x16xf32, #tpu.memory_space<vmem>>, vector<16xf32>,
    tpu.vector_store %arg6[%swap3A_344, %swap3A_345], %broadcast_in_dim3A_342 {strides = array<i32>} : memref<64x16xf32, #tpu.memory_space<vmem>>, vector<16xf32>,
    %broadcast_in_dim3A_347 = arith.constant 1.000000e+00 : f32
    %broadcast_in_dim3A_348 = vector.broadcast %broadcast_in_dim3A_347 : f32 to vector<16xf32>
    %swap3A_349 = arith.constant 29 : i32
    %swap3A_350 = arith.index_cast %swap3A_349 : i32 to index
    %swap3A_351 = arith.constant 0 : index
    %swap3A_352 = tpu.vector_load %arg5[%swap3A_350, %swap3A_351] {strides = array<i32>} : memref<64x16xf32, #tpu.memory_space<vmem>>, vector<16xf32>,
    tpu.vector_store %arg5[%swap3A_350, %swap3A_351], %broadcast_in_dim3A_348 {strides = array<i32>} : memref<64x16xf32, #tpu.memory_space<vmem>>, vector<16xf32>,
    %broadcast_in_dim3A_353 = arith.constant 0.000000e+00 : f32
    %broadcast_in_dim3A_354 = vector.broadcast %broadcast_in_dim3A_353 : f32 to vector<16xf32>
    %swap3A_355 = arith.constant 29 : i32
    %swap3A_356 = arith.index_cast %swap3A_355 : i32 to index
    %swap3A_357 = arith.constant 0 : index
    %swap3A_358 = tpu.vector_load %arg6[%swap3A_356, %swap3A_357] {strides = array<i32>} : memref<64x16xf32, #tpu.memory_space<vmem>>, vector<16xf32>,
    tpu.vector_store %arg6[%swap3A_356, %swap3A_357], %broadcast_in_dim3A_354 {strides = array<i32>} : memref<64x16xf32, #tpu.memory_space<vmem>>, vector<16xf32>,
    %broadcast_in_dim3A_359 = arith.constant 1.000000e+00 : f32
    %broadcast_in_dim3A_360 = vector.broadcast %broadcast_in_dim3A_359 : f32 to vector<16xf32>
    %swap3A_361 = arith.constant 30 : i32
    %swap3A_362 = arith.index_cast %swap3A_361 : i32 to index
    %swap3A_363 = arith.constant 0 : index
    %swap3A_364 = tpu.vector_load %arg5[%swap3A_362, %swap3A_363] {strides = array<i32>} : memref<64x16xf32, #tpu.memory_space<vmem>>, vector<16xf32>,
    tpu.vector_store %arg5[%swap3A_362, %swap3A_363], %broadcast_in_dim3A_360 {strides = array<i32>} : memref<64x16xf32, #tpu.memory_space<vmem>>, vector<16xf32>,
    %broadcast_in_dim3A_365 = arith.constant 0.000000e+00 : f32
    %broadcast_in_dim3A_366 = vector.broadcast %broadcast_in_dim3A_365 : f32 to vector<16xf32>
    %swap3A_367 = arith.constant 30 : i32
    %swap3A_368 = arith.index_cast %swap3A_367 : i32 to index
    %swap3A_369 = arith.constant 0 : index
    %swap3A_370 = tpu.vector_load %arg6[%swap3A_368, %swap3A_369] {strides = array<i32>} : memref<64x16xf32, #tpu.memory_space<vmem>>, vector<16xf32>,
    tpu.vector_store %arg6[%swap3A_368, %swap3A_369], %broadcast_in_dim3A_366 {strides = array<i32>} : memref<64x16xf32, #tpu.memory_space<vmem>>, vector<16xf32>,
    %broadcast_in_dim3A_371 = arith.constant 1.000000e+00 : f32
    %broadcast_in_dim3A_372 = vector.broadcast %broadcast_in_dim3A_371 : f32 to vector<16xf32>
    %swap3A_373 = arith.constant 31 : i32
    %swap3A_374 = arith.index_cast %swap3A_373 : i32 to index
    %swap3A_375 = arith.constant 0 : index
    %swap3A_376 = tpu.vector_load %arg5[%swap3A_374, %swap3A_375] {strides = array<i32>} : memref<64x16xf32, #tpu.memory_space<vmem>>, vector<16xf32>,
    tpu.vector_store %arg5[%swap3A_374, %swap3A_375], %broadcast_in_dim3A_372 {strides = array<i32>} : memref<64x16xf32, #tpu.memory_space<vmem>>, vector<16xf32>,
    %broadcast_in_dim3A_377 = arith.constant 0.000000e+00 : f32
    %broadcast_in_dim3A_378 = vector.broadcast %broadcast_in_dim3A_377 : f32 to vector<16xf32>
    %swap3A_379 = arith.constant 31 : i32
    %swap3A_380 = arith.index_cast %swap3A_379 : i32 to index
    %swap3A_381 = arith.constant 0 : index
    %swap3A_382 = tpu.vector_load %arg6[%swap3A_380, %swap3A_381] {strides = array<i32>} : memref<64x16xf32, #tpu.memory_space<vmem>>, vector<16xf32>,
    tpu.vector_store %arg6[%swap3A_380, %swap3A_381], %broadcast_in_dim3A_378 {strides = array<i32>} : memref<64x16xf32, #tpu.memory_space<vmem>>, vector<16xf32>,
    %broadcast_in_dim3A_383 = arith.constant 1.000000e+00 : f32
    %broadcast_in_dim3A_384 = vector.broadcast %broadcast_in_dim3A_383 : f32 to vector<16xf32>
    %swap3A_385 = arith.constant 32 : i32
    %swap3A_386 = arith.index_cast %swap3A_385 : i32 to index
    %swap3A_387 = arith.constant 0 : index
    %swap3A_388 = tpu.vector_load %arg5[%swap3A_386, %swap3A_387] {strides = array<i32>} : memref<64x16xf32, #tpu.memory_space<vmem>>, vector<16xf32>,
    tpu.vector_store %arg5[%swap3A_386, %swap3A_387], %broadcast_in_dim3A_384 {strides = array<i32>} : memref<64x16xf32, #tpu.memory_space<vmem>>, vector<16xf32>,
    %broadcast_in_dim3A_389 = arith.constant 0.000000e+00 : f32
    %broadcast_in_dim3A_390 = vector.broadcast %broadcast_in_dim3A_389 : f32 to vector<16xf32>
    %swap3A_391 = arith.constant 32 : i32
    %swap3A_392 = arith.index_cast %swap3A_391 : i32 to index
    %swap3A_393 = arith.constant 0 : index
    %swap3A_394 = tpu.vector_load %arg6[%swap3A_392, %swap3A_393] {strides = array<i32>} : memref<64x16xf32, #tpu.memory_space<vmem>>, vector<16xf32>,
    tpu.vector_store %arg6[%swap3A_392, %swap3A_393], %broadcast_in_dim3A_390 {strides = array<i32>} : memref<64x16xf32, #tpu.memory_space<vmem>>, vector<16xf32>,
    %broadcast_in_dim3A_395 = arith.constant 1.000000e+00 : f32
    %broadcast_in_dim3A_396 = vector.broadcast %broadcast_in_dim3A_395 : f32 to vector<16xf32>
    %swap3A_397 = arith.constant 33 : i32
    %swap3A_398 = arith.index_cast %swap3A_397 : i32 to index
    %swap3A_399 = arith.constant 0 : index
    %swap3A_400 = tpu.vector_load %arg5[%swap3A_398, %swap3A_399] {strides = array<i32>} : memref<64x16xf32, #tpu.memory_space<vmem>>, vector<16xf32>,
    tpu.vector_store %arg5[%swap3A_398, %swap3A_399], %broadcast_in_dim3A_396 {strides = array<i32>} : memref<64x16xf32, #tpu.memory_space<vmem>>, vector<16xf32>,
    %broadcast_in_dim3A_401 = arith.constant 0.000000e+00 : f32
    %broadcast_in_dim3A_402 = vector.broadcast %broadcast_in_dim3A_401 : f32 to vector<16xf32>
    %swap3A_403 = arith.constant 33 : i32
    %swap3A_404 = arith.index_cast %swap3A_403 : i32 to index
    %swap3A_405 = arith.constant 0 : index
    %swap3A_406 = tpu.vector_load %arg6[%swap3A_404, %swap3A_405] {strides = array<i32>} : memref<64x16xf32, #tpu.memory_space<vmem>>, vector<16xf32>,
    tpu.vector_store %arg6[%swap3A_404, %swap3A_405], %broadcast_in_dim3A_402 {strides = array<i32>} : memref<64x16xf32, #tpu.memory_space<vmem>>, vector<16xf32>,
    %broadcast_in_dim3A_407 = arith.constant 1.000000e+00 : f32
    %broadcast_in_dim3A_408 = vector.broadcast %broadcast_in_dim3A_407 : f32 to vector<16xf32>
    %swap3A_409 = arith.constant 34 : i32
    %swap3A_410 = arith.index_cast %swap3A_409 : i32 to index
    %swap3A_411 = arith.constant 0 : index
    %swap3A_412 = tpu.vector_load %arg5[%swap3A_410, %swap3A_411] {strides = array<i32>} : memref<64x16xf32, #tpu.memory_space<vmem>>, vector<16xf32>,
    tpu.vector_store %arg5[%swap3A_410, %swap3A_411], %broadcast_in_dim3A_408 {strides = array<i32>} : memref<64x16xf32, #tpu.memory_space<vmem>>, vector<16xf32>,
    %broadcast_in_dim3A_413 = arith.constant 0.000000e+00 : f32
    %broadcast_in_dim3A_414 = vector.broadcast %broadcast_in_dim3A_413 : f32 to vector<16xf32>
    %swap3A_415 = arith.constant 34 : i32
    %swap3A_416 = arith.index_cast %swap3A_415 : i32 to index
    %swap3A_417 = arith.constant 0 : index
    %swap3A_418 = tpu.vector_load %arg6[%swap3A_416, %swap3A_417] {strides = array<i32>} : memref<64x16xf32, #tpu.memory_space<vmem>>, vector<16xf32>,
    tpu.vector_store %arg6[%swap3A_416, %swap3A_417], %broadcast_in_dim3A_414 {strides = array<i32>} : memref<64x16xf32, #tpu.memory_space<vmem>>, vector<16xf32>,
    %broadcast_in_dim3A_419 = arith.constant 1.000000e+00 : f32
    %broadcast_in_dim3A_420 = vector.broadcast %broadcast_in_dim3A_419 : f32 to vector<16xf32>
    %swap3A_421 = arith.constant 35 : i32
    %swap3A_422 = arith.index_cast %swap3A_421 : i32 to index
    %swap3A_423 = arith.constant 0 : index
    %swap3A_424 = tpu.vector_load %arg5[%swap3A_422, %swap3A_423] {strides = array<i32>} : memref<64x16xf32, #tpu.memory_space<vmem>>, vector<16xf32>,
    tpu.vector_store %arg5[%swap3A_422, %swap3A_423], %broadcast_in_dim3A_420 {strides = array<i32>} : memref<64x16xf32, #tpu.memory_space<vmem>>, vector<16xf32>,
    %broadcast_in_dim3A_425 = arith.constant 0.000000e+00 : f32
    %broadcast_in_dim3A_426 = vector.broadcast %broadcast_in_dim3A_425 : f32 to vector<16xf32>
    %swap3A_427 = arith.constant 35 : i32
    %swap3A_428 = arith.index_cast %swap3A_427 : i32 to index
    %swap3A_429 = arith.constant 0 : index
    %swap3A_430 = tpu.vector_load %arg6[%swap3A_428, %swap3A_429] {strides = array<i32>} : memref<64x16xf32, #tpu.memory_space<vmem>>, vector<16xf32>,
    tpu.vector_store %arg6[%swap3A_428, %swap3A_429], %broadcast_in_dim3A_426 {strides = array<i32>} : memref<64x16xf32, #tpu.memory_space<vmem>>, vector<16xf32>,
    %broadcast_in_dim3A_431 = arith.constant 1.000000e+00 : f32
    %broadcast_in_dim3A_432 = vector.broadcast %broadcast_in_dim3A_431 : f32 to vector<16xf32>
    %swap3A_433 = arith.constant 36 : i32
    %swap3A_434 = arith.index_cast %swap3A_433 : i32 to index
    %swap3A_435 = arith.constant 0 : index
    %swap3A_436 = tpu.vector_load %arg5[%swap3A_434, %swap3A_435] {strides = array<i32>} : memref<64x16xf32, #tpu.memory_space<vmem>>, vector<16xf32>,
    tpu.vector_store %arg5[%swap3A_434, %swap3A_435], %broadcast_in_dim3A_432 {strides = array<i32>} : memref<64x16xf32, #tpu.memory_space<vmem>>, vector<16xf32>,
    %broadcast_in_dim3A_437 = arith.constant 0.000000e+00 : f32
    %broadcast_in_dim3A_438 = vector.broadcast %broadcast_in_dim3A_437 : f32 to vector<16xf32>
    %swap3A_439 = arith.constant 36 : i32
    %swap3A_440 = arith.index_cast %swap3A_439 : i32 to index
    %swap3A_441 = arith.constant 0 : index
    %swap3A_442 = tpu.vector_load %arg6[%swap3A_440, %swap3A_441] {strides = array<i32>} : memref<64x16xf32, #tpu.memory_space<vmem>>, vector<16xf32>,
    tpu.vector_store %arg6[%swap3A_440, %swap3A_441], %broadcast_in_dim3A_438 {strides = array<i32>} : memref<64x16xf32, #tpu.memory_space<vmem>>, vector<16xf32>,
    %broadcast_in_dim3A_443 = arith.constant 1.000000e+00 : f32
    %broadcast_in_dim3A_444 = vector.broadcast %broadcast_in_dim3A_443 : f32 to vector<16xf32>
    %swap3A_445 = arith.constant 37 : i32
    %swap3A_446 = arith.index_cast %swap3A_445 : i32 to index
    %swap3A_447 = arith.constant 0 : index
    %swap3A_448 = tpu.vector_load %arg5[%swap3A_446, %swap3A_447] {strides = array<i32>} : memref<64x16xf32, #tpu.memory_space<vmem>>, vector<16xf32>,
    tpu.vector_store %arg5[%swap3A_446, %swap3A_447], %broadcast_in_dim3A_444 {strides = array<i32>} : memref<64x16xf32, #tpu.memory_space<vmem>>, vector<16xf32>,
    %broadcast_in_dim3A_449 = arith.constant 0.000000e+00 : f32
    %broadcast_in_dim3A_450 = vector.broadcast %broadcast_in_dim3A_449 : f32 to vector<16xf32>
    %swap3A_451 = arith.constant 37 : i32
    %swap3A_452 = arith.index_cast %swap3A_451 : i32 to index
    %swap3A_453 = arith.constant 0 : index
    %swap3A_454 = tpu.vector_load %arg6[%swap3A_452, %swap3A_453] {strides = array<i32>} : memref<64x16xf32, #tpu.memory_space<vmem>>, vector<16xf32>,
    tpu.vector_store %arg6[%swap3A_452, %swap3A_453], %broadcast_in_dim3A_450 {strides = array<i32>} : memref<64x16xf32, #tpu.memory_space<vmem>>, vector<16xf32>,
    %broadcast_in_dim3A_455 = arith.constant 1.000000e+00 : f32
    %broadcast_in_dim3A_456 = vector.broadcast %broadcast_in_dim3A_455 : f32 to vector<16xf32>
    %swap3A_457 = arith.constant 38 : i32
    %swap3A_458 = arith.index_cast %swap3A_457 : i32 to index
    %swap3A_459 = arith.constant 0 : index
    %swap3A_460 = tpu.vector_load %arg5[%swap3A_458, %swap3A_459] {strides = array<i32>} : memref<64x16xf32, #tpu.memory_space<vmem>>, vector<16xf32>,
    tpu.vector_store %arg5[%swap3A_458, %swap3A_459], %broadcast_in_dim3A_456 {strides = array<i32>} : memref<64x16xf32, #tpu.memory_space<vmem>>, vector<16xf32>,
    %broadcast_in_dim3A_461 = arith.constant 0.000000e+00 : f32
    %broadcast_in_dim3A_462 = vector.broadcast %broadcast_in_dim3A_461 : f32 to vector<16xf32>
    %swap3A_463 = arith.constant 38 : i32
    %swap3A_464 = arith.index_cast %swap3A_463 : i32 to index
    %swap3A_465 = arith.constant 0 : index
    %swap3A_466 = tpu.vector_load %arg6[%swap3A_464, %swap3A_465] {strides = array<i32>} : memref<64x16xf32, #tpu.memory_space<vmem>>, vector<16xf32>,
    tpu.vector_store %arg6[%swap3A_464, %swap3A_465], %broadcast_in_dim3A_462 {strides = array<i32>} : memref<64x16xf32, #tpu.memory_space<vmem>>, vector<16xf32>,
    %broadcast_in_dim3A_467 = arith.constant 1.000000e+00 : f32
    %broadcast_in_dim3A_468 = vector.broadcast %broadcast_in_dim3A_467 : f32 to vector<16xf32>
    %swap3A_469 = arith.constant 39 : i32
    %swap3A_470 = arith.index_cast %swap3A_469 : i32 to index
    %swap3A_471 = arith.constant 0 : index
    %swap3A_472 = tpu.vector_load %arg5[%swap3A_470, %swap3A_471] {strides = array<i32>} : memref<64x16xf32, #tpu.memory_space<vmem>>, vector<16xf32>,
    tpu.vector_store %arg5[%swap3A_470, %swap3A_471], %broadcast_in_dim3A_468 {strides = array<i32>} : memref<64x16xf32, #tpu.memory_space<vmem>>, vector<16xf32>,
    %broadcast_in_dim3A_473 = arith.constant 0.000000e+00 : f32
    %broadcast_in_dim3A_474 = vector.broadcast %broadcast_in_dim3A_473 : f32 to vector<16xf32>
    %swap3A_475 = arith.constant 39 : i32
    %swap3A_476 = arith.index_cast %swap3A_475 : i32 to index
    %swap3A_477 = arith.constant 0 : index
    %swap3A_478 = tpu.vector_load %arg6[%swap3A_476, %swap3A_477] {strides = array<i32>} : memref<64x16xf32, #tpu.memory_space<vmem>>, vector<16xf32>,
    tpu.vector_store %arg6[%swap3A_476, %swap3A_477], %broadcast_in_dim3A_474 {strides = array<i32>} : memref<64x16xf32, #tpu.memory_space<vmem>>, vector<16xf32>,
    %broadcast_in_dim3A_479 = arith.constant 1.000000e+00 : f32
    %broadcast_in_dim3A_480 = vector.broadcast %broadcast_in_dim3A_479 : f32 to vector<16xf32>
    %swap3A_481 = arith.constant 40 : i32
    %swap3A_482 = arith.index_cast %swap3A_481 : i32 to index
    %swap3A_483 = arith.constant 0 : index
    %swap3A_484 = tpu.vector_load %arg5[%swap3A_482, %swap3A_483] {strides = array<i32>} : memref<64x16xf32, #tpu.memory_space<vmem>>, vector<16xf32>,
    tpu.vector_store %arg5[%swap3A_482, %swap3A_483], %broadcast_in_dim3A_480 {strides = array<i32>} : memref<64x16xf32, #tpu.memory_space<vmem>>, vector<16xf32>,
    %broadcast_in_dim3A_485 = arith.constant 0.000000e+00 : f32
    %broadcast_in_dim3A_486 = vector.broadcast %broadcast_in_dim3A_485 : f32 to vector<16xf32>
    %swap3A_487 = arith.constant 40 : i32
    %swap3A_488 = arith.index_cast %swap3A_487 : i32 to index
    %swap3A_489 = arith.constant 0 : index
    %swap3A_490 = tpu.vector_load %arg6[%swap3A_488, %swap3A_489] {strides = array<i32>} : memref<64x16xf32, #tpu.memory_space<vmem>>, vector<16xf32>,
    tpu.vector_store %arg6[%swap3A_488, %swap3A_489], %broadcast_in_dim3A_486 {strides = array<i32>} : memref<64x16xf32, #tpu.memory_space<vmem>>, vector<16xf32>,
    %broadcast_in_dim3A_491 = arith.constant 1.000000e+00 : f32
    %broadcast_in_dim3A_492 = vector.broadcast %broadcast_in_dim3A_491 : f32 to vector<16xf32>
    %swap3A_493 = arith.constant 41 : i32
    %swap3A_494 = arith.index_cast %swap3A_493 : i32 to index
    %swap3A_495 = arith.constant 0 : index
    %swap3A_496 = tpu.vector_load %arg5[%swap3A_494, %swap3A_495] {strides = array<i32>} : memref<64x16xf32, #tpu.memory_space<vmem>>, vector<16xf32>,
    tpu.vector_store %arg5[%swap3A_494, %swap3A_495], %broadcast_in_dim3A_492 {strides = array<i32>} : memref<64x16xf32, #tpu.memory_space<vmem>>, vector<16xf32>,
    %broadcast_in_dim3A_497 = arith.constant 0.000000e+00 : f32
    %broadcast_in_dim3A_498 = vector.broadcast %broadcast_in_dim3A_497 : f32 to vector<16xf32>
    %swap3A_499 = arith.constant 41 : i32
    %swap3A_500 = arith.index_cast %swap3A_499 : i32 to index
    %swap3A_501 = arith.constant 0 : index
    %swap3A_502 = tpu.vector_load %arg6[%swap3A_500, %swap3A_501] {strides = array<i32>} : memref<64x16xf32, #tpu.memory_space<vmem>>, vector<16xf32>,
    tpu.vector_store %arg6[%swap3A_500, %swap3A_501], %broadcast_in_dim3A_498 {strides = array<i32>} : memref<64x16xf32, #tpu.memory_space<vmem>>, vector<16xf32>,
    %broadcast_in_dim3A_503 = arith.constant 1.000000e+00 : f32
    %broadcast_in_dim3A_504 = vector.broadcast %broadcast_in_dim3A_503 : f32 to vector<16xf32>
    %swap3A_505 = arith.constant 42 : i32
    %swap3A_506 = arith.index_cast %swap3A_505 : i32 to index
    %swap3A_507 = arith.constant 0 : index
    %swap3A_508 = tpu.vector_load %arg5[%swap3A_506, %swap3A_507] {strides = array<i32>} : memref<64x16xf32, #tpu.memory_space<vmem>>, vector<16xf32>,
    tpu.vector_store %arg5[%swap3A_506, %swap3A_507], %broadcast_in_dim3A_504 {strides = array<i32>} : memref<64x16xf32, #tpu.memory_space<vmem>>, vector<16xf32>,
    %broadcast_in_dim3A_509 = arith.constant 0.000000e+00 : f32
    %broadcast_in_dim3A_510 = vector.broadcast %broadcast_in_dim3A_509 : f32 to vector<16xf32>
    %swap3A_511 = arith.constant 42 : i32
    %swap3A_512 = arith.index_cast %swap3A_511 : i32 to index
    %swap3A_513 = arith.constant 0 : index
    %swap3A_514 = tpu.vector_load %arg6[%swap3A_512, %swap3A_513] {strides = array<i32>} : memref<64x16xf32, #tpu.memory_space<vmem>>, vector<16xf32>,
    tpu.vector_store %arg6[%swap3A_512, %swap3A_513], %broadcast_in_dim3A_510 {strides = array<i32>} : memref<64x16xf32, #tpu.memory_space<vmem>>, vector<16xf32>,
    %broadcast_in_dim3A_515 = arith.constant 1.000000e+00 : f32
    %broadcast_in_dim3A_516 = vector.broadcast %broadcast_in_dim3A_515 : f32 to vector<16xf32>
    %swap3A_517 = arith.constant 43 : i32
    %swap3A_518 = arith.index_cast %swap3A_517 : i32 to index
    %swap3A_519 = arith.constant 0 : index
    %swap3A_520 = tpu.vector_load %arg5[%swap3A_518, %swap3A_519] {strides = array<i32>} : memref<64x16xf32, #tpu.memory_space<vmem>>, vector<16xf32>,
    tpu.vector_store %arg5[%swap3A_518, %swap3A_519], %broadcast_in_dim3A_516 {strides = array<i32>} : memref<64x16xf32, #tpu.memory_space<vmem>>, vector<16xf32>,
    %broadcast_in_dim3A_521 = arith.constant 0.000000e+00 : f32
    %broadcast_in_dim3A_522 = vector.broadcast %broadcast_in_dim3A_521 : f32 to vector<16xf32>
    %swap3A_523 = arith.constant 43 : i32
    %swap3A_524 = arith.index_cast %swap3A_523 : i32 to index
    %swap3A_525 = arith.constant 0 : index
    %swap3A_526 = tpu.vector_load %arg6[%swap3A_524, %swap3A_525] {strides = array<i32>} : memref<64x16xf32, #tpu.memory_space<vmem>>, vector<16xf32>,
    tpu.vector_store %arg6[%swap3A_524, %swap3A_525], %broadcast_in_dim3A_522 {strides = array<i32>} : memref<64x16xf32, #tpu.memory_space<vmem>>, vector<16xf32>,
    %broadcast_in_dim3A_527 = arith.constant 1.000000e+00 : f32
    %broadcast_in_dim3A_528 = vector.broadcast %broadcast_in_dim3A_527 : f32 to vector<16xf32>
    %swap3A_529 = arith.constant 44 : i32
    %swap3A_530 = arith.index_cast %swap3A_529 : i32 to index
    %swap3A_531 = arith.constant 0 : index
    %swap3A_532 = tpu.vector_load %arg5[%swap3A_530, %swap3A_531] {strides = array<i32>} : memref<64x16xf32, #tpu.memory_space<vmem>>, vector<16xf32>,
    tpu.vector_store %arg5[%swap3A_530, %swap3A_531], %broadcast_in_dim3A_528 {strides = array<i32>} : memref<64x16xf32, #tpu.memory_space<vmem>>, vector<16xf32>,
    %broadcast_in_dim3A_533 = arith.constant 0.000000e+00 : f32
    %broadcast_in_dim3A_534 = vector.broadcast %broadcast_in_dim3A_533 : f32 to vector<16xf32>
    %swap3A_535 = arith.constant 44 : i32
    %swap3A_536 = arith.index_cast %swap3A_535 : i32 to index
    %swap3A_537 = arith.constant 0 : index
    %swap3A_538 = tpu.vector_load %arg6[%swap3A_536, %swap3A_537] {strides = array<i32>} : memref<64x16xf32, #tpu.memory_space<vmem>>, vector<16xf32>,
    tpu.vector_store %arg6[%swap3A_536, %swap3A_537], %broadcast_in_dim3A_534 {strides = array<i32>} : memref<64x16xf32, #tpu.memory_space<vmem>>, vector<16xf32>,
    %broadcast_in_dim3A_539 = arith.constant 1.000000e+00 : f32
    %broadcast_in_dim3A_540 = vector.broadcast %broadcast_in_dim3A_539 : f32 to vector<16xf32>
    %swap3A_541 = arith.constant 45 : i32
    %swap3A_542 = arith.index_cast %swap3A_541 : i32 to index
    %swap3A_543 = arith.constant 0 : index
    %swap3A_544 = tpu.vector_load %arg5[%swap3A_542, %swap3A_543] {strides = array<i32>} : memref<64x16xf32, #tpu.memory_space<vmem>>, vector<16xf32>,
    tpu.vector_store %arg5[%swap3A_542, %swap3A_543], %broadcast_in_dim3A_540 {strides = array<i32>} : memref<64x16xf32, #tpu.memory_space<vmem>>, vector<16xf32>,
    %broadcast_in_dim3A_545 = arith.constant 0.000000e+00 : f32
    %broadcast_in_dim3A_546 = vector.broadcast %broadcast_in_dim3A_545 : f32 to vector<16xf32>
    %swap3A_547 = arith.constant 45 : i32
    %swap3A_548 = arith.index_cast %swap3A_547 : i32 to index
    %swap3A_549 = arith.constant 0 : index
    %swap3A_550 = tpu.vector_load %arg6[%swap3A_548, %swap3A_549] {strides = array<i32>} : memref<64x16xf32, #tpu.memory_space<vmem>>, vector<16xf32>,
    tpu.vector_store %arg6[%swap3A_548, %swap3A_549], %broadcast_in_dim3A_546 {strides = array<i32>} : memref<64x16xf32, #tpu.memory_space<vmem>>, vector<16xf32>,
    %broadcast_in_dim3A_551 = arith.constant 1.000000e+00 : f32
    %broadcast_in_dim3A_552 = vector.broadcast %broadcast_in_dim3A_551 : f32 to vector<16xf32>
    %swap3A_553 = arith.constant 46 : i32
    %swap3A_554 = arith.index_cast %swap3A_553 : i32 to index
    %swap3A_555 = arith.constant 0 : index
    %swap3A_556 = tpu.vector_load %arg5[%swap3A_554, %swap3A_555] {strides = array<i32>} : memref<64x16xf32, #tpu.memory_space<vmem>>, vector<16xf32>,
    tpu.vector_store %arg5[%swap3A_554, %swap3A_555], %broadcast_in_dim3A_552 {strides = array<i32>} : memref<64x16xf32, #tpu.memory_space<vmem>>, vector<16xf32>,
    %broadcast_in_dim3A_557 = arith.constant 0.000000e+00 : f32
    %broadcast_in_dim3A_558 = vector.broadcast %broadcast_in_dim3A_557 : f32 to vector<16xf32>
    %swap3A_559 = arith.constant 46 : i32
    %swap3A_560 = arith.index_cast %swap3A_559 : i32 to index
    %swap3A_561 = arith.constant 0 : index
    %swap3A_562 = tpu.vector_load %arg6[%swap3A_560, %swap3A_561] {strides = array<i32>} : memref<64x16xf32, #tpu.memory_space<vmem>>, vector<16xf32>,
    tpu.vector_store %arg6[%swap3A_560, %swap3A_561], %broadcast_in_dim3A_558 {strides = array<i32>} : memref<64x16xf32, #tpu.memory_space<vmem>>, vector<16xf32>,
    %broadcast_in_dim3A_563 = arith.constant 1.000000e+00 : f32
    %broadcast_in_dim3A_564 = vector.broadcast %broadcast_in_dim3A_563 : f32 to vector<16xf32>
    %swap3A_565 = arith.constant 47 : i32
    %swap3A_566 = arith.index_cast %swap3A_565 : i32 to index
    %swap3A_567 = arith.constant 0 : index
    %swap3A_568 = tpu.vector_load %arg5[%swap3A_566, %swap3A_567] {strides = array<i32>} : memref<64x16xf32, #tpu.memory_space<vmem>>, vector<16xf32>,
    tpu.vector_store %arg5[%swap3A_566, %swap3A_567], %broadcast_in_dim3A_564 {strides = array<i32>} : memref<64x16xf32, #tpu.memory_space<vmem>>, vector<16xf32>,
    %broadcast_in_dim3A_569 = arith.constant 0.000000e+00 : f32
    %broadcast_in_dim3A_570 = vector.broadcast %broadcast_in_dim3A_569 : f32 to vector<16xf32>
    %swap3A_571 = arith.constant 47 : i32
    %swap3A_572 = arith.index_cast %swap3A_571 : i32 to index
    %swap3A_573 = arith.constant 0 : index
    %swap3A_574 = tpu.vector_load %arg6[%swap3A_572, %swap3A_573] {strides = array<i32>} : memref<64x16xf32, #tpu.memory_space<vmem>>, vector<16xf32>,
    tpu.vector_store %arg6[%swap3A_572, %swap3A_573], %broadcast_in_dim3A_570 {strides = array<i32>} : memref<64x16xf32, #tpu.memory_space<vmem>>, vector<16xf32>,
    %broadcast_in_dim3A_575 = arith.constant 1.000000e+00 : f32
    %broadcast_in_dim3A_576 = vector.broadcast %broadcast_in_dim3A_575 : f32 to vector<16xf32>
    %swap3A_577 = arith.constant 48 : i32
    %swap3A_578 = arith.index_cast %swap3A_577 : i32 to index
    %swap3A_579 = arith.constant 0 : index
    %swap3A_580 = tpu.vector_load %arg5[%swap3A_578, %swap3A_579] {strides = array<i32>} : memref<64x16xf32, #tpu.memory_space<vmem>>, vector<16xf32>,
    tpu.vector_store %arg5[%swap3A_578, %swap3A_579], %broadcast_in_dim3A_576 {strides = array<i32>} : memref<64x16xf32, #tpu.memory_space<vmem>>, vector<16xf32>,
    %broadcast_in_dim3A_581 = arith.constant 0.000000e+00 : f32
    %broadcast_in_dim3A_582 = vector.broadcast %broadcast_in_dim3A_581 : f32 to vector<16xf32>
    %swap3A_583 = arith.constant 48 : i32
    %swap3A_584 = arith.index_cast %swap3A_583 : i32 to index
    %swap3A_585 = arith.constant 0 : index
    %swap3A_586 = tpu.vector_load %arg6[%swap3A_584, %swap3A_585] {strides = array<i32>} : memref<64x16xf32, #tpu.memory_space<vmem>>, vector<16xf32>,
    tpu.vector_store %arg6[%swap3A_584, %swap3A_585], %broadcast_in_dim3A_582 {strides = array<i32>} : memref<64x16xf32, #tpu.memory_space<vmem>>, vector<16xf32>,
    %broadcast_in_dim3A_587 = arith.constant 1.000000e+00 : f32
    %broadcast_in_dim3A_588 = vector.broadcast %broadcast_in_dim3A_587 : f32 to vector<16xf32>
    %swap3A_589 = arith.constant 49 : i32
    %swap3A_590 = arith.index_cast %swap3A_589 : i32 to index
    %swap3A_591 = arith.constant 0 : index
    %swap3A_592 = tpu.vector_load %arg5[%swap3A_590, %swap3A_591] {strides = array<i32>} : memref<64x16xf32, #tpu.memory_space<vmem>>, vector<16xf32>,
    tpu.vector_store %arg5[%swap3A_590, %swap3A_591], %broadcast_in_dim3A_588 {strides = array<i32>} : memref<64x16xf32, #tpu.memory_space<vmem>>, vector<16xf32>,
    %broadcast_in_dim3A_593 = arith.constant 0.000000e+00 : f32
    %broadcast_in_dim3A_594 = vector.broadcast %broadcast_in_dim3A_593 : f32 to vector<16xf32>
    %swap3A_595 = arith.constant 49 : i32
    %swap3A_596 = arith.index_cast %swap3A_595 : i32 to index
    %swap3A_597 = arith.constant 0 : index
    %swap3A_598 = tpu.vector_load %arg6[%swap3A_596, %swap3A_597] {strides = array<i32>} : memref<64x16xf32, #tpu.memory_space<vmem>>, vector<16xf32>,
    tpu.vector_store %arg6[%swap3A_596, %swap3A_597], %broadcast_in_dim3A_594 {strides = array<i32>} : memref<64x16xf32, #tpu.memory_space<vmem>>, vector<16xf32>,
    %broadcast_in_dim3A_599 = arith.constant 1.000000e+00 : f32
    %broadcast_in_dim3A_600 = vector.broadcast %broadcast_in_dim3A_599 : f32 to vector<16xf32>
    %swap3A_601 = arith.constant 50 : i32
    %swap3A_602 = arith.index_cast %swap3A_601 : i32 to index
    %swap3A_603 = arith.constant 0 : index
    %swap3A_604 = tpu.vector_load %arg5[%swap3A_602, %swap3A_603] {strides = array<i32>} : memref<64x16xf32, #tpu.memory_space<vmem>>, vector<16xf32>,
    tpu.vector_store %arg5[%swap3A_602, %swap3A_603], %broadcast_in_dim3A_600 {strides = array<i32>} : memref<64x16xf32, #tpu.memory_space<vmem>>, vector<16xf32>,
    %broadcast_in_dim3A_605 = arith.constant 0.000000e+00 : f32
    %broadcast_in_dim3A_606 = vector.broadcast %broadcast_in_dim3A_605 : f32 to vector<16xf32>
    %swap3A_607 = arith.constant 50 : i32
    %swap3A_608 = arith.index_cast %swap3A_607 : i32 to index
    %swap3A_609 = arith.constant 0 : index
    %swap3A_610 = tpu.vector_load %arg6[%swap3A_608, %swap3A_609] {strides = array<i32>} : memref<64x16xf32, #tpu.memory_space<vmem>>, vector<16xf32>,
    tpu.vector_store %arg6[%swap3A_608, %swap3A_609], %broadcast_in_dim3A_606 {strides = array<i32>} : memref<64x16xf32, #tpu.memory_space<vmem>>, vector<16xf32>,
    %broadcast_in_dim3A_611 = arith.constant 1.000000e+00 : f32
    %broadcast_in_dim3A_612 = vector.broadcast %broadcast_in_dim3A_611 : f32 to vector<16xf32>
    %swap3A_613 = arith.constant 51 : i32
    %swap3A_614 = arith.index_cast %swap3A_613 : i32 to index
    %swap3A_615 = arith.constant 0 : index
    %swap3A_616 = tpu.vector_load %arg5[%swap3A_614, %swap3A_615] {strides = array<i32>} : memref<64x16xf32, #tpu.memory_space<vmem>>, vector<16xf32>,
    tpu.vector_store %arg5[%swap3A_614, %swap3A_615], %broadcast_in_dim3A_612 {strides = array<i32>} : memref<64x16xf32, #tpu.memory_space<vmem>>, vector<16xf32>,
    %broadcast_in_dim3A_617 = arith.constant 0.000000e+00 : f32
    %broadcast_in_dim3A_618 = vector.broadcast %broadcast_in_dim3A_617 : f32 to vector<16xf32>
    %swap3A_619 = arith.constant 51 : i32
    %swap3A_620 = arith.index_cast %swap3A_619 : i32 to index
    %swap3A_621 = arith.constant 0 : index
    %swap3A_622 = tpu.vector_load %arg6[%swap3A_620, %swap3A_621] {strides = array<i32>} : memref<64x16xf32, #tpu.memory_space<vmem>>, vector<16xf32>,
    tpu.vector_store %arg6[%swap3A_620, %swap3A_621], %broadcast_in_dim3A_618 {strides = array<i32>} : memref<64x16xf32, #tpu.memory_space<vmem>>, vector<16xf32>,
    %broadcast_in_dim3A_623 = arith.constant 1.000000e+00 : f32
    %broadcast_in_dim3A_624 = vector.broadcast %broadcast_in_dim3A_623 : f32 to vector<16xf32>
    %swap3A_625 = arith.constant 52 : i32
    %swap3A_626 = arith.index_cast %swap3A_625 : i32 to index
    %swap3A_627 = arith.constant 0 : index
    %swap3A_628 = tpu.vector_load %arg5[%swap3A_626, %swap3A_627] {strides = array<i32>} : memref<64x16xf32, #tpu.memory_space<vmem>>, vector<16xf32>,
    tpu.vector_store %arg5[%swap3A_626, %swap3A_627], %broadcast_in_dim3A_624 {strides = array<i32>} : memref<64x16xf32, #tpu.memory_space<vmem>>, vector<16xf32>,
    %broadcast_in_dim3A_629 = arith.constant 0.000000e+00 : f32
    %broadcast_in_dim3A_630 = vector.broadcast %broadcast_in_dim3A_629 : f32 to vector<16xf32>
    %swap3A_631 = arith.constant 52 : i32
    %swap3A_632 = arith.index_cast %swap3A_631 : i32 to index
    %swap3A_633 = arith.constant 0 : index
    %swap3A_634 = tpu.vector_load %arg6[%swap3A_632, %swap3A_633] {strides = array<i32>} : memref<64x16xf32, #tpu.memory_space<vmem>>, vector<16xf32>,
    tpu.vector_store %arg6[%swap3A_632, %swap3A_633], %broadcast_in_dim3A_630 {strides = array<i32>} : memref<64x16xf32, #tpu.memory_space<vmem>>, vector<16xf32>,
    %broadcast_in_dim3A_635 = arith.constant 1.000000e+00 : f32
    %broadcast_in_dim3A_636 = vector.broadcast %broadcast_in_dim3A_635 : f32 to vector<16xf32>
    %swap3A_637 = arith.constant 53 : i32
    %swap3A_638 = arith.index_cast %swap3A_637 : i32 to index
    %swap3A_639 = arith.constant 0 : index
    %swap3A_640 = tpu.vector_load %arg5[%swap3A_638, %swap3A_639] {strides = array<i32>} : memref<64x16xf32, #tpu.memory_space<vmem>>, vector<16xf32>,
    tpu.vector_store %arg5[%swap3A_638, %swap3A_639], %broadcast_in_dim3A_636 {strides = array<i32>} : memref<64x16xf32, #tpu.memory_space<vmem>>, vector<16xf32>,
    %broadcast_in_dim3A_641 = arith.constant 0.000000e+00 : f32
    %broadcast_in_dim3A_642 = vector.broadcast %broadcast_in_dim3A_641 : f32 to vector<16xf32>
    %swap3A_643 = arith.constant 53 : i32
    %swap3A_644 = arith.index_cast %swap3A_643 : i32 to index
    %swap3A_645 = arith.constant 0 : index
    %swap3A_646 = tpu.vector_load %arg6[%swap3A_644, %swap3A_645] {strides = array<i32>} : memref<64x16xf32, #tpu.memory_space<vmem>>, vector<16xf32>,
    tpu.vector_store %arg6[%swap3A_644, %swap3A_645], %broadcast_in_dim3A_642 {strides = array<i32>} : memref<64x16xf32, #tpu.memory_space<vmem>>, vector<16xf32>,
    %broadcast_in_dim3A_647 = arith.constant 1.000000e+00 : f32
    %broadcast_in_dim3A_648 = vector.broadcast %broadcast_in_dim3A_647 : f32 to vector<16xf32>
    %swap3A_649 = arith.constant 54 : i32
    %swap3A_650 = arith.index_cast %swap3A_649 : i32 to index
    %swap3A_651 = arith.constant 0 : index
    %swap3A_652 = tpu.vector_load %arg5[%swap3A_650, %swap3A_651] {strides = array<i32>} : memref<64x16xf32, #tpu.memory_space<vmem>>, vector<16xf32>,
    tpu.vector_store %arg5[%swap3A_650, %swap3A_651], %broadcast_in_dim3A_648 {strides = array<i32>} : memref<64x16xf32, #tpu.memory_space<vmem>>, vector<16xf32>,
    %broadcast_in_dim3A_653 = arith.constant 0.000000e+00 : f32
    %broadcast_in_dim3A_654 = vector.broadcast %broadcast_in_dim3A_653 : f32 to vector<16xf32>
    %swap3A_655 = arith.constant 54 : i32
    %swap3A_656 = arith.index_cast %swap3A_655 : i32 to index
    %swap3A_657 = arith.constant 0 : index
    %swap3A_658 = tpu.vector_load %arg6[%swap3A_656, %swap3A_657] {strides = array<i32>} : memref<64x16xf32, #tpu.memory_space<vmem>>, vector<16xf32>,
    tpu.vector_store %arg6[%swap3A_656, %swap3A_657], %broadcast_in_dim3A_654 {strides = array<i32>} : memref<64x16xf32, #tpu.memory_space<vmem>>, vector<16xf32>,
    %broadcast_in_dim3A_659 = arith.constant 1.000000e+00 : f32
    %broadcast_in_dim3A_660 = vector.broadcast %broadcast_in_dim3A_659 : f32 to vector<16xf32>
    %swap3A_661 = arith.constant 55 : i32
    %swap3A_662 = arith.index_cast %swap3A_661 : i32 to index
    %swap3A_663 = arith.constant 0 : index
    %swap3A_664 = tpu.vector_load %arg5[%swap3A_662, %swap3A_663] {strides = array<i32>} : memref<64x16xf32, #tpu.memory_space<vmem>>, vector<16xf32>,
    tpu.vector_store %arg5[%swap3A_662, %swap3A_663], %broadcast_in_dim3A_660 {strides = array<i32>} : memref<64x16xf32, #tpu.memory_space<vmem>>, vector<16xf32>,
    %broadcast_in_dim3A_665 = arith.constant 0.000000e+00 : f32
    %broadcast_in_dim3A_666 = vector.broadcast %broadcast_in_dim3A_665 : f32 to vector<16xf32>
    %swap3A_667 = arith.constant 55 : i32
    %swap3A_668 = arith.index_cast %swap3A_667 : i32 to index
    %swap3A_669 = arith.constant 0 : index
    %swap3A_670 = tpu.vector_load %arg6[%swap3A_668, %swap3A_669] {strides = array<i32>} : memref<64x16xf32, #tpu.memory_space<vmem>>, vector<16xf32>,
    tpu.vector_store %arg6[%swap3A_668, %swap3A_669], %broadcast_in_dim3A_666 {strides = array<i32>} : memref<64x16xf32, #tpu.memory_space<vmem>>, vector<16xf32>,
    %broadcast_in_dim3A_671 = arith.constant 1.000000e+00 : f32
    %broadcast_in_dim3A_672 = vector.broadcast %broadcast_in_dim3A_671 : f32 to vector<16xf32>
    %swap3A_673 = arith.constant 56 : i32
    %swap3A_674 = arith.index_cast %swap3A_673 : i32 to index
    %swap3A_675 = arith.constant 0 : index
    %swap3A_676 = tpu.vector_load %arg5[%swap3A_674, %swap3A_675] {strides = array<i32>} : memref<64x16xf32, #tpu.memory_space<vmem>>, vector<16xf32>,
    tpu.vector_store %arg5[%swap3A_674, %swap3A_675], %broadcast_in_dim3A_672 {strides = array<i32>} : memref<64x16xf32, #tpu.memory_space<vmem>>, vector<16xf32>,
    %broadcast_in_dim3A_677 = arith.constant 0.000000e+00 : f32
    %broadcast_in_dim3A_678 = vector.broadcast %broadcast_in_dim3A_677 : f32 to vector<16xf32>
    %swap3A_679 = arith.constant 56 : i32
    %swap3A_680 = arith.index_cast %swap3A_679 : i32 to index
    %swap3A_681 = arith.constant 0 : index
    %swap3A_682 = tpu.vector_load %arg6[%swap3A_680, %swap3A_681] {strides = array<i32>} : memref<64x16xf32, #tpu.memory_space<vmem>>, vector<16xf32>,
    tpu.vector_store %arg6[%swap3A_680, %swap3A_681], %broadcast_in_dim3A_678 {strides = array<i32>} : memref<64x16xf32, #tpu.memory_space<vmem>>, vector<16xf32>,
    %broadcast_in_dim3A_683 = arith.constant 1.000000e+00 : f32
    %broadcast_in_dim3A_684 = vector.broadcast %broadcast_in_dim3A_683 : f32 to vector<16xf32>
    %swap3A_685 = arith.constant 57 : i32
    %swap3A_686 = arith.index_cast %swap3A_685 : i32 to index
    %swap3A_687 = arith.constant 0 : index
    %swap3A_688 = tpu.vector_load %arg5[%swap3A_686, %swap3A_687] {strides = array<i32>} : memref<64x16xf32, #tpu.memory_space<vmem>>, vector<16xf32>,
    tpu.vector_store %arg5[%swap3A_686, %swap3A_687], %broadcast_in_dim3A_684 {strides = array<i32>} : memref<64x16xf32, #tpu.memory_space<vmem>>, vector<16xf32>,
    %broadcast_in_dim3A_689 = arith.constant 0.000000e+00 : f32
    %broadcast_in_dim3A_690 = vector.broadcast %broadcast_in_dim3A_689 : f32 to vector<16xf32>
    %swap3A_691 = arith.constant 57 : i32
    %swap3A_692 = arith.index_cast %swap3A_691 : i32 to index
    %swap3A_693 = arith.constant 0 : index
    %swap3A_694 = tpu.vector_load %arg6[%swap3A_692, %swap3A_693] {strides = array<i32>} : memref<64x16xf32, #tpu.memory_space<vmem>>, vector<16xf32>,
    tpu.vector_store %arg6[%swap3A_692, %swap3A_693], %broadcast_in_dim3A_690 {strides = array<i32>} : memref<64x16xf32, #tpu.memory_space<vmem>>, vector<16xf32>,
    %broadcast_in_dim3A_695 = arith.constant 1.000000e+00 : f32
    %broadcast_in_dim3A_696 = vector.broadcast %broadcast_in_dim3A_695 : f32 to vector<16xf32>
    %swap3A_697 = arith.constant 58 : i32
    %swap3A_698 = arith.index_cast %swap3A_697 : i32 to index
    %swap3A_699 = arith.constant 0 : index
    %swap3A_700 = tpu.vector_load %arg5[%swap3A_698, %swap3A_699] {strides = array<i32>} : memref<64x16xf32, #tpu.memory_space<vmem>>, vector<16xf32>,
    tpu.vector_store %arg5[%swap3A_698, %swap3A_699], %broadcast_in_dim3A_696 {strides = array<i32>} : memref<64x16xf32, #tpu.memory_space<vmem>>, vector<16xf32>,
    %broadcast_in_dim3A_701 = arith.constant 0.000000e+00 : f32
    %broadcast_in_dim3A_702 = vector.broadcast %broadcast_in_dim3A_701 : f32 to vector<16xf32>
    %swap3A_703 = arith.constant 58 : i32
    %swap3A_704 = arith.index_cast %swap3A_703 : i32 to index
    %swap3A_705 = arith.constant 0 : index
    %swap3A_706 = tpu.vector_load %arg6[%swap3A_704, %swap3A_705] {strides = array<i32>} : memref<64x16xf32, #tpu.memory_space<vmem>>, vector<16xf32>,
    tpu.vector_store %arg6[%swap3A_704, %swap3A_705], %broadcast_in_dim3A_702 {strides = array<i32>} : memref<64x16xf32, #tpu.memory_space<vmem>>, vector<16xf32>,
    %broadcast_in_dim3A_707 = arith.constant 1.000000e+00 : f32
    %broadcast_in_dim3A_708 = vector.broadcast %broadcast_in_dim3A_707 : f32 to vector<16xf32>
    %swap3A_709 = arith.constant 59 : i32
    %swap3A_710 = arith.index_cast %swap3A_709 : i32 to index
    %swap3A_711 = arith.constant 0 : index
    %swap3A_712 = tpu.vector_load %arg5[%swap3A_710, %swap3A_711] {strides = array<i32>} : memref<64x16xf32, #tpu.memory_space<vmem>>, vector<16xf32>,
    tpu.vector_store %arg5[%swap3A_710, %swap3A_711], %broadcast_in_dim3A_708 {strides = array<i32>} : memref<64x16xf32, #tpu.memory_space<vmem>>, vector<16xf32>,
    %broadcast_in_dim3A_713 = arith.constant 0.000000e+00 : f32
    %broadcast_in_dim3A_714 = vector.broadcast %broadcast_in_dim3A_713 : f32 to vector<16xf32>
    %swap3A_715 = arith.constant 59 : i32
    %swap3A_716 = arith.index_cast %swap3A_715 : i32 to index
    %swap3A_717 = arith.constant 0 : index
    %swap3A_718 = tpu.vector_load %arg6[%swap3A_716, %swap3A_717] {strides = array<i32>} : memref<64x16xf32, #tpu.memory_space<vmem>>, vector<16xf32>,
    tpu.vector_store %arg6[%swap3A_716, %swap3A_717], %broadcast_in_dim3A_714 {strides = array<i32>} : memref<64x16xf32, #tpu.memory_space<vmem>>, vector<16xf32>,
    %broadcast_in_dim3A_719 = arith.constant 1.000000e+00 : f32
    %broadcast_in_dim3A_720 = vector.broadcast %broadcast_in_dim3A_719 : f32 to vector<16xf32>
    %swap3A_721 = arith.constant 60 : i32
    %swap3A_722 = arith.index_cast %swap3A_721 : i32 to index
    %swap3A_723 = arith.constant 0 : index
    %swap3A_724 = tpu.vector_load %arg5[%swap3A_722, %swap3A_723] {strides = array<i32>} : memref<64x16xf32, #tpu.memory_space<vmem>>, vector<16xf32>,
    tpu.vector_store %arg5[%swap3A_722, %swap3A_723], %broadcast_in_dim3A_720 {strides = array<i32>} : memref<64x16xf32, #tpu.memory_space<vmem>>, vector<16xf32>,
    %broadcast_in_dim3A_725 = arith.constant 0.000000e+00 : f32
    %broadcast_in_dim3A_726 = vector.broadcast %broadcast_in_dim3A_725 : f32 to vector<16xf32>
    %swap3A_727 = arith.constant 60 : i32
    %swap3A_728 = arith.index_cast %swap3A_727 : i32 to index
    %swap3A_729 = arith.constant 0 : index
    %swap3A_730 = tpu.vector_load %arg6[%swap3A_728, %swap3A_729] {strides = array<i32>} : memref<64x16xf32, #tpu.memory_space<vmem>>, vector<16xf32>,
    tpu.vector_store %arg6[%swap3A_728, %swap3A_729], %broadcast_in_dim3A_726 {strides = array<i32>} : memref<64x16xf32, #tpu.memory_space<vmem>>, vector<16xf32>,
    %broadcast_in_dim3A_731 = arith.constant 1.000000e+00 : f32
    %broadcast_in_dim3A_732 = vector.broadcast %broadcast_in_dim3A_731 : f32 to vector<16xf32>
    %swap3A_733 = arith.constant 61 : i32
    %swap3A_734 = arith.index_cast %swap3A_733 : i32 to index
    %swap3A_735 = arith.constant 0 : index
    %swap3A_736 = tpu.vector_load %arg5[%swap3A_734, %swap3A_735] {strides = array<i32>} : memref<64x16xf32, #tpu.memory_space<vmem>>, vector<16xf32>,
    tpu.vector_store %arg5[%swap3A_734, %swap3A_735], %broadcast_in_dim3A_732 {strides = array<i32>} : memref<64x16xf32, #tpu.memory_space<vmem>>, vector<16xf32>,
    %broadcast_in_dim3A_737 = arith.constant 0.000000e+00 : f32
    %broadcast_in_dim3A_738 = vector.broadcast %broadcast_in_dim3A_737 : f32 to vector<16xf32>
    %swap3A_739 = arith.constant 61 : i32
    %swap3A_740 = arith.index_cast %swap3A_739 : i32 to index
    %swap3A_741 = arith.constant 0 : index
    %swap3A_742 = tpu.vector_load %arg6[%swap3A_740, %swap3A_741] {strides = array<i32>} : memref<64x16xf32, #tpu.memory_space<vmem>>, vector<16xf32>,
    tpu.vector_store %arg6[%swap3A_740, %swap3A_741], %broadcast_in_dim3A_738 {strides = array<i32>} : memref<64x16xf32, #tpu.memory_space<vmem>>, vector<16xf32>,
    %broadcast_in_dim3A_743 = arith.constant 1.000000e+00 : f32
    %broadcast_in_dim3A_744 = vector.broadcast %broadcast_in_dim3A_743 : f32 to vector<16xf32>
    %swap3A_745 = arith.constant 62 : i32
    %swap3A_746 = arith.index_cast %swap3A_745 : i32 to index
    %swap3A_747 = arith.constant 0 : index
    %swap3A_748 = tpu.vector_load %arg5[%swap3A_746, %swap3A_747] {strides = array<i32>} : memref<64x16xf32, #tpu.memory_space<vmem>>, vector<16xf32>,
    tpu.vector_store %arg5[%swap3A_746, %swap3A_747], %broadcast_in_dim3A_744 {strides = array<i32>} : memref<64x16xf32, #tpu.memory_space<vmem>>, vector<16xf32>,
    %broadcast_in_dim3A_749 = arith.constant 0.000000e+00 : f32
    %broadcast_in_dim3A_750 = vector.broadcast %broadcast_in_dim3A_749 : f32 to vector<16xf32>
    %swap3A_751 = arith.constant 62 : i32
    %swap3A_752 = arith.index_cast %swap3A_751 : i32 to index
    %swap3A_753 = arith.constant 0 : index
    %swap3A_754 = tpu.vector_load %arg6[%swap3A_752, %swap3A_753] {strides = array<i32>} : memref<64x16xf32, #tpu.memory_space<vmem>>, vector<16xf32>,
    tpu.vector_store %arg6[%swap3A_752, %swap3A_753], %broadcast_in_dim3A_750 {strides = array<i32>} : memref<64x16xf32, #tpu.memory_space<vmem>>, vector<16xf32>,
    %broadcast_in_dim3A_755 = arith.constant 1.000000e+00 : f32
    %broadcast_in_dim3A_756 = vector.broadcast %broadcast_in_dim3A_755 : f32 to vector<16xf32>
    %swap3A_757 = arith.constant 63 : i32
    %swap3A_758 = arith.index_cast %swap3A_757 : i32 to index
    %swap3A_759 = arith.constant 0 : index
    %swap3A_760 = tpu.vector_load %arg5[%swap3A_758, %swap3A_759] {strides = array<i32>} : memref<64x16xf32, #tpu.memory_space<vmem>>, vector<16xf32>,
    tpu.vector_store %arg5[%swap3A_758, %swap3A_759], %broadcast_in_dim3A_756 {strides = array<i32>} : memref<64x16xf32, #tpu.memory_space<vmem>>, vector<16xf32>,
    %broadcast_in_dim3A_761 = arith.constant 0.000000e+00 : f32
    %broadcast_in_dim3A_762 = vector.broadcast %broadcast_in_dim3A_761 : f32 to vector<16xf32>
    %swap3A_763 = arith.constant 63 : i32
    %swap3A_764 = arith.index_cast %swap3A_763 : i32 to index
    %swap3A_765 = arith.constant 0 : index
    %swap3A_766 = tpu.vector_load %arg6[%swap3A_764, %swap3A_765] {strides = array<i32>} : memref<64x16xf32, #tpu.memory_space<vmem>>, vector<16xf32>,
    tpu.vector_store %arg6[%swap3A_764, %swap3A_765], %broadcast_in_dim3A_762 {strides = array<i32>} : memref<64x16xf32, #tpu.memory_space<vmem>>, vector<16xf32>,
    %mul3A_767 = arith.constant 6272 : i32
    %mul3A_768 = arith.muli %arg1, %mul3A_767 : i32
    %scan3A = arith.constant 0 : i32
    %scan3A_769 = arith.constant 98 : i32
    %scan3A_770 = arith.addi %scan3A, %scan3A_769 : i32
    %scan3A_771 = arith.constant 1 : i32
    scf.for %scan3A_784 = %scan3A to %scan3A_770 step %scan3A_771  : i32 {
      %mul3A_785 = arith.constant 1 : i32
      %mul3A_786 = arith.muli %scan3A_784, %mul3A_785 : i32
      %add3A_787 = arith.constant 0 : i32
      %add3A_788 = arith.addi %add3A_787, %mul3A_786 : i32
      %mul3A_789 = arith.constant 64 : i32
      %mul3A_790 = arith.muli %add3A_788, %mul3A_789 : i32
      %add3A_791 = arith.addi %mul3A_768, %mul3A_790 : i32
      %add3A_792 = arith.constant 0 : i32
      %add3A_793 = arith.addi %add3A_791, %add3A_792 : i32
      %add3A_794 = vector.broadcast %add3A_793 : i32 to vector<16xi32>
      %add3A_795 = arith.addi %iota3A, %add3A_794 : vector<16xi32>
      %swap3A_796 = arith.constant 0 : i32
      %swap3A_797 = arith.index_cast %swap3A_796 : i32 to index
      %swap3A_798 = arith.constant 0 : index
      %swap3A_799 = tpu.vector_load %arg7[%swap3A_797, %swap3A_798] {strides = array<i32>} : memref<1x64xi32, #tpu.memory_space<vmem>>, vector<16xi32>,
      tpu.vector_store %arg7[%swap3A_797, %swap3A_798], %add3A_795 {strides = array<i32>} : memref<1x64xi32, #tpu.memory_space<vmem>>, vector<16xi32>,
      %add3A_800 = arith.constant 16 : i32
      %add3A_801 = arith.addi %add3A_791, %add3A_800 : i32
      %add3A_802 = vector.broadcast %add3A_801 : i32 to vector<16xi32>
      %add3A_803 = arith.addi %iota3A, %add3A_802 : vector<16xi32>
      %swap3A_804 = arith.constant 0 : i32
      %swap3A_805 = arith.index_cast %swap3A_804 : i32 to index
      %swap3A_806 = arith.constant 16 : index
      %swap3A_807 = tpu.vector_load %arg7[%swap3A_805, %swap3A_806] {strides = array<i32>} : memref<1x64xi32, #tpu.memory_space<vmem>>, vector<16xi32>,
      tpu.vector_store %arg7[%swap3A_805, %swap3A_806], %add3A_803 {strides = array<i32>} : memref<1x64xi32, #tpu.memory_space<vmem>>, vector<16xi32>,
      %add3A_808 = arith.constant 32 : i32
      %add3A_809 = arith.addi %add3A_791, %add3A_808 : i32
      %add3A_810 = vector.broadcast %add3A_809 : i32 to vector<16xi32>
      %add3A_811 = arith.addi %iota3A, %add3A_810 : vector<16xi32>
      %swap3A_812 = arith.constant 0 : i32
      %swap3A_813 = arith.index_cast %swap3A_812 : i32 to index
      %swap3A_814 = arith.constant 32 : index
      %swap3A_815 = tpu.vector_load %arg7[%swap3A_813, %swap3A_814] {strides = array<i32>} : memref<1x64xi32, #tpu.memory_space<vmem>>, vector<16xi32>,
      tpu.vector_store %arg7[%swap3A_813, %swap3A_814], %add3A_811 {strides = array<i32>} : memref<1x64xi32, #tpu.memory_space<vmem>>, vector<16xi32>,
      %add3A_816 = arith.constant 48 : i32
      %add3A_817 = arith.addi %add3A_791, %add3A_816 : i32
      %add3A_818 = vector.broadcast %add3A_817 : i32 to vector<16xi32>
      %add3A_819 = arith.addi %iota3A, %add3A_818 : vector<16xi32>
      %swap3A_820 = arith.constant 0 : i32
      %swap3A_821 = arith.index_cast %swap3A_820 : i32 to index
      %swap3A_822 = arith.constant 48 : index
      %swap3A_823 = tpu.vector_load %arg7[%swap3A_821, %swap3A_822] {strides = array<i32>} : memref<1x64xi32, #tpu.memory_space<vmem>>, vector<16xi32>,
      tpu.vector_store %arg7[%swap3A_821, %swap3A_822], %add3A_819 {strides = array<i32>} : memref<1x64xi32, #tpu.memory_space<vmem>>, vector<16xi32>,
      %run_scoped3A = arith.constant 0 : i32
      "tpu.region"() ({
        %run_scoped3A_824 = tpu.sem_alloc : memref<!tpu.dma_semaphore, #tpu.memory_space<semaphore_mem>>
        %dma_start3A = arith.constant 0 : i32
        %dma_start3A_825 = tpu.memref_slice %arg7[%run_scoped3A, %dma_start3A] : memref<1x64xi32, #tpu.memory_space<vmem>> -> memref<1x64xi32, #tpu.memory_space<vmem>>
        %dma_start3A_826 = tpu.memref_squeeze %dma_start3A_825 : memref<1x64xi32, #tpu.memory_space<vmem>> -> memref<64xi32, #tpu.memory_space<vmem>>
        %dma_start3A_827 = arith.constant 0 : i32
        %dma_start3A_828 = arith.constant 0 : i32
        %dma_start3A_829 = tpu.memref_slice %arg8[%dma_start3A_827, %dma_start3A_828] : memref<100352x16xf32, #tpu.memory_space<vmem_shared>> -> memref<100352x16xf32, #tpu.memory_space<vmem_shared>>
        tpu.enqueue_indirect_dma source(%arg6 : memref<64x16xf32, #tpu.memory_space<vmem>>) target(%dma_start3A_829 : memref<100352x16xf32, #tpu.memory_space<vmem_shared>>) offsets(%dma_start3A_826 : memref<64xi32, #tpu.memory_space<vmem>>) semaphore(%run_scoped3A_824 : memref<!tpu.dma_semaphore, #tpu.memory_space<semaphore_mem>>)
        %dma_wait3A = arith.constant 0 : i32
        %dma_wait3A_830 = tpu.memref_slice %arg7[%run_scoped3A, %dma_wait3A] : memref<1x64xi32, #tpu.memory_space<vmem>> -> memref<1x64xi32, #tpu.memory_space<vmem>>
        %dma_wait3A_831 = tpu.memref_squeeze %dma_wait3A_830 : memref<1x64xi32, #tpu.memory_space<vmem>> -> memref<64xi32, #tpu.memory_space<vmem>>
        %dma_wait3A_832 = arith.constant 0 : i32
        %dma_wait3A_833 = arith.constant 0 : i32
        %dma_wait3A_834 = tpu.memref_slice %arg8[%dma_wait3A_832, %dma_wait3A_833] : memref<100352x16xf32, #tpu.memory_space<vmem_shared>> -> memref<100352x16xf32, #tpu.memory_space<vmem_shared>>
        tpu.wait_indirect_dma semaphore(%run_scoped3A_824 : memref<!tpu.dma_semaphore, #tpu.memory_space<semaphore_mem>>) src(%arg6 : memref<64x16xf32, #tpu.memory_space<vmem>>) dst(%dma_wait3A_834 : memref<100352x16xf32, #tpu.memory_space<vmem_shared>>)
        tpu.yield
      }) : () -> ()
    }
    %scan3A_772 = arith.constant 98 : i32
    %barrier3A = arith.constant 0 : index
    tpu.barrier barrier_id(%barrier3A)
    %scan3A_773 = arith.constant 0 : i32
    %scan3A_774 = arith.constant 1568 : i32
    %scan3A_775 = arith.addi %scan3A_773, %scan3A_774 : i32
    %scan3A_776 = arith.constant 1 : i32
    scf.for %scan3A_784 = %scan3A_773 to %scan3A_775 step %scan3A_776  : i32 {
      %mul3A_785 = arith.constant 1 : i32
      %mul3A_786 = arith.muli %scan3A_784, %mul3A_785 : i32
      %add3A_787 = arith.constant 0 : i32
      %add3A_788 = arith.addi %add3A_787, %mul3A_786 : i32
      %mul3A_789 = arith.constant 1568 : i32
      %mul3A_790 = arith.muli %add3A, %mul3A_789 : i32
      %add3A_791 = arith.addi %mul3A_790, %add3A_788 : i32
      "tpu.region"() ({
        %run_scoped3A_792 = tpu.sem_alloc : memref<!tpu.dma_semaphore, #tpu.memory_space<semaphore_mem>>
        %dma_start3A = arith.constant 0 : i32
        %dma_start3A_793 = tpu.memref_slice %arg2[%add3A_791, %dma_start3A] : memref<50176x64xi32, #tpu.memory_space<hbm>> -> memref<1x64xi32, #tpu.memory_space<hbm>>
        %dma_start3A_794 = arith.constant 0 : i32
        %dma_start3A_795 = tpu.memref_slice %arg2[%add3A_791, %dma_start3A_794] : memref<50176x64xi32, #tpu.memory_space<hbm>> -> memref<1x64xi32, #tpu.memory_space<hbm>>
        tpu.enqueue_dma source(%dma_start3A_795 : memref<1x64xi32, #tpu.memory_space<hbm>>) target(%arg4 : memref<1x64xi32, #tpu.memory_space<vmem>>) target_semaphore(%run_scoped3A_792 : memref<!tpu.dma_semaphore, #tpu.memory_space<semaphore_mem>>)
        %dma_wait3A = arith.constant 0 : i32
        %dma_wait3A_796 = tpu.memref_slice %arg2[%add3A_791, %dma_wait3A] : memref<50176x64xi32, #tpu.memory_space<hbm>> -> memref<1x64xi32, #tpu.memory_space<hbm>>
        %dma_wait3A_797 = arith.constant 0 : i32
        %dma_wait3A_798 = tpu.memref_slice %arg2[%add3A_791, %dma_wait3A_797] : memref<50176x64xi32, #tpu.memory_space<hbm>> -> memref<1x64xi32, #tpu.memory_space<hbm>>
        tpu.wait_dma2 semaphore(%run_scoped3A_792 : memref<!tpu.dma_semaphore, #tpu.memory_space<semaphore_mem>>) src(%dma_wait3A_798 : memref<1x64xi32, #tpu.memory_space<hbm>>) dst(%arg4 : memref<1x64xi32, #tpu.memory_space<vmem>>)
        tpu.yield
      }) : () -> ()
      %run_scoped3A = arith.constant 0 : i32
      "tpu.region"() ({
        %run_scoped3A_792 = tpu.sem_alloc : memref<!tpu.dma_semaphore, #tpu.memory_space<semaphore_mem>>
        %dma_start3A = arith.constant 0 : i32
        %dma_start3A_793 = tpu.memref_slice %arg4[%run_scoped3A, %dma_start3A] : memref<1x64xi32, #tpu.memory_space<vmem>> -> memref<1x64xi32, #tpu.memory_space<vmem>>
        %dma_start3A_794 = tpu.memref_squeeze %dma_start3A_793 : memref<1x64xi32, #tpu.memory_space<vmem>> -> memref<64xi32, #tpu.memory_space<vmem>>
        %dma_start3A_795 = arith.constant 0 : i32
        %dma_start3A_796 = arith.constant 0 : i32
        %dma_start3A_797 = tpu.memref_slice %arg8[%dma_start3A_795, %dma_start3A_796] : memref<100352x16xf32, #tpu.memory_space<vmem_shared>> -> memref<100352x16xf32, #tpu.memory_space<vmem_shared>>
        tpu.enqueue_indirect_dma source(%arg5 : memref<64x16xf32, #tpu.memory_space<vmem>>) target(%dma_start3A_797 : memref<100352x16xf32, #tpu.memory_space<vmem_shared>>) offsets(%dma_start3A_794 : memref<64xi32, #tpu.memory_space<vmem>>) semaphore(%run_scoped3A_792 : memref<!tpu.dma_semaphore, #tpu.memory_space<semaphore_mem>>) {add = true}
        %dma_wait3A = arith.constant 0 : i32
        %dma_wait3A_798 = tpu.memref_slice %arg4[%run_scoped3A, %dma_wait3A] : memref<1x64xi32, #tpu.memory_space<vmem>> -> memref<1x64xi32, #tpu.memory_space<vmem>>
        %dma_wait3A_799 = tpu.memref_squeeze %dma_wait3A_798 : memref<1x64xi32, #tpu.memory_space<vmem>> -> memref<64xi32, #tpu.memory_space<vmem>>
        %dma_wait3A_800 = arith.constant 0 : i32
        %dma_wait3A_801 = arith.constant 0 : i32
        %dma_wait3A_802 = tpu.memref_slice %arg8[%dma_wait3A_800, %dma_wait3A_801] : memref<100352x16xf32, #tpu.memory_space<vmem_shared>> -> memref<100352x16xf32, #tpu.memory_space<vmem_shared>>
        tpu.wait_indirect_dma semaphore(%run_scoped3A_792 : memref<!tpu.dma_semaphore, #tpu.memory_space<semaphore_mem>>) src(%arg5 : memref<64x16xf32, #tpu.memory_space<vmem>>) dst(%dma_wait3A_802 : memref<100352x16xf32, #tpu.memory_space<vmem_shared>>)
        tpu.yield
      }) : () -> ()
    }
    %scan3A_777 = arith.constant 1568 : i32
    %barrier3A_778 = arith.constant 0 : index
    tpu.barrier barrier_id(%barrier3A_778)
    %scan3A_779 = arith.constant 0 : i32
    %scan3A_780 = arith.constant 98 : i32
    %scan3A_781 = arith.addi %scan3A_779, %scan3A_780 : i32
    %scan3A_782 = arith.constant 1 : i32
    scf.for %scan3A_784 = %scan3A_779 to %scan3A_781 step %scan3A_782  : i32 {
      %mul3A_785 = arith.constant 1 : i32
      %mul3A_786 = arith.muli %scan3A_784, %mul3A_785 : i32
      %add3A_787 = arith.constant 0 : i32
      %add3A_788 = arith.addi %add3A_787, %mul3A_786 : i32
      %mul3A_789 = arith.constant 64 : i32
      %mul3A_790 = arith.muli %add3A_788, %mul3A_789 : i32
      %add3A_791 = arith.addi %mul3A_768, %mul3A_790 : i32
      %add3A_792 = arith.constant 0 : i32
      %add3A_793 = arith.addi %add3A_791, %add3A_792 : i32
      %add3A_794 = vector.broadcast %add3A_793 : i32 to vector<16xi32>
      %add3A_795 = arith.addi %iota3A, %add3A_794 : vector<16xi32>
      %swap3A_796 = arith.constant 0 : i32
      %swap3A_797 = arith.index_cast %swap3A_796 : i32 to index
      %swap3A_798 = arith.constant 0 : index
      %swap3A_799 = tpu.vector_load %arg7[%swap3A_797, %swap3A_798] {strides = array<i32>} : memref<1x64xi32, #tpu.memory_space<vmem>>, vector<16xi32>,
      tpu.vector_store %arg7[%swap3A_797, %swap3A_798], %add3A_795 {strides = array<i32>} : memref<1x64xi32, #tpu.memory_space<vmem>>, vector<16xi32>,
      %add3A_800 = arith.constant 16 : i32
      %add3A_801 = arith.addi %add3A_791, %add3A_800 : i32
      %add3A_802 = vector.broadcast %add3A_801 : i32 to vector<16xi32>
      %add3A_803 = arith.addi %iota3A, %add3A_802 : vector<16xi32>
      %swap3A_804 = arith.constant 0 : i32
      %swap3A_805 = arith.index_cast %swap3A_804 : i32 to index
      %swap3A_806 = arith.constant 16 : index
      %swap3A_807 = tpu.vector_load %arg7[%swap3A_805, %swap3A_806] {strides = array<i32>} : memref<1x64xi32, #tpu.memory_space<vmem>>, vector<16xi32>,
      tpu.vector_store %arg7[%swap3A_805, %swap3A_806], %add3A_803 {strides = array<i32>} : memref<1x64xi32, #tpu.memory_space<vmem>>, vector<16xi32>,
      %add3A_808 = arith.constant 32 : i32
      %add3A_809 = arith.addi %add3A_791, %add3A_808 : i32
      %add3A_810 = vector.broadcast %add3A_809 : i32 to vector<16xi32>
      %add3A_811 = arith.addi %iota3A, %add3A_810 : vector<16xi32>
      %swap3A_812 = arith.constant 0 : i32
      %swap3A_813 = arith.index_cast %swap3A_812 : i32 to index
      %swap3A_814 = arith.constant 32 : index
      %swap3A_815 = tpu.vector_load %arg7[%swap3A_813, %swap3A_814] {strides = array<i32>} : memref<1x64xi32, #tpu.memory_space<vmem>>, vector<16xi32>,
      tpu.vector_store %arg7[%swap3A_813, %swap3A_814], %add3A_811 {strides = array<i32>} : memref<1x64xi32, #tpu.memory_space<vmem>>, vector<16xi32>,
      %add3A_816 = arith.constant 48 : i32
      %add3A_817 = arith.addi %add3A_791, %add3A_816 : i32
      %add3A_818 = vector.broadcast %add3A_817 : i32 to vector<16xi32>
      %add3A_819 = arith.addi %iota3A, %add3A_818 : vector<16xi32>
      %swap3A_820 = arith.constant 0 : i32
      %swap3A_821 = arith.index_cast %swap3A_820 : i32 to index
      %swap3A_822 = arith.constant 48 : index
      %swap3A_823 = tpu.vector_load %arg7[%swap3A_821, %swap3A_822] {strides = array<i32>} : memref<1x64xi32, #tpu.memory_space<vmem>>, vector<16xi32>,
      tpu.vector_store %arg7[%swap3A_821, %swap3A_822], %add3A_819 {strides = array<i32>} : memref<1x64xi32, #tpu.memory_space<vmem>>, vector<16xi32>,
      %dma_start3A = arith.constant 0 : i32
      %dma_start3A_824 = arith.constant 0 : i32
      %dma_start3A_825 = tpu.memref_slice %arg7[%dma_start3A, %dma_start3A_824] : memref<1x64xi32, #tpu.memory_space<vmem>> -> memref<1x64xi32, #tpu.memory_space<vmem>>
      %dma_start3A_826 = tpu.memref_squeeze %dma_start3A_825 : memref<1x64xi32, #tpu.memory_space<vmem>> -> memref<64xi32, #tpu.memory_space<vmem>>
      %dma_start3A_827 = arith.constant 0 : i32
      %dma_start3A_828 = arith.constant 0 : i32
      %dma_start3A_829 = tpu.memref_slice %arg8[%dma_start3A_827, %dma_start3A_828] : memref<100352x16xf32, #tpu.memory_space<vmem_shared>> -> memref<100352x16xf32, #tpu.memory_space<vmem_shared>>
      tpu.enqueue_indirect_dma source(%dma_start3A_829 : memref<100352x16xf32, #tpu.memory_space<vmem_shared>>) target(%arg6 : memref<64x16xf32, #tpu.memory_space<vmem>>) offsets(%dma_start3A_826 : memref<64xi32, #tpu.memory_space<vmem>>) semaphore(%arg9 : memref<!tpu.dma_semaphore, #tpu.memory_space<semaphore_mem>>)
      %dma_wait3A = arith.constant 0 : i32
      %dma_wait3A_830 = arith.constant 0 : i32
      %dma_wait3A_831 = tpu.memref_slice %arg7[%dma_wait3A, %dma_wait3A_830] : memref<1x64xi32, #tpu.memory_space<vmem>> -> memref<1x64xi32, #tpu.memory_space<vmem>>
      %dma_wait3A_832 = tpu.memref_squeeze %dma_wait3A_831 : memref<1x64xi32, #tpu.memory_space<vmem>> -> memref<64xi32, #tpu.memory_space<vmem>>
      %dma_wait3A_833 = arith.constant 0 : i32
      %dma_wait3A_834 = arith.constant 0 : i32
      %dma_wait3A_835 = tpu.memref_slice %arg8[%dma_wait3A_833, %dma_wait3A_834] : memref<100352x16xf32, #tpu.memory_space<vmem_shared>> -> memref<100352x16xf32, #tpu.memory_space<vmem_shared>>
      tpu.wait_indirect_dma semaphore(%arg9 : memref<!tpu.dma_semaphore, #tpu.memory_space<semaphore_mem>>) src(%dma_wait3A_835 : memref<100352x16xf32, #tpu.memory_space<vmem_shared>>) dst(%arg6 : memref<64x16xf32, #tpu.memory_space<vmem>>)
      "tpu.region"() ({
        %run_scoped3A = tpu.sem_alloc : memref<!tpu.dma_semaphore, #tpu.memory_space<semaphore_mem>>
        %dma_start3A_836 = arith.constant 0 : i32
        %dma_start3A_837 = tpu.memref_slice %arg3[%arg0, %add3A_791, %dma_start3A_836] : memref<2x100352x16xf32, #tpu.memory_space<hbm>> -> memref<1x64x16xf32, #tpu.memory_space<hbm>>
        %dma_start3A_838 = tpu.memref_squeeze %dma_start3A_837 : memref<1x64x16xf32, #tpu.memory_space<hbm>> -> memref<64x16xf32, #tpu.memory_space<hbm>>
        %dma_start3A_839 = arith.constant 0 : i32
        %dma_start3A_840 = tpu.memref_slice %arg3[%arg0, %add3A_791, %dma_start3A_839] : memref<2x100352x16xf32, #tpu.memory_space<hbm>> -> memref<1x64x16xf32, #tpu.memory_space<hbm>>
        %dma_start3A_841 = tpu.memref_squeeze %dma_start3A_840 : memref<1x64x16xf32, #tpu.memory_space<hbm>> -> memref<64x16xf32, #tpu.memory_space<hbm>>
        tpu.enqueue_dma source(%arg6 : memref<64x16xf32, #tpu.memory_space<vmem>>) target(%dma_start3A_841 : memref<64x16xf32, #tpu.memory_space<hbm>>) target_semaphore(%run_scoped3A : memref<!tpu.dma_semaphore, #tpu.memory_space<semaphore_mem>>)
        %dma_wait3A_842 = arith.constant 0 : i32
        %dma_wait3A_843 = tpu.memref_slice %arg3[%arg0, %add3A_791, %dma_wait3A_842] : memref<2x100352x16xf32, #tpu.memory_space<hbm>> -> memref<1x64x16xf32, #tpu.memory_space<hbm>>
        %dma_wait3A_844 = tpu.memref_squeeze %dma_wait3A_843 : memref<1x64x16xf32, #tpu.memory_space<hbm>> -> memref<64x16xf32, #tpu.memory_space<hbm>>
        %dma_wait3A_845 = arith.constant 0 : i32
        %dma_wait3A_846 = tpu.memref_slice %arg3[%arg0, %add3A_791, %dma_wait3A_845] : memref<2x100352x16xf32, #tpu.memory_space<hbm>> -> memref<1x64x16xf32, #tpu.memory_space<hbm>>
        %dma_wait3A_847 = tpu.memref_squeeze %dma_wait3A_846 : memref<1x64x16xf32, #tpu.memory_space<hbm>> -> memref<64x16xf32, #tpu.memory_space<hbm>>
        tpu.wait_dma2 semaphore(%run_scoped3A : memref<!tpu.dma_semaphore, #tpu.memory_space<semaphore_mem>>) src(%arg6 : memref<64x16xf32, #tpu.memory_space<vmem>>) dst(%dma_wait3A_847 : memref<64x16xf32, #tpu.memory_space<hbm>>)
        tpu.yield
      }) : () -> ()
    }
    %scan3A_783 = arith.constant 98 : i32
    return
  }
}

#map = affine_map<(d0, d1) -> (0, 0)>
#map1 = affine_map<(d0, d1) -> (0, 0, 0)>
module attributes {stable_mosaic.version = 14 : i64} {
  func.func @_sc_accum(%arg0: i32, %arg1: i32, %arg2: memref<3211264x16xf32, #tpu.memory_space<hbm>>, %arg3: memref<50176x64xi32, #tpu.memory_space<hbm>>, %arg4: memref<2x100352x16xf32, #tpu.memory_space<hbm>>, %arg5: memref<1x64xi32, #tpu.memory_space<vmem>>, %arg6: memref<64x16xf32, #tpu.memory_space<vmem>>, %arg7: memref<64x16xf32, #tpu.memory_space<vmem>>, %arg8: memref<1x64xi32, #tpu.memory_space<vmem>>, %arg9: memref<100352x16xf32, #tpu.memory_space<vmem_shared>>, %arg10: memref<!tpu.dma_semaphore, #tpu.memory_space<semaphore_mem>>) attributes {dimension_semantics = [#tpu.dimension_semantics<core_parallel>, #tpu.dimension_semantics<subcore_parallel>], iteration_bounds = array<i64: 2, 16>, scalar_prefetch = 0 : i64, scratch_operands = 6 : i64, tpu.core_type = #tpu.core_type<sc_vector_subcore>, window_params = [{transform_indices = #map}, {transform_indices = #map}, {transform_indices = #map1}]} {
    %mul3A = arith.constant 2 : i32
    %mul3A_0 = arith.muli %arg1, %mul3A : i32
    %add3A = arith.addi %mul3A_0, %arg0 : i32
    %iota3A = tpu.iota {dimensions = array<i32: 0>} : vector<16xi32>
    %broadcast_in_dim3A = arith.constant 0.000000e+00 : f32
    %broadcast_in_dim3A_1 = vector.broadcast %broadcast_in_dim3A : f32 to vector<16xf32>
    %swap3A = arith.constant 0 : i32
    %swap3A_2 = arith.index_cast %swap3A : i32 to index
    %swap3A_3 = arith.constant 0 : index
    %swap3A_4 = tpu.vector_load %arg7[%swap3A_2, %swap3A_3] {strides = array<i32>} : memref<64x16xf32, #tpu.memory_space<vmem>>, vector<16xf32>,
    tpu.vector_store %arg7[%swap3A_2, %swap3A_3], %broadcast_in_dim3A_1 {strides = array<i32>} : memref<64x16xf32, #tpu.memory_space<vmem>>, vector<16xf32>,
    %broadcast_in_dim3A_5 = arith.constant 0.000000e+00 : f32
    %broadcast_in_dim3A_6 = vector.broadcast %broadcast_in_dim3A_5 : f32 to vector<16xf32>
    %swap3A_7 = arith.constant 1 : i32
    %swap3A_8 = arith.index_cast %swap3A_7 : i32 to index
    %swap3A_9 = arith.constant 0 : index
    %swap3A_10 = tpu.vector_load %arg7[%swap3A_8, %swap3A_9] {strides = array<i32>} : memref<64x16xf32, #tpu.memory_space<vmem>>, vector<16xf32>,
    tpu.vector_store %arg7[%swap3A_8, %swap3A_9], %broadcast_in_dim3A_6 {strides = array<i32>} : memref<64x16xf32, #tpu.memory_space<vmem>>, vector<16xf32>,
    %broadcast_in_dim3A_11 = arith.constant 0.000000e+00 : f32
    %broadcast_in_dim3A_12 = vector.broadcast %broadcast_in_dim3A_11 : f32 to vector<16xf32>
    %swap3A_13 = arith.constant 2 : i32
    %swap3A_14 = arith.index_cast %swap3A_13 : i32 to index
    %swap3A_15 = arith.constant 0 : index
    %swap3A_16 = tpu.vector_load %arg7[%swap3A_14, %swap3A_15] {strides = array<i32>} : memref<64x16xf32, #tpu.memory_space<vmem>>, vector<16xf32>,
    tpu.vector_store %arg7[%swap3A_14, %swap3A_15], %broadcast_in_dim3A_12 {strides = array<i32>} : memref<64x16xf32, #tpu.memory_space<vmem>>, vector<16xf32>,
    %broadcast_in_dim3A_17 = arith.constant 0.000000e+00 : f32
    %broadcast_in_dim3A_18 = vector.broadcast %broadcast_in_dim3A_17 : f32 to vector<16xf32>
    %swap3A_19 = arith.constant 3 : i32
    %swap3A_20 = arith.index_cast %swap3A_19 : i32 to index
    %swap3A_21 = arith.constant 0 : index
    %swap3A_22 = tpu.vector_load %arg7[%swap3A_20, %swap3A_21] {strides = array<i32>} : memref<64x16xf32, #tpu.memory_space<vmem>>, vector<16xf32>,
    tpu.vector_store %arg7[%swap3A_20, %swap3A_21], %broadcast_in_dim3A_18 {strides = array<i32>} : memref<64x16xf32, #tpu.memory_space<vmem>>, vector<16xf32>,
    %broadcast_in_dim3A_23 = arith.constant 0.000000e+00 : f32
    %broadcast_in_dim3A_24 = vector.broadcast %broadcast_in_dim3A_23 : f32 to vector<16xf32>
    %swap3A_25 = arith.constant 4 : i32
    %swap3A_26 = arith.index_cast %swap3A_25 : i32 to index
    %swap3A_27 = arith.constant 0 : index
    %swap3A_28 = tpu.vector_load %arg7[%swap3A_26, %swap3A_27] {strides = array<i32>} : memref<64x16xf32, #tpu.memory_space<vmem>>, vector<16xf32>,
    tpu.vector_store %arg7[%swap3A_26, %swap3A_27], %broadcast_in_dim3A_24 {strides = array<i32>} : memref<64x16xf32, #tpu.memory_space<vmem>>, vector<16xf32>,
    %broadcast_in_dim3A_29 = arith.constant 0.000000e+00 : f32
    %broadcast_in_dim3A_30 = vector.broadcast %broadcast_in_dim3A_29 : f32 to vector<16xf32>
    %swap3A_31 = arith.constant 5 : i32
    %swap3A_32 = arith.index_cast %swap3A_31 : i32 to index
    %swap3A_33 = arith.constant 0 : index
    %swap3A_34 = tpu.vector_load %arg7[%swap3A_32, %swap3A_33] {strides = array<i32>} : memref<64x16xf32, #tpu.memory_space<vmem>>, vector<16xf32>,
    tpu.vector_store %arg7[%swap3A_32, %swap3A_33], %broadcast_in_dim3A_30 {strides = array<i32>} : memref<64x16xf32, #tpu.memory_space<vmem>>, vector<16xf32>,
    %broadcast_in_dim3A_35 = arith.constant 0.000000e+00 : f32
    %broadcast_in_dim3A_36 = vector.broadcast %broadcast_in_dim3A_35 : f32 to vector<16xf32>
    %swap3A_37 = arith.constant 6 : i32
    %swap3A_38 = arith.index_cast %swap3A_37 : i32 to index
    %swap3A_39 = arith.constant 0 : index
    %swap3A_40 = tpu.vector_load %arg7[%swap3A_38, %swap3A_39] {strides = array<i32>} : memref<64x16xf32, #tpu.memory_space<vmem>>, vector<16xf32>,
    tpu.vector_store %arg7[%swap3A_38, %swap3A_39], %broadcast_in_dim3A_36 {strides = array<i32>} : memref<64x16xf32, #tpu.memory_space<vmem>>, vector<16xf32>,
    %broadcast_in_dim3A_41 = arith.constant 0.000000e+00 : f32
    %broadcast_in_dim3A_42 = vector.broadcast %broadcast_in_dim3A_41 : f32 to vector<16xf32>
    %swap3A_43 = arith.constant 7 : i32
    %swap3A_44 = arith.index_cast %swap3A_43 : i32 to index
    %swap3A_45 = arith.constant 0 : index
    %swap3A_46 = tpu.vector_load %arg7[%swap3A_44, %swap3A_45] {strides = array<i32>} : memref<64x16xf32, #tpu.memory_space<vmem>>, vector<16xf32>,
    tpu.vector_store %arg7[%swap3A_44, %swap3A_45], %broadcast_in_dim3A_42 {strides = array<i32>} : memref<64x16xf32, #tpu.memory_space<vmem>>, vector<16xf32>,
    %broadcast_in_dim3A_47 = arith.constant 0.000000e+00 : f32
    %broadcast_in_dim3A_48 = vector.broadcast %broadcast_in_dim3A_47 : f32 to vector<16xf32>
    %swap3A_49 = arith.constant 8 : i32
    %swap3A_50 = arith.index_cast %swap3A_49 : i32 to index
    %swap3A_51 = arith.constant 0 : index
    %swap3A_52 = tpu.vector_load %arg7[%swap3A_50, %swap3A_51] {strides = array<i32>} : memref<64x16xf32, #tpu.memory_space<vmem>>, vector<16xf32>,
    tpu.vector_store %arg7[%swap3A_50, %swap3A_51], %broadcast_in_dim3A_48 {strides = array<i32>} : memref<64x16xf32, #tpu.memory_space<vmem>>, vector<16xf32>,
    %broadcast_in_dim3A_53 = arith.constant 0.000000e+00 : f32
    %broadcast_in_dim3A_54 = vector.broadcast %broadcast_in_dim3A_53 : f32 to vector<16xf32>
    %swap3A_55 = arith.constant 9 : i32
    %swap3A_56 = arith.index_cast %swap3A_55 : i32 to index
    %swap3A_57 = arith.constant 0 : index
    %swap3A_58 = tpu.vector_load %arg7[%swap3A_56, %swap3A_57] {strides = array<i32>} : memref<64x16xf32, #tpu.memory_space<vmem>>, vector<16xf32>,
    tpu.vector_store %arg7[%swap3A_56, %swap3A_57], %broadcast_in_dim3A_54 {strides = array<i32>} : memref<64x16xf32, #tpu.memory_space<vmem>>, vector<16xf32>,
    %broadcast_in_dim3A_59 = arith.constant 0.000000e+00 : f32
    %broadcast_in_dim3A_60 = vector.broadcast %broadcast_in_dim3A_59 : f32 to vector<16xf32>
    %swap3A_61 = arith.constant 10 : i32
    %swap3A_62 = arith.index_cast %swap3A_61 : i32 to index
    %swap3A_63 = arith.constant 0 : index
    %swap3A_64 = tpu.vector_load %arg7[%swap3A_62, %swap3A_63] {strides = array<i32>} : memref<64x16xf32, #tpu.memory_space<vmem>>, vector<16xf32>,
    tpu.vector_store %arg7[%swap3A_62, %swap3A_63], %broadcast_in_dim3A_60 {strides = array<i32>} : memref<64x16xf32, #tpu.memory_space<vmem>>, vector<16xf32>,
    %broadcast_in_dim3A_65 = arith.constant 0.000000e+00 : f32
    %broadcast_in_dim3A_66 = vector.broadcast %broadcast_in_dim3A_65 : f32 to vector<16xf32>
    %swap3A_67 = arith.constant 11 : i32
    %swap3A_68 = arith.index_cast %swap3A_67 : i32 to index
    %swap3A_69 = arith.constant 0 : index
    %swap3A_70 = tpu.vector_load %arg7[%swap3A_68, %swap3A_69] {strides = array<i32>} : memref<64x16xf32, #tpu.memory_space<vmem>>, vector<16xf32>,
    tpu.vector_store %arg7[%swap3A_68, %swap3A_69], %broadcast_in_dim3A_66 {strides = array<i32>} : memref<64x16xf32, #tpu.memory_space<vmem>>, vector<16xf32>,
    %broadcast_in_dim3A_71 = arith.constant 0.000000e+00 : f32
    %broadcast_in_dim3A_72 = vector.broadcast %broadcast_in_dim3A_71 : f32 to vector<16xf32>
    %swap3A_73 = arith.constant 12 : i32
    %swap3A_74 = arith.index_cast %swap3A_73 : i32 to index
    %swap3A_75 = arith.constant 0 : index
    %swap3A_76 = tpu.vector_load %arg7[%swap3A_74, %swap3A_75] {strides = array<i32>} : memref<64x16xf32, #tpu.memory_space<vmem>>, vector<16xf32>,
    tpu.vector_store %arg7[%swap3A_74, %swap3A_75], %broadcast_in_dim3A_72 {strides = array<i32>} : memref<64x16xf32, #tpu.memory_space<vmem>>, vector<16xf32>,
    %broadcast_in_dim3A_77 = arith.constant 0.000000e+00 : f32
    %broadcast_in_dim3A_78 = vector.broadcast %broadcast_in_dim3A_77 : f32 to vector<16xf32>
    %swap3A_79 = arith.constant 13 : i32
    %swap3A_80 = arith.index_cast %swap3A_79 : i32 to index
    %swap3A_81 = arith.constant 0 : index
    %swap3A_82 = tpu.vector_load %arg7[%swap3A_80, %swap3A_81] {strides = array<i32>} : memref<64x16xf32, #tpu.memory_space<vmem>>, vector<16xf32>,
    tpu.vector_store %arg7[%swap3A_80, %swap3A_81], %broadcast_in_dim3A_78 {strides = array<i32>} : memref<64x16xf32, #tpu.memory_space<vmem>>, vector<16xf32>,
    %broadcast_in_dim3A_83 = arith.constant 0.000000e+00 : f32
    %broadcast_in_dim3A_84 = vector.broadcast %broadcast_in_dim3A_83 : f32 to vector<16xf32>
    %swap3A_85 = arith.constant 14 : i32
    %swap3A_86 = arith.index_cast %swap3A_85 : i32 to index
    %swap3A_87 = arith.constant 0 : index
    %swap3A_88 = tpu.vector_load %arg7[%swap3A_86, %swap3A_87] {strides = array<i32>} : memref<64x16xf32, #tpu.memory_space<vmem>>, vector<16xf32>,
    tpu.vector_store %arg7[%swap3A_86, %swap3A_87], %broadcast_in_dim3A_84 {strides = array<i32>} : memref<64x16xf32, #tpu.memory_space<vmem>>, vector<16xf32>,
    %broadcast_in_dim3A_89 = arith.constant 0.000000e+00 : f32
    %broadcast_in_dim3A_90 = vector.broadcast %broadcast_in_dim3A_89 : f32 to vector<16xf32>
    %swap3A_91 = arith.constant 15 : i32
    %swap3A_92 = arith.index_cast %swap3A_91 : i32 to index
    %swap3A_93 = arith.constant 0 : index
    %swap3A_94 = tpu.vector_load %arg7[%swap3A_92, %swap3A_93] {strides = array<i32>} : memref<64x16xf32, #tpu.memory_space<vmem>>, vector<16xf32>,
    tpu.vector_store %arg7[%swap3A_92, %swap3A_93], %broadcast_in_dim3A_90 {strides = array<i32>} : memref<64x16xf32, #tpu.memory_space<vmem>>, vector<16xf32>,
    %broadcast_in_dim3A_95 = arith.constant 0.000000e+00 : f32
    %broadcast_in_dim3A_96 = vector.broadcast %broadcast_in_dim3A_95 : f32 to vector<16xf32>
    %swap3A_97 = arith.constant 16 : i32
    %swap3A_98 = arith.index_cast %swap3A_97 : i32 to index
    %swap3A_99 = arith.constant 0 : index
    %swap3A_100 = tpu.vector_load %arg7[%swap3A_98, %swap3A_99] {strides = array<i32>} : memref<64x16xf32, #tpu.memory_space<vmem>>, vector<16xf32>,
    tpu.vector_store %arg7[%swap3A_98, %swap3A_99], %broadcast_in_dim3A_96 {strides = array<i32>} : memref<64x16xf32, #tpu.memory_space<vmem>>, vector<16xf32>,
    %broadcast_in_dim3A_101 = arith.constant 0.000000e+00 : f32
    %broadcast_in_dim3A_102 = vector.broadcast %broadcast_in_dim3A_101 : f32 to vector<16xf32>
    %swap3A_103 = arith.constant 17 : i32
    %swap3A_104 = arith.index_cast %swap3A_103 : i32 to index
    %swap3A_105 = arith.constant 0 : index
    %swap3A_106 = tpu.vector_load %arg7[%swap3A_104, %swap3A_105] {strides = array<i32>} : memref<64x16xf32, #tpu.memory_space<vmem>>, vector<16xf32>,
    tpu.vector_store %arg7[%swap3A_104, %swap3A_105], %broadcast_in_dim3A_102 {strides = array<i32>} : memref<64x16xf32, #tpu.memory_space<vmem>>, vector<16xf32>,
    %broadcast_in_dim3A_107 = arith.constant 0.000000e+00 : f32
    %broadcast_in_dim3A_108 = vector.broadcast %broadcast_in_dim3A_107 : f32 to vector<16xf32>
    %swap3A_109 = arith.constant 18 : i32
    %swap3A_110 = arith.index_cast %swap3A_109 : i32 to index
    %swap3A_111 = arith.constant 0 : index
    %swap3A_112 = tpu.vector_load %arg7[%swap3A_110, %swap3A_111] {strides = array<i32>} : memref<64x16xf32, #tpu.memory_space<vmem>>, vector<16xf32>,
    tpu.vector_store %arg7[%swap3A_110, %swap3A_111], %broadcast_in_dim3A_108 {strides = array<i32>} : memref<64x16xf32, #tpu.memory_space<vmem>>, vector<16xf32>,
    %broadcast_in_dim3A_113 = arith.constant 0.000000e+00 : f32
    %broadcast_in_dim3A_114 = vector.broadcast %broadcast_in_dim3A_113 : f32 to vector<16xf32>
    %swap3A_115 = arith.constant 19 : i32
    %swap3A_116 = arith.index_cast %swap3A_115 : i32 to index
    %swap3A_117 = arith.constant 0 : index
    %swap3A_118 = tpu.vector_load %arg7[%swap3A_116, %swap3A_117] {strides = array<i32>} : memref<64x16xf32, #tpu.memory_space<vmem>>, vector<16xf32>,
    tpu.vector_store %arg7[%swap3A_116, %swap3A_117], %broadcast_in_dim3A_114 {strides = array<i32>} : memref<64x16xf32, #tpu.memory_space<vmem>>, vector<16xf32>,
    %broadcast_in_dim3A_119 = arith.constant 0.000000e+00 : f32
    %broadcast_in_dim3A_120 = vector.broadcast %broadcast_in_dim3A_119 : f32 to vector<16xf32>
    %swap3A_121 = arith.constant 20 : i32
    %swap3A_122 = arith.index_cast %swap3A_121 : i32 to index
    %swap3A_123 = arith.constant 0 : index
    %swap3A_124 = tpu.vector_load %arg7[%swap3A_122, %swap3A_123] {strides = array<i32>} : memref<64x16xf32, #tpu.memory_space<vmem>>, vector<16xf32>,
    tpu.vector_store %arg7[%swap3A_122, %swap3A_123], %broadcast_in_dim3A_120 {strides = array<i32>} : memref<64x16xf32, #tpu.memory_space<vmem>>, vector<16xf32>,
    %broadcast_in_dim3A_125 = arith.constant 0.000000e+00 : f32
    %broadcast_in_dim3A_126 = vector.broadcast %broadcast_in_dim3A_125 : f32 to vector<16xf32>
    %swap3A_127 = arith.constant 21 : i32
    %swap3A_128 = arith.index_cast %swap3A_127 : i32 to index
    %swap3A_129 = arith.constant 0 : index
    %swap3A_130 = tpu.vector_load %arg7[%swap3A_128, %swap3A_129] {strides = array<i32>} : memref<64x16xf32, #tpu.memory_space<vmem>>, vector<16xf32>,
    tpu.vector_store %arg7[%swap3A_128, %swap3A_129], %broadcast_in_dim3A_126 {strides = array<i32>} : memref<64x16xf32, #tpu.memory_space<vmem>>, vector<16xf32>,
    %broadcast_in_dim3A_131 = arith.constant 0.000000e+00 : f32
    %broadcast_in_dim3A_132 = vector.broadcast %broadcast_in_dim3A_131 : f32 to vector<16xf32>
    %swap3A_133 = arith.constant 22 : i32
    %swap3A_134 = arith.index_cast %swap3A_133 : i32 to index
    %swap3A_135 = arith.constant 0 : index
    %swap3A_136 = tpu.vector_load %arg7[%swap3A_134, %swap3A_135] {strides = array<i32>} : memref<64x16xf32, #tpu.memory_space<vmem>>, vector<16xf32>,
    tpu.vector_store %arg7[%swap3A_134, %swap3A_135], %broadcast_in_dim3A_132 {strides = array<i32>} : memref<64x16xf32, #tpu.memory_space<vmem>>, vector<16xf32>,
    %broadcast_in_dim3A_137 = arith.constant 0.000000e+00 : f32
    %broadcast_in_dim3A_138 = vector.broadcast %broadcast_in_dim3A_137 : f32 to vector<16xf32>
    %swap3A_139 = arith.constant 23 : i32
    %swap3A_140 = arith.index_cast %swap3A_139 : i32 to index
    %swap3A_141 = arith.constant 0 : index
    %swap3A_142 = tpu.vector_load %arg7[%swap3A_140, %swap3A_141] {strides = array<i32>} : memref<64x16xf32, #tpu.memory_space<vmem>>, vector<16xf32>,
    tpu.vector_store %arg7[%swap3A_140, %swap3A_141], %broadcast_in_dim3A_138 {strides = array<i32>} : memref<64x16xf32, #tpu.memory_space<vmem>>, vector<16xf32>,
    %broadcast_in_dim3A_143 = arith.constant 0.000000e+00 : f32
    %broadcast_in_dim3A_144 = vector.broadcast %broadcast_in_dim3A_143 : f32 to vector<16xf32>
    %swap3A_145 = arith.constant 24 : i32
    %swap3A_146 = arith.index_cast %swap3A_145 : i32 to index
    %swap3A_147 = arith.constant 0 : index
    %swap3A_148 = tpu.vector_load %arg7[%swap3A_146, %swap3A_147] {strides = array<i32>} : memref<64x16xf32, #tpu.memory_space<vmem>>, vector<16xf32>,
    tpu.vector_store %arg7[%swap3A_146, %swap3A_147], %broadcast_in_dim3A_144 {strides = array<i32>} : memref<64x16xf32, #tpu.memory_space<vmem>>, vector<16xf32>,
    %broadcast_in_dim3A_149 = arith.constant 0.000000e+00 : f32
    %broadcast_in_dim3A_150 = vector.broadcast %broadcast_in_dim3A_149 : f32 to vector<16xf32>
    %swap3A_151 = arith.constant 25 : i32
    %swap3A_152 = arith.index_cast %swap3A_151 : i32 to index
    %swap3A_153 = arith.constant 0 : index
    %swap3A_154 = tpu.vector_load %arg7[%swap3A_152, %swap3A_153] {strides = array<i32>} : memref<64x16xf32, #tpu.memory_space<vmem>>, vector<16xf32>,
    tpu.vector_store %arg7[%swap3A_152, %swap3A_153], %broadcast_in_dim3A_150 {strides = array<i32>} : memref<64x16xf32, #tpu.memory_space<vmem>>, vector<16xf32>,
    %broadcast_in_dim3A_155 = arith.constant 0.000000e+00 : f32
    %broadcast_in_dim3A_156 = vector.broadcast %broadcast_in_dim3A_155 : f32 to vector<16xf32>
    %swap3A_157 = arith.constant 26 : i32
    %swap3A_158 = arith.index_cast %swap3A_157 : i32 to index
    %swap3A_159 = arith.constant 0 : index
    %swap3A_160 = tpu.vector_load %arg7[%swap3A_158, %swap3A_159] {strides = array<i32>} : memref<64x16xf32, #tpu.memory_space<vmem>>, vector<16xf32>,
    tpu.vector_store %arg7[%swap3A_158, %swap3A_159], %broadcast_in_dim3A_156 {strides = array<i32>} : memref<64x16xf32, #tpu.memory_space<vmem>>, vector<16xf32>,
    %broadcast_in_dim3A_161 = arith.constant 0.000000e+00 : f32
    %broadcast_in_dim3A_162 = vector.broadcast %broadcast_in_dim3A_161 : f32 to vector<16xf32>
    %swap3A_163 = arith.constant 27 : i32
    %swap3A_164 = arith.index_cast %swap3A_163 : i32 to index
    %swap3A_165 = arith.constant 0 : index
    %swap3A_166 = tpu.vector_load %arg7[%swap3A_164, %swap3A_165] {strides = array<i32>} : memref<64x16xf32, #tpu.memory_space<vmem>>, vector<16xf32>,
    tpu.vector_store %arg7[%swap3A_164, %swap3A_165], %broadcast_in_dim3A_162 {strides = array<i32>} : memref<64x16xf32, #tpu.memory_space<vmem>>, vector<16xf32>,
    %broadcast_in_dim3A_167 = arith.constant 0.000000e+00 : f32
    %broadcast_in_dim3A_168 = vector.broadcast %broadcast_in_dim3A_167 : f32 to vector<16xf32>
    %swap3A_169 = arith.constant 28 : i32
    %swap3A_170 = arith.index_cast %swap3A_169 : i32 to index
    %swap3A_171 = arith.constant 0 : index
    %swap3A_172 = tpu.vector_load %arg7[%swap3A_170, %swap3A_171] {strides = array<i32>} : memref<64x16xf32, #tpu.memory_space<vmem>>, vector<16xf32>,
    tpu.vector_store %arg7[%swap3A_170, %swap3A_171], %broadcast_in_dim3A_168 {strides = array<i32>} : memref<64x16xf32, #tpu.memory_space<vmem>>, vector<16xf32>,
    %broadcast_in_dim3A_173 = arith.constant 0.000000e+00 : f32
    %broadcast_in_dim3A_174 = vector.broadcast %broadcast_in_dim3A_173 : f32 to vector<16xf32>
    %swap3A_175 = arith.constant 29 : i32
    %swap3A_176 = arith.index_cast %swap3A_175 : i32 to index
    %swap3A_177 = arith.constant 0 : index
    %swap3A_178 = tpu.vector_load %arg7[%swap3A_176, %swap3A_177] {strides = array<i32>} : memref<64x16xf32, #tpu.memory_space<vmem>>, vector<16xf32>,
    tpu.vector_store %arg7[%swap3A_176, %swap3A_177], %broadcast_in_dim3A_174 {strides = array<i32>} : memref<64x16xf32, #tpu.memory_space<vmem>>, vector<16xf32>,
    %broadcast_in_dim3A_179 = arith.constant 0.000000e+00 : f32
    %broadcast_in_dim3A_180 = vector.broadcast %broadcast_in_dim3A_179 : f32 to vector<16xf32>
    %swap3A_181 = arith.constant 30 : i32
    %swap3A_182 = arith.index_cast %swap3A_181 : i32 to index
    %swap3A_183 = arith.constant 0 : index
    %swap3A_184 = tpu.vector_load %arg7[%swap3A_182, %swap3A_183] {strides = array<i32>} : memref<64x16xf32, #tpu.memory_space<vmem>>, vector<16xf32>,
    tpu.vector_store %arg7[%swap3A_182, %swap3A_183], %broadcast_in_dim3A_180 {strides = array<i32>} : memref<64x16xf32, #tpu.memory_space<vmem>>, vector<16xf32>,
    %broadcast_in_dim3A_185 = arith.constant 0.000000e+00 : f32
    %broadcast_in_dim3A_186 = vector.broadcast %broadcast_in_dim3A_185 : f32 to vector<16xf32>
    %swap3A_187 = arith.constant 31 : i32
    %swap3A_188 = arith.index_cast %swap3A_187 : i32 to index
    %swap3A_189 = arith.constant 0 : index
    %swap3A_190 = tpu.vector_load %arg7[%swap3A_188, %swap3A_189] {strides = array<i32>} : memref<64x16xf32, #tpu.memory_space<vmem>>, vector<16xf32>,
    tpu.vector_store %arg7[%swap3A_188, %swap3A_189], %broadcast_in_dim3A_186 {strides = array<i32>} : memref<64x16xf32, #tpu.memory_space<vmem>>, vector<16xf32>,
    %broadcast_in_dim3A_191 = arith.constant 0.000000e+00 : f32
    %broadcast_in_dim3A_192 = vector.broadcast %broadcast_in_dim3A_191 : f32 to vector<16xf32>
    %swap3A_193 = arith.constant 32 : i32
    %swap3A_194 = arith.index_cast %swap3A_193 : i32 to index
    %swap3A_195 = arith.constant 0 : index
    %swap3A_196 = tpu.vector_load %arg7[%swap3A_194, %swap3A_195] {strides = array<i32>} : memref<64x16xf32, #tpu.memory_space<vmem>>, vector<16xf32>,
    tpu.vector_store %arg7[%swap3A_194, %swap3A_195], %broadcast_in_dim3A_192 {strides = array<i32>} : memref<64x16xf32, #tpu.memory_space<vmem>>, vector<16xf32>,
    %broadcast_in_dim3A_197 = arith.constant 0.000000e+00 : f32
    %broadcast_in_dim3A_198 = vector.broadcast %broadcast_in_dim3A_197 : f32 to vector<16xf32>
    %swap3A_199 = arith.constant 33 : i32
    %swap3A_200 = arith.index_cast %swap3A_199 : i32 to index
    %swap3A_201 = arith.constant 0 : index
    %swap3A_202 = tpu.vector_load %arg7[%swap3A_200, %swap3A_201] {strides = array<i32>} : memref<64x16xf32, #tpu.memory_space<vmem>>, vector<16xf32>,
    tpu.vector_store %arg7[%swap3A_200, %swap3A_201], %broadcast_in_dim3A_198 {strides = array<i32>} : memref<64x16xf32, #tpu.memory_space<vmem>>, vector<16xf32>,
    %broadcast_in_dim3A_203 = arith.constant 0.000000e+00 : f32
    %broadcast_in_dim3A_204 = vector.broadcast %broadcast_in_dim3A_203 : f32 to vector<16xf32>
    %swap3A_205 = arith.constant 34 : i32
    %swap3A_206 = arith.index_cast %swap3A_205 : i32 to index
    %swap3A_207 = arith.constant 0 : index
    %swap3A_208 = tpu.vector_load %arg7[%swap3A_206, %swap3A_207] {strides = array<i32>} : memref<64x16xf32, #tpu.memory_space<vmem>>, vector<16xf32>,
    tpu.vector_store %arg7[%swap3A_206, %swap3A_207], %broadcast_in_dim3A_204 {strides = array<i32>} : memref<64x16xf32, #tpu.memory_space<vmem>>, vector<16xf32>,
    %broadcast_in_dim3A_209 = arith.constant 0.000000e+00 : f32
    %broadcast_in_dim3A_210 = vector.broadcast %broadcast_in_dim3A_209 : f32 to vector<16xf32>
    %swap3A_211 = arith.constant 35 : i32
    %swap3A_212 = arith.index_cast %swap3A_211 : i32 to index
    %swap3A_213 = arith.constant 0 : index
    %swap3A_214 = tpu.vector_load %arg7[%swap3A_212, %swap3A_213] {strides = array<i32>} : memref<64x16xf32, #tpu.memory_space<vmem>>, vector<16xf32>,
    tpu.vector_store %arg7[%swap3A_212, %swap3A_213], %broadcast_in_dim3A_210 {strides = array<i32>} : memref<64x16xf32, #tpu.memory_space<vmem>>, vector<16xf32>,
    %broadcast_in_dim3A_215 = arith.constant 0.000000e+00 : f32
    %broadcast_in_dim3A_216 = vector.broadcast %broadcast_in_dim3A_215 : f32 to vector<16xf32>
    %swap3A_217 = arith.constant 36 : i32
    %swap3A_218 = arith.index_cast %swap3A_217 : i32 to index
    %swap3A_219 = arith.constant 0 : index
    %swap3A_220 = tpu.vector_load %arg7[%swap3A_218, %swap3A_219] {strides = array<i32>} : memref<64x16xf32, #tpu.memory_space<vmem>>, vector<16xf32>,
    tpu.vector_store %arg7[%swap3A_218, %swap3A_219], %broadcast_in_dim3A_216 {strides = array<i32>} : memref<64x16xf32, #tpu.memory_space<vmem>>, vector<16xf32>,
    %broadcast_in_dim3A_221 = arith.constant 0.000000e+00 : f32
    %broadcast_in_dim3A_222 = vector.broadcast %broadcast_in_dim3A_221 : f32 to vector<16xf32>
    %swap3A_223 = arith.constant 37 : i32
    %swap3A_224 = arith.index_cast %swap3A_223 : i32 to index
    %swap3A_225 = arith.constant 0 : index
    %swap3A_226 = tpu.vector_load %arg7[%swap3A_224, %swap3A_225] {strides = array<i32>} : memref<64x16xf32, #tpu.memory_space<vmem>>, vector<16xf32>,
    tpu.vector_store %arg7[%swap3A_224, %swap3A_225], %broadcast_in_dim3A_222 {strides = array<i32>} : memref<64x16xf32, #tpu.memory_space<vmem>>, vector<16xf32>,
    %broadcast_in_dim3A_227 = arith.constant 0.000000e+00 : f32
    %broadcast_in_dim3A_228 = vector.broadcast %broadcast_in_dim3A_227 : f32 to vector<16xf32>
    %swap3A_229 = arith.constant 38 : i32
    %swap3A_230 = arith.index_cast %swap3A_229 : i32 to index
    %swap3A_231 = arith.constant 0 : index
    %swap3A_232 = tpu.vector_load %arg7[%swap3A_230, %swap3A_231] {strides = array<i32>} : memref<64x16xf32, #tpu.memory_space<vmem>>, vector<16xf32>,
    tpu.vector_store %arg7[%swap3A_230, %swap3A_231], %broadcast_in_dim3A_228 {strides = array<i32>} : memref<64x16xf32, #tpu.memory_space<vmem>>, vector<16xf32>,
    %broadcast_in_dim3A_233 = arith.constant 0.000000e+00 : f32
    %broadcast_in_dim3A_234 = vector.broadcast %broadcast_in_dim3A_233 : f32 to vector<16xf32>
    %swap3A_235 = arith.constant 39 : i32
    %swap3A_236 = arith.index_cast %swap3A_235 : i32 to index
    %swap3A_237 = arith.constant 0 : index
    %swap3A_238 = tpu.vector_load %arg7[%swap3A_236, %swap3A_237] {strides = array<i32>} : memref<64x16xf32, #tpu.memory_space<vmem>>, vector<16xf32>,
    tpu.vector_store %arg7[%swap3A_236, %swap3A_237], %broadcast_in_dim3A_234 {strides = array<i32>} : memref<64x16xf32, #tpu.memory_space<vmem>>, vector<16xf32>,
    %broadcast_in_dim3A_239 = arith.constant 0.000000e+00 : f32
    %broadcast_in_dim3A_240 = vector.broadcast %broadcast_in_dim3A_239 : f32 to vector<16xf32>
    %swap3A_241 = arith.constant 40 : i32
    %swap3A_242 = arith.index_cast %swap3A_241 : i32 to index
    %swap3A_243 = arith.constant 0 : index
    %swap3A_244 = tpu.vector_load %arg7[%swap3A_242, %swap3A_243] {strides = array<i32>} : memref<64x16xf32, #tpu.memory_space<vmem>>, vector<16xf32>,
    tpu.vector_store %arg7[%swap3A_242, %swap3A_243], %broadcast_in_dim3A_240 {strides = array<i32>} : memref<64x16xf32, #tpu.memory_space<vmem>>, vector<16xf32>,
    %broadcast_in_dim3A_245 = arith.constant 0.000000e+00 : f32
    %broadcast_in_dim3A_246 = vector.broadcast %broadcast_in_dim3A_245 : f32 to vector<16xf32>
    %swap3A_247 = arith.constant 41 : i32
    %swap3A_248 = arith.index_cast %swap3A_247 : i32 to index
    %swap3A_249 = arith.constant 0 : index
    %swap3A_250 = tpu.vector_load %arg7[%swap3A_248, %swap3A_249] {strides = array<i32>} : memref<64x16xf32, #tpu.memory_space<vmem>>, vector<16xf32>,
    tpu.vector_store %arg7[%swap3A_248, %swap3A_249], %broadcast_in_dim3A_246 {strides = array<i32>} : memref<64x16xf32, #tpu.memory_space<vmem>>, vector<16xf32>,
    %broadcast_in_dim3A_251 = arith.constant 0.000000e+00 : f32
    %broadcast_in_dim3A_252 = vector.broadcast %broadcast_in_dim3A_251 : f32 to vector<16xf32>
    %swap3A_253 = arith.constant 42 : i32
    %swap3A_254 = arith.index_cast %swap3A_253 : i32 to index
    %swap3A_255 = arith.constant 0 : index
    %swap3A_256 = tpu.vector_load %arg7[%swap3A_254, %swap3A_255] {strides = array<i32>} : memref<64x16xf32, #tpu.memory_space<vmem>>, vector<16xf32>,
    tpu.vector_store %arg7[%swap3A_254, %swap3A_255], %broadcast_in_dim3A_252 {strides = array<i32>} : memref<64x16xf32, #tpu.memory_space<vmem>>, vector<16xf32>,
    %broadcast_in_dim3A_257 = arith.constant 0.000000e+00 : f32
    %broadcast_in_dim3A_258 = vector.broadcast %broadcast_in_dim3A_257 : f32 to vector<16xf32>
    %swap3A_259 = arith.constant 43 : i32
    %swap3A_260 = arith.index_cast %swap3A_259 : i32 to index
    %swap3A_261 = arith.constant 0 : index
    %swap3A_262 = tpu.vector_load %arg7[%swap3A_260, %swap3A_261] {strides = array<i32>} : memref<64x16xf32, #tpu.memory_space<vmem>>, vector<16xf32>,
    tpu.vector_store %arg7[%swap3A_260, %swap3A_261], %broadcast_in_dim3A_258 {strides = array<i32>} : memref<64x16xf32, #tpu.memory_space<vmem>>, vector<16xf32>,
    %broadcast_in_dim3A_263 = arith.constant 0.000000e+00 : f32
    %broadcast_in_dim3A_264 = vector.broadcast %broadcast_in_dim3A_263 : f32 to vector<16xf32>
    %swap3A_265 = arith.constant 44 : i32
    %swap3A_266 = arith.index_cast %swap3A_265 : i32 to index
    %swap3A_267 = arith.constant 0 : index
    %swap3A_268 = tpu.vector_load %arg7[%swap3A_266, %swap3A_267] {strides = array<i32>} : memref<64x16xf32, #tpu.memory_space<vmem>>, vector<16xf32>,
    tpu.vector_store %arg7[%swap3A_266, %swap3A_267], %broadcast_in_dim3A_264 {strides = array<i32>} : memref<64x16xf32, #tpu.memory_space<vmem>>, vector<16xf32>,
    %broadcast_in_dim3A_269 = arith.constant 0.000000e+00 : f32
    %broadcast_in_dim3A_270 = vector.broadcast %broadcast_in_dim3A_269 : f32 to vector<16xf32>
    %swap3A_271 = arith.constant 45 : i32
    %swap3A_272 = arith.index_cast %swap3A_271 : i32 to index
    %swap3A_273 = arith.constant 0 : index
    %swap3A_274 = tpu.vector_load %arg7[%swap3A_272, %swap3A_273] {strides = array<i32>} : memref<64x16xf32, #tpu.memory_space<vmem>>, vector<16xf32>,
    tpu.vector_store %arg7[%swap3A_272, %swap3A_273], %broadcast_in_dim3A_270 {strides = array<i32>} : memref<64x16xf32, #tpu.memory_space<vmem>>, vector<16xf32>,
    %broadcast_in_dim3A_275 = arith.constant 0.000000e+00 : f32
    %broadcast_in_dim3A_276 = vector.broadcast %broadcast_in_dim3A_275 : f32 to vector<16xf32>
    %swap3A_277 = arith.constant 46 : i32
    %swap3A_278 = arith.index_cast %swap3A_277 : i32 to index
    %swap3A_279 = arith.constant 0 : index
    %swap3A_280 = tpu.vector_load %arg7[%swap3A_278, %swap3A_279] {strides = array<i32>} : memref<64x16xf32, #tpu.memory_space<vmem>>, vector<16xf32>,
    tpu.vector_store %arg7[%swap3A_278, %swap3A_279], %broadcast_in_dim3A_276 {strides = array<i32>} : memref<64x16xf32, #tpu.memory_space<vmem>>, vector<16xf32>,
    %broadcast_in_dim3A_281 = arith.constant 0.000000e+00 : f32
    %broadcast_in_dim3A_282 = vector.broadcast %broadcast_in_dim3A_281 : f32 to vector<16xf32>
    %swap3A_283 = arith.constant 47 : i32
    %swap3A_284 = arith.index_cast %swap3A_283 : i32 to index
    %swap3A_285 = arith.constant 0 : index
    %swap3A_286 = tpu.vector_load %arg7[%swap3A_284, %swap3A_285] {strides = array<i32>} : memref<64x16xf32, #tpu.memory_space<vmem>>, vector<16xf32>,
    tpu.vector_store %arg7[%swap3A_284, %swap3A_285], %broadcast_in_dim3A_282 {strides = array<i32>} : memref<64x16xf32, #tpu.memory_space<vmem>>, vector<16xf32>,
    %broadcast_in_dim3A_287 = arith.constant 0.000000e+00 : f32
    %broadcast_in_dim3A_288 = vector.broadcast %broadcast_in_dim3A_287 : f32 to vector<16xf32>
    %swap3A_289 = arith.constant 48 : i32
    %swap3A_290 = arith.index_cast %swap3A_289 : i32 to index
    %swap3A_291 = arith.constant 0 : index
    %swap3A_292 = tpu.vector_load %arg7[%swap3A_290, %swap3A_291] {strides = array<i32>} : memref<64x16xf32, #tpu.memory_space<vmem>>, vector<16xf32>,
    tpu.vector_store %arg7[%swap3A_290, %swap3A_291], %broadcast_in_dim3A_288 {strides = array<i32>} : memref<64x16xf32, #tpu.memory_space<vmem>>, vector<16xf32>,
    %broadcast_in_dim3A_293 = arith.constant 0.000000e+00 : f32
    %broadcast_in_dim3A_294 = vector.broadcast %broadcast_in_dim3A_293 : f32 to vector<16xf32>
    %swap3A_295 = arith.constant 49 : i32
    %swap3A_296 = arith.index_cast %swap3A_295 : i32 to index
    %swap3A_297 = arith.constant 0 : index
    %swap3A_298 = tpu.vector_load %arg7[%swap3A_296, %swap3A_297] {strides = array<i32>} : memref<64x16xf32, #tpu.memory_space<vmem>>, vector<16xf32>,
    tpu.vector_store %arg7[%swap3A_296, %swap3A_297], %broadcast_in_dim3A_294 {strides = array<i32>} : memref<64x16xf32, #tpu.memory_space<vmem>>, vector<16xf32>,
    %broadcast_in_dim3A_299 = arith.constant 0.000000e+00 : f32
    %broadcast_in_dim3A_300 = vector.broadcast %broadcast_in_dim3A_299 : f32 to vector<16xf32>
    %swap3A_301 = arith.constant 50 : i32
    %swap3A_302 = arith.index_cast %swap3A_301 : i32 to index
    %swap3A_303 = arith.constant 0 : index
    %swap3A_304 = tpu.vector_load %arg7[%swap3A_302, %swap3A_303] {strides = array<i32>} : memref<64x16xf32, #tpu.memory_space<vmem>>, vector<16xf32>,
    tpu.vector_store %arg7[%swap3A_302, %swap3A_303], %broadcast_in_dim3A_300 {strides = array<i32>} : memref<64x16xf32, #tpu.memory_space<vmem>>, vector<16xf32>,
    %broadcast_in_dim3A_305 = arith.constant 0.000000e+00 : f32
    %broadcast_in_dim3A_306 = vector.broadcast %broadcast_in_dim3A_305 : f32 to vector<16xf32>
    %swap3A_307 = arith.constant 51 : i32
    %swap3A_308 = arith.index_cast %swap3A_307 : i32 to index
    %swap3A_309 = arith.constant 0 : index
    %swap3A_310 = tpu.vector_load %arg7[%swap3A_308, %swap3A_309] {strides = array<i32>} : memref<64x16xf32, #tpu.memory_space<vmem>>, vector<16xf32>,
    tpu.vector_store %arg7[%swap3A_308, %swap3A_309], %broadcast_in_dim3A_306 {strides = array<i32>} : memref<64x16xf32, #tpu.memory_space<vmem>>, vector<16xf32>,
    %broadcast_in_dim3A_311 = arith.constant 0.000000e+00 : f32
    %broadcast_in_dim3A_312 = vector.broadcast %broadcast_in_dim3A_311 : f32 to vector<16xf32>
    %swap3A_313 = arith.constant 52 : i32
    %swap3A_314 = arith.index_cast %swap3A_313 : i32 to index
    %swap3A_315 = arith.constant 0 : index
    %swap3A_316 = tpu.vector_load %arg7[%swap3A_314, %swap3A_315] {strides = array<i32>} : memref<64x16xf32, #tpu.memory_space<vmem>>, vector<16xf32>,
    tpu.vector_store %arg7[%swap3A_314, %swap3A_315], %broadcast_in_dim3A_312 {strides = array<i32>} : memref<64x16xf32, #tpu.memory_space<vmem>>, vector<16xf32>,
    %broadcast_in_dim3A_317 = arith.constant 0.000000e+00 : f32
    %broadcast_in_dim3A_318 = vector.broadcast %broadcast_in_dim3A_317 : f32 to vector<16xf32>
    %swap3A_319 = arith.constant 53 : i32
    %swap3A_320 = arith.index_cast %swap3A_319 : i32 to index
    %swap3A_321 = arith.constant 0 : index
    %swap3A_322 = tpu.vector_load %arg7[%swap3A_320, %swap3A_321] {strides = array<i32>} : memref<64x16xf32, #tpu.memory_space<vmem>>, vector<16xf32>,
    tpu.vector_store %arg7[%swap3A_320, %swap3A_321], %broadcast_in_dim3A_318 {strides = array<i32>} : memref<64x16xf32, #tpu.memory_space<vmem>>, vector<16xf32>,
    %broadcast_in_dim3A_323 = arith.constant 0.000000e+00 : f32
    %broadcast_in_dim3A_324 = vector.broadcast %broadcast_in_dim3A_323 : f32 to vector<16xf32>
    %swap3A_325 = arith.constant 54 : i32
    %swap3A_326 = arith.index_cast %swap3A_325 : i32 to index
    %swap3A_327 = arith.constant 0 : index
    %swap3A_328 = tpu.vector_load %arg7[%swap3A_326, %swap3A_327] {strides = array<i32>} : memref<64x16xf32, #tpu.memory_space<vmem>>, vector<16xf32>,
    tpu.vector_store %arg7[%swap3A_326, %swap3A_327], %broadcast_in_dim3A_324 {strides = array<i32>} : memref<64x16xf32, #tpu.memory_space<vmem>>, vector<16xf32>,
    %broadcast_in_dim3A_329 = arith.constant 0.000000e+00 : f32
    %broadcast_in_dim3A_330 = vector.broadcast %broadcast_in_dim3A_329 : f32 to vector<16xf32>
    %swap3A_331 = arith.constant 55 : i32
    %swap3A_332 = arith.index_cast %swap3A_331 : i32 to index
    %swap3A_333 = arith.constant 0 : index
    %swap3A_334 = tpu.vector_load %arg7[%swap3A_332, %swap3A_333] {strides = array<i32>} : memref<64x16xf32, #tpu.memory_space<vmem>>, vector<16xf32>,
    tpu.vector_store %arg7[%swap3A_332, %swap3A_333], %broadcast_in_dim3A_330 {strides = array<i32>} : memref<64x16xf32, #tpu.memory_space<vmem>>, vector<16xf32>,
    %broadcast_in_dim3A_335 = arith.constant 0.000000e+00 : f32
    %broadcast_in_dim3A_336 = vector.broadcast %broadcast_in_dim3A_335 : f32 to vector<16xf32>
    %swap3A_337 = arith.constant 56 : i32
    %swap3A_338 = arith.index_cast %swap3A_337 : i32 to index
    %swap3A_339 = arith.constant 0 : index
    %swap3A_340 = tpu.vector_load %arg7[%swap3A_338, %swap3A_339] {strides = array<i32>} : memref<64x16xf32, #tpu.memory_space<vmem>>, vector<16xf32>,
    tpu.vector_store %arg7[%swap3A_338, %swap3A_339], %broadcast_in_dim3A_336 {strides = array<i32>} : memref<64x16xf32, #tpu.memory_space<vmem>>, vector<16xf32>,
    %broadcast_in_dim3A_341 = arith.constant 0.000000e+00 : f32
    %broadcast_in_dim3A_342 = vector.broadcast %broadcast_in_dim3A_341 : f32 to vector<16xf32>
    %swap3A_343 = arith.constant 57 : i32
    %swap3A_344 = arith.index_cast %swap3A_343 : i32 to index
    %swap3A_345 = arith.constant 0 : index
    %swap3A_346 = tpu.vector_load %arg7[%swap3A_344, %swap3A_345] {strides = array<i32>} : memref<64x16xf32, #tpu.memory_space<vmem>>, vector<16xf32>,
    tpu.vector_store %arg7[%swap3A_344, %swap3A_345], %broadcast_in_dim3A_342 {strides = array<i32>} : memref<64x16xf32, #tpu.memory_space<vmem>>, vector<16xf32>,
    %broadcast_in_dim3A_347 = arith.constant 0.000000e+00 : f32
    %broadcast_in_dim3A_348 = vector.broadcast %broadcast_in_dim3A_347 : f32 to vector<16xf32>
    %swap3A_349 = arith.constant 58 : i32
    %swap3A_350 = arith.index_cast %swap3A_349 : i32 to index
    %swap3A_351 = arith.constant 0 : index
    %swap3A_352 = tpu.vector_load %arg7[%swap3A_350, %swap3A_351] {strides = array<i32>} : memref<64x16xf32, #tpu.memory_space<vmem>>, vector<16xf32>,
    tpu.vector_store %arg7[%swap3A_350, %swap3A_351], %broadcast_in_dim3A_348 {strides = array<i32>} : memref<64x16xf32, #tpu.memory_space<vmem>>, vector<16xf32>,
    %broadcast_in_dim3A_353 = arith.constant 0.000000e+00 : f32
    %broadcast_in_dim3A_354 = vector.broadcast %broadcast_in_dim3A_353 : f32 to vector<16xf32>
    %swap3A_355 = arith.constant 59 : i32
    %swap3A_356 = arith.index_cast %swap3A_355 : i32 to index
    %swap3A_357 = arith.constant 0 : index
    %swap3A_358 = tpu.vector_load %arg7[%swap3A_356, %swap3A_357] {strides = array<i32>} : memref<64x16xf32, #tpu.memory_space<vmem>>, vector<16xf32>,
    tpu.vector_store %arg7[%swap3A_356, %swap3A_357], %broadcast_in_dim3A_354 {strides = array<i32>} : memref<64x16xf32, #tpu.memory_space<vmem>>, vector<16xf32>,
    %broadcast_in_dim3A_359 = arith.constant 0.000000e+00 : f32
    %broadcast_in_dim3A_360 = vector.broadcast %broadcast_in_dim3A_359 : f32 to vector<16xf32>
    %swap3A_361 = arith.constant 60 : i32
    %swap3A_362 = arith.index_cast %swap3A_361 : i32 to index
    %swap3A_363 = arith.constant 0 : index
    %swap3A_364 = tpu.vector_load %arg7[%swap3A_362, %swap3A_363] {strides = array<i32>} : memref<64x16xf32, #tpu.memory_space<vmem>>, vector<16xf32>,
    tpu.vector_store %arg7[%swap3A_362, %swap3A_363], %broadcast_in_dim3A_360 {strides = array<i32>} : memref<64x16xf32, #tpu.memory_space<vmem>>, vector<16xf32>,
    %broadcast_in_dim3A_365 = arith.constant 0.000000e+00 : f32
    %broadcast_in_dim3A_366 = vector.broadcast %broadcast_in_dim3A_365 : f32 to vector<16xf32>
    %swap3A_367 = arith.constant 61 : i32
    %swap3A_368 = arith.index_cast %swap3A_367 : i32 to index
    %swap3A_369 = arith.constant 0 : index
    %swap3A_370 = tpu.vector_load %arg7[%swap3A_368, %swap3A_369] {strides = array<i32>} : memref<64x16xf32, #tpu.memory_space<vmem>>, vector<16xf32>,
    tpu.vector_store %arg7[%swap3A_368, %swap3A_369], %broadcast_in_dim3A_366 {strides = array<i32>} : memref<64x16xf32, #tpu.memory_space<vmem>>, vector<16xf32>,
    %broadcast_in_dim3A_371 = arith.constant 0.000000e+00 : f32
    %broadcast_in_dim3A_372 = vector.broadcast %broadcast_in_dim3A_371 : f32 to vector<16xf32>
    %swap3A_373 = arith.constant 62 : i32
    %swap3A_374 = arith.index_cast %swap3A_373 : i32 to index
    %swap3A_375 = arith.constant 0 : index
    %swap3A_376 = tpu.vector_load %arg7[%swap3A_374, %swap3A_375] {strides = array<i32>} : memref<64x16xf32, #tpu.memory_space<vmem>>, vector<16xf32>,
    tpu.vector_store %arg7[%swap3A_374, %swap3A_375], %broadcast_in_dim3A_372 {strides = array<i32>} : memref<64x16xf32, #tpu.memory_space<vmem>>, vector<16xf32>,
    %broadcast_in_dim3A_377 = arith.constant 0.000000e+00 : f32
    %broadcast_in_dim3A_378 = vector.broadcast %broadcast_in_dim3A_377 : f32 to vector<16xf32>
    %swap3A_379 = arith.constant 63 : i32
    %swap3A_380 = arith.index_cast %swap3A_379 : i32 to index
    %swap3A_381 = arith.constant 0 : index
    %swap3A_382 = tpu.vector_load %arg7[%swap3A_380, %swap3A_381] {strides = array<i32>} : memref<64x16xf32, #tpu.memory_space<vmem>>, vector<16xf32>,
    tpu.vector_store %arg7[%swap3A_380, %swap3A_381], %broadcast_in_dim3A_378 {strides = array<i32>} : memref<64x16xf32, #tpu.memory_space<vmem>>, vector<16xf32>,
    %mul3A_383 = arith.constant 6272 : i32
    %mul3A_384 = arith.muli %arg1, %mul3A_383 : i32
    %scan3A = arith.constant 0 : i32
    %scan3A_385 = arith.constant 98 : i32
    %scan3A_386 = arith.addi %scan3A, %scan3A_385 : i32
    %scan3A_387 = arith.constant 1 : i32
    scf.for %scan3A_400 = %scan3A to %scan3A_386 step %scan3A_387  : i32 {
      %mul3A_401 = arith.constant 1 : i32
      %mul3A_402 = arith.muli %scan3A_400, %mul3A_401 : i32
      %add3A_403 = arith.constant 0 : i32
      %add3A_404 = arith.addi %add3A_403, %mul3A_402 : i32
      %mul3A_405 = arith.constant 64 : i32
      %mul3A_406 = arith.muli %add3A_404, %mul3A_405 : i32
      %add3A_407 = arith.addi %mul3A_384, %mul3A_406 : i32
      %add3A_408 = arith.constant 0 : i32
      %add3A_409 = arith.addi %add3A_407, %add3A_408 : i32
      %add3A_410 = vector.broadcast %add3A_409 : i32 to vector<16xi32>
      %add3A_411 = arith.addi %iota3A, %add3A_410 : vector<16xi32>
      %swap3A_412 = arith.constant 0 : i32
      %swap3A_413 = arith.index_cast %swap3A_412 : i32 to index
      %swap3A_414 = arith.constant 0 : index
      %swap3A_415 = tpu.vector_load %arg8[%swap3A_413, %swap3A_414] {strides = array<i32>} : memref<1x64xi32, #tpu.memory_space<vmem>>, vector<16xi32>,
      tpu.vector_store %arg8[%swap3A_413, %swap3A_414], %add3A_411 {strides = array<i32>} : memref<1x64xi32, #tpu.memory_space<vmem>>, vector<16xi32>,
      %add3A_416 = arith.constant 16 : i32
      %add3A_417 = arith.addi %add3A_407, %add3A_416 : i32
      %add3A_418 = vector.broadcast %add3A_417 : i32 to vector<16xi32>
      %add3A_419 = arith.addi %iota3A, %add3A_418 : vector<16xi32>
      %swap3A_420 = arith.constant 0 : i32
      %swap3A_421 = arith.index_cast %swap3A_420 : i32 to index
      %swap3A_422 = arith.constant 16 : index
      %swap3A_423 = tpu.vector_load %arg8[%swap3A_421, %swap3A_422] {strides = array<i32>} : memref<1x64xi32, #tpu.memory_space<vmem>>, vector<16xi32>,
      tpu.vector_store %arg8[%swap3A_421, %swap3A_422], %add3A_419 {strides = array<i32>} : memref<1x64xi32, #tpu.memory_space<vmem>>, vector<16xi32>,
      %add3A_424 = arith.constant 32 : i32
      %add3A_425 = arith.addi %add3A_407, %add3A_424 : i32
      %add3A_426 = vector.broadcast %add3A_425 : i32 to vector<16xi32>
      %add3A_427 = arith.addi %iota3A, %add3A_426 : vector<16xi32>
      %swap3A_428 = arith.constant 0 : i32
      %swap3A_429 = arith.index_cast %swap3A_428 : i32 to index
      %swap3A_430 = arith.constant 32 : index
      %swap3A_431 = tpu.vector_load %arg8[%swap3A_429, %swap3A_430] {strides = array<i32>} : memref<1x64xi32, #tpu.memory_space<vmem>>, vector<16xi32>,
      tpu.vector_store %arg8[%swap3A_429, %swap3A_430], %add3A_427 {strides = array<i32>} : memref<1x64xi32, #tpu.memory_space<vmem>>, vector<16xi32>,
      %add3A_432 = arith.constant 48 : i32
      %add3A_433 = arith.addi %add3A_407, %add3A_432 : i32
      %add3A_434 = vector.broadcast %add3A_433 : i32 to vector<16xi32>
      %add3A_435 = arith.addi %iota3A, %add3A_434 : vector<16xi32>
      %swap3A_436 = arith.constant 0 : i32
      %swap3A_437 = arith.index_cast %swap3A_436 : i32 to index
      %swap3A_438 = arith.constant 48 : index
      %swap3A_439 = tpu.vector_load %arg8[%swap3A_437, %swap3A_438] {strides = array<i32>} : memref<1x64xi32, #tpu.memory_space<vmem>>, vector<16xi32>,
      tpu.vector_store %arg8[%swap3A_437, %swap3A_438], %add3A_435 {strides = array<i32>} : memref<1x64xi32, #tpu.memory_space<vmem>>, vector<16xi32>,
      %run_scoped3A = arith.constant 0 : i32
      "tpu.region"() ({
        %run_scoped3A_440 = tpu.sem_alloc : memref<!tpu.dma_semaphore, #tpu.memory_space<semaphore_mem>>
        %dma_start3A = arith.constant 0 : i32
        %dma_start3A_441 = tpu.memref_slice %arg8[%run_scoped3A, %dma_start3A] : memref<1x64xi32, #tpu.memory_space<vmem>> -> memref<1x64xi32, #tpu.memory_space<vmem>>
        %dma_start3A_442 = tpu.memref_squeeze %dma_start3A_441 : memref<1x64xi32, #tpu.memory_space<vmem>> -> memref<64xi32, #tpu.memory_space<vmem>>
        %dma_start3A_443 = arith.constant 0 : i32
        %dma_start3A_444 = arith.constant 0 : i32
        %dma_start3A_445 = tpu.memref_slice %arg9[%dma_start3A_443, %dma_start3A_444] : memref<100352x16xf32, #tpu.memory_space<vmem_shared>> -> memref<100352x16xf32, #tpu.memory_space<vmem_shared>>
        tpu.enqueue_indirect_dma source(%arg7 : memref<64x16xf32, #tpu.memory_space<vmem>>) target(%dma_start3A_445 : memref<100352x16xf32, #tpu.memory_space<vmem_shared>>) offsets(%dma_start3A_442 : memref<64xi32, #tpu.memory_space<vmem>>) semaphore(%run_scoped3A_440 : memref<!tpu.dma_semaphore, #tpu.memory_space<semaphore_mem>>)
        %dma_wait3A = arith.constant 0 : i32
        %dma_wait3A_446 = tpu.memref_slice %arg8[%run_scoped3A, %dma_wait3A] : memref<1x64xi32, #tpu.memory_space<vmem>> -> memref<1x64xi32, #tpu.memory_space<vmem>>
        %dma_wait3A_447 = tpu.memref_squeeze %dma_wait3A_446 : memref<1x64xi32, #tpu.memory_space<vmem>> -> memref<64xi32, #tpu.memory_space<vmem>>
        %dma_wait3A_448 = arith.constant 0 : i32
        %dma_wait3A_449 = arith.constant 0 : i32
        %dma_wait3A_450 = tpu.memref_slice %arg9[%dma_wait3A_448, %dma_wait3A_449] : memref<100352x16xf32, #tpu.memory_space<vmem_shared>> -> memref<100352x16xf32, #tpu.memory_space<vmem_shared>>
        tpu.wait_indirect_dma semaphore(%run_scoped3A_440 : memref<!tpu.dma_semaphore, #tpu.memory_space<semaphore_mem>>) src(%arg7 : memref<64x16xf32, #tpu.memory_space<vmem>>) dst(%dma_wait3A_450 : memref<100352x16xf32, #tpu.memory_space<vmem_shared>>)
        tpu.yield
      }) : () -> ()
    }
    %scan3A_388 = arith.constant 98 : i32
    %barrier3A = arith.constant 0 : index
    tpu.barrier barrier_id(%barrier3A)
    %scan3A_389 = arith.constant 0 : i32
    %scan3A_390 = arith.constant 1568 : i32
    %scan3A_391 = arith.addi %scan3A_389, %scan3A_390 : i32
    %scan3A_392 = arith.constant 1 : i32
    scf.for %scan3A_400 = %scan3A_389 to %scan3A_391 step %scan3A_392  : i32 {
      %mul3A_401 = arith.constant 1 : i32
      %mul3A_402 = arith.muli %scan3A_400, %mul3A_401 : i32
      %add3A_403 = arith.constant 0 : i32
      %add3A_404 = arith.addi %add3A_403, %mul3A_402 : i32
      %mul3A_405 = arith.constant 1568 : i32
      %mul3A_406 = arith.muli %add3A, %mul3A_405 : i32
      %add3A_407 = arith.addi %mul3A_406, %add3A_404 : i32
      "tpu.region"() ({
        %run_scoped3A_410 = tpu.sem_alloc : memref<!tpu.dma_semaphore, #tpu.memory_space<semaphore_mem>>
        %dma_start3A = arith.constant 0 : i32
        %dma_start3A_411 = tpu.memref_slice %arg3[%add3A_407, %dma_start3A] : memref<50176x64xi32, #tpu.memory_space<hbm>> -> memref<1x64xi32, #tpu.memory_space<hbm>>
        %dma_start3A_412 = arith.constant 0 : i32
        %dma_start3A_413 = tpu.memref_slice %arg3[%add3A_407, %dma_start3A_412] : memref<50176x64xi32, #tpu.memory_space<hbm>> -> memref<1x64xi32, #tpu.memory_space<hbm>>
        tpu.enqueue_dma source(%dma_start3A_413 : memref<1x64xi32, #tpu.memory_space<hbm>>) target(%arg5 : memref<1x64xi32, #tpu.memory_space<vmem>>) target_semaphore(%run_scoped3A_410 : memref<!tpu.dma_semaphore, #tpu.memory_space<semaphore_mem>>)
        %dma_wait3A = arith.constant 0 : i32
        %dma_wait3A_414 = tpu.memref_slice %arg3[%add3A_407, %dma_wait3A] : memref<50176x64xi32, #tpu.memory_space<hbm>> -> memref<1x64xi32, #tpu.memory_space<hbm>>
        %dma_wait3A_415 = arith.constant 0 : i32
        %dma_wait3A_416 = tpu.memref_slice %arg3[%add3A_407, %dma_wait3A_415] : memref<50176x64xi32, #tpu.memory_space<hbm>> -> memref<1x64xi32, #tpu.memory_space<hbm>>
        tpu.wait_dma2 semaphore(%run_scoped3A_410 : memref<!tpu.dma_semaphore, #tpu.memory_space<semaphore_mem>>) src(%dma_wait3A_416 : memref<1x64xi32, #tpu.memory_space<hbm>>) dst(%arg5 : memref<1x64xi32, #tpu.memory_space<vmem>>)
        tpu.yield
      }) : () -> ()
      %mul3A_408 = arith.constant 64 : i32
      %mul3A_409 = arith.muli %add3A_407, %mul3A_408 : i32
      "tpu.region"() ({
        %run_scoped3A_410 = tpu.sem_alloc : memref<!tpu.dma_semaphore, #tpu.memory_space<semaphore_mem>>
        %dma_start3A = arith.constant 0 : i32
        %dma_start3A_411 = tpu.memref_slice %arg2[%mul3A_409, %dma_start3A] : memref<3211264x16xf32, #tpu.memory_space<hbm>> -> memref<64x16xf32, #tpu.memory_space<hbm>>
        %dma_start3A_412 = arith.constant 0 : i32
        %dma_start3A_413 = tpu.memref_slice %arg2[%mul3A_409, %dma_start3A_412] : memref<3211264x16xf32, #tpu.memory_space<hbm>> -> memref<64x16xf32, #tpu.memory_space<hbm>>
        tpu.enqueue_dma source(%dma_start3A_413 : memref<64x16xf32, #tpu.memory_space<hbm>>) target(%arg6 : memref<64x16xf32, #tpu.memory_space<vmem>>) target_semaphore(%run_scoped3A_410 : memref<!tpu.dma_semaphore, #tpu.memory_space<semaphore_mem>>)
        %dma_wait3A = arith.constant 0 : i32
        %dma_wait3A_414 = tpu.memref_slice %arg2[%mul3A_409, %dma_wait3A] : memref<3211264x16xf32, #tpu.memory_space<hbm>> -> memref<64x16xf32, #tpu.memory_space<hbm>>
        %dma_wait3A_415 = arith.constant 0 : i32
        %dma_wait3A_416 = tpu.memref_slice %arg2[%mul3A_409, %dma_wait3A_415] : memref<3211264x16xf32, #tpu.memory_space<hbm>> -> memref<64x16xf32, #tpu.memory_space<hbm>>
        tpu.wait_dma2 semaphore(%run_scoped3A_410 : memref<!tpu.dma_semaphore, #tpu.memory_space<semaphore_mem>>) src(%dma_wait3A_416 : memref<64x16xf32, #tpu.memory_space<hbm>>) dst(%arg6 : memref<64x16xf32, #tpu.memory_space<vmem>>)
        tpu.yield
      }) : () -> ()
      %run_scoped3A = arith.constant 0 : i32
      "tpu.region"() ({
        %run_scoped3A_410 = tpu.sem_alloc : memref<!tpu.dma_semaphore, #tpu.memory_space<semaphore_mem>>
        %dma_start3A = arith.constant 0 : i32
        %dma_start3A_411 = tpu.memref_slice %arg5[%run_scoped3A, %dma_start3A] : memref<1x64xi32, #tpu.memory_space<vmem>> -> memref<1x64xi32, #tpu.memory_space<vmem>>
        %dma_start3A_412 = tpu.memref_squeeze %dma_start3A_411 : memref<1x64xi32, #tpu.memory_space<vmem>> -> memref<64xi32, #tpu.memory_space<vmem>>
        %dma_start3A_413 = arith.constant 0 : i32
        %dma_start3A_414 = arith.constant 0 : i32
        %dma_start3A_415 = tpu.memref_slice %arg9[%dma_start3A_413, %dma_start3A_414] : memref<100352x16xf32, #tpu.memory_space<vmem_shared>> -> memref<100352x16xf32, #tpu.memory_space<vmem_shared>>
        tpu.enqueue_indirect_dma source(%arg6 : memref<64x16xf32, #tpu.memory_space<vmem>>) target(%dma_start3A_415 : memref<100352x16xf32, #tpu.memory_space<vmem_shared>>) offsets(%dma_start3A_412 : memref<64xi32, #tpu.memory_space<vmem>>) semaphore(%run_scoped3A_410 : memref<!tpu.dma_semaphore, #tpu.memory_space<semaphore_mem>>) {add = true}
        %dma_wait3A = arith.constant 0 : i32
        %dma_wait3A_416 = tpu.memref_slice %arg5[%run_scoped3A, %dma_wait3A] : memref<1x64xi32, #tpu.memory_space<vmem>> -> memref<1x64xi32, #tpu.memory_space<vmem>>
        %dma_wait3A_417 = tpu.memref_squeeze %dma_wait3A_416 : memref<1x64xi32, #tpu.memory_space<vmem>> -> memref<64xi32, #tpu.memory_space<vmem>>
        %dma_wait3A_418 = arith.constant 0 : i32
        %dma_wait3A_419 = arith.constant 0 : i32
        %dma_wait3A_420 = tpu.memref_slice %arg9[%dma_wait3A_418, %dma_wait3A_419] : memref<100352x16xf32, #tpu.memory_space<vmem_shared>> -> memref<100352x16xf32, #tpu.memory_space<vmem_shared>>
        tpu.wait_indirect_dma semaphore(%run_scoped3A_410 : memref<!tpu.dma_semaphore, #tpu.memory_space<semaphore_mem>>) src(%arg6 : memref<64x16xf32, #tpu.memory_space<vmem>>) dst(%dma_wait3A_420 : memref<100352x16xf32, #tpu.memory_space<vmem_shared>>)
        tpu.yield
      }) : () -> ()
    }
    %scan3A_393 = arith.constant 1568 : i32
    %barrier3A_394 = arith.constant 0 : index
    tpu.barrier barrier_id(%barrier3A_394)
    %scan3A_395 = arith.constant 0 : i32
    %scan3A_396 = arith.constant 98 : i32
    %scan3A_397 = arith.addi %scan3A_395, %scan3A_396 : i32
    %scan3A_398 = arith.constant 1 : i32
    scf.for %scan3A_400 = %scan3A_395 to %scan3A_397 step %scan3A_398  : i32 {
      %mul3A_401 = arith.constant 1 : i32
      %mul3A_402 = arith.muli %scan3A_400, %mul3A_401 : i32
      %add3A_403 = arith.constant 0 : i32
      %add3A_404 = arith.addi %add3A_403, %mul3A_402 : i32
      %mul3A_405 = arith.constant 64 : i32
      %mul3A_406 = arith.muli %add3A_404, %mul3A_405 : i32
      %add3A_407 = arith.addi %mul3A_384, %mul3A_406 : i32
      %add3A_408 = arith.constant 0 : i32
      %add3A_409 = arith.addi %add3A_407, %add3A_408 : i32
      %add3A_410 = vector.broadcast %add3A_409 : i32 to vector<16xi32>
      %add3A_411 = arith.addi %iota3A, %add3A_410 : vector<16xi32>
      %swap3A_412 = arith.constant 0 : i32
      %swap3A_413 = arith.index_cast %swap3A_412 : i32 to index
      %swap3A_414 = arith.constant 0 : index
      %swap3A_415 = tpu.vector_load %arg8[%swap3A_413, %swap3A_414] {strides = array<i32>} : memref<1x64xi32, #tpu.memory_space<vmem>>, vector<16xi32>,
      tpu.vector_store %arg8[%swap3A_413, %swap3A_414], %add3A_411 {strides = array<i32>} : memref<1x64xi32, #tpu.memory_space<vmem>>, vector<16xi32>,
      %add3A_416 = arith.constant 16 : i32
      %add3A_417 = arith.addi %add3A_407, %add3A_416 : i32
      %add3A_418 = vector.broadcast %add3A_417 : i32 to vector<16xi32>
      %add3A_419 = arith.addi %iota3A, %add3A_418 : vector<16xi32>
      %swap3A_420 = arith.constant 0 : i32
      %swap3A_421 = arith.index_cast %swap3A_420 : i32 to index
      %swap3A_422 = arith.constant 16 : index
      %swap3A_423 = tpu.vector_load %arg8[%swap3A_421, %swap3A_422] {strides = array<i32>} : memref<1x64xi32, #tpu.memory_space<vmem>>, vector<16xi32>,
      tpu.vector_store %arg8[%swap3A_421, %swap3A_422], %add3A_419 {strides = array<i32>} : memref<1x64xi32, #tpu.memory_space<vmem>>, vector<16xi32>,
      %add3A_424 = arith.constant 32 : i32
      %add3A_425 = arith.addi %add3A_407, %add3A_424 : i32
      %add3A_426 = vector.broadcast %add3A_425 : i32 to vector<16xi32>
      %add3A_427 = arith.addi %iota3A, %add3A_426 : vector<16xi32>
      %swap3A_428 = arith.constant 0 : i32
      %swap3A_429 = arith.index_cast %swap3A_428 : i32 to index
      %swap3A_430 = arith.constant 32 : index
      %swap3A_431 = tpu.vector_load %arg8[%swap3A_429, %swap3A_430] {strides = array<i32>} : memref<1x64xi32, #tpu.memory_space<vmem>>, vector<16xi32>,
      tpu.vector_store %arg8[%swap3A_429, %swap3A_430], %add3A_427 {strides = array<i32>} : memref<1x64xi32, #tpu.memory_space<vmem>>, vector<16xi32>,
      %add3A_432 = arith.constant 48 : i32
      %add3A_433 = arith.addi %add3A_407, %add3A_432 : i32
      %add3A_434 = vector.broadcast %add3A_433 : i32 to vector<16xi32>
      %add3A_435 = arith.addi %iota3A, %add3A_434 : vector<16xi32>
      %swap3A_436 = arith.constant 0 : i32
      %swap3A_437 = arith.index_cast %swap3A_436 : i32 to index
      %swap3A_438 = arith.constant 48 : index
      %swap3A_439 = tpu.vector_load %arg8[%swap3A_437, %swap3A_438] {strides = array<i32>} : memref<1x64xi32, #tpu.memory_space<vmem>>, vector<16xi32>,
      tpu.vector_store %arg8[%swap3A_437, %swap3A_438], %add3A_435 {strides = array<i32>} : memref<1x64xi32, #tpu.memory_space<vmem>>, vector<16xi32>,
      %dma_start3A = arith.constant 0 : i32
      %dma_start3A_440 = arith.constant 0 : i32
      %dma_start3A_441 = tpu.memref_slice %arg8[%dma_start3A, %dma_start3A_440] : memref<1x64xi32, #tpu.memory_space<vmem>> -> memref<1x64xi32, #tpu.memory_space<vmem>>
      %dma_start3A_442 = tpu.memref_squeeze %dma_start3A_441 : memref<1x64xi32, #tpu.memory_space<vmem>> -> memref<64xi32, #tpu.memory_space<vmem>>
      %dma_start3A_443 = arith.constant 0 : i32
      %dma_start3A_444 = arith.constant 0 : i32
      %dma_start3A_445 = tpu.memref_slice %arg9[%dma_start3A_443, %dma_start3A_444] : memref<100352x16xf32, #tpu.memory_space<vmem_shared>> -> memref<100352x16xf32, #tpu.memory_space<vmem_shared>>
      tpu.enqueue_indirect_dma source(%dma_start3A_445 : memref<100352x16xf32, #tpu.memory_space<vmem_shared>>) target(%arg7 : memref<64x16xf32, #tpu.memory_space<vmem>>) offsets(%dma_start3A_442 : memref<64xi32, #tpu.memory_space<vmem>>) semaphore(%arg10 : memref<!tpu.dma_semaphore, #tpu.memory_space<semaphore_mem>>)
      %dma_wait3A = arith.constant 0 : i32
      %dma_wait3A_446 = arith.constant 0 : i32
      %dma_wait3A_447 = tpu.memref_slice %arg8[%dma_wait3A, %dma_wait3A_446] : memref<1x64xi32, #tpu.memory_space<vmem>> -> memref<1x64xi32, #tpu.memory_space<vmem>>
      %dma_wait3A_448 = tpu.memref_squeeze %dma_wait3A_447 : memref<1x64xi32, #tpu.memory_space<vmem>> -> memref<64xi32, #tpu.memory_space<vmem>>
      %dma_wait3A_449 = arith.constant 0 : i32
      %dma_wait3A_450 = arith.constant 0 : i32
      %dma_wait3A_451 = tpu.memref_slice %arg9[%dma_wait3A_449, %dma_wait3A_450] : memref<100352x16xf32, #tpu.memory_space<vmem_shared>> -> memref<100352x16xf32, #tpu.memory_space<vmem_shared>>
      tpu.wait_indirect_dma semaphore(%arg10 : memref<!tpu.dma_semaphore, #tpu.memory_space<semaphore_mem>>) src(%dma_wait3A_451 : memref<100352x16xf32, #tpu.memory_space<vmem_shared>>) dst(%arg7 : memref<64x16xf32, #tpu.memory_space<vmem>>)
      "tpu.region"() ({
        %run_scoped3A = tpu.sem_alloc : memref<!tpu.dma_semaphore, #tpu.memory_space<semaphore_mem>>
        %dma_start3A_452 = arith.constant 0 : i32
        %dma_start3A_453 = tpu.memref_slice %arg4[%arg0, %add3A_407, %dma_start3A_452] : memref<2x100352x16xf32, #tpu.memory_space<hbm>> -> memref<1x64x16xf32, #tpu.memory_space<hbm>>
        %dma_start3A_454 = tpu.memref_squeeze %dma_start3A_453 : memref<1x64x16xf32, #tpu.memory_space<hbm>> -> memref<64x16xf32, #tpu.memory_space<hbm>>
        %dma_start3A_455 = arith.constant 0 : i32
        %dma_start3A_456 = tpu.memref_slice %arg4[%arg0, %add3A_407, %dma_start3A_455] : memref<2x100352x16xf32, #tpu.memory_space<hbm>> -> memref<1x64x16xf32, #tpu.memory_space<hbm>>
        %dma_start3A_457 = tpu.memref_squeeze %dma_start3A_456 : memref<1x64x16xf32, #tpu.memory_space<hbm>> -> memref<64x16xf32, #tpu.memory_space<hbm>>
        tpu.enqueue_dma source(%arg7 : memref<64x16xf32, #tpu.memory_space<vmem>>) target(%dma_start3A_457 : memref<64x16xf32, #tpu.memory_space<hbm>>) target_semaphore(%run_scoped3A : memref<!tpu.dma_semaphore, #tpu.memory_space<semaphore_mem>>)
        %dma_wait3A_458 = arith.constant 0 : i32
        %dma_wait3A_459 = tpu.memref_slice %arg4[%arg0, %add3A_407, %dma_wait3A_458] : memref<2x100352x16xf32, #tpu.memory_space<hbm>> -> memref<1x64x16xf32, #tpu.memory_space<hbm>>
        %dma_wait3A_460 = tpu.memref_squeeze %dma_wait3A_459 : memref<1x64x16xf32, #tpu.memory_space<hbm>> -> memref<64x16xf32, #tpu.memory_space<hbm>>
        %dma_wait3A_461 = arith.constant 0 : i32
        %dma_wait3A_462 = tpu.memref_slice %arg4[%arg0, %add3A_407, %dma_wait3A_461] : memref<2x100352x16xf32, #tpu.memory_space<hbm>> -> memref<1x64x16xf32, #tpu.memory_space<hbm>>
        %dma_wait3A_463 = tpu.memref_squeeze %dma_wait3A_462 : memref<1x64x16xf32, #tpu.memory_space<hbm>> -> memref<64x16xf32, #tpu.memory_space<hbm>>
        tpu.wait_dma2 semaphore(%run_scoped3A : memref<!tpu.dma_semaphore, #tpu.memory_space<semaphore_mem>>) src(%arg7 : memref<64x16xf32, #tpu.memory_space<vmem>>) dst(%dma_wait3A_463 : memref<64x16xf32, #tpu.memory_space<hbm>>)
        tpu.yield
      }) : () -> ()
    }
    %scan3A_399 = arith.constant 98 : i32
    return
  }
}

module attributes {stable_mosaic.version = 14 : i64} {
  func.func @_tc_a_body(%arg0: i32, %arg1: memref<2048x16xf32, #tpu.memory_space<vmem>>, %arg2: memref<2x2048x16xf32, #tpu.memory_space<vmem>>, %arg3: memref<16x16xf32, #tpu.memory_space<vmem>>, %arg4: memref<2048x16xf32, #tpu.memory_space<vmem>>, %arg5: memref<2048x1xf32, #tpu.memory_space<vmem>>) attributes {dimension_semantics = [#tpu.dimension_semantics<arbitrary>], iteration_bounds = array<i64: 49>, scalar_prefetch = 0 : i64, scratch_operands = 0 : i64, tpu.core_type = #tpu.core_type<tc>, window_params = [{transform_indices = @transform_0, window_bounds = array<i64: 2048, 16>}, {transform_indices = @transform_1, window_bounds = array<i64: 2, 2048, 16>}, {pipeline_mode = #tpu.pipeline_mode<synchronous>, transform_indices = @transform_2, window_bounds = array<i64: 16, 16>}, {transform_indices = @transform_3, window_bounds = array<i64: 2048, 16>}, {transform_indices = @transform_4, window_bounds = array<i64: 2048, 1>}]} {
    %get3A = arith.constant 0 : index
    %get3A_0 = arith.constant 0 : index
    %get3A_1 = arith.constant 0 : index
    %get3A_2 = vector.load %arg2[%get3A, %get3A_0, %get3A_1] : memref<2x2048x16xf32, #tpu.memory_space<vmem>>, vector<1x2048x1xf32>
    %get3A_3 = vector.shape_cast %get3A_2 : vector<1x2048x1xf32> to vector<2048x1xf32>
    %get3A_4 = arith.constant 1 : index
    %get3A_5 = arith.constant 0 : index
    %get3A_6 = arith.constant 0 : index
    %get3A_7 = vector.load %arg2[%get3A_4, %get3A_5, %get3A_6] : memref<2x2048x16xf32, #tpu.memory_space<vmem>>, vector<1x2048x1xf32>
    %get3A_8 = vector.shape_cast %get3A_7 : vector<1x2048x1xf32> to vector<2048x1xf32>
    %add3A = arith.addf %get3A_3, %get3A_8 : vector<2048x1xf32>
    %add3A_9 = arith.constant 1.000000e+00 : f32
    %add3A_10 = vector.broadcast %add3A_9 : f32 to vector<2048x1xf32>
    %add3A_11 = arith.addf %add3A, %add3A_10 : vector<2048x1xf32>
    %rsqrt3A = math.rsqrt %add3A_11 : vector<2048x1xf32>
    %get3A_12 = arith.constant 0 : index
    %get3A_13 = arith.constant 0 : index
    %get3A_14 = vector.load %arg1[%get3A_12, %get3A_13] : memref<2048x16xf32, #tpu.memory_space<vmem>>, vector<2048x16xf32>
    %get3A_15 = arith.constant 0 : index
    %get3A_16 = arith.constant 0 : index
    %get3A_17 = vector.load %arg3[%get3A_15, %get3A_16] : memref<16x16xf32, #tpu.memory_space<vmem>>, vector<16x16xf32>
    %dot_general3A = arith.constant dense<0.000000e+00> : vector<2048x16xf32>
    %dot_general3A_18 = tpu.matmul %get3A_14, %get3A_17, %dot_general3A {dimension_numbers = #tpu.dot_dimension_numbers<[1], [0], [0], [1], [0, 0, 1, 1], [], []>, transpose_lhs_hint = false} : vector<2048x16xf32>, vector<16x16xf32>, vector<2048x16xf32> -> vector<2048x16xf32>
    %mul3A = vector.broadcast %rsqrt3A : vector<2048x1xf32> to vector<2048x16xf32>
    %mul3A_19 = arith.mulf %dot_general3A_18, %mul3A : vector<2048x16xf32>
    %swap3A = arith.constant 0 : index
    %swap3A_20 = arith.constant 0 : index
    %swap3A_21 = vector.load %arg4[%swap3A, %swap3A_20] : memref<2048x16xf32, #tpu.memory_space<vmem>>, vector<2048x16xf32>
    tpu.vector_store %arg4[%swap3A, %swap3A_20], %mul3A_19 {strides = array<i32>} : memref<2048x16xf32, #tpu.memory_space<vmem>>, vector<2048x16xf32>,
    %swap3A_22 = arith.constant 0 : index
    %swap3A_23 = arith.constant 0 : index
    %swap3A_24 = vector.load %arg5[%swap3A_22, %swap3A_23] : memref<2048x1xf32, #tpu.memory_space<vmem>>, vector<2048x1xf32>
    tpu.vector_store %arg5[%swap3A_22, %swap3A_23], %rsqrt3A {strides = array<i32>} : memref<2048x1xf32, #tpu.memory_space<vmem>>, vector<2048x1xf32>,
    return
  }
  func.func @transform_0(%arg0: i32) -> (i32, i32) {
    %c0_i32 = arith.constant 0 : i32
    %c0_i32_0 = arith.constant 0 : i32
    return %arg0, %c0_i32 : i32, i32
  }
  func.func @transform_1(%arg0: i32) -> (i32, i32, i32) {
    %c0_i32 = arith.constant 0 : i32
    %c0_i32_0 = arith.constant 0 : i32
    %c0_i32_1 = arith.constant 0 : i32
    return %c0_i32, %arg0, %c0_i32_0 : i32, i32, i32
  }
  func.func @transform_2(%arg0: i32) -> (i32, i32) {
    %c0_i32 = arith.constant 0 : i32
    %c0_i32_0 = arith.constant 0 : i32
    %c0_i32_1 = arith.constant 0 : i32
    return %c0_i32, %c0_i32_0 : i32, i32
  }
  func.func @transform_3(%arg0: i32) -> (i32, i32) {
    %c0_i32 = arith.constant 0 : i32
    %c0_i32_0 = arith.constant 0 : i32
    return %arg0, %c0_i32 : i32, i32
  }
  func.func @transform_4(%arg0: i32) -> (i32, i32) {
    %c0_i32 = arith.constant 0 : i32
    %c0_i32_0 = arith.constant 0 : i32
    return %arg0, %c0_i32 : i32, i32
  }
}

module attributes {stable_mosaic.version = 14 : i64} {
  func.func @_tc_b_body(%arg0: i32, %arg1: memref<2x2048x16xf32, #tpu.memory_space<vmem>>, %arg2: memref<2048x16xf32, #tpu.memory_space<vmem>>, %arg3: memref<2048x1xf32, #tpu.memory_space<vmem>>, %arg4: memref<1x16xf32, #tpu.memory_space<vmem>>, %arg5: memref<16x16xf32, #tpu.memory_space<vmem>>, %arg6: memref<2048x16xf32, #tpu.memory_space<vmem>>) attributes {dimension_semantics = [#tpu.dimension_semantics<arbitrary>], iteration_bounds = array<i64: 49>, scalar_prefetch = 0 : i64, scratch_operands = 0 : i64, tpu.core_type = #tpu.core_type<tc>, window_params = [{transform_indices = @transform_0, window_bounds = array<i64: 2, 2048, 16>}, {transform_indices = @transform_1, window_bounds = array<i64: 2048, 16>}, {transform_indices = @transform_2, window_bounds = array<i64: 2048, 1>}, {pipeline_mode = #tpu.pipeline_mode<synchronous>, transform_indices = @transform_3, window_bounds = array<i64: 1, 16>}, {pipeline_mode = #tpu.pipeline_mode<synchronous>, transform_indices = @transform_4, window_bounds = array<i64: 16, 16>}, {transform_indices = @transform_5, window_bounds = array<i64: 2048, 16>}]} {
    %get3A = arith.constant 0 : index
    %get3A_0 = arith.constant 0 : index
    %get3A_1 = vector.load %arg3[%get3A, %get3A_0] : memref<2048x1xf32, #tpu.memory_space<vmem>>, vector<2048x1xf32>
    %get3A_2 = arith.constant 0 : index
    %get3A_3 = arith.constant 0 : index
    %get3A_4 = arith.constant 0 : index
    %get3A_5 = vector.load %arg1[%get3A_2, %get3A_3, %get3A_4] : memref<2x2048x16xf32, #tpu.memory_space<vmem>>, vector<1x2048x16xf32>
    %get3A_6 = vector.shape_cast %get3A_5 : vector<1x2048x16xf32> to vector<2048x16xf32>
    %get3A_7 = arith.constant 1 : index
    %get3A_8 = arith.constant 0 : index
    %get3A_9 = arith.constant 0 : index
    %get3A_10 = vector.load %arg1[%get3A_7, %get3A_8, %get3A_9] : memref<2x2048x16xf32, #tpu.memory_space<vmem>>, vector<1x2048x16xf32>
    %get3A_11 = vector.shape_cast %get3A_10 : vector<1x2048x16xf32> to vector<2048x16xf32>
    %add3A = arith.addf %get3A_6, %get3A_11 : vector<2048x16xf32>
    %get3A_12 = arith.constant 0 : index
    %get3A_13 = arith.constant 0 : index
    %get3A_14 = vector.load %arg2[%get3A_12, %get3A_13] : memref<2048x16xf32, #tpu.memory_space<vmem>>, vector<2048x16xf32>
    %add3A_15 = arith.addf %add3A, %get3A_14 : vector<2048x16xf32>
    %mul3A = vector.broadcast %get3A_1 : vector<2048x1xf32> to vector<2048x16xf32>
    %mul3A_16 = arith.mulf %mul3A, %add3A_15 : vector<2048x16xf32>
    %get3A_17 = arith.constant 0 : index
    %get3A_18 = arith.constant 0 : index
    %get3A_19 = vector.load %arg4[%get3A_17, %get3A_18] : memref<1x16xf32, #tpu.memory_space<vmem>>, vector<1x16xf32>
    %add3A_20 = vector.broadcast %get3A_19 : vector<1x16xf32> to vector<2048x16xf32>
    %add3A_21 = arith.addf %mul3A_16, %add3A_20 : vector<2048x16xf32>
    %max3A = arith.constant 0.000000e+00 : f32
    %max3A_22 = vector.broadcast %max3A : f32 to vector<2048x16xf32>
    %max3A_23 = arith.maximumf %add3A_21, %max3A_22 : vector<2048x16xf32>
    %get3A_24 = arith.constant 0 : index
    %get3A_25 = arith.constant 0 : index
    %get3A_26 = vector.load %arg5[%get3A_24, %get3A_25] : memref<16x16xf32, #tpu.memory_space<vmem>>, vector<16x16xf32>
    %dot_general3A = arith.constant dense<0.000000e+00> : vector<2048x16xf32>
    %dot_general3A_27 = tpu.matmul %max3A_23, %get3A_26, %dot_general3A {dimension_numbers = #tpu.dot_dimension_numbers<[1], [0], [0], [1], [0, 0, 1, 1], [], []>, transpose_lhs_hint = false} : vector<2048x16xf32>, vector<16x16xf32>, vector<2048x16xf32> -> vector<2048x16xf32>
    %mul3A_28 = vector.broadcast %get3A_1 : vector<2048x1xf32> to vector<2048x16xf32>
    %mul3A_29 = arith.mulf %dot_general3A_27, %mul3A_28 : vector<2048x16xf32>
    %swap3A = arith.constant 0 : index
    %swap3A_30 = arith.constant 0 : index
    %swap3A_31 = vector.load %arg6[%swap3A, %swap3A_30] : memref<2048x16xf32, #tpu.memory_space<vmem>>, vector<2048x16xf32>
    tpu.vector_store %arg6[%swap3A, %swap3A_30], %mul3A_29 {strides = array<i32>} : memref<2048x16xf32, #tpu.memory_space<vmem>>, vector<2048x16xf32>,
    return
  }
  func.func @transform_0(%arg0: i32) -> (i32, i32, i32) {
    %c0_i32 = arith.constant 0 : i32
    %c0_i32_0 = arith.constant 0 : i32
    %c0_i32_1 = arith.constant 0 : i32
    return %c0_i32, %arg0, %c0_i32_0 : i32, i32, i32
  }
  func.func @transform_1(%arg0: i32) -> (i32, i32) {
    %c0_i32 = arith.constant 0 : i32
    %c0_i32_0 = arith.constant 0 : i32
    return %arg0, %c0_i32 : i32, i32
  }
  func.func @transform_2(%arg0: i32) -> (i32, i32) {
    %c0_i32 = arith.constant 0 : i32
    %c0_i32_0 = arith.constant 0 : i32
    return %arg0, %c0_i32 : i32, i32
  }
  func.func @transform_3(%arg0: i32) -> (i32, i32) {
    %c0_i32 = arith.constant 0 : i32
    %c0_i32_0 = arith.constant 0 : i32
    %c0_i32_1 = arith.constant 0 : i32
    return %c0_i32, %c0_i32_0 : i32, i32
  }
  func.func @transform_4(%arg0: i32) -> (i32, i32) {
    %c0_i32 = arith.constant 0 : i32
    %c0_i32_0 = arith.constant 0 : i32
    %c0_i32_1 = arith.constant 0 : i32
    return %c0_i32, %c0_i32_0 : i32, i32
  }
  func.func @transform_5(%arg0: i32) -> (i32, i32) {
    %c0_i32 = arith.constant 0 : i32
    %c0_i32_0 = arith.constant 0 : i32
    return %arg0, %c0_i32 : i32, i32
  }
}

module attributes {stable_mosaic.version = 14 : i64} {
  func.func @_tc_c_body(%arg0: i32, %arg1: memref<2x2048x16xf32, #tpu.memory_space<vmem>>, %arg2: memref<2048x16xf32, #tpu.memory_space<vmem>>, %arg3: memref<2048x1xf32, #tpu.memory_space<vmem>>, %arg4: memref<1x16xf32, #tpu.memory_space<vmem>>, %arg5: memref<16x1xf32, #tpu.memory_space<vmem>>, %arg6: memref<1x1xf32, #tpu.memory_space<vmem>>, %arg7: memref<2048x1xf32, #tpu.memory_space<vmem>>) attributes {dimension_semantics = [#tpu.dimension_semantics<arbitrary>], iteration_bounds = array<i64: 49>, scalar_prefetch = 0 : i64, scratch_operands = 0 : i64, tpu.core_type = #tpu.core_type<tc>, window_params = [{transform_indices = @transform_0, window_bounds = array<i64: 2, 2048, 16>}, {transform_indices = @transform_1, window_bounds = array<i64: 2048, 16>}, {transform_indices = @transform_2, window_bounds = array<i64: 2048, 1>}, {pipeline_mode = #tpu.pipeline_mode<synchronous>, transform_indices = @transform_3, window_bounds = array<i64: 1, 16>}, {pipeline_mode = #tpu.pipeline_mode<synchronous>, transform_indices = @transform_4, window_bounds = array<i64: 16, 1>}, {pipeline_mode = #tpu.pipeline_mode<synchronous>, transform_indices = @transform_5, window_bounds = array<i64: 1, 1>}, {transform_indices = @transform_6, window_bounds = array<i64: 2048, 1>}]} {
    %get3A = arith.constant 0 : index
    %get3A_0 = arith.constant 0 : index
    %get3A_1 = vector.load %arg3[%get3A, %get3A_0] : memref<2048x1xf32, #tpu.memory_space<vmem>>, vector<2048x1xf32>
    %get3A_2 = arith.constant 0 : index
    %get3A_3 = arith.constant 0 : index
    %get3A_4 = arith.constant 0 : index
    %get3A_5 = vector.load %arg1[%get3A_2, %get3A_3, %get3A_4] : memref<2x2048x16xf32, #tpu.memory_space<vmem>>, vector<1x2048x16xf32>
    %get3A_6 = vector.shape_cast %get3A_5 : vector<1x2048x16xf32> to vector<2048x16xf32>
    %get3A_7 = arith.constant 1 : index
    %get3A_8 = arith.constant 0 : index
    %get3A_9 = arith.constant 0 : index
    %get3A_10 = vector.load %arg1[%get3A_7, %get3A_8, %get3A_9] : memref<2x2048x16xf32, #tpu.memory_space<vmem>>, vector<1x2048x16xf32>
    %get3A_11 = vector.shape_cast %get3A_10 : vector<1x2048x16xf32> to vector<2048x16xf32>
    %add3A = arith.addf %get3A_6, %get3A_11 : vector<2048x16xf32>
    %get3A_12 = arith.constant 0 : index
    %get3A_13 = arith.constant 0 : index
    %get3A_14 = vector.load %arg2[%get3A_12, %get3A_13] : memref<2048x16xf32, #tpu.memory_space<vmem>>, vector<2048x16xf32>
    %add3A_15 = arith.addf %add3A, %get3A_14 : vector<2048x16xf32>
    %mul3A = vector.broadcast %get3A_1 : vector<2048x1xf32> to vector<2048x16xf32>
    %mul3A_16 = arith.mulf %mul3A, %add3A_15 : vector<2048x16xf32>
    %get3A_17 = arith.constant 0 : index
    %get3A_18 = arith.constant 0 : index
    %get3A_19 = vector.load %arg4[%get3A_17, %get3A_18] : memref<1x16xf32, #tpu.memory_space<vmem>>, vector<1x16xf32>
    %add3A_20 = vector.broadcast %get3A_19 : vector<1x16xf32> to vector<2048x16xf32>
    %add3A_21 = arith.addf %mul3A_16, %add3A_20 : vector<2048x16xf32>
    %get3A_22 = arith.constant 0 : index
    %get3A_23 = arith.constant 0 : index
    %get3A_24 = vector.load %arg5[%get3A_22, %get3A_23] : memref<16x1xf32, #tpu.memory_space<vmem>>, vector<16x1xf32>
    %dot_general3A = arith.constant dense<0.000000e+00> : vector<2048x1xf32>
    %dot_general3A_25 = tpu.matmul %add3A_21, %get3A_24, %dot_general3A {dimension_numbers = #tpu.dot_dimension_numbers<[1], [0], [0], [1], [0, 0, 1, 1], [], []>, transpose_lhs_hint = false} : vector<2048x16xf32>, vector<16x1xf32>, vector<2048x1xf32> -> vector<2048x1xf32>
    %get3A_26 = arith.constant 0 : index
    %get3A_27 = arith.constant 0 : index
    %get3A_28 = vector.load %arg6[%get3A_26, %get3A_27] : memref<1x1xf32, #tpu.memory_space<vmem>>, vector<1x1xf32>
    %add3A_29 = vector.broadcast %get3A_28 : vector<1x1xf32> to vector<2048x1xf32>
    %add3A_30 = arith.addf %dot_general3A_25, %add3A_29 : vector<2048x1xf32>
    %swap3A = arith.constant 0 : index
    %swap3A_31 = arith.constant 0 : index
    %swap3A_32 = vector.load %arg7[%swap3A, %swap3A_31] : memref<2048x1xf32, #tpu.memory_space<vmem>>, vector<2048x1xf32>
    tpu.vector_store %arg7[%swap3A, %swap3A_31], %add3A_30 {strides = array<i32>} : memref<2048x1xf32, #tpu.memory_space<vmem>>, vector<2048x1xf32>,
    return
  }
  func.func @transform_0(%arg0: i32) -> (i32, i32, i32) {
    %c0_i32 = arith.constant 0 : i32
    %c0_i32_0 = arith.constant 0 : i32
    %c0_i32_1 = arith.constant 0 : i32
    return %c0_i32, %arg0, %c0_i32_0 : i32, i32, i32
  }
  func.func @transform_1(%arg0: i32) -> (i32, i32) {
    %c0_i32 = arith.constant 0 : i32
    %c0_i32_0 = arith.constant 0 : i32
    return %arg0, %c0_i32 : i32, i32
  }
  func.func @transform_2(%arg0: i32) -> (i32, i32) {
    %c0_i32 = arith.constant 0 : i32
    %c0_i32_0 = arith.constant 0 : i32
    return %arg0, %c0_i32 : i32, i32
  }
  func.func @transform_3(%arg0: i32) -> (i32, i32) {
    %c0_i32 = arith.constant 0 : i32
    %c0_i32_0 = arith.constant 0 : i32
    %c0_i32_1 = arith.constant 0 : i32
    return %c0_i32, %c0_i32_0 : i32, i32
  }
  func.func @transform_4(%arg0: i32) -> (i32, i32) {
    %c0_i32 = arith.constant 0 : i32
    %c0_i32_0 = arith.constant 0 : i32
    %c0_i32_1 = arith.constant 0 : i32
    return %c0_i32, %c0_i32_0 : i32, i32
  }
  func.func @transform_5(%arg0: i32) -> (i32, i32) {
    %c0_i32 = arith.constant 0 : i32
    %c0_i32_0 = arith.constant 0 : i32
    %c0_i32_1 = arith.constant 0 : i32
    return %c0_i32, %c0_i32_0 : i32, i32
  }
  func.func @transform_6(%arg0: i32) -> (i32, i32) {
    %c0_i32 = arith.constant 0 : i32
    %c0_i32_0 = arith.constant 0 : i32
    return %arg0, %c0_i32 : i32, i32
  }
}

</mosaic_0001>

<sc_bundles>
// kernel: kernel.10.cloned.1.call-start
scs
__scs_entry_jumppad:
0x0: {  	(pc) =	sbr.rel $0x88, $3  }
0x1: {  	(tag) =	ssettag $0x0;
	lr =	simm.s32 $0x1  }
0x2: {  	[smem:$0x3F99] =	sst lr;
	_ =	strace $0xD0000000  }
0x3: {  	_ = 	snop  }
0x4: {  	_ = 	snop  }
0x5: {  	_ = 	snop  }
0x6: {  	_ = 	snop  }
0x7: {  	_ = 	snop  }
__scs_overlays_trampoline_lowered:
0x8: {  	[smem:$0x3FA8] =	sst s0  }
0x9: {  	[smem:$0x3FA9] =	sst s1  }
0xa: {  	[smem:$0x3FAA] =	sst s2  }
0xb: {  	[smem:$0x3FAB] =	sst s3  }
0xc: {  	[smem:$0x3FAC] =	sst s4  }
0xd: {  	[smem:$0x3FAD] =	sst s5  }
0xe: {  	[smem:$0x3FAE] =	sst s6  }
0xf: {  	[smem:$0x3FAF] =	sst s7  }
0x10: {  	[smem:$0x3FB0] =	sst s8  }
0x11: {  	[smem:$0x3FB1] =	sst s9;
	s0 =	simm.s32 @!p0 $0x0  }
0x12: {  	s1 =	sld [smem:$0x3F97];
	s0 =	simm.s32 @p0 $0x1  }
0x13: {  	[smem:$0x3FB2] =	sst s0;
	s0 =	simm.s32 @!p1 $0x0  }
0x14: {  	s2 =	sld [smem:$0x3F96];
	s0 =	simm.s32 @p1 $0x1  }
0x15: {  	[smem:$0x3FB3] =	sst s0;
	s0 =	simm.s32 @!p2 $0x0  }
0x16: {  	s3 =	sld [smem:$0x3FDB];
	s0 =	simm.s32 @p2 $0x1  }
0x17: {  	s4 =	simm.s32 $0x1BF5;
	[smem:$0x3FB5] =	sst s0  }
0x18: {  	s0 =	sld [smem:$0x3F98];
	_ =	swait.ge [sflag:s4], $0x0  }
0x19: {  	s7 =	sld [smem:$0x3F99]  }
0x1a: {  	s8 =	sadd.s32 $0xFFFFE003, lr  }
0x1b: {  	s9 =	sadd.s32 $0xFFFFFEF7, lr;
	s5 =	simm.s32 $0xFFFFFFFF;
	p2 =	slt.u32 s8, $0xFFFFF086  }
0x1c: {  	p1 =	slt.u32 s9, $0xF7A;
	s5 =	simm.s32 @!p2 $0x0  }
0x1d: {  	s5 =	simm.s32 @p1 $0x1;
	p0 =	seq.s32 s7, s2  }
0x1e: {  	s7 =	smul.u32 @!p0 $0xF7A, s2;
	p2 =	seq.s32 @!p0 s5, $0x0  }
0x1f: {  	s9 =	smul.u32 $0xF7A, s1;
	s8 =	simm.s32 @!p0 $0x1BF5;
	p2 =	por !p2, p0  }
0x20: {  	[sflag:s8] =	ssyncset.s32 @!p0 $0xFFFFF086;
	s6 =	sadd.s32 @!p0 s3, s7;
	s7 =	simm.s32 @!p0 $0x108  }
0x21: {  	s3 =	sadd.s32 s3, s9;
	s6 =	sadd.s32 @!p0 $0x88, s6;
	s7 =	simm.s32 @p2 $0x1082  }
0x22: {  	[simem:s7], [sflag:s8] =	dma.local @!p0 [hbm:s6], $0xF7A  }
0x23: {  	s9 =	sor.u32 $0xD0000000, s2;
	s6 =	simm.s32 $0x108;
	_ =	swait.ge @!p0 [sflag:s8], $0x0  }
0x24: {  	s3 =	sadd.s32 $0x88, s3;
	s6 =	simm.s32 @!p1 $0x1082;
	[sflag:s4] =	ssyncset.s32 $0xFFFFF086  }
0x25: {  	[simem:s6], [sflag:s4] =	dma.local [hbm:s3], $0xF7A  }
0x26: {  	[smem:$0x3F99] =	sst s1;
	(tag) =	ssettag s2;
	_ =	strace s9  }
0x27: {  	s1 =	sld [smem:$0x3FA9]  }
0x28: {  	s2 =	sld [smem:$0x3FAA]  }
0x29: {  	s4 =	sld [smem:$0x3FAC]  }
0x2a: {  	p0 =	seq.s32 s5, $0x0;
	s5 =	sld [smem:$0x3FAD]  }
0x2b: {  	s6 =	sld [smem:$0x3FAE]  }
0x2c: {  	s7 =	sld [smem:$0x3FAF]  }
0x2d: {  	s3 =	simm.s32 $0x108;
	s8 =	sld [smem:$0x3FB0]  }
0x2e: {  	s3 =	simm.s32 @!p0 $0x1082;
	s9 =	sld [smem:$0x3FB1]  }
0x2f: {  	lr =	sadd.s32 s0, s3;
	s0 =	sld [smem:$0x3FA8]  }
0x30: {  	s3 =	sld [smem:$0x3FAB]  }
0x31: {  	[smem:$0x3FB4] =	sst s10  }
0x32: {  	s10 =	sld [smem:$0x3FB2];
	_ =	sdelay $0x3  }
0x33: {  	p0 =	seq.s32 s10, $0x1;
	s10 =	sld [smem:$0x3FB4];
	_ =	sdelay $0x3  }
0x34: {  	[smem:$0x3FB4] =	sst s10  }
0x35: {  	s10 =	sld [smem:$0x3FB3];
	_ =	sdelay $0x3  }
0x36: {  	p1 =	seq.s32 s10, $0x1;
	s10 =	sld [smem:$0x3FB4];
	_ =	sdelay $0x3  }
0x37: {  	[smem:$0x3FB4] =	sst s10  }
0x38: {  	s10 =	sld [smem:$0x3FB5]  }
0x39: {  	_ = 	snop;
	(pc) =	sbr.ind lr, $3  }
0x3a: {  	_ = 	snop  }
0x3b: {  	_ = 	snop  }
0x3c: {  	p2 =	seq.s32 s10, $0x1;
	s10 =	sld [smem:$0x3FB4]  }
0x3d: {  	_ =	shalt  }
0x3e: {  	_ =	shalt  }
0x3f: {  	_ =	shalt  }
0x40: {  	_ =	shalt  }
0x41: {  	_ =	shalt  }
0x42: {  	_ =	shalt  }
0x43: {  	_ =	shalt  }
0x44: {  	_ =	shalt  }
0x45: {  	_ =	shalt  }
0x46: {  	_ =	shalt  }
0x47: {  	_ =	shalt  }
0x48: {  	_ =	shalt  }
0x49: {  	_ =	shalt  }
0x4a: {  	_ =	shalt  }
0x4b: {  	_ =	shalt  }
0x4c: {  	_ =	shalt  }
0x4d: {  	_ =	shalt  }
0x4e: {  	_ =	shalt  }
0x4f: {  	_ =	shalt  }
0x50: {  	_ =	shalt  }
0x51: {  	_ =	shalt  }
0x52: {  	_ =	shalt  }
0x53: {  	_ =	shalt  }
0x54: {  	_ =	shalt  }
0x55: {  	_ =	shalt  }
0x56: {  	_ =	shalt  }
0x57: {  	_ =	shalt  }
0x58: {  	_ =	shalt  }
0x59: {  	_ =	shalt  }
0x5a: {  	_ =	shalt  }
0x5b: {  	_ =	shalt  }
0x5c: {  	_ =	shalt  }
0x5d: {  	_ =	shalt  }
0x5e: {  	_ =	shalt  }
0x5f: {  	_ =	shalt  }
0x60: {  	_ =	shalt  }
0x61: {  	_ =	shalt  }
0x62: {  	_ =	shalt  }
0x63: {  	_ =	shalt  }
0x64: {  	_ =	shalt  }
0x65: {  	_ =	shalt  }
0x66: {  	_ =	shalt  }
0x67: {  	_ =	shalt  }
0x68: {  	_ =	shalt  }
0x69: {  	_ =	shalt  }
0x6a: {  	_ =	shalt  }
0x6b: {  	_ =	shalt  }
0x6c: {  	_ =	shalt  }
0x6d: {  	_ =	shalt  }
0x6e: {  	_ =	shalt  }
0x6f: {  	_ =	shalt  }
0x70: {  	_ =	shalt  }
0x71: {  	_ =	shalt  }
0x72: {  	_ =	shalt  }
0x73: {  	_ =	shalt  }
0x74: {  	_ =	shalt  }
0x75: {  	_ =	shalt  }
0x76: {  	_ =	shalt  }
0x77: {  	_ =	shalt  }
0x78: {  	_ =	shalt  }
0x79: {  	_ =	shalt  }
0x7a: {  	_ =	shalt  }
0x7b: {  	_ =	shalt  }
0x7c: {  	_ =	shalt  }
0x7d: {  	_ =	shalt  }
0x7e: {  	_ =	shalt  }
0x7f: {  	_ =	shalt  }
0x80: {  	_ =	shalt  }
0x81: {  	_ =	shalt  }
0x82: {  	_ =	shalt  }
0x83: {  	_ =	shalt  }
0x84: {  	_ =	shalt  }
0x85: {  	_ =	shalt  }
0x86: {  	_ =	shalt  }
0x87: {  	_ =	shalt  }
.Lfunc_end0:
.L_simem_size_0:
called_computation_lowered:
.L_overlay_start_0:
0x88: {  	s2 =	sld [smem:$0x3FD9]  }
0x89: {  	s3 =	sld [smem:$0x3FFE];
	_ =	sdelay $0x1  }
0x8a: {  	s1 =	srdreg.scid  }
0x8b: {  	s0 =	sand.u32 $0x1, s1  }
0x8c: {  	s16 =	sshll.u32 s0, $0xA;
	s2 =	sadd.s32 s3, s2  }
0x8d: {  	s2 =	sadd.s32 s2, s16  }
0x8e: {  	[smem:$0x3FC0] =	sst s2  }
0x8f: {  	_ = 	snop  }
0x90: {  	(tm) =	ssettm $0x1  }
0x91: {  	s17 =	sld [smem:$0x3FFB];
	_ =	sdelay $0x3  }
0x92: {  	_ =	strace s17  }
0x93: {  	s2 =	sld [smem:$0x3FFC];
	_ =	sdelay $0x3  }
0x94: {  	_ =	strace s2  }
0x95: {  	s2 =	sld [smem:$0x3FFD];
	_ =	sdelay $0x3  }
0x96: {  	_ =	strace s2  }
0x97: {  	_ =	strace $0x8FFFFFFF  }
0x98: {  	s18 =	sld [smem:$0x3FDB];
	_ =	sdelay $0x1  }
0x99: {  	s19 =	simm.s32 $_scs_section_size  }
0x9a: {  	s4 =	simm.s32 $_size__tile_overlayer_lowered;
	s5 =	simm.s32 $_tile_overlayer_lowered  }
0x9b: {  	s22 =	simm.s32 $0x1BFF;
	s21 =	sshll.u32 s5, $0x1;
	s2 =	sadd.s32 s19, s18  }
0x9c: {  	s6 =	simm.s32 $0x0;
	s20 =	sshll.u32 s4, $0x1;
	s4 =	sadd.s32 s21, s2  }
0x9d: {  	[timem:s6], [sflag:s22] =	dma.local [hbm:s4], s20  }
0x9e: {  	_ =	swait.ge [sflag:s22], s20  }
0x9f: {  	s3 =	ssub.s32 $0x0, s20;
	[sflag:s22] =	ssyncset.done $0x0  }
0xa0: {  	[sflag:s22] =	ssyncadd.s32 s3;
	_ =	sdelay $0x1  }
0xa1: {  	s23 =	simm.s32 $0x1B8B  }
0xa2: {  	_ =	swait.ge [sflag:s23], $0x1  }
0xa3: {  	[sflag:s23] =	ssyncset.done $0x0  }
0xa4: {  	s25 =	simm.s32 $0x1B8E;
	s24 =	sld [smem:$0x3FFE];
	[sflag:s23] =	ssyncadd.s32 $0xFFFFFFFF  }
0xa5: {  	s26 =	simm.s32 $execute0_lowered;
	[smem:$0x3FD2] =	sst s25  }
0xa6: {  	s4 =	sshll.u32 s26, $0x1;
	_ =	strace $0x80000046;
	[dreg:$0x1] =	wrdreg $0xFFFFFFFF  }
0xa7: {  	s28 =	simm.s32 $_size_execute0_lowered;
	s2 =	sadd.s32 s2, s4;
	[dreg:$0x0] =	wrdreg $0x0  }
0xa8: {  	s4 =	sshll.u32 s28, $0x1;
	[dreg:$0x2] =	wrdreg s2  }
0xa9: {  	[dreg:$0x3] =	wrdreg s4  }
0xaa: {  	[dreg:$0x4] =	wrdreg $0xC0  }
0xab: {  	_ =	task [dreg:s6], $0x5FFFF  }
0xac: {  	[dreg:$0x1] =	wrdreg $0xFFFFFFFF  }
0xad: {  	[dreg:$0x0] =	wrdreg $0x60  }
0xae: {  	[dreg:$0x2] =	wrdreg s24  }
0xaf: {  	[dreg:$0x3] =	wrdreg $0x41000  }
0xb0: {  	[dreg:$0x4] =	wrdreg $0x9  }
0xb1: {  	_ =	task.clear_ibuf [dreg:s6], $0x5FFFF;
	_ =	strace $0x90000046  }
0xb2: {  	s29 =	simm.s32 $0x9;
	_ =	strace $0x80000048  }
0xb3: {  	_ =	swait.ge [sflag:s29], $0x1  }
0xb4: {  	[sflag:s29] =	ssyncadd.s32 $0xFFFFFFFF  }
0xb5: {  	_ =	strace $0x90000048  }
0xb6: {  	_ =	sfence  }
0xb7: {  	s30 =	sld [smem:$0x0];
	_ =	sdelay $0x2  }
0xb8: {  	s31 =	sshll.u32 s1, $0xD;
	s1 =	sshrl.u32 s1, $0x2  }
0xb9: {  	s3 =	sand.u32 $0x4000, s31;
	s1 =	sadd.s32 s1, s30  }
0xba: {  	s0 =	sor.u32 s3, s0;
	s1 =	sshll.u32 s1, $0x11  }
0xbb: {  	s0 =	sor.u32 s1, s0  }
0xbc: {  	s0 =	sadd.s32 $0x8F2B, s0  }
0xbd: {  	[sflag:s0] =	ssyncadd.remote.s32 $0x1  }
0xbe: {  	_ =	sfence.sel $0xFFFF  }
0xbf: {  	[dreg:$0x0] =	wrdreg $0xFFFFFFFF;
	(pc) =	sbr.abs _section_cstart, $3  }
0xc0: {  	[dreg:$0x1] =	wrdreg $0xFFFFFFFF  }
0xc1: {  	_ =	task.clear_ibuf [dreg:s6], $0x2FFFF;
	_ =	strace $0x9FFFFFFF  }
0xc2: {  	(tm) =	ssettm $0x7FFFFFFF  }
0xc3: {  	_ =	shalt  }
tec
execute0_lowered:
.L_overlay_start_1:
0x0: {  	(tag) =	ssettag $0x1  }
0x1: {  	s6 =	rddreg [dreg:$0x0]  }
0x2: {  	s1 =	rddreg [dreg:$0x1]  }
0x3: {  	s0 =	rddreg [dreg:$0x2];
	s3 =	simm.s32 $0x0;
	s2 =	srdreg.scid  }
0x4: {  	s12 =	simm.s32 $0x2080;
	s13 =	simm.s32 $0x2;
	s5 =	sand.u32 $0x1, s2  }
0x5: {  	s14 =	simm.s32 $0x80;
	s2 =	stileid.u32;
	s7 =	smul.u32 $0xC40000, s5  }
0x6: {  	s15 =	simm.s32 $0x1;
	s16 =	simm.s32 $0x0;
	s8 =	smul.u32 $0xC4000, s2  }
0x7: {  	[smem:$0x7FF] =	sst s3;
	s4 =	sadd.s32 $0xC6A00, s6;
	s11 =	smul.u32 $0x6200, s5  }
0x8: {  	_ =	strace $0x80000047;
	s9 =	ssub.s32 $0x2, s5;
	s5 =	smul.u32 $0x1880, s2  }
0x9: {  	s10 =	smul.u32 $0xC400, s2;
	s30 =	sshrl.u32 s9, $0x1;
	s7 =	sadd.s32 s8, s7  }
0xa: {  	s8 =	ssub.s32 s9, s30;
	s9 =	sor.u32 $0x30, s5;
	s7 =	sshrl.u32 s7, $0x3  }
0xb: {  	s31 =	sadd.s32 s7, s6;
	s6 =	smax.u32 s8, $0x1;
	s7 =	sadd.s32 s11, s10  }
0xc: {  	v0 =	vimm.f32 $1.000000000e+00;
	v1 =	vimm.f32 $0.0e+00;
	v2 =	vlaneseq.u32;
	s10 =	simm.s32 $0x40;
	s11 =	simm.s32 $0x4080;
	s8 =	sadd.s32 $0x18AA00, s31  }
.LBB2_1:
0xd: {  	[tilespmem:$0x80] =	vst v0  }
0xe: {  	[tilespmem:$0x2080] =	vst v1  }
0xf: {  	[tilespmem:$0x100] =	vst v0  }
0x10: {  	[tilespmem:$0x2100] =	vst v1  }
0x11: {  	[tilespmem:$0x180] =	vst v0  }
0x12: {  	[tilespmem:$0x2180] =	vst v1  }
0x13: {  	[tilespmem:$0x200] =	vst v0  }
0x14: {  	[tilespmem:$0x2200] =	vst v1  }
0x15: {  	[tilespmem:$0x280] =	vst v0  }
0x16: {  	[tilespmem:$0x2280] =	vst v1  }
0x17: {  	[tilespmem:$0x300] =	vst v0  }
0x18: {  	[tilespmem:$0x2300] =	vst v1  }
0x19: {  	[tilespmem:$0x380] =	vst v0  }
0x1a: {  	[tilespmem:$0x2380] =	vst v1  }
0x1b: {  	[tilespmem:$0x400] =	vst v0  }
0x1c: {  	[tilespmem:$0x2400] =	vst v1  }
0x1d: {  	[tilespmem:$0x480] =	vst v0  }
0x1e: {  	[tilespmem:$0x2480] =	vst v1  }
0x1f: {  	[tilespmem:$0x500] =	vst v0  }
0x20: {  	[tilespmem:$0x2500] =	vst v1  }
0x21: {  	[tilespmem:$0x580] =	vst v0  }
0x22: {  	[tilespmem:$0x2580] =	vst v1  }
0x23: {  	[tilespmem:$0x600] =	vst v0  }
0x24: {  	[tilespmem:$0x2600] =	vst v1  }
0x25: {  	[tilespmem:$0x680] =	vst v0  }
0x26: {  	[tilespmem:$0x2680] =	vst v1  }
0x27: {  	[tilespmem:$0x700] =	vst v0  }
0x28: {  	[tilespmem:$0x2700] =	vst v1  }
0x29: {  	[tilespmem:$0x780] =	vst v0  }
0x2a: {  	[tilespmem:$0x2780] =	vst v1  }
0x2b: {  	[tilespmem:$0x800] =	vst v0  }
0x2c: {  	[tilespmem:$0x2800] =	vst v1  }
0x2d: {  	[tilespmem:$0x880] =	vst v0  }
0x2e: {  	[tilespmem:$0x2880] =	vst v1  }
0x2f: {  	[tilespmem:$0x900] =	vst v0  }
0x30: {  	[tilespmem:$0x2900] =	vst v1  }
0x31: {  	[tilespmem:$0x980] =	vst v0  }
0x32: {  	[tilespmem:$0x2980] =	vst v1  }
0x33: {  	[tilespmem:$0xA00] =	vst v0  }
0x34: {  	[tilespmem:$0x2A00] =	vst v1  }
0x35: {  	[tilespmem:$0xA80] =	vst v0  }
0x36: {  	[tilespmem:$0x2A80] =	vst v1  }
0x37: {  	[tilespmem:$0xB00] =	vst v0  }
0x38: {  	[tilespmem:$0x2B00] =	vst v1  }
0x39: {  	[tilespmem:$0xB80] =	vst v0  }
0x3a: {  	[tilespmem:$0x2B80] =	vst v1  }
0x3b: {  	[tilespmem:$0xC00] =	vst v0  }
0x3c: {  	[tilespmem:$0x2C00] =	vst v1  }
0x3d: {  	[tilespmem:$0xC80] =	vst v0  }
0x3e: {  	[tilespmem:$0x2C80] =	vst v1  }
0x3f: {  	[tilespmem:$0xD00] =	vst v0  }
0x40: {  	[tilespmem:$0x2D00] =	vst v1  }
0x41: {  	[tilespmem:$0xD80] =	vst v0  }
0x42: {  	[tilespmem:$0x2D80] =	vst v1  }
0x43: {  	[tilespmem:$0xE00] =	vst v0  }
0x44: {  	[tilespmem:$0x2E00] =	vst v1  }
0x45: {  	[tilespmem:$0xE80] =	vst v0  }
0x46: {  	[tilespmem:$0x2E80] =	vst v1  }
0x47: {  	[tilespmem:$0xF00] =	vst v0  }
0x48: {  	[tilespmem:$0x2F00] =	vst v1  }
0x49: {  	[tilespmem:$0xF80] =	vst v0  }
0x4a: {  	[tilespmem:$0x2F80] =	vst v1  }
0x4b: {  	[tilespmem:$0x1000] =	vst v0  }
0x4c: {  	[tilespmem:$0x3000] =	vst v1  }
0x4d: {  	[tilespmem:$0x1080] =	vst v0  }
0x4e: {  	[tilespmem:$0x3080] =	vst v1  }
0x4f: {  	[tilespmem:$0x1100] =	vst v0  }
0x50: {  	[tilespmem:$0x3100] =	vst v1  }
0x51: {  	[tilespmem:$0x1180] =	vst v0  }
0x52: {  	[tilespmem:$0x3180] =	vst v1  }
0x53: {  	[tilespmem:$0x1200] =	vst v0  }
0x54: {  	[tilespmem:$0x3200] =	vst v1  }
0x55: {  	[tilespmem:$0x1280] =	vst v0  }
0x56: {  	[tilespmem:$0x3280] =	vst v1  }
0x57: {  	[tilespmem:$0x1300] =	vst v0  }
0x58: {  	[tilespmem:$0x3300] =	vst v1  }
0x59: {  	[tilespmem:$0x1380] =	vst v0  }
0x5a: {  	[tilespmem:$0x3380] =	vst v1  }
0x5b: {  	[tilespmem:$0x1400] =	vst v0  }
0x5c: {  	[tilespmem:$0x3400] =	vst v1  }
0x5d: {  	[tilespmem:$0x1480] =	vst v0  }
0x5e: {  	[tilespmem:$0x3480] =	vst v1  }
0x5f: {  	[tilespmem:$0x1500] =	vst v0  }
0x60: {  	[tilespmem:$0x3500] =	vst v1  }
0x61: {  	[tilespmem:$0x1580] =	vst v0  }
0x62: {  	[tilespmem:$0x3580] =	vst v1  }
0x63: {  	[tilespmem:$0x1600] =	vst v0  }
0x64: {  	[tilespmem:$0x3600] =	vst v1  }
0x65: {  	[tilespmem:$0x1680] =	vst v0  }
0x66: {  	[tilespmem:$0x3680] =	vst v1  }
0x67: {  	[tilespmem:$0x1700] =	vst v0  }
0x68: {  	[tilespmem:$0x3700] =	vst v1  }
0x69: {  	[tilespmem:$0x1780] =	vst v0  }
0x6a: {  	[tilespmem:$0x3780] =	vst v1  }
0x6b: {  	[tilespmem:$0x1800] =	vst v0  }
0x6c: {  	[tilespmem:$0x3800] =	vst v1  }
0x6d: {  	[tilespmem:$0x1880] =	vst v0  }
0x6e: {  	[tilespmem:$0x3880] =	vst v1  }
0x6f: {  	[tilespmem:$0x1900] =	vst v0  }
0x70: {  	[tilespmem:$0x3900] =	vst v1  }
0x71: {  	[tilespmem:$0x1980] =	vst v0  }
0x72: {  	[tilespmem:$0x3980] =	vst v1  }
0x73: {  	[tilespmem:$0x1A00] =	vst v0  }
0x74: {  	[tilespmem:$0x3A00] =	vst v1  }
0x75: {  	[tilespmem:$0x1A80] =	vst v0  }
0x76: {  	[tilespmem:$0x3A80] =	vst v1  }
0x77: {  	[tilespmem:$0x1B00] =	vst v0  }
0x78: {  	[tilespmem:$0x3B00] =	vst v1  }
0x79: {  	[tilespmem:$0x1B80] =	vst v0  }
0x7a: {  	[tilespmem:$0x3B80] =	vst v1  }
0x7b: {  	[tilespmem:$0x1C00] =	vst v0  }
0x7c: {  	[tilespmem:$0x3C00] =	vst v1  }
0x7d: {  	[tilespmem:$0x1C80] =	vst v0  }
0x7e: {  	[tilespmem:$0x3C80] =	vst v1  }
0x7f: {  	[tilespmem:$0x1D00] =	vst v0  }
0x80: {  	[tilespmem:$0x3D00] =	vst v1  }
0x81: {  	[tilespmem:$0x1D80] =	vst v0  }
0x82: {  	[tilespmem:$0x3D80] =	vst v1  }
0x83: {  	[tilespmem:$0x1E00] =	vst v0  }
0x84: {  	[tilespmem:$0x3E00] =	vst v1  }
0x85: {  	[tilespmem:$0x1E80] =	vst v0  }
0x86: {  	[tilespmem:$0x3E80] =	vst v1  }
0x87: {  	[tilespmem:$0x1F00] =	vst v0  }
0x88: {  	[tilespmem:$0x3F00] =	vst v1  }
0x89: {  	[tilespmem:$0x1F80] =	vst v0  }
0x8a: {  	[tilespmem:$0x3F80] =	vst v1  }
0x8b: {  	[tilespmem:$0x2000] =	vst v0;
	s17 =	sadd.s32 $0x0, s5  }
0x8c: {  	[tilespmem:$0x4000] =	vst v1;
	v3 =	vor.u32 s17, v2;
	s18 =	sadd.s32 $0x30, s17  }
0x8d: {  	s19 =	sadd.s32 $0x20, s17;
	[tilespmem:$0x4080] =	vst v3;
	v4 =	vor.u32 s18, v2  }
0x8e: {  	s18 =	sadd.s32 $0x10, s17;
	v3 =	vor.u32 s19, v2;
	s17 =	simm.s32 $0x40;
	[tilespmem:$0x40B0] =	vst v4  }
.LBB2_2:
0x8f: {  	p0 =	sne.s32 s17, $0x1840;
	v4 =	vor.u32 s18, v2;
	[tilespmem:$0x40A0] =	vst v3  }
0x90: {  	[tilespmem:$0x4090] =	vst v4;
	[spmem:s1] =	stream.indirect.scatter [tilespmem:s12], [sflag:$0x2], $0x10, s11, s10, $0xb8  }
.Ltmp0:
0x91: {  	_ =	swait.ge [sflag:s13], $0x400;
	(pc) =	sbr.rel @p0 .LBB2_2-.Ltmp0, $4  }
0x92: {  	s18 =	sadd.s32 s17, s5;
	[sflag:s13] =	ssyncset.done $0x0  }
0x93: {  	v3 =	vor.u32 s18, v2;
	s19 =	sadd.s32 $0x30, s18;
	[sflag:s13] =	ssyncadd.s32 $0xFFFFFC00  }
0x94: {  	s20 =	sadd.s32 $0x20, s18;
	v4 =	vor.u32 s19, v2;
	[tilespmem:$0x4080] =	vst v3  }
0x95: {  	s17 =	sadd.s32 $0x40, s17;
	s18 =	sadd.s32 $0x10, s18;
	v3 =	vor.u32 s20, v2;
	[tilespmem:$0x40B0] =	vst v4  }
0x96: {  	v4 =	vor.u32 s18, v2;
	[tilespmem:$0x40A0] =	vst v3  }
0x97: {  	[tilespmem:$0x4090] =	vst v4  }
0x98: {  	[spmem:s1] =	stream.indirect.scatter [tilespmem:s12], [sflag:$0x2], $0x10, s11, s10, $0xb8;
	[tilespmem:$0x1C900] =	vst v63  }
0x99: {  	s17 =	simm.s32 $0x0;
	_ =	swait.ge [sflag:s13], $0x400  }
0x9a: {  	s30 =	sadd.s32 $0x0, s7;
	s17 =	sand.u32 $0x70, s17;
	[sflag:s13] =	ssyncset.done $0x0  }
0x9b: {  	s18 =	sand.u32 $0xFFFFF80, s30;
	s17 =	sadd.s32 s4, s17;
	[sflag:s13] =	ssyncadd.s32 $0xFFFFFC00  }
0x9c: {  	s17 =	sadd.s32 s18, s17;
	[bflag:$0x0] =	sbarrier.arrive $0xFFFF  }
0x9d: {  	[tilespmem:s3], [sflag:$0x2] =	stream.linear.gather [hbm4b:s17+s3], $0x80, $0x38;
	[tilespmem:$0x1C900] =	vst v63  }
0x9e: {  	_ =	swait.ge [sflag:s13], $0x80  }
0x9f: {  	[sflag:s13] =	ssyncset.done $0x0  }
0xa0: {  	s31 =	simm.s32 $0x10;
	s19 =	sadd.s32 $0x10, s7;
	[sflag:s13] =	ssyncadd.s32 $0xFFFFFF80  }
0xa1: {  	[spmem:s1] =	stream.indirect.scatter.add.f32 [tilespmem:s14], [sflag:$0x2], $0x10, s3, s10, $0xb8;
	[tilespmem:$0x1C900] =	vst v63  }
0xa2: {  	s20 =	sand.u32 $0x70, s31;
	s18 =	sand.u32 $0xFFFFF80, s19;
	_ =	swait.ge [sflag:s13], $0x400  }
0xa3: {  	s19 =	sadd.s32 s4, s20;
	s17 =	simm.s32 $0x20;
	[sflag:s13] =	ssyncset.done $0x0  }
.LBB2_4:
0xa4: {  	s18 =	sadd.s32 s18, s19  }
0xa5: {  	[sflag:s13] =	ssyncadd.s32 $0xFFFFFC00;
	s19 =	smov.u32 s17;
	s20 =	sadd.s32 $0x10, s17  }
0xa6: {  	[tilespmem:s3], [sflag:$0x2] =	stream.linear.gather [hbm4b:s18+s3], $0x80, $0x38;
	[tilespmem:$0x1C900] =	vst v63  }
0xa7: {  	p0 =	sne.s32 s17, $0x61F0;
	_ =	swait.ge [sflag:s13], $0x80  }
.Ltmp1:
0xa8: {  	[sflag:s13] =	ssyncset.done $0x0;
	(pc) =	sbr.rel @p0 .LBB2_4-.Ltmp1, $4  }
0xa9: {  	s17 =	sadd.s32 s19, s7;
	[sflag:s13] =	ssyncadd.s32 $0xFFFFFF80  }
0xaa: {  	[spmem:s1] =	stream.indirect.scatter.add.f32 [tilespmem:s14], [sflag:$0x2], $0x10, s3, s10, $0xb8;
	[tilespmem:$0x1C900] =	vst v63  }
0xab: {  	s19 =	sand.u32 $0x70, s19;
	s18 =	sand.u32 $0xFFFFF80, s17;
	_ =	swait.ge [sflag:s13], $0x400  }
0xac: {  	s19 =	sadd.s32 s4, s19;
	s17 =	smov.u32 s20;
	[sflag:s13] =	ssyncset.done $0x0  }
0xad: {  	s17 =	sadd.s32 s18, s19;
	[sflag:s13] =	ssyncadd.s32 $0xFFFFFC00  }
0xae: {  	[tilespmem:s3], [sflag:$0x2] =	stream.linear.gather [hbm4b:s17+s3], $0x80, $0x38;
	[tilespmem:$0x1C900] =	vst v63  }
0xaf: {  	_ =	swait.ge [sflag:s13], $0x80  }
0xb0: {  	[sflag:s13] =	ssyncset.done $0x0  }
0xb1: {  	[sflag:s13] =	ssyncadd.s32 $0xFFFFFF80  }
0xb2: {  	[spmem:s1] =	stream.indirect.scatter.add.f32 [tilespmem:s14], [sflag:$0x2], $0x10, s3, s10, $0xb8;
	[tilespmem:$0x1C900] =	vst v63  }
0xb3: {  	_ =	swait.ge [sflag:s13], $0x400  }
0xb4: {  	[sflag:s13] =	ssyncset.done $0x0  }
0xb5: {  	[sflag:s13] =	ssyncadd.s32 $0xFFFFFC00  }
0xb6: {  	s28 =	sadd.s32 $0xFFFFFFF0, s9;
	v3 =	vor.u32 s9, v2;
	[bflag:$0x0] =	sbarrier.arrive $0xFFFF  }
0xb7: {  	s30 =	sadd.s32 $0xFFFFFFD0, s9;
	v4 =	vor.u32 s28, v2;
	[tilespmem:$0x40B0] =	vst v3  }
0xb8: {  	s29 =	sadd.s32 $0xFFFFFFE0, s9;
	v63 =	vor.u32 s30, v2;
	[tilespmem:$0x40A0] =	vst v4  }
0xb9: {  	v3 =	vor.u32 s29, v2;
	[tilespmem:$0x4080] =	vst v63  }
0xba: {  	[tilespmem:$0x4090] =	vst v3  }
0xbb: {  	[tilespmem:s12], [sflag:$0x1] =	stream.indirect.gather [spmem:s1], $0x10, s11, s10, $0xb8;
	[tilespmem:$0x1C900] =	vst v63  }
0xbc: {  	_ =	swait.ge [sflag:s15], $0x400  }
0xbd: {  	s31 =	sadd.s32 $0x0, s8;
	[sflag:s15] =	ssyncset.done $0x0  }
0xbe: {  	s18 =	smov.u32 s9;
	s17 =	simm.s32 $0x400;
	[sflag:s15] =	ssyncadd.s32 $0xFFFFFC00  }
0xbf: {  	[hbm4b:s31+s3] =	stream.linear.scatter [tilespmem:s12], [sflag:$0x2], $0x2000, $0x38;
	[tilespmem:$0x1C900] =	vst v63  }
.LBB2_6:
0xc0: {  	p0 =	sne.s32 s17, $0x18400  }
0xc1: {  	_ =	swait.ge [sflag:s13], $0x2000;
	s18 =	sadd.s32 $0x40, s18;
	s19 =	smov.u32 s17  }
0xc2: {  	s17 =	sadd.s32 $0x400, s17;
	s20 =	sadd.s32 $0xFFFFFFD0, s18;
	[sflag:s13] =	ssyncset.done $0x0  }
0xc3: {  	s21 =	sadd.s32 $0xFFFFFFE0, s18;
	s22 =	sadd.s32 $0xFFFFFFF0, s18;
	v3 =	vor.u32 s18, v2;
	[sflag:s13] =	ssyncadd.s32 $0xFFFFE000  }
0xc4: {  	v4 =	vor.u32 s20, v2;
	v5 =	vor.u32 s21, v2;
	v6 =	vor.u32 s22, v2;
	[tilespmem:$0x40B0] =	vst v3  }
0xc5: {  	[tilespmem:$0x40A0] =	vst v6  }
0xc6: {  	[tilespmem:$0x4090] =	vst v5  }
0xc7: {  	[tilespmem:$0x4080] =	vst v4  }
0xc8: {  	[tilespmem:s12], [sflag:$0x1] =	stream.indirect.gather [spmem:s1], $0x10, s11, s10, $0xb8;
	[tilespmem:$0x1C900] =	vst v63  }
.Ltmp2:
0xc9: {  	_ = 	snop;
	(pc) =	sbr.rel @p0 .LBB2_6-.Ltmp2, $4  }
0xca: {  	_ =	swait.ge [sflag:s15], $0x400  }
0xcb: {  	s19 =	sadd.s32 s19, s8;
	[sflag:s15] =	ssyncset.done $0x0  }
0xcc: {  	[sflag:s15] =	ssyncadd.s32 $0xFFFFFC00  }
0xcd: {  	[hbm4b:s19+s3] =	stream.linear.scatter [tilespmem:s12], [sflag:$0x2], $0x2000, $0x38;
	[tilespmem:$0x1C900] =	vst v63  }
0xce: {  	s16 =	sadd.s32 $0x1, s16  }
0xcf: {  	p0 =	sne.s32 s16, s6  }
.Ltmp3:
0xd0: {  	_ = 	snop;
	(pc) =	sbr.rel @p0 .LBB2_1-.Ltmp3, $4  }
0xd1: {  	_ = 	snop  }
0xd2: {  	_ =	swait.ge [sflag:s13], $0x2000  }
0xd3: {  	[sflag:s13] =	ssyncset.done $0x0  }
0xd4: {  	[sflag:s13] =	ssyncadd.s32 $0xFFFFE000  }
0xd5: {  	_ =	sfence.sel $0x180000  }
0xd6: {  	[bflag:$0x0] =	sbarrier.arrive $0xFFFF  }
0xd7: {  	p0 =	sne.s32 s2, $0x0;
	_ =	strace $0x90000047  }
0xd8: {  	s0 =	sadd.s32 @!p0 $0x100000, s0;
	[bflag:$0x2] =	sbarrier.arrive $0xFFFF  }
0xd9: {  	[sflag:s0] =	ssyncadd.tile.s32 @!p0 $0x1;
	_ =	shalt  }
.Lfunc_end2:
_tile_overlayer_lowered:
.L_overlay_start_2:
0xda: {  	(tag) =	ssettag $0x2  }
0xdb: {  	s0 =	rddreg [dreg:$0x0];
	s2 =	stileid.u32  }
0xdc: {  	s1 =	rddreg [dreg:$0x1];
	p0 =	sne.s32 s2, $0x0  }
0xdd: {  	s3 =	rddreg [dreg:$0x2];
	[bflag:$0x3] =	sbarrier.arrive $0xFFFF;
	s2 =	simm.s32 @!p0 $0x1C02  }
0xde: {  	[timem:s3], [sflag:s2] =	dma.local @!p0 [hbm:s0], s1  }
0xdf: {  	s0 =	simm.s32 @!p0 $0x2  }
0xe0: {  	_ =	swait.ge @!p0 [sflag:s0], s1  }
0xe1: {  	s1 =	ssub.s32 @!p0 $0x0, s1;
	[sflag:s0] =	ssyncset.done @!p0 $0x0  }
0xe2: {  	[sflag:s0] =	ssyncadd.s32 @!p0 s1  }
0xe3: {  	[bflag:$0x3] =	sbarrier.arrive $0xFFFF  }
0xe4: {  	_ =	shalt  }

// kernel: kernel.13.cloned.1.call-start
scs
__scs_entry_jumppad:
0x0: {  	(pc) =	sbr.rel $0x88, $3  }
0x1: {  	(tag) =	ssettag $0x0;
	lr =	simm.s32 $0x1  }
0x2: {  	[smem:$0x3F99] =	sst lr;
	_ =	strace $0xD0000000  }
0x3: {  	_ = 	snop  }
0x4: {  	_ = 	snop  }
0x5: {  	_ = 	snop  }
0x6: {  	_ = 	snop  }
0x7: {  	_ = 	snop  }
__scs_overlays_trampoline_lowered:
0x8: {  	[smem:$0x3FA8] =	sst s0  }
0x9: {  	[smem:$0x3FA9] =	sst s1  }
0xa: {  	[smem:$0x3FAA] =	sst s2  }
0xb: {  	[smem:$0x3FAB] =	sst s3  }
0xc: {  	[smem:$0x3FAC] =	sst s4  }
0xd: {  	[smem:$0x3FAD] =	sst s5  }
0xe: {  	[smem:$0x3FAE] =	sst s6  }
0xf: {  	[smem:$0x3FAF] =	sst s7  }
0x10: {  	[smem:$0x3FB0] =	sst s8  }
0x11: {  	[smem:$0x3FB1] =	sst s9;
	s0 =	simm.s32 @!p0 $0x0  }
0x12: {  	s1 =	sld [smem:$0x3F97];
	s0 =	simm.s32 @p0 $0x1  }
0x13: {  	[smem:$0x3FB2] =	sst s0;
	s0 =	simm.s32 @!p1 $0x0  }
0x14: {  	s2 =	sld [smem:$0x3F96];
	s0 =	simm.s32 @p1 $0x1  }
0x15: {  	[smem:$0x3FB3] =	sst s0;
	s0 =	simm.s32 @!p2 $0x0  }
0x16: {  	s3 =	sld [smem:$0x3FDB];
	s0 =	simm.s32 @p2 $0x1  }
0x17: {  	s4 =	simm.s32 $0x1BF5;
	[smem:$0x3FB5] =	sst s0  }
0x18: {  	s0 =	sld [smem:$0x3F98];
	_ =	swait.ge [sflag:s4], $0x0  }
0x19: {  	s7 =	sld [smem:$0x3F99]  }
0x1a: {  	s8 =	sadd.s32 $0xFFFFE003, lr  }
0x1b: {  	s9 =	sadd.s32 $0xFFFFFEF7, lr;
	s5 =	simm.s32 $0xFFFFFFFF;
	p2 =	slt.u32 s8, $0xFFFFF086  }
0x1c: {  	p1 =	slt.u32 s9, $0xF7A;
	s5 =	simm.s32 @!p2 $0x0  }
0x1d: {  	s5 =	simm.s32 @p1 $0x1;
	p0 =	seq.s32 s7, s2  }
0x1e: {  	s7 =	smul.u32 @!p0 $0xF7A, s2;
	p2 =	seq.s32 @!p0 s5, $0x0  }
0x1f: {  	s9 =	smul.u32 $0xF7A, s1;
	s8 =	simm.s32 @!p0 $0x1BF5;
	p2 =	por !p2, p0  }
0x20: {  	[sflag:s8] =	ssyncset.s32 @!p0 $0xFFFFF086;
	s6 =	sadd.s32 @!p0 s3, s7;
	s7 =	simm.s32 @!p0 $0x108  }
0x21: {  	s3 =	sadd.s32 s3, s9;
	s6 =	sadd.s32 @!p0 $0x88, s6;
	s7 =	simm.s32 @p2 $0x1082  }
0x22: {  	[simem:s7], [sflag:s8] =	dma.local @!p0 [hbm:s6], $0xF7A  }
0x23: {  	s9 =	sor.u32 $0xD0000000, s2;
	s6 =	simm.s32 $0x108;
	_ =	swait.ge @!p0 [sflag:s8], $0x0  }
0x24: {  	s3 =	sadd.s32 $0x88, s3;
	s6 =	simm.s32 @!p1 $0x1082;
	[sflag:s4] =	ssyncset.s32 $0xFFFFF086  }
0x25: {  	[simem:s6], [sflag:s4] =	dma.local [hbm:s3], $0xF7A  }
0x26: {  	[smem:$0x3F99] =	sst s1;
	(tag) =	ssettag s2;
	_ =	strace s9  }
0x27: {  	s1 =	sld [smem:$0x3FA9]  }
0x28: {  	s2 =	sld [smem:$0x3FAA]  }
0x29: {  	s4 =	sld [smem:$0x3FAC]  }
0x2a: {  	p0 =	seq.s32 s5, $0x0;
	s5 =	sld [smem:$0x3FAD]  }
0x2b: {  	s6 =	sld [smem:$0x3FAE]  }
0x2c: {  	s7 =	sld [smem:$0x3FAF]  }
0x2d: {  	s3 =	simm.s32 $0x108;
	s8 =	sld [smem:$0x3FB0]  }
0x2e: {  	s3 =	simm.s32 @!p0 $0x1082;
	s9 =	sld [smem:$0x3FB1]  }
0x2f: {  	lr =	sadd.s32 s0, s3;
	s0 =	sld [smem:$0x3FA8]  }
0x30: {  	s3 =	sld [smem:$0x3FAB]  }
0x31: {  	[smem:$0x3FB4] =	sst s10  }
0x32: {  	s10 =	sld [smem:$0x3FB2];
	_ =	sdelay $0x3  }
0x33: {  	p0 =	seq.s32 s10, $0x1;
	s10 =	sld [smem:$0x3FB4];
	_ =	sdelay $0x3  }
0x34: {  	[smem:$0x3FB4] =	sst s10  }
0x35: {  	s10 =	sld [smem:$0x3FB3];
	_ =	sdelay $0x3  }
0x36: {  	p1 =	seq.s32 s10, $0x1;
	s10 =	sld [smem:$0x3FB4];
	_ =	sdelay $0x3  }
0x37: {  	[smem:$0x3FB4] =	sst s10  }
0x38: {  	s10 =	sld [smem:$0x3FB5]  }
0x39: {  	_ = 	snop;
	(pc) =	sbr.ind lr, $3  }
0x3a: {  	_ = 	snop  }
0x3b: {  	_ = 	snop  }
0x3c: {  	p2 =	seq.s32 s10, $0x1;
	s10 =	sld [smem:$0x3FB4]  }
0x3d: {  	_ =	shalt  }
0x3e: {  	_ =	shalt  }
0x3f: {  	_ =	shalt  }
0x40: {  	_ =	shalt  }
0x41: {  	_ =	shalt  }
0x42: {  	_ =	shalt  }
0x43: {  	_ =	shalt  }
0x44: {  	_ =	shalt  }
0x45: {  	_ =	shalt  }
0x46: {  	_ =	shalt  }
0x47: {  	_ =	shalt  }
0x48: {  	_ =	shalt  }
0x49: {  	_ =	shalt  }
0x4a: {  	_ =	shalt  }
0x4b: {  	_ =	shalt  }
0x4c: {  	_ =	shalt  }
0x4d: {  	_ =	shalt  }
0x4e: {  	_ =	shalt  }
0x4f: {  	_ =	shalt  }
0x50: {  	_ =	shalt  }
0x51: {  	_ =	shalt  }
0x52: {  	_ =	shalt  }
0x53: {  	_ =	shalt  }
0x54: {  	_ =	shalt  }
0x55: {  	_ =	shalt  }
0x56: {  	_ =	shalt  }
0x57: {  	_ =	shalt  }
0x58: {  	_ =	shalt  }
0x59: {  	_ =	shalt  }
0x5a: {  	_ =	shalt  }
0x5b: {  	_ =	shalt  }
0x5c: {  	_ =	shalt  }
0x5d: {  	_ =	shalt  }
0x5e: {  	_ =	shalt  }
0x5f: {  	_ =	shalt  }
0x60: {  	_ =	shalt  }
0x61: {  	_ =	shalt  }
0x62: {  	_ =	shalt  }
0x63: {  	_ =	shalt  }
0x64: {  	_ =	shalt  }
0x65: {  	_ =	shalt  }
0x66: {  	_ =	shalt  }
0x67: {  	_ =	shalt  }
0x68: {  	_ =	shalt  }
0x69: {  	_ =	shalt  }
0x6a: {  	_ =	shalt  }
0x6b: {  	_ =	shalt  }
0x6c: {  	_ =	shalt  }
0x6d: {  	_ =	shalt  }
0x6e: {  	_ =	shalt  }
0x6f: {  	_ =	shalt  }
0x70: {  	_ =	shalt  }
0x71: {  	_ =	shalt  }
0x72: {  	_ =	shalt  }
0x73: {  	_ =	shalt  }
0x74: {  	_ =	shalt  }
0x75: {  	_ =	shalt  }
0x76: {  	_ =	shalt  }
0x77: {  	_ =	shalt  }
0x78: {  	_ =	shalt  }
0x79: {  	_ =	shalt  }
0x7a: {  	_ =	shalt  }
0x7b: {  	_ =	shalt  }
0x7c: {  	_ =	shalt  }
0x7d: {  	_ =	shalt  }
0x7e: {  	_ =	shalt  }
0x7f: {  	_ =	shalt  }
0x80: {  	_ =	shalt  }
0x81: {  	_ =	shalt  }
0x82: {  	_ =	shalt  }
0x83: {  	_ =	shalt  }
0x84: {  	_ =	shalt  }
0x85: {  	_ =	shalt  }
0x86: {  	_ =	shalt  }
0x87: {  	_ =	shalt  }
.Lfunc_end0:
.L_simem_size_0:
called_computation.1_lowered:
.L_overlay_start_0:
0x88: {  	s2 =	sld [smem:$0x3FD9]  }
0x89: {  	s3 =	sld [smem:$0x3FFE];
	_ =	sdelay $0x1  }
0x8a: {  	s1 =	srdreg.scid  }
0x8b: {  	s0 =	sand.u32 $0x1, s1  }
0x8c: {  	s16 =	sshll.u32 s0, $0xA;
	s2 =	sadd.s32 s3, s2  }
0x8d: {  	s2 =	sadd.s32 s2, s16  }
0x8e: {  	[smem:$0x3FC0] =	sst s2  }
0x8f: {  	_ = 	snop  }
0x90: {  	(tm) =	ssettm $0x1  }
0x91: {  	s17 =	sld [smem:$0x3FFB];
	_ =	sdelay $0x3  }
0x92: {  	_ =	strace s17  }
0x93: {  	s2 =	sld [smem:$0x3FFC];
	_ =	sdelay $0x3  }
0x94: {  	_ =	strace s2  }
0x95: {  	s2 =	sld [smem:$0x3FFD];
	_ =	sdelay $0x3  }
0x96: {  	_ =	strace s2  }
0x97: {  	_ =	strace $0x8FFFFFFF  }
0x98: {  	s18 =	sld [smem:$0x3FDB];
	_ =	sdelay $0x1  }
0x99: {  	s19 =	simm.s32 $_scs_section_size  }
0x9a: {  	s4 =	simm.s32 $_size__tile_overlayer_lowered;
	s5 =	simm.s32 $_tile_overlayer_lowered  }
0x9b: {  	s22 =	simm.s32 $0x1BFF;
	s21 =	sshll.u32 s5, $0x1;
	s2 =	sadd.s32 s19, s18  }
0x9c: {  	s6 =	simm.s32 $0x0;
	s20 =	sshll.u32 s4, $0x1;
	s4 =	sadd.s32 s21, s2  }
0x9d: {  	[timem:s6], [sflag:s22] =	dma.local [hbm:s4], s20  }
0x9e: {  	_ =	swait.ge [sflag:s22], s20  }
0x9f: {  	s3 =	ssub.s32 $0x0, s20;
	[sflag:s22] =	ssyncset.done $0x0  }
0xa0: {  	[sflag:s22] =	ssyncadd.s32 s3;
	_ =	sdelay $0x1  }
0xa1: {  	s23 =	simm.s32 $0x1B8B  }
0xa2: {  	_ =	swait.ge [sflag:s23], $0x1  }
0xa3: {  	[sflag:s23] =	ssyncset.done $0x0  }
0xa4: {  	s25 =	simm.s32 $0x1B8E;
	s24 =	sld [smem:$0x3FFE];
	[sflag:s23] =	ssyncadd.s32 $0xFFFFFFFF  }
0xa5: {  	s26 =	simm.s32 $execute0_lowered;
	[smem:$0x3FD2] =	sst s25  }
0xa6: {  	s4 =	sshll.u32 s26, $0x1;
	_ =	strace $0x80000049;
	[dreg:$0x1] =	wrdreg $0xFFFFFFFF  }
0xa7: {  	s28 =	simm.s32 $_size_execute0_lowered;
	s2 =	sadd.s32 s2, s4;
	[dreg:$0x0] =	wrdreg $0x0  }
0xa8: {  	s4 =	sshll.u32 s28, $0x1;
	[dreg:$0x2] =	wrdreg s2  }
0xa9: {  	[dreg:$0x3] =	wrdreg s4  }
0xaa: {  	[dreg:$0x4] =	wrdreg $0xC0  }
0xab: {  	_ =	task [dreg:s6], $0x5FFFF  }
0xac: {  	[dreg:$0x1] =	wrdreg $0xFFFFFFFF  }
0xad: {  	[dreg:$0x0] =	wrdreg $0x60  }
0xae: {  	[dreg:$0x2] =	wrdreg s24  }
0xaf: {  	[dreg:$0x3] =	wrdreg $0x21000  }
0xb0: {  	[dreg:$0x4] =	wrdreg $0x9  }
0xb1: {  	_ =	task.clear_ibuf [dreg:s6], $0x5FFFF;
	_ =	strace $0x90000049  }
0xb2: {  	s29 =	simm.s32 $0x9;
	_ =	strace $0x8000004B  }
0xb3: {  	_ =	swait.ge [sflag:s29], $0x1  }
0xb4: {  	[sflag:s29] =	ssyncadd.s32 $0xFFFFFFFF  }
0xb5: {  	_ =	strace $0x9000004B  }
0xb6: {  	_ =	sfence  }
0xb7: {  	s30 =	sld [smem:$0x0];
	_ =	sdelay $0x2  }
0xb8: {  	s31 =	sshll.u32 s1, $0xD;
	s1 =	sshrl.u32 s1, $0x2  }
0xb9: {  	s3 =	sand.u32 $0x4000, s31;
	s1 =	sadd.s32 s1, s30  }
0xba: {  	s0 =	sor.u32 s3, s0;
	s1 =	sshll.u32 s1, $0x11  }
0xbb: {  	s0 =	sor.u32 s1, s0  }
0xbc: {  	s0 =	sadd.s32 $0x8F2B, s0  }
0xbd: {  	[sflag:s0] =	ssyncadd.remote.s32 $0x1  }
0xbe: {  	_ =	sfence.sel $0xFFFF  }
0xbf: {  	[dreg:$0x0] =	wrdreg $0xFFFFFFFF;
	(pc) =	sbr.abs _section_cstart, $3  }
0xc0: {  	[dreg:$0x1] =	wrdreg $0xFFFFFFFF  }
0xc1: {  	_ =	task.clear_ibuf [dreg:s6], $0x2FFFF;
	_ =	strace $0x9FFFFFFF  }
0xc2: {  	(tm) =	ssettm $0x7FFFFFFF  }
0xc3: {  	_ =	shalt  }
tec
execute0_lowered:
.L_overlay_start_1:
0x0: {  	(tag) =	ssettag $0x1  }
0x1: {  	s5 =	rddreg [dreg:$0x0];
	s1 =	stileid.u32  }
0x2: {  	s2 =	rddreg [dreg:$0x1];
	s4 =	smul.u32 $0x18800, s1  }
0x3: {  	s0 =	rddreg [dreg:$0x2];
	s6 =	smul.u32 $0x310000, s1  }
0x4: {  	s3 =	simm.s32 $0x0;
	s7 =	srdreg.scid;
	s8 =	smul.u32 $0x1880, s1  }
0x5: {  	[smem:$0x7FF] =	sst s3;
	s7 =	sand.u32 $0x1, s7;
	s13 =	smul.u32 $0xC400, s1  }
0x6: {  	s15 =	simm.s32 $0x0;
	_ =	strace $0x8000004A;
	s11 =	smul.u32 $0x188000, s7  }
0x7: {  	s10 =	ssub.s32 $0x2, s7;
	s30 =	smul.u32 $0x6200, s7;
	s9 =	sadd.s32 s4, s5  }
0x8: {  	s4 =	sadd.s32 $0x621400, s5;
	s12 =	sshrl.u32 s10, $0x1;
	s14 =	sadd.s32 s6, s5  }
0x9: {  	s7 =	sor.u32 $0x30, s8;
	s29 =	ssub.s32 s10, s12;
	s6 =	sadd.s32 $0x86D400, s9  }
0xa: {  	s31 =	sadd.s32 s11, s14;
	s9 =	sadd.s32 s30, s13;
	s10 =	simm.s32 $0x80  }
0xb: {  	s11 =	simm.s32 $0x2;
	s12 =	simm.s32 $0x40;
	s13 =	simm.s32 $0x2080  }
0xc: {  	v0 =	vlaneseq.u32;
	s14 =	simm.s32 $0x1;
	s5 =	smax.u32 s29, $0x1;
	s8 =	sadd.s32 $0xB7D400, s31  }
.LBB2_1:
0xd: {  	s16 =	sadd.s32 $0x0, s6  }
0xe: {  	[tilespmem:s10], [sflag:$0x2] =	stream.linear.gather [hbm4b:s16+s3], $0x2000, $0x38;
	[tilespmem:$0x1A900] =	vst v63  }
0xf: {  	_ =	swait.ge [sflag:s11], $0x2000  }
0x10: {  	[sflag:s11] =	ssyncset.done $0x0  }
0x11: {  	s30 =	sadd.s32 $0xFFFFFFF0, s7;
	v1 =	vor.u32 s7, v0;
	[sflag:s11] =	ssyncadd.s32 $0xFFFFE000  }
0x12: {  	s17 =	sadd.s32 $0xFFFFFFD0, s7;
	v2 =	vor.u32 s30, v0;
	[tilespmem:$0x20B0] =	vst v1  }
0x13: {  	s31 =	sadd.s32 $0xFFFFFFE0, s7;
	v1 =	vor.u32 s17, v0;
	[tilespmem:$0x20A0] =	vst v2  }
0x14: {  	v2 =	vor.u32 s31, v0;
	[tilespmem:$0x2080] =	vst v1  }
0x15: {  	s16 =	simm.s32 $0x400;
	s17 =	sadd.s32 $0x40, s7;
	[tilespmem:$0x2090] =	vst v2  }
.LBB2_2:
0x16: {  	[spmem:s2] =	stream.indirect.scatter [tilespmem:s10], [sflag:$0x2], $0x10, s13, s12, $0xb8;
	[tilespmem:$0x1A900] =	vst v63  }
0x17: {  	s18 =	smov.u32 s16  }
0x18: {  	p0 =	sne.s32 s16, $0x18400;
	s16 =	sadd.s32 $0x400, s16;
	_ =	swait.ge [sflag:s11], $0x400  }
0x19: {  	[sflag:s11] =	ssyncset.done $0x0  }
0x1a: {  	s18 =	sadd.s32 s18, s6;
	[sflag:s11] =	ssyncadd.s32 $0xFFFFFC00  }
0x1b: {  	[tilespmem:s10], [sflag:$0x2] =	stream.linear.gather [hbm4b:s18+s3], $0x2000, $0x38;
	[tilespmem:$0x1A900] =	vst v63  }
0x1c: {  	_ =	swait.ge [sflag:s11], $0x2000  }
0x1d: {  	[sflag:s11] =	ssyncset.done $0x0  }
.Ltmp0:
0x1e: {  	v1 =	vor.u32 s17, v0;
	s18 =	sadd.s32 $0xFFFFFFF0, s17;
	[sflag:s11] =	ssyncadd.s32 $0xFFFFE000;
	(pc) =	sbr.rel @p0 .LBB2_2-.Ltmp0, $4  }
0x1f: {  	s19 =	sadd.s32 $0xFFFFFFD0, s17;
	s20 =	sadd.s32 $0xFFFFFFE0, s17;
	v2 =	vor.u32 s18, v0;
	[tilespmem:$0x20B0] =	vst v1  }
0x20: {  	v3 =	vor.u32 s20, v0;
	v1 =	vor.u32 s19, v0;
	[tilespmem:$0x20A0] =	vst v2  }
0x21: {  	[tilespmem:$0x2080] =	vst v1  }
0x22: {  	s17 =	sadd.s32 $0x40, s17;
	[tilespmem:$0x2090] =	vst v3  }
0x23: {  	[spmem:s2] =	stream.indirect.scatter [tilespmem:s10], [sflag:$0x2], $0x10, s13, s12, $0xb8;
	[tilespmem:$0x1A900] =	vst v63  }
0x24: {  	s16 =	simm.s32 $0x0;
	_ =	swait.ge [sflag:s11], $0x400  }
0x25: {  	s17 =	sadd.s32 $0x0, s9;
	s16 =	sand.u32 $0x70, s16;
	[sflag:s11] =	ssyncset.done $0x0  }
0x26: {  	s17 =	sand.u32 $0xFFFFF80, s17;
	s16 =	sadd.s32 s4, s16;
	[sflag:s11] =	ssyncadd.s32 $0xFFFFFC00  }
0x27: {  	s16 =	sadd.s32 s17, s16;
	[bflag:$0x0] =	sbarrier.arrive $0xFFFF  }
0x28: {  	[tilespmem:s3], [sflag:$0x2] =	stream.linear.gather [hbm4b:s16+s3], $0x80, $0x38;
	[tilespmem:$0x1A900] =	vst v63  }
0x29: {  	_ =	swait.ge [sflag:s11], $0x80  }
0x2a: {  	[sflag:s11] =	ssyncset.done $0x0  }
0x2b: {  	[sflag:s11] =	ssyncadd.s32 $0xFFFFFF80  }
0x2c: {  	[tilespmem:s10], [sflag:$0x1] =	stream.indirect.gather [spmem:s2], $0x10, s3, s12, $0xb8;
	[tilespmem:$0x1A900] =	vst v63  }
0x2d: {  	_ =	swait.ge [sflag:s14], $0x400  }
0x2e: {  	s18 =	simm.s32 $0x10;
	[sflag:s14] =	ssyncset.done $0x0  }
0x2f: {  	s19 =	sadd.s32 $0x10, s9;
	s20 =	sand.u32 $0x70, s18;
	[sflag:s14] =	ssyncadd.s32 $0xFFFFFC00  }
0x30: {  	[hbm4b:s8+s3] =	stream.linear.scatter [tilespmem:s10], [sflag:$0x2], $0x2000, $0x38;
	[tilespmem:$0x1A900] =	vst v63  }
0x31: {  	s18 =	sand.u32 $0xFFFFF80, s19;
	s19 =	sadd.s32 s4, s20;
	_ =	swait.ge [sflag:s11], $0x2000  }
0x32: {  	s17 =	simm.s32 $0x20;
	s16 =	sadd.s32 $0x400, s8;
	[sflag:s11] =	ssyncset.done $0x0  }
.LBB2_4:
0x33: {  	s18 =	sadd.s32 s18, s19;
	[sflag:s11] =	ssyncadd.s32 $0xFFFFE000  }
0x34: {  	s19 =	smov.u32 s17;
	s20 =	sadd.s32 $0x10, s17;
	s21 =	smov.u32 s16  }
0x35: {  	[tilespmem:s3], [sflag:$0x2] =	stream.linear.gather [hbm4b:s18+s3], $0x80, $0x38;
	[tilespmem:$0x1A900] =	vst v63  }
0x36: {  	p0 =	sne.s32 s17, $0x61F0;
	_ =	swait.ge [sflag:s11], $0x80  }
0x37: {  	[sflag:s11] =	ssyncset.done $0x0  }
0x38: {  	[sflag:s11] =	ssyncadd.s32 $0xFFFFFF80  }
0x39: {  	[tilespmem:s10], [sflag:$0x1] =	stream.indirect.gather [spmem:s2], $0x10, s3, s12, $0xb8;
	[tilespmem:$0x1A900] =	vst v63  }
0x3a: {  	_ =	swait.ge [sflag:s14], $0x400  }
.Ltmp1:
0x3b: {  	[sflag:s14] =	ssyncset.done $0x0;
	(pc) =	sbr.rel @p0 .LBB2_4-.Ltmp1, $4  }
0x3c: {  	s16 =	sadd.s32 $0x400, s16;
	s17 =	sadd.s32 s19, s9;
	[sflag:s14] =	ssyncadd.s32 $0xFFFFFC00  }
0x3d: {  	[hbm4b:s21+s3] =	stream.linear.scatter [tilespmem:s10], [sflag:$0x2], $0x2000, $0x38;
	[tilespmem:$0x1A900] =	vst v63  }
0x3e: {  	s19 =	sand.u32 $0x70, s19;
	s18 =	sand.u32 $0xFFFFF80, s17;
	_ =	swait.ge [sflag:s11], $0x2000  }
0x3f: {  	s19 =	sadd.s32 s4, s19;
	s17 =	smov.u32 s20;
	[sflag:s11] =	ssyncset.done $0x0  }
0x40: {  	s17 =	sadd.s32 s18, s19;
	[sflag:s11] =	ssyncadd.s32 $0xFFFFE000  }
0x41: {  	[tilespmem:s3], [sflag:$0x2] =	stream.linear.gather [hbm4b:s17+s3], $0x80, $0x38;
	[tilespmem:$0x1A900] =	vst v63  }
0x42: {  	_ =	swait.ge [sflag:s11], $0x80  }
0x43: {  	[sflag:s11] =	ssyncset.done $0x0  }
0x44: {  	[sflag:s11] =	ssyncadd.s32 $0xFFFFFF80  }
0x45: {  	[tilespmem:s10], [sflag:$0x1] =	stream.indirect.gather [spmem:s2], $0x10, s3, s12, $0xb8;
	[tilespmem:$0x1A900] =	vst v63  }
0x46: {  	s15 =	sadd.s32 $0x1, s15;
	_ =	swait.ge [sflag:s14], $0x400  }
0x47: {  	p0 =	sne.s32 s15, s5;
	[sflag:s14] =	ssyncset.done $0x0  }
.Ltmp2:
0x48: {  	[sflag:s14] =	ssyncadd.s32 $0xFFFFFC00;
	(pc) =	sbr.rel @p0 .LBB2_1-.Ltmp2, $4  }
0x49: {  	[hbm4b:s16+s3] =	stream.linear.scatter [tilespmem:s10], [sflag:$0x2], $0x2000, $0x38;
	[tilespmem:$0x1A900] =	vst v63  }
0x4a: {  	_ =	swait.ge [sflag:s11], $0x2000  }
0x4b: {  	[sflag:s11] =	ssyncset.done $0x0  }
0x4c: {  	[sflag:s11] =	ssyncadd.s32 $0xFFFFE000  }
0x4d: {  	_ =	sfence.sel $0x180000  }
0x4e: {  	[bflag:$0x0] =	sbarrier.arrive $0xFFFF  }
0x4f: {  	p0 =	sne.s32 s1, $0x0;
	_ =	strace $0x9000004A  }
0x50: {  	s0 =	sadd.s32 @!p0 $0x100000, s0;
	[bflag:$0x2] =	sbarrier.arrive $0xFFFF  }
0x51: {  	[sflag:s0] =	ssyncadd.tile.s32 @!p0 $0x1;
	_ =	shalt  }
.Lfunc_end2:
_tile_overlayer_lowered:
.L_overlay_start_2:
0x52: {  	(tag) =	ssettag $0x2  }
0x53: {  	s0 =	rddreg [dreg:$0x0];
	s2 =	stileid.u32  }
0x54: {  	s1 =	rddreg [dreg:$0x1];
	p0 =	sne.s32 s2, $0x0  }
0x55: {  	s3 =	rddreg [dreg:$0x2];
	[bflag:$0x3] =	sbarrier.arrive $0xFFFF;
	s2 =	simm.s32 @!p0 $0x1C02  }
0x56: {  	[timem:s3], [sflag:s2] =	dma.local @!p0 [hbm:s0], s1  }
0x57: {  	s0 =	simm.s32 @!p0 $0x2  }
0x58: {  	_ =	swait.ge @!p0 [sflag:s0], s1  }
0x59: {  	s1 =	ssub.s32 @!p0 $0x0, s1;
	[sflag:s0] =	ssyncset.done @!p0 $0x0  }
0x5a: {  	[sflag:s0] =	ssyncadd.s32 @!p0 s1  }
0x5b: {  	[bflag:$0x3] =	sbarrier.arrive $0xFFFF  }
0x5c: {  	_ =	shalt  }

// kernel: kernel.16.cloned.1.call-start
scs
__scs_entry_jumppad:
0x0: {  	(pc) =	sbr.rel $0x88, $3  }
0x1: {  	(tag) =	ssettag $0x0;
	lr =	simm.s32 $0x1  }
0x2: {  	[smem:$0x3F99] =	sst lr;
	_ =	strace $0xD0000000  }
0x3: {  	_ = 	snop  }
0x4: {  	_ = 	snop  }
0x5: {  	_ = 	snop  }
0x6: {  	_ = 	snop  }
0x7: {  	_ = 	snop  }
__scs_overlays_trampoline_lowered:
0x8: {  	[smem:$0x3FA8] =	sst s0  }
0x9: {  	[smem:$0x3FA9] =	sst s1  }
0xa: {  	[smem:$0x3FAA] =	sst s2  }
0xb: {  	[smem:$0x3FAB] =	sst s3  }
0xc: {  	[smem:$0x3FAC] =	sst s4  }
0xd: {  	[smem:$0x3FAD] =	sst s5  }
0xe: {  	[smem:$0x3FAE] =	sst s6  }
0xf: {  	[smem:$0x3FAF] =	sst s7  }
0x10: {  	[smem:$0x3FB0] =	sst s8  }
0x11: {  	[smem:$0x3FB1] =	sst s9;
	s0 =	simm.s32 @!p0 $0x0  }
0x12: {  	s1 =	sld [smem:$0x3F97];
	s0 =	simm.s32 @p0 $0x1  }
0x13: {  	[smem:$0x3FB2] =	sst s0;
	s0 =	simm.s32 @!p1 $0x0  }
0x14: {  	s2 =	sld [smem:$0x3F96];
	s0 =	simm.s32 @p1 $0x1  }
0x15: {  	[smem:$0x3FB3] =	sst s0;
	s0 =	simm.s32 @!p2 $0x0  }
0x16: {  	s3 =	sld [smem:$0x3FDB];
	s0 =	simm.s32 @p2 $0x1  }
0x17: {  	s4 =	simm.s32 $0x1BF5;
	[smem:$0x3FB5] =	sst s0  }
0x18: {  	s0 =	sld [smem:$0x3F98];
	_ =	swait.ge [sflag:s4], $0x0  }
0x19: {  	s7 =	sld [smem:$0x3F99]  }
0x1a: {  	s8 =	sadd.s32 $0xFFFFE003, lr  }
0x1b: {  	s9 =	sadd.s32 $0xFFFFFEF7, lr;
	s5 =	simm.s32 $0xFFFFFFFF;
	p2 =	slt.u32 s8, $0xFFFFF086  }
0x1c: {  	p1 =	slt.u32 s9, $0xF7A;
	s5 =	simm.s32 @!p2 $0x0  }
0x1d: {  	s5 =	simm.s32 @p1 $0x1;
	p0 =	seq.s32 s7, s2  }
0x1e: {  	s7 =	smul.u32 @!p0 $0xF7A, s2;
	p2 =	seq.s32 @!p0 s5, $0x0  }
0x1f: {  	s9 =	smul.u32 $0xF7A, s1;
	s8 =	simm.s32 @!p0 $0x1BF5;
	p2 =	por !p2, p0  }
0x20: {  	[sflag:s8] =	ssyncset.s32 @!p0 $0xFFFFF086;
	s6 =	sadd.s32 @!p0 s3, s7;
	s7 =	simm.s32 @!p0 $0x108  }
0x21: {  	s3 =	sadd.s32 s3, s9;
	s6 =	sadd.s32 @!p0 $0x88, s6;
	s7 =	simm.s32 @p2 $0x1082  }
0x22: {  	[simem:s7], [sflag:s8] =	dma.local @!p0 [hbm:s6], $0xF7A  }
0x23: {  	s9 =	sor.u32 $0xD0000000, s2;
	s6 =	simm.s32 $0x108;
	_ =	swait.ge @!p0 [sflag:s8], $0x0  }
0x24: {  	s3 =	sadd.s32 $0x88, s3;
	s6 =	simm.s32 @!p1 $0x1082;
	[sflag:s4] =	ssyncset.s32 $0xFFFFF086  }
0x25: {  	[simem:s6], [sflag:s4] =	dma.local [hbm:s3], $0xF7A  }
0x26: {  	[smem:$0x3F99] =	sst s1;
	(tag) =	ssettag s2;
	_ =	strace s9  }
0x27: {  	s1 =	sld [smem:$0x3FA9]  }
0x28: {  	s2 =	sld [smem:$0x3FAA]  }
0x29: {  	s4 =	sld [smem:$0x3FAC]  }
0x2a: {  	p0 =	seq.s32 s5, $0x0;
	s5 =	sld [smem:$0x3FAD]  }
0x2b: {  	s6 =	sld [smem:$0x3FAE]  }
0x2c: {  	s7 =	sld [smem:$0x3FAF]  }
0x2d: {  	s3 =	simm.s32 $0x108;
	s8 =	sld [smem:$0x3FB0]  }
0x2e: {  	s3 =	simm.s32 @!p0 $0x1082;
	s9 =	sld [smem:$0x3FB1]  }
0x2f: {  	lr =	sadd.s32 s0, s3;
	s0 =	sld [smem:$0x3FA8]  }
0x30: {  	s3 =	sld [smem:$0x3FAB]  }
0x31: {  	[smem:$0x3FB4] =	sst s10  }
0x32: {  	s10 =	sld [smem:$0x3FB2];
	_ =	sdelay $0x3  }
0x33: {  	p0 =	seq.s32 s10, $0x1;
	s10 =	sld [smem:$0x3FB4];
	_ =	sdelay $0x3  }
0x34: {  	[smem:$0x3FB4] =	sst s10  }
0x35: {  	s10 =	sld [smem:$0x3FB3];
	_ =	sdelay $0x3  }
0x36: {  	p1 =	seq.s32 s10, $0x1;
	s10 =	sld [smem:$0x3FB4];
	_ =	sdelay $0x3  }
0x37: {  	[smem:$0x3FB4] =	sst s10  }
0x38: {  	s10 =	sld [smem:$0x3FB5]  }
0x39: {  	_ = 	snop;
	(pc) =	sbr.ind lr, $3  }
0x3a: {  	_ = 	snop  }
0x3b: {  	_ = 	snop  }
0x3c: {  	p2 =	seq.s32 s10, $0x1;
	s10 =	sld [smem:$0x3FB4]  }
0x3d: {  	_ =	shalt  }
0x3e: {  	_ =	shalt  }
0x3f: {  	_ =	shalt  }
0x40: {  	_ =	shalt  }
0x41: {  	_ =	shalt  }
0x42: {  	_ =	shalt  }
0x43: {  	_ =	shalt  }
0x44: {  	_ =	shalt  }
0x45: {  	_ =	shalt  }
0x46: {  	_ =	shalt  }
0x47: {  	_ =	shalt  }
0x48: {  	_ =	shalt  }
0x49: {  	_ =	shalt  }
0x4a: {  	_ =	shalt  }
0x4b: {  	_ =	shalt  }
0x4c: {  	_ =	shalt  }
0x4d: {  	_ =	shalt  }
0x4e: {  	_ =	shalt  }
0x4f: {  	_ =	shalt  }
0x50: {  	_ =	shalt  }
0x51: {  	_ =	shalt  }
0x52: {  	_ =	shalt  }
0x53: {  	_ =	shalt  }
0x54: {  	_ =	shalt  }
0x55: {  	_ =	shalt  }
0x56: {  	_ =	shalt  }
0x57: {  	_ =	shalt  }
0x58: {  	_ =	shalt  }
0x59: {  	_ =	shalt  }
0x5a: {  	_ =	shalt  }
0x5b: {  	_ =	shalt  }
0x5c: {  	_ =	shalt  }
0x5d: {  	_ =	shalt  }
0x5e: {  	_ =	shalt  }
0x5f: {  	_ =	shalt  }
0x60: {  	_ =	shalt  }
0x61: {  	_ =	shalt  }
0x62: {  	_ =	shalt  }
0x63: {  	_ =	shalt  }
0x64: {  	_ =	shalt  }
0x65: {  	_ =	shalt  }
0x66: {  	_ =	shalt  }
0x67: {  	_ =	shalt  }
0x68: {  	_ =	shalt  }
0x69: {  	_ =	shalt  }
0x6a: {  	_ =	shalt  }
0x6b: {  	_ =	shalt  }
0x6c: {  	_ =	shalt  }
0x6d: {  	_ =	shalt  }
0x6e: {  	_ =	shalt  }
0x6f: {  	_ =	shalt  }
0x70: {  	_ =	shalt  }
0x71: {  	_ =	shalt  }
0x72: {  	_ =	shalt  }
0x73: {  	_ =	shalt  }
0x74: {  	_ =	shalt  }
0x75: {  	_ =	shalt  }
0x76: {  	_ =	shalt  }
0x77: {  	_ =	shalt  }
0x78: {  	_ =	shalt  }
0x79: {  	_ =	shalt  }
0x7a: {  	_ =	shalt  }
0x7b: {  	_ =	shalt  }
0x7c: {  	_ =	shalt  }
0x7d: {  	_ =	shalt  }
0x7e: {  	_ =	shalt  }
0x7f: {  	_ =	shalt  }
0x80: {  	_ =	shalt  }
0x81: {  	_ =	shalt  }
0x82: {  	_ =	shalt  }
0x83: {  	_ =	shalt  }
0x84: {  	_ =	shalt  }
0x85: {  	_ =	shalt  }
0x86: {  	_ =	shalt  }
0x87: {  	_ =	shalt  }
.Lfunc_end0:
.L_simem_size_0:
called_computation.2_lowered:
.L_overlay_start_0:
0x88: {  	s2 =	sld [smem:$0x3FD9]  }
0x89: {  	s3 =	sld [smem:$0x3FFE];
	_ =	sdelay $0x1  }
0x8a: {  	s1 =	srdreg.scid  }
0x8b: {  	s0 =	sand.u32 $0x1, s1  }
0x8c: {  	s16 =	sshll.u32 s0, $0xA;
	s2 =	sadd.s32 s3, s2  }
0x8d: {  	s2 =	sadd.s32 s2, s16  }
0x8e: {  	[smem:$0x3FC0] =	sst s2  }
0x8f: {  	_ = 	snop  }
0x90: {  	(tm) =	ssettm $0x1  }
0x91: {  	s17 =	sld [smem:$0x3FFB];
	_ =	sdelay $0x3  }
0x92: {  	_ =	strace s17  }
0x93: {  	s2 =	sld [smem:$0x3FFC];
	_ =	sdelay $0x3  }
0x94: {  	_ =	strace s2  }
0x95: {  	s2 =	sld [smem:$0x3FFD];
	_ =	sdelay $0x3  }
0x96: {  	_ =	strace s2  }
0x97: {  	_ =	strace $0x8FFFFFFF  }
0x98: {  	s18 =	sld [smem:$0x3FDB];
	_ =	sdelay $0x1  }
0x99: {  	s19 =	simm.s32 $_scs_section_size  }
0x9a: {  	s4 =	simm.s32 $_size__tile_overlayer_lowered;
	s5 =	simm.s32 $_tile_overlayer_lowered  }
0x9b: {  	s22 =	simm.s32 $0x1BFF;
	s21 =	sshll.u32 s5, $0x1;
	s2 =	sadd.s32 s19, s18  }
0x9c: {  	s6 =	simm.s32 $0x0;
	s20 =	sshll.u32 s4, $0x1;
	s4 =	sadd.s32 s21, s2  }
0x9d: {  	[timem:s6], [sflag:s22] =	dma.local [hbm:s4], s20  }
0x9e: {  	_ =	swait.ge [sflag:s22], s20  }
0x9f: {  	s3 =	ssub.s32 $0x0, s20;
	[sflag:s22] =	ssyncset.done $0x0  }
0xa0: {  	[sflag:s22] =	ssyncadd.s32 s3;
	_ =	sdelay $0x1  }
0xa1: {  	s23 =	simm.s32 $0x1B8B  }
0xa2: {  	_ =	swait.ge [sflag:s23], $0x1  }
0xa3: {  	[sflag:s23] =	ssyncset.done $0x0  }
0xa4: {  	s25 =	simm.s32 $0x1B8E;
	s24 =	sld [smem:$0x3FFE];
	[sflag:s23] =	ssyncadd.s32 $0xFFFFFFFF  }
0xa5: {  	s26 =	simm.s32 $execute0_lowered;
	[smem:$0x3FD2] =	sst s25  }
0xa6: {  	s4 =	sshll.u32 s26, $0x1;
	_ =	strace $0x8000004C;
	[dreg:$0x1] =	wrdreg $0xFFFFFFFF  }
0xa7: {  	s28 =	simm.s32 $_size_execute0_lowered;
	s2 =	sadd.s32 s2, s4;
	[dreg:$0x0] =	wrdreg $0x0  }
0xa8: {  	s4 =	sshll.u32 s28, $0x1;
	[dreg:$0x2] =	wrdreg s2  }
0xa9: {  	[dreg:$0x3] =	wrdreg s4  }
0xaa: {  	[dreg:$0x4] =	wrdreg $0xC0  }
0xab: {  	_ =	task [dreg:s6], $0x5FFFF  }
0xac: {  	[dreg:$0x1] =	wrdreg $0xFFFFFFFF  }
0xad: {  	[dreg:$0x0] =	wrdreg $0x60  }
0xae: {  	[dreg:$0x2] =	wrdreg s24  }
0xaf: {  	[dreg:$0x3] =	wrdreg $0x41000  }
0xb0: {  	[dreg:$0x4] =	wrdreg $0x9  }
0xb1: {  	_ =	task.clear_ibuf [dreg:s6], $0x5FFFF;
	_ =	strace $0x9000004C  }
0xb2: {  	s29 =	simm.s32 $0x9;
	_ =	strace $0x8000004E  }
0xb3: {  	_ =	swait.ge [sflag:s29], $0x1  }
0xb4: {  	[sflag:s29] =	ssyncadd.s32 $0xFFFFFFFF  }
0xb5: {  	_ =	strace $0x9000004E  }
0xb6: {  	_ =	sfence  }
0xb7: {  	s30 =	sld [smem:$0x0];
	_ =	sdelay $0x2  }
0xb8: {  	s31 =	sshll.u32 s1, $0xD;
	s1 =	sshrl.u32 s1, $0x2  }
0xb9: {  	s3 =	sand.u32 $0x4000, s31;
	s1 =	sadd.s32 s1, s30  }
0xba: {  	s0 =	sor.u32 s3, s0;
	s1 =	sshll.u32 s1, $0x11  }
0xbb: {  	s0 =	sor.u32 s1, s0  }
0xbc: {  	s0 =	sadd.s32 $0x8F2B, s0  }
0xbd: {  	[sflag:s0] =	ssyncadd.remote.s32 $0x1  }
0xbe: {  	_ =	sfence.sel $0xFFFF  }
0xbf: {  	[dreg:$0x0] =	wrdreg $0xFFFFFFFF;
	(pc) =	sbr.abs _section_cstart, $3  }
0xc0: {  	[dreg:$0x1] =	wrdreg $0xFFFFFFFF  }
0xc1: {  	_ =	task.clear_ibuf [dreg:s6], $0x2FFFF;
	_ =	strace $0x9FFFFFFF  }
0xc2: {  	(tm) =	ssettm $0x7FFFFFFF  }
0xc3: {  	_ =	shalt  }
tec
execute0_lowered:
.L_overlay_start_1:
0x0: {  	(tag) =	ssettag $0x1  }
0x1: {  	s5 =	rddreg [dreg:$0x0];
	s0 =	stileid.u32  }
0x2: {  	s1 =	srdreg.scid;
	s2 =	rddreg [dreg:$0x1]  }
0x3: {  	s3 =	simm.s32 $0x0;
	s14 =	simm.s32 $0x2;
	s4 =	smul.u32 $0x310000, s0  }
0x4: {  	s15 =	simm.s32 $0x80;
	s16 =	simm.s32 $0x1;
	s8 =	smul.u32 $0xC4000, s0  }
0x5: {  	s6 =	sand.u32 $0x1, s1;
	s1 =	rddreg [dreg:$0x2];
	s11 =	smul.u32 $0xC400, s0  }
0x6: {  	s17 =	simm.s32 $0x0;
	[smem:$0x7FF] =	sst s3;
	s7 =	smul.u32 $0xC40000, s6  }
0x7: {  	_ =	strace $0x8000004D;
	s28 =	smul.u32 $0x188000, s6;
	s10 =	ssub.s32 $0x2, s6  }
0x8: {  	s13 =	smul.u32 $0x6200, s6;
	s9 =	sadd.s32 s4, s5;
	s29 =	sshrl.u32 s10, $0x1  }
0x9: {  	s4 =	sadd.s32 $0xC6A00, s5;
	s7 =	sadd.s32 s8, s7;
	s30 =	ssub.s32 s10, s29  }
0xa: {  	s31 =	sadd.s32 s28, s9;
	s8 =	sadd.s32 s13, s11;
	s7 =	sshrl.u32 s7, $0x3  }
0xb: {  	s11 =	simm.s32 $0x40;
	s12 =	sadd.s32 s7, s5;
	s5 =	smul.u32 $0x1880, s0  }
0xc: {  	s13 =	simm.s32 $0x2080;
	s6 =	smax.u32 s30, $0x1;
	s7 =	sadd.s32 $0xB7D400, s31  }
0xd: {  	v0 =	vimm.f32 $0.0e+00;
	v1 =	vlaneseq.u32;
	s9 =	sadd.s32 $0x18AA00, s12;
	s12 =	simm.s32 $0x4080;
	s10 =	sor.u32 $0x30, s5  }
.LBB2_1:
0xe: {  	[tilespmem:$0x2080] =	vst v0  }
0xf: {  	[tilespmem:$0x2100] =	vst v0  }
0x10: {  	[tilespmem:$0x2180] =	vst v0  }
0x11: {  	[tilespmem:$0x2200] =	vst v0  }
0x12: {  	[tilespmem:$0x2280] =	vst v0  }
0x13: {  	[tilespmem:$0x2300] =	vst v0  }
0x14: {  	[tilespmem:$0x2380] =	vst v0  }
0x15: {  	[tilespmem:$0x2400] =	vst v0  }
0x16: {  	[tilespmem:$0x2480] =	vst v0  }
0x17: {  	[tilespmem:$0x2500] =	vst v0  }
0x18: {  	[tilespmem:$0x2580] =	vst v0  }
0x19: {  	[tilespmem:$0x2600] =	vst v0  }
0x1a: {  	[tilespmem:$0x2680] =	vst v0  }
0x1b: {  	[tilespmem:$0x2700] =	vst v0  }
0x1c: {  	[tilespmem:$0x2780] =	vst v0  }
0x1d: {  	[tilespmem:$0x2800] =	vst v0  }
0x1e: {  	[tilespmem:$0x2880] =	vst v0  }
0x1f: {  	[tilespmem:$0x2900] =	vst v0  }
0x20: {  	[tilespmem:$0x2980] =	vst v0  }
0x21: {  	[tilespmem:$0x2A00] =	vst v0  }
0x22: {  	[tilespmem:$0x2A80] =	vst v0  }
0x23: {  	[tilespmem:$0x2B00] =	vst v0  }
0x24: {  	[tilespmem:$0x2B80] =	vst v0  }
0x25: {  	[tilespmem:$0x2C00] =	vst v0  }
0x26: {  	[tilespmem:$0x2C80] =	vst v0  }
0x27: {  	[tilespmem:$0x2D00] =	vst v0  }
0x28: {  	[tilespmem:$0x2D80] =	vst v0  }
0x29: {  	[tilespmem:$0x2E00] =	vst v0  }
0x2a: {  	[tilespmem:$0x2E80] =	vst v0  }
0x2b: {  	[tilespmem:$0x2F00] =	vst v0  }
0x2c: {  	[tilespmem:$0x2F80] =	vst v0  }
0x2d: {  	[tilespmem:$0x3000] =	vst v0  }
0x2e: {  	[tilespmem:$0x3080] =	vst v0  }
0x2f: {  	[tilespmem:$0x3100] =	vst v0  }
0x30: {  	[tilespmem:$0x3180] =	vst v0  }
0x31: {  	[tilespmem:$0x3200] =	vst v0  }
0x32: {  	[tilespmem:$0x3280] =	vst v0  }
0x33: {  	[tilespmem:$0x3300] =	vst v0  }
0x34: {  	[tilespmem:$0x3380] =	vst v0  }
0x35: {  	[tilespmem:$0x3400] =	vst v0  }
0x36: {  	[tilespmem:$0x3480] =	vst v0  }
0x37: {  	[tilespmem:$0x3500] =	vst v0  }
0x38: {  	[tilespmem:$0x3580] =	vst v0  }
0x39: {  	[tilespmem:$0x3600] =	vst v0  }
0x3a: {  	[tilespmem:$0x3680] =	vst v0  }
0x3b: {  	[tilespmem:$0x3700] =	vst v0  }
0x3c: {  	[tilespmem:$0x3780] =	vst v0  }
0x3d: {  	[tilespmem:$0x3800] =	vst v0  }
0x3e: {  	[tilespmem:$0x3880] =	vst v0  }
0x3f: {  	[tilespmem:$0x3900] =	vst v0  }
0x40: {  	[tilespmem:$0x3980] =	vst v0  }
0x41: {  	[tilespmem:$0x3A00] =	vst v0  }
0x42: {  	[tilespmem:$0x3A80] =	vst v0  }
0x43: {  	[tilespmem:$0x3B00] =	vst v0  }
0x44: {  	[tilespmem:$0x3B80] =	vst v0  }
0x45: {  	[tilespmem:$0x3C00] =	vst v0  }
0x46: {  	[tilespmem:$0x3C80] =	vst v0  }
0x47: {  	[tilespmem:$0x3D00] =	vst v0  }
0x48: {  	[tilespmem:$0x3D80] =	vst v0  }
0x49: {  	[tilespmem:$0x3E00] =	vst v0  }
0x4a: {  	[tilespmem:$0x3E80] =	vst v0  }
0x4b: {  	[tilespmem:$0x3F00] =	vst v0  }
0x4c: {  	[tilespmem:$0x3F80] =	vst v0;
	s18 =	sadd.s32 $0x0, s5  }
0x4d: {  	[tilespmem:$0x4000] =	vst v0;
	v2 =	vor.u32 s18, v1;
	s19 =	sadd.s32 $0x30, s18  }
0x4e: {  	s20 =	sadd.s32 $0x20, s18;
	[tilespmem:$0x4080] =	vst v2;
	v3 =	vor.u32 s19, v1  }
0x4f: {  	s19 =	sadd.s32 $0x10, s18;
	v2 =	vor.u32 s20, v1;
	s18 =	simm.s32 $0x40;
	[tilespmem:$0x40B0] =	vst v3  }
.LBB2_2:
0x50: {  	p0 =	sne.s32 s18, $0x1840;
	v3 =	vor.u32 s19, v1;
	[tilespmem:$0x40A0] =	vst v2  }
0x51: {  	[tilespmem:$0x4090] =	vst v3;
	[spmem:s2] =	stream.indirect.scatter [tilespmem:s13], [sflag:$0x2], $0x10, s12, s11, $0xb8  }
.Ltmp0:
0x52: {  	_ =	swait.ge [sflag:s14], $0x400;
	(pc) =	sbr.rel @p0 .LBB2_2-.Ltmp0, $4  }
0x53: {  	s19 =	sadd.s32 s18, s5;
	[sflag:s14] =	ssyncset.done $0x0  }
0x54: {  	v2 =	vor.u32 s19, v1;
	s20 =	sadd.s32 $0x30, s19;
	[sflag:s14] =	ssyncadd.s32 $0xFFFFFC00  }
0x55: {  	s21 =	sadd.s32 $0x20, s19;
	v3 =	vor.u32 s20, v1;
	[tilespmem:$0x4080] =	vst v2  }
0x56: {  	s18 =	sadd.s32 $0x40, s18;
	s19 =	sadd.s32 $0x10, s19;
	v2 =	vor.u32 s21, v1;
	[tilespmem:$0x40B0] =	vst v3  }
0x57: {  	v3 =	vor.u32 s19, v1;
	[tilespmem:$0x40A0] =	vst v2  }
0x58: {  	[tilespmem:$0x4090] =	vst v3  }
0x59: {  	[spmem:s2] =	stream.indirect.scatter [tilespmem:s13], [sflag:$0x2], $0x10, s12, s11, $0xb8;
	[tilespmem:$0x1C900] =	vst v63  }
0x5a: {  	s18 =	simm.s32 $0x0;
	_ =	swait.ge [sflag:s14], $0x400  }
0x5b: {  	s31 =	sadd.s32 $0x0, s8;
	s18 =	sand.u32 $0x70, s18;
	[sflag:s14] =	ssyncset.done $0x0  }
0x5c: {  	s19 =	sand.u32 $0xFFFFF80, s31;
	s18 =	sadd.s32 s4, s18;
	[sflag:s14] =	ssyncadd.s32 $0xFFFFFC00  }
0x5d: {  	s18 =	sadd.s32 s19, s18;
	[bflag:$0x0] =	sbarrier.arrive $0xFFFF  }
0x5e: {  	[tilespmem:s3], [sflag:$0x2] =	stream.linear.gather [hbm4b:s18+s3], $0x80, $0x38;
	[tilespmem:$0x1C900] =	vst v63  }
0x5f: {  	_ =	swait.ge [sflag:s14], $0x80  }
0x60: {  	[sflag:s14] =	ssyncset.done $0x0  }
0x61: {  	[sflag:s14] =	ssyncadd.s32 $0xFFFFFF80  }
0x62: {  	[tilespmem:s15], [sflag:$0x2] =	stream.linear.gather [hbm4b:s7+s3], $0x2000, $0x38;
	[tilespmem:$0x1C900] =	vst v63  }
0x63: {  	_ =	swait.ge [sflag:s14], $0x2000  }
0x64: {  	s20 =	simm.s32 $0x10;
	[sflag:s14] =	ssyncset.done $0x0  }
0x65: {  	s21 =	sadd.s32 $0x10, s8;
	s22 =	sand.u32 $0x70, s20;
	[sflag:s14] =	ssyncadd.s32 $0xFFFFE000  }
0x66: {  	[spmem:s2] =	stream.indirect.scatter.add.f32 [tilespmem:s15], [sflag:$0x2], $0x10, s3, s11, $0xb8;
	[tilespmem:$0x1C900] =	vst v63  }
0x67: {  	s20 =	sand.u32 $0xFFFFF80, s21;
	s21 =	sadd.s32 s4, s22;
	_ =	swait.ge [sflag:s14], $0x400  }
0x68: {  	s19 =	simm.s32 $0x20;
	s18 =	sadd.s32 $0x400, s7;
	[sflag:s14] =	ssyncset.done $0x0  }
.LBB2_4:
0x69: {  	s20 =	sadd.s32 s20, s21  }
0x6a: {  	[sflag:s14] =	ssyncadd.s32 $0xFFFFFC00;
	s21 =	smov.u32 s19;
	s22 =	sadd.s32 $0x10, s19  }
0x6b: {  	[tilespmem:s3], [sflag:$0x2] =	stream.linear.gather [hbm4b:s20+s3], $0x80, $0x38;
	[tilespmem:$0x1C900] =	vst v63  }
0x6c: {  	p0 =	sne.s32 s19, $0x61F0;
	_ =	swait.ge [sflag:s14], $0x80  }
0x6d: {  	[sflag:s14] =	ssyncset.done $0x0  }
0x6e: {  	[sflag:s14] =	ssyncadd.s32 $0xFFFFFF80  }
0x6f: {  	[tilespmem:s15], [sflag:$0x2] =	stream.linear.gather [hbm4b:s18+s3], $0x2000, $0x38;
	[tilespmem:$0x1C900] =	vst v63  }
0x70: {  	_ =	swait.ge [sflag:s14], $0x2000  }
.Ltmp1:
0x71: {  	[sflag:s14] =	ssyncset.done $0x0;
	(pc) =	sbr.rel @p0 .LBB2_4-.Ltmp1, $4  }
0x72: {  	s19 =	sadd.s32 s21, s8;
	s18 =	sadd.s32 $0x400, s18;
	[sflag:s14] =	ssyncadd.s32 $0xFFFFE000  }
0x73: {  	[spmem:s2] =	stream.indirect.scatter.add.f32 [tilespmem:s15], [sflag:$0x2], $0x10, s3, s11, $0xb8;
	[tilespmem:$0x1C900] =	vst v63  }
0x74: {  	s21 =	sand.u32 $0x70, s21;
	s20 =	sand.u32 $0xFFFFF80, s19;
	_ =	swait.ge [sflag:s14], $0x400  }
0x75: {  	s21 =	sadd.s32 s4, s21;
	s19 =	smov.u32 s22;
	[sflag:s14] =	ssyncset.done $0x0  }
0x76: {  	s19 =	sadd.s32 s20, s21;
	[sflag:s14] =	ssyncadd.s32 $0xFFFFFC00  }
0x77: {  	[tilespmem:s3], [sflag:$0x2] =	stream.linear.gather [hbm4b:s19+s3], $0x80, $0x38;
	[tilespmem:$0x1C900] =	vst v63  }
0x78: {  	_ =	swait.ge [sflag:s14], $0x80  }
0x79: {  	[sflag:s14] =	ssyncset.done $0x0  }
0x7a: {  	[sflag:s14] =	ssyncadd.s32 $0xFFFFFF80  }
0x7b: {  	[tilespmem:s15], [sflag:$0x2] =	stream.linear.gather [hbm4b:s18+s3], $0x2000, $0x38;
	[tilespmem:$0x1C900] =	vst v63  }
0x7c: {  	_ =	swait.ge [sflag:s14], $0x2000  }
0x7d: {  	[sflag:s14] =	ssyncset.done $0x0  }
0x7e: {  	[sflag:s14] =	ssyncadd.s32 $0xFFFFE000  }
0x7f: {  	[spmem:s2] =	stream.indirect.scatter.add.f32 [tilespmem:s15], [sflag:$0x2], $0x10, s3, s11, $0xb8;
	[tilespmem:$0x1C900] =	vst v63  }
0x80: {  	_ =	swait.ge [sflag:s14], $0x400  }
0x81: {  	[sflag:s14] =	ssyncset.done $0x0  }
0x82: {  	[sflag:s14] =	ssyncadd.s32 $0xFFFFFC00  }
0x83: {  	s28 =	sadd.s32 $0xFFFFFFF0, s10;
	v2 =	vor.u32 s10, v1;
	[bflag:$0x0] =	sbarrier.arrive $0xFFFF  }
0x84: {  	s29 =	sadd.s32 $0xFFFFFFE0, s10;
	v3 =	vor.u32 s28, v1;
	[tilespmem:$0x40B0] =	vst v2  }
0x85: {  	s30 =	sadd.s32 $0xFFFFFFD0, s10;
	v2 =	vor.u32 s29, v1;
	[tilespmem:$0x40A0] =	vst v3  }
0x86: {  	v3 =	vor.u32 s30, v1;
	[tilespmem:$0x4090] =	vst v2  }
0x87: {  	[tilespmem:$0x4080] =	vst v3  }
0x88: {  	[tilespmem:s13], [sflag:$0x1] =	stream.indirect.gather [spmem:s2], $0x10, s12, s11, $0xb8;
	[tilespmem:$0x1C900] =	vst v63  }
0x89: {  	_ =	swait.ge [sflag:s16], $0x400  }
0x8a: {  	s31 =	sadd.s32 $0x0, s9;
	[sflag:s16] =	ssyncset.done $0x0  }
0x8b: {  	s19 =	smov.u32 s10;
	s18 =	simm.s32 $0x400;
	[sflag:s16] =	ssyncadd.s32 $0xFFFFFC00  }
0x8c: {  	[hbm4b:s31+s3] =	stream.linear.scatter [tilespmem:s13], [sflag:$0x2], $0x2000, $0x38;
	[tilespmem:$0x1C900] =	vst v63  }
.LBB2_6:
0x8d: {  	p0 =	sne.s32 s18, $0x18400  }
0x8e: {  	_ =	swait.ge [sflag:s14], $0x2000;
	s19 =	sadd.s32 $0x40, s19;
	s20 =	smov.u32 s18  }
0x8f: {  	s18 =	sadd.s32 $0x400, s18;
	s21 =	sadd.s32 $0xFFFFFFD0, s19;
	[sflag:s14] =	ssyncset.done $0x0  }
0x90: {  	s22 =	sadd.s32 $0xFFFFFFE0, s19;
	s23 =	sadd.s32 $0xFFFFFFF0, s19;
	v2 =	vor.u32 s19, v1;
	[sflag:s14] =	ssyncadd.s32 $0xFFFFE000  }
0x91: {  	v3 =	vor.u32 s21, v1;
	v4 =	vor.u32 s22, v1;
	v5 =	vor.u32 s23, v1;
	[tilespmem:$0x40B0] =	vst v2  }
0x92: {  	[tilespmem:$0x40A0] =	vst v5  }
0x93: {  	[tilespmem:$0x4090] =	vst v4  }
0x94: {  	[tilespmem:$0x4080] =	vst v3  }
0x95: {  	[tilespmem:s13], [sflag:$0x1] =	stream.indirect.gather [spmem:s2], $0x10, s12, s11, $0xb8;
	[tilespmem:$0x1C900] =	vst v63  }
.Ltmp2:
0x96: {  	_ = 	snop;
	(pc) =	sbr.rel @p0 .LBB2_6-.Ltmp2, $4  }
0x97: {  	_ =	swait.ge [sflag:s16], $0x400  }
0x98: {  	s20 =	sadd.s32 s20, s9;
	[sflag:s16] =	ssyncset.done $0x0  }
0x99: {  	[sflag:s16] =	ssyncadd.s32 $0xFFFFFC00  }
0x9a: {  	[hbm4b:s20+s3] =	stream.linear.scatter [tilespmem:s13], [sflag:$0x2], $0x2000, $0x38;
	[tilespmem:$0x1C900] =	vst v63  }
0x9b: {  	s17 =	sadd.s32 $0x1, s17  }
0x9c: {  	p0 =	sne.s32 s17, s6  }
.Ltmp3:
0x9d: {  	_ = 	snop;
	(pc) =	sbr.rel @p0 .LBB2_1-.Ltmp3, $4  }
0x9e: {  	_ = 	snop  }
0x9f: {  	_ =	swait.ge [sflag:s14], $0x2000  }
0xa0: {  	[sflag:s14] =	ssyncset.done $0x0  }
0xa1: {  	[sflag:s14] =	ssyncadd.s32 $0xFFFFE000  }
0xa2: {  	_ =	sfence.sel $0x180000  }
0xa3: {  	[bflag:$0x0] =	sbarrier.arrive $0xFFFF  }
0xa4: {  	p0 =	sne.s32 s0, $0x0;
	_ =	strace $0x9000004D  }
0xa5: {  	s0 =	sadd.s32 @!p0 $0x100000, s1;
	[bflag:$0x2] =	sbarrier.arrive $0xFFFF  }
0xa6: {  	[sflag:s0] =	ssyncadd.tile.s32 @!p0 $0x1;
	_ =	shalt  }
.Lfunc_end2:
_tile_overlayer_lowered:
.L_overlay_start_2:
0xa7: {  	(tag) =	ssettag $0x2  }
0xa8: {  	s0 =	rddreg [dreg:$0x0];
	s2 =	stileid.u32  }
0xa9: {  	s1 =	rddreg [dreg:$0x1];
	p0 =	sne.s32 s2, $0x0  }
0xaa: {  	s3 =	rddreg [dreg:$0x2];
	[bflag:$0x3] =	sbarrier.arrive $0xFFFF;
	s2 =	simm.s32 @!p0 $0x1C02  }
0xab: {  	[timem:s3], [sflag:s2] =	dma.local @!p0 [hbm:s0], s1  }
0xac: {  	s0 =	simm.s32 @!p0 $0x2  }
0xad: {  	_ =	swait.ge @!p0 [sflag:s0], s1  }
0xae: {  	s1 =	ssub.s32 @!p0 $0x0, s1;
	[sflag:s0] =	ssyncset.done @!p0 $0x0  }
0xaf: {  	[sflag:s0] =	ssyncadd.s32 @!p0 s1  }
0xb0: {  	[bflag:$0x3] =	sbarrier.arrive $0xFFFF  }
0xb1: {  	_ =	shalt  }

// kernel: kernel.19.cloned.1.call-start
scs
__scs_entry_jumppad:
0x0: {  	(pc) =	sbr.rel $0x88, $3  }
0x1: {  	(tag) =	ssettag $0x0;
	lr =	simm.s32 $0x1  }
0x2: {  	[smem:$0x3F99] =	sst lr;
	_ =	strace $0xD0000000  }
0x3: {  	_ = 	snop  }
0x4: {  	_ = 	snop  }
0x5: {  	_ = 	snop  }
0x6: {  	_ = 	snop  }
0x7: {  	_ = 	snop  }
__scs_overlays_trampoline_lowered:
0x8: {  	[smem:$0x3FA8] =	sst s0  }
0x9: {  	[smem:$0x3FA9] =	sst s1  }
0xa: {  	[smem:$0x3FAA] =	sst s2  }
0xb: {  	[smem:$0x3FAB] =	sst s3  }
0xc: {  	[smem:$0x3FAC] =	sst s4  }
0xd: {  	[smem:$0x3FAD] =	sst s5  }
0xe: {  	[smem:$0x3FAE] =	sst s6  }
0xf: {  	[smem:$0x3FAF] =	sst s7  }
0x10: {  	[smem:$0x3FB0] =	sst s8  }
0x11: {  	[smem:$0x3FB1] =	sst s9;
	s0 =	simm.s32 @!p0 $0x0  }
0x12: {  	s1 =	sld [smem:$0x3F97];
	s0 =	simm.s32 @p0 $0x1  }
0x13: {  	[smem:$0x3FB2] =	sst s0;
	s0 =	simm.s32 @!p1 $0x0  }
0x14: {  	s2 =	sld [smem:$0x3F96];
	s0 =	simm.s32 @p1 $0x1  }
0x15: {  	[smem:$0x3FB3] =	sst s0;
	s0 =	simm.s32 @!p2 $0x0  }
0x16: {  	s3 =	sld [smem:$0x3FDB];
	s0 =	simm.s32 @p2 $0x1  }
0x17: {  	s4 =	simm.s32 $0x1BF5;
	[smem:$0x3FB5] =	sst s0  }
0x18: {  	s0 =	sld [smem:$0x3F98];
	_ =	swait.ge [sflag:s4], $0x0  }
0x19: {  	s7 =	sld [smem:$0x3F99]  }
0x1a: {  	s8 =	sadd.s32 $0xFFFFE003, lr  }
0x1b: {  	s9 =	sadd.s32 $0xFFFFFEF7, lr;
	s5 =	simm.s32 $0xFFFFFFFF;
	p2 =	slt.u32 s8, $0xFFFFF086  }
0x1c: {  	p1 =	slt.u32 s9, $0xF7A;
	s5 =	simm.s32 @!p2 $0x0  }
0x1d: {  	s5 =	simm.s32 @p1 $0x1;
	p0 =	seq.s32 s7, s2  }
0x1e: {  	s7 =	smul.u32 @!p0 $0xF7A, s2;
	p2 =	seq.s32 @!p0 s5, $0x0  }
0x1f: {  	s9 =	smul.u32 $0xF7A, s1;
	s8 =	simm.s32 @!p0 $0x1BF5;
	p2 =	por !p2, p0  }
0x20: {  	[sflag:s8] =	ssyncset.s32 @!p0 $0xFFFFF086;
	s6 =	sadd.s32 @!p0 s3, s7;
	s7 =	simm.s32 @!p0 $0x108  }
0x21: {  	s3 =	sadd.s32 s3, s9;
	s6 =	sadd.s32 @!p0 $0x88, s6;
	s7 =	simm.s32 @p2 $0x1082  }
0x22: {  	[simem:s7], [sflag:s8] =	dma.local @!p0 [hbm:s6], $0xF7A  }
0x23: {  	s9 =	sor.u32 $0xD0000000, s2;
	s6 =	simm.s32 $0x108;
	_ =	swait.ge @!p0 [sflag:s8], $0x0  }
0x24: {  	s3 =	sadd.s32 $0x88, s3;
	s6 =	simm.s32 @!p1 $0x1082;
	[sflag:s4] =	ssyncset.s32 $0xFFFFF086  }
0x25: {  	[simem:s6], [sflag:s4] =	dma.local [hbm:s3], $0xF7A  }
0x26: {  	[smem:$0x3F99] =	sst s1;
	(tag) =	ssettag s2;
	_ =	strace s9  }
0x27: {  	s1 =	sld [smem:$0x3FA9]  }
0x28: {  	s2 =	sld [smem:$0x3FAA]  }
0x29: {  	s4 =	sld [smem:$0x3FAC]  }
0x2a: {  	p0 =	seq.s32 s5, $0x0;
	s5 =	sld [smem:$0x3FAD]  }
0x2b: {  	s6 =	sld [smem:$0x3FAE]  }
0x2c: {  	s7 =	sld [smem:$0x3FAF]  }
0x2d: {  	s3 =	simm.s32 $0x108;
	s8 =	sld [smem:$0x3FB0]  }
0x2e: {  	s3 =	simm.s32 @!p0 $0x1082;
	s9 =	sld [smem:$0x3FB1]  }
0x2f: {  	lr =	sadd.s32 s0, s3;
	s0 =	sld [smem:$0x3FA8]  }
0x30: {  	s3 =	sld [smem:$0x3FAB]  }
0x31: {  	[smem:$0x3FB4] =	sst s10  }
0x32: {  	s10 =	sld [smem:$0x3FB2];
	_ =	sdelay $0x3  }
0x33: {  	p0 =	seq.s32 s10, $0x1;
	s10 =	sld [smem:$0x3FB4];
	_ =	sdelay $0x3  }
0x34: {  	[smem:$0x3FB4] =	sst s10  }
0x35: {  	s10 =	sld [smem:$0x3FB3];
	_ =	sdelay $0x3  }
0x36: {  	p1 =	seq.s32 s10, $0x1;
	s10 =	sld [smem:$0x3FB4];
	_ =	sdelay $0x3  }
0x37: {  	[smem:$0x3FB4] =	sst s10  }
0x38: {  	s10 =	sld [smem:$0x3FB5]  }
0x39: {  	_ = 	snop;
	(pc) =	sbr.ind lr, $3  }
0x3a: {  	_ = 	snop  }
0x3b: {  	_ = 	snop  }
0x3c: {  	p2 =	seq.s32 s10, $0x1;
	s10 =	sld [smem:$0x3FB4]  }
0x3d: {  	_ =	shalt  }
0x3e: {  	_ =	shalt  }
0x3f: {  	_ =	shalt  }
0x40: {  	_ =	shalt  }
0x41: {  	_ =	shalt  }
0x42: {  	_ =	shalt  }
0x43: {  	_ =	shalt  }
0x44: {  	_ =	shalt  }
0x45: {  	_ =	shalt  }
0x46: {  	_ =	shalt  }
0x47: {  	_ =	shalt  }
0x48: {  	_ =	shalt  }
0x49: {  	_ =	shalt  }
0x4a: {  	_ =	shalt  }
0x4b: {  	_ =	shalt  }
0x4c: {  	_ =	shalt  }
0x4d: {  	_ =	shalt  }
0x4e: {  	_ =	shalt  }
0x4f: {  	_ =	shalt  }
0x50: {  	_ =	shalt  }
0x51: {  	_ =	shalt  }
0x52: {  	_ =	shalt  }
0x53: {  	_ =	shalt  }
0x54: {  	_ =	shalt  }
0x55: {  	_ =	shalt  }
0x56: {  	_ =	shalt  }
0x57: {  	_ =	shalt  }
0x58: {  	_ =	shalt  }
0x59: {  	_ =	shalt  }
0x5a: {  	_ =	shalt  }
0x5b: {  	_ =	shalt  }
0x5c: {  	_ =	shalt  }
0x5d: {  	_ =	shalt  }
0x5e: {  	_ =	shalt  }
0x5f: {  	_ =	shalt  }
0x60: {  	_ =	shalt  }
0x61: {  	_ =	shalt  }
0x62: {  	_ =	shalt  }
0x63: {  	_ =	shalt  }
0x64: {  	_ =	shalt  }
0x65: {  	_ =	shalt  }
0x66: {  	_ =	shalt  }
0x67: {  	_ =	shalt  }
0x68: {  	_ =	shalt  }
0x69: {  	_ =	shalt  }
0x6a: {  	_ =	shalt  }
0x6b: {  	_ =	shalt  }
0x6c: {  	_ =	shalt  }
0x6d: {  	_ =	shalt  }
0x6e: {  	_ =	shalt  }
0x6f: {  	_ =	shalt  }
0x70: {  	_ =	shalt  }
0x71: {  	_ =	shalt  }
0x72: {  	_ =	shalt  }
0x73: {  	_ =	shalt  }
0x74: {  	_ =	shalt  }
0x75: {  	_ =	shalt  }
0x76: {  	_ =	shalt  }
0x77: {  	_ =	shalt  }
0x78: {  	_ =	shalt  }
0x79: {  	_ =	shalt  }
0x7a: {  	_ =	shalt  }
0x7b: {  	_ =	shalt  }
0x7c: {  	_ =	shalt  }
0x7d: {  	_ =	shalt  }
0x7e: {  	_ =	shalt  }
0x7f: {  	_ =	shalt  }
0x80: {  	_ =	shalt  }
0x81: {  	_ =	shalt  }
0x82: {  	_ =	shalt  }
0x83: {  	_ =	shalt  }
0x84: {  	_ =	shalt  }
0x85: {  	_ =	shalt  }
0x86: {  	_ =	shalt  }
0x87: {  	_ =	shalt  }
.Lfunc_end0:
.L_simem_size_0:
called_computation.3_lowered:
.L_overlay_start_0:
0x88: {  	s2 =	sld [smem:$0x3FD9]  }
0x89: {  	s3 =	sld [smem:$0x3FFE];
	_ =	sdelay $0x1  }
0x8a: {  	s1 =	srdreg.scid  }
0x8b: {  	s0 =	sand.u32 $0x1, s1  }
0x8c: {  	s16 =	sshll.u32 s0, $0xA;
	s2 =	sadd.s32 s3, s2  }
0x8d: {  	s2 =	sadd.s32 s2, s16  }
0x8e: {  	[smem:$0x3FC0] =	sst s2  }
0x8f: {  	_ = 	snop  }
0x90: {  	(tm) =	ssettm $0x1  }
0x91: {  	s17 =	sld [smem:$0x3FFB];
	_ =	sdelay $0x3  }
0x92: {  	_ =	strace s17  }
0x93: {  	s2 =	sld [smem:$0x3FFC];
	_ =	sdelay $0x3  }
0x94: {  	_ =	strace s2  }
0x95: {  	s2 =	sld [smem:$0x3FFD];
	_ =	sdelay $0x3  }
0x96: {  	_ =	strace s2  }
0x97: {  	_ =	strace $0x8FFFFFFF  }
0x98: {  	s18 =	sld [smem:$0x3FDB];
	_ =	sdelay $0x1  }
0x99: {  	s19 =	simm.s32 $_scs_section_size  }
0x9a: {  	s4 =	simm.s32 $_size__tile_overlayer_lowered;
	s5 =	simm.s32 $_tile_overlayer_lowered  }
0x9b: {  	s22 =	simm.s32 $0x1BFF;
	s21 =	sshll.u32 s5, $0x1;
	s2 =	sadd.s32 s19, s18  }
0x9c: {  	s6 =	simm.s32 $0x0;
	s20 =	sshll.u32 s4, $0x1;
	s4 =	sadd.s32 s21, s2  }
0x9d: {  	[timem:s6], [sflag:s22] =	dma.local [hbm:s4], s20  }
0x9e: {  	_ =	swait.ge [sflag:s22], s20  }
0x9f: {  	s3 =	ssub.s32 $0x0, s20;
	[sflag:s22] =	ssyncset.done $0x0  }
0xa0: {  	[sflag:s22] =	ssyncadd.s32 s3;
	_ =	sdelay $0x1  }
0xa1: {  	s23 =	simm.s32 $0x1B8B  }
0xa2: {  	_ =	swait.ge [sflag:s23], $0x1  }
0xa3: {  	[sflag:s23] =	ssyncset.done $0x0  }
0xa4: {  	s25 =	simm.s32 $0x1B8E;
	s24 =	sld [smem:$0x3FFE];
	[sflag:s23] =	ssyncadd.s32 $0xFFFFFFFF  }
0xa5: {  	s26 =	simm.s32 $execute0_lowered;
	[smem:$0x3FD2] =	sst s25  }
0xa6: {  	s4 =	sshll.u32 s26, $0x1;
	_ =	strace $0x8000004F;
	[dreg:$0x1] =	wrdreg $0xFFFFFFFF  }
0xa7: {  	s28 =	simm.s32 $_size_execute0_lowered;
	s2 =	sadd.s32 s2, s4;
	[dreg:$0x0] =	wrdreg $0x0  }
0xa8: {  	s4 =	sshll.u32 s28, $0x1;
	[dreg:$0x2] =	wrdreg s2  }
0xa9: {  	[dreg:$0x3] =	wrdreg s4  }
0xaa: {  	[dreg:$0x4] =	wrdreg $0xC0  }
0xab: {  	_ =	task [dreg:s6], $0x5FFFF  }
0xac: {  	[dreg:$0x1] =	wrdreg $0xFFFFFFFF  }
0xad: {  	[dreg:$0x0] =	wrdreg $0x60  }
0xae: {  	[dreg:$0x2] =	wrdreg s24  }
0xaf: {  	[dreg:$0x3] =	wrdreg $0x21000  }
0xb0: {  	[dreg:$0x4] =	wrdreg $0x9  }
0xb1: {  	_ =	task.clear_ibuf [dreg:s6], $0x5FFFF;
	_ =	strace $0x9000004F  }
0xb2: {  	s29 =	simm.s32 $0x9;
	_ =	strace $0x80000051  }
0xb3: {  	_ =	swait.ge [sflag:s29], $0x1  }
0xb4: {  	[sflag:s29] =	ssyncadd.s32 $0xFFFFFFFF  }
0xb5: {  	_ =	strace $0x90000051  }
0xb6: {  	_ =	sfence  }
0xb7: {  	s30 =	sld [smem:$0x0];
	_ =	sdelay $0x2  }
0xb8: {  	s31 =	sshll.u32 s1, $0xD;
	s1 =	sshrl.u32 s1, $0x2  }
0xb9: {  	s3 =	sand.u32 $0x4000, s31;
	s1 =	sadd.s32 s1, s30  }
0xba: {  	s0 =	sor.u32 s3, s0;
	s1 =	sshll.u32 s1, $0x11  }
0xbb: {  	s0 =	sor.u32 s1, s0  }
0xbc: {  	s0 =	sadd.s32 $0x8F2B, s0  }
0xbd: {  	[sflag:s0] =	ssyncadd.remote.s32 $0x1  }
0xbe: {  	_ =	sfence.sel $0xFFFF  }
0xbf: {  	[dreg:$0x0] =	wrdreg $0xFFFFFFFF;
	(pc) =	sbr.abs _section_cstart, $3  }
0xc0: {  	[dreg:$0x1] =	wrdreg $0xFFFFFFFF  }
0xc1: {  	_ =	task.clear_ibuf [dreg:s6], $0x2FFFF;
	_ =	strace $0x9FFFFFFF  }
0xc2: {  	(tm) =	ssettm $0x7FFFFFFF  }
0xc3: {  	_ =	shalt  }
tec
execute0_lowered:
.L_overlay_start_1:
0x0: {  	(tag) =	ssettag $0x1  }
0x1: {  	s5 =	rddreg [dreg:$0x0];
	s1 =	stileid.u32  }
0x2: {  	s2 =	rddreg [dreg:$0x1];
	s4 =	smul.u32 $0x18800, s1  }
0x3: {  	s0 =	rddreg [dreg:$0x2];
	s6 =	smul.u32 $0x310000, s1  }
0x4: {  	s3 =	simm.s32 $0x0;
	s7 =	srdreg.scid;
	s8 =	smul.u32 $0x1880, s1  }
0x5: {  	[smem:$0x7FF] =	sst s3;
	s7 =	sand.u32 $0x1, s7;
	s13 =	smul.u32 $0xC400, s1  }
0x6: {  	s15 =	simm.s32 $0x0;
	_ =	strace $0x80000050;
	s11 =	smul.u32 $0x188000, s7  }
0x7: {  	s10 =	ssub.s32 $0x2, s7;
	s30 =	smul.u32 $0x6200, s7;
	s9 =	sadd.s32 s4, s5  }
0x8: {  	s4 =	sadd.s32 $0x621400, s5;
	s12 =	sshrl.u32 s10, $0x1;
	s14 =	sadd.s32 s6, s5  }
0x9: {  	s7 =	sor.u32 $0x30, s8;
	s29 =	ssub.s32 s10, s12;
	s6 =	sadd.s32 $0x6E5400, s9  }
0xa: {  	s31 =	sadd.s32 s11, s14;
	s9 =	sadd.s32 s30, s13;
	s10 =	simm.s32 $0x80  }
0xb: {  	s11 =	simm.s32 $0x2;
	s12 =	simm.s32 $0x40;
	s13 =	simm.s32 $0x2080  }
0xc: {  	v0 =	vlaneseq.u32;
	s14 =	simm.s32 $0x1;
	s5 =	smax.u32 s29, $0x1;
	s8 =	sadd.s32 $0xB7D400, s31  }
.LBB2_1:
0xd: {  	s16 =	sadd.s32 $0x0, s6  }
0xe: {  	[tilespmem:s10], [sflag:$0x2] =	stream.linear.gather [hbm4b:s16+s3], $0x2000, $0x38;
	[tilespmem:$0x1A900] =	vst v63  }
0xf: {  	_ =	swait.ge [sflag:s11], $0x2000  }
0x10: {  	[sflag:s11] =	ssyncset.done $0x0  }
0x11: {  	s30 =	sadd.s32 $0xFFFFFFF0, s7;
	v1 =	vor.u32 s7, v0;
	[sflag:s11] =	ssyncadd.s32 $0xFFFFE000  }
0x12: {  	s17 =	sadd.s32 $0xFFFFFFD0, s7;
	v2 =	vor.u32 s30, v0;
	[tilespmem:$0x20B0] =	vst v1  }
0x13: {  	s31 =	sadd.s32 $0xFFFFFFE0, s7;
	v1 =	vor.u32 s17, v0;
	[tilespmem:$0x20A0] =	vst v2  }
0x14: {  	v2 =	vor.u32 s31, v0;
	[tilespmem:$0x2080] =	vst v1  }
0x15: {  	s16 =	simm.s32 $0x400;
	s17 =	sadd.s32 $0x40, s7;
	[tilespmem:$0x2090] =	vst v2  }
.LBB2_2:
0x16: {  	[spmem:s2] =	stream.indirect.scatter [tilespmem:s10], [sflag:$0x2], $0x10, s13, s12, $0xb8;
	[tilespmem:$0x1A900] =	vst v63  }
0x17: {  	s18 =	smov.u32 s16  }
0x18: {  	p0 =	sne.s32 s16, $0x18400;
	s16 =	sadd.s32 $0x400, s16;
	_ =	swait.ge [sflag:s11], $0x400  }
0x19: {  	[sflag:s11] =	ssyncset.done $0x0  }
0x1a: {  	s18 =	sadd.s32 s18, s6;
	[sflag:s11] =	ssyncadd.s32 $0xFFFFFC00  }
0x1b: {  	[tilespmem:s10], [sflag:$0x2] =	stream.linear.gather [hbm4b:s18+s3], $0x2000, $0x38;
	[tilespmem:$0x1A900] =	vst v63  }
0x1c: {  	_ =	swait.ge [sflag:s11], $0x2000  }
0x1d: {  	[sflag:s11] =	ssyncset.done $0x0  }
.Ltmp0:
0x1e: {  	v1 =	vor.u32 s17, v0;
	s18 =	sadd.s32 $0xFFFFFFF0, s17;
	[sflag:s11] =	ssyncadd.s32 $0xFFFFE000;
	(pc) =	sbr.rel @p0 .LBB2_2-.Ltmp0, $4  }
0x1f: {  	s19 =	sadd.s32 $0xFFFFFFD0, s17;
	s20 =	sadd.s32 $0xFFFFFFE0, s17;
	v2 =	vor.u32 s18, v0;
	[tilespmem:$0x20B0] =	vst v1  }
0x20: {  	v3 =	vor.u32 s20, v0;
	v1 =	vor.u32 s19, v0;
	[tilespmem:$0x20A0] =	vst v2  }
0x21: {  	[tilespmem:$0x2080] =	vst v1  }
0x22: {  	s17 =	sadd.s32 $0x40, s17;
	[tilespmem:$0x2090] =	vst v3  }
0x23: {  	[spmem:s2] =	stream.indirect.scatter [tilespmem:s10], [sflag:$0x2], $0x10, s13, s12, $0xb8;
	[tilespmem:$0x1A900] =	vst v63  }
0x24: {  	s16 =	simm.s32 $0x0;
	_ =	swait.ge [sflag:s11], $0x400  }
0x25: {  	s17 =	sadd.s32 $0x0, s9;
	s16 =	sand.u32 $0x70, s16;
	[sflag:s11] =	ssyncset.done $0x0  }
0x26: {  	s17 =	sand.u32 $0xFFFFF80, s17;
	s16 =	sadd.s32 s4, s16;
	[sflag:s11] =	ssyncadd.s32 $0xFFFFFC00  }
0x27: {  	s16 =	sadd.s32 s17, s16;
	[bflag:$0x0] =	sbarrier.arrive $0xFFFF  }
0x28: {  	[tilespmem:s3], [sflag:$0x2] =	stream.linear.gather [hbm4b:s16+s3], $0x80, $0x38;
	[tilespmem:$0x1A900] =	vst v63  }
0x29: {  	_ =	swait.ge [sflag:s11], $0x80  }
0x2a: {  	[sflag:s11] =	ssyncset.done $0x0  }
0x2b: {  	[sflag:s11] =	ssyncadd.s32 $0xFFFFFF80  }
0x2c: {  	[tilespmem:s10], [sflag:$0x1] =	stream.indirect.gather [spmem:s2], $0x10, s3, s12, $0xb8;
	[tilespmem:$0x1A900] =	vst v63  }
0x2d: {  	_ =	swait.ge [sflag:s14], $0x400  }
0x2e: {  	s18 =	simm.s32 $0x10;
	[sflag:s14] =	ssyncset.done $0x0  }
0x2f: {  	s19 =	sadd.s32 $0x10, s9;
	s20 =	sand.u32 $0x70, s18;
	[sflag:s14] =	ssyncadd.s32 $0xFFFFFC00  }
0x30: {  	[hbm4b:s8+s3] =	stream.linear.scatter [tilespmem:s10], [sflag:$0x2], $0x2000, $0x38;
	[tilespmem:$0x1A900] =	vst v63  }
0x31: {  	s18 =	sand.u32 $0xFFFFF80, s19;
	s19 =	sadd.s32 s4, s20;
	_ =	swait.ge [sflag:s11], $0x2000  }
0x32: {  	s17 =	simm.s32 $0x20;
	s16 =	sadd.s32 $0x400, s8;
	[sflag:s11] =	ssyncset.done $0x0  }
.LBB2_4:
0x33: {  	s18 =	sadd.s32 s18, s19;
	[sflag:s11] =	ssyncadd.s32 $0xFFFFE000  }
0x34: {  	s19 =	smov.u32 s17;
	s20 =	sadd.s32 $0x10, s17;
	s21 =	smov.u32 s16  }
0x35: {  	[tilespmem:s3], [sflag:$0x2] =	stream.linear.gather [hbm4b:s18+s3], $0x80, $0x38;
	[tilespmem:$0x1A900] =	vst v63  }
0x36: {  	p0 =	sne.s32 s17, $0x61F0;
	_ =	swait.ge [sflag:s11], $0x80  }
0x37: {  	[sflag:s11] =	ssyncset.done $0x0  }
0x38: {  	[sflag:s11] =	ssyncadd.s32 $0xFFFFFF80  }
0x39: {  	[tilespmem:s10], [sflag:$0x1] =	stream.indirect.gather [spmem:s2], $0x10, s3, s12, $0xb8;
	[tilespmem:$0x1A900] =	vst v63  }
0x3a: {  	_ =	swait.ge [sflag:s14], $0x400  }
.Ltmp1:
0x3b: {  	[sflag:s14] =	ssyncset.done $0x0;
	(pc) =	sbr.rel @p0 .LBB2_4-.Ltmp1, $4  }
0x3c: {  	s16 =	sadd.s32 $0x400, s16;
	s17 =	sadd.s32 s19, s9;
	[sflag:s14] =	ssyncadd.s32 $0xFFFFFC00  }
0x3d: {  	[hbm4b:s21+s3] =	stream.linear.scatter [tilespmem:s10], [sflag:$0x2], $0x2000, $0x38;
	[tilespmem:$0x1A900] =	vst v63  }
0x3e: {  	s19 =	sand.u32 $0x70, s19;
	s18 =	sand.u32 $0xFFFFF80, s17;
	_ =	swait.ge [sflag:s11], $0x2000  }
0x3f: {  	s19 =	sadd.s32 s4, s19;
	s17 =	smov.u32 s20;
	[sflag:s11] =	ssyncset.done $0x0  }
0x40: {  	s17 =	sadd.s32 s18, s19;
	[sflag:s11] =	ssyncadd.s32 $0xFFFFE000  }
0x41: {  	[tilespmem:s3], [sflag:$0x2] =	stream.linear.gather [hbm4b:s17+s3], $0x80, $0x38;
	[tilespmem:$0x1A900] =	vst v63  }
0x42: {  	_ =	swait.ge [sflag:s11], $0x80  }
0x43: {  	[sflag:s11] =	ssyncset.done $0x0  }
0x44: {  	[sflag:s11] =	ssyncadd.s32 $0xFFFFFF80  }
0x45: {  	[tilespmem:s10], [sflag:$0x1] =	stream.indirect.gather [spmem:s2], $0x10, s3, s12, $0xb8;
	[tilespmem:$0x1A900] =	vst v63  }
0x46: {  	s15 =	sadd.s32 $0x1, s15;
	_ =	swait.ge [sflag:s14], $0x400  }
0x47: {  	p0 =	sne.s32 s15, s5;
	[sflag:s14] =	ssyncset.done $0x0  }
.Ltmp2:
0x48: {  	[sflag:s14] =	ssyncadd.s32 $0xFFFFFC00;
	(pc) =	sbr.rel @p0 .LBB2_1-.Ltmp2, $4  }
0x49: {  	[hbm4b:s16+s3] =	stream.linear.scatter [tilespmem:s10], [sflag:$0x2], $0x2000, $0x38;
	[tilespmem:$0x1A900] =	vst v63  }
0x4a: {  	_ =	swait.ge [sflag:s11], $0x2000  }
0x4b: {  	[sflag:s11] =	ssyncset.done $0x0  }
0x4c: {  	[sflag:s11] =	ssyncadd.s32 $0xFFFFE000  }
0x4d: {  	_ =	sfence.sel $0x180000  }
0x4e: {  	[bflag:$0x0] =	sbarrier.arrive $0xFFFF  }
0x4f: {  	p0 =	sne.s32 s1, $0x0;
	_ =	strace $0x90000050  }
0x50: {  	s0 =	sadd.s32 @!p0 $0x100000, s0;
	[bflag:$0x2] =	sbarrier.arrive $0xFFFF  }
0x51: {  	[sflag:s0] =	ssyncadd.tile.s32 @!p0 $0x1;
	_ =	shalt  }
.Lfunc_end2:
_tile_overlayer_lowered:
.L_overlay_start_2:
0x52: {  	(tag) =	ssettag $0x2  }
0x53: {  	s0 =	rddreg [dreg:$0x0];
	s2 =	stileid.u32  }
0x54: {  	s1 =	rddreg [dreg:$0x1];
	p0 =	sne.s32 s2, $0x0  }
0x55: {  	s3 =	rddreg [dreg:$0x2];
	[bflag:$0x3] =	sbarrier.arrive $0xFFFF;
	s2 =	simm.s32 @!p0 $0x1C02  }
0x56: {  	[timem:s3], [sflag:s2] =	dma.local @!p0 [hbm:s0], s1  }
0x57: {  	s0 =	simm.s32 @!p0 $0x2  }
0x58: {  	_ =	swait.ge @!p0 [sflag:s0], s1  }
0x59: {  	s1 =	ssub.s32 @!p0 $0x0, s1;
	[sflag:s0] =	ssyncset.done @!p0 $0x0  }
0x5a: {  	[sflag:s0] =	ssyncadd.s32 @!p0 s1  }
0x5b: {  	[bflag:$0x3] =	sbarrier.arrive $0xFFFF  }
0x5c: {  	_ =	shalt  }

// kernel: kernel.22.cloned.1.call-start
scs
__scs_entry_jumppad:
0x0: {  	(pc) =	sbr.rel $0x88, $3  }
0x1: {  	(tag) =	ssettag $0x0;
	lr =	simm.s32 $0x1  }
0x2: {  	[smem:$0x3F99] =	sst lr;
	_ =	strace $0xD0000000  }
0x3: {  	_ = 	snop  }
0x4: {  	_ = 	snop  }
0x5: {  	_ = 	snop  }
0x6: {  	_ = 	snop  }
0x7: {  	_ = 	snop  }
__scs_overlays_trampoline_lowered:
0x8: {  	[smem:$0x3FA8] =	sst s0  }
0x9: {  	[smem:$0x3FA9] =	sst s1  }
0xa: {  	[smem:$0x3FAA] =	sst s2  }
0xb: {  	[smem:$0x3FAB] =	sst s3  }
0xc: {  	[smem:$0x3FAC] =	sst s4  }
0xd: {  	[smem:$0x3FAD] =	sst s5  }
0xe: {  	[smem:$0x3FAE] =	sst s6  }
0xf: {  	[smem:$0x3FAF] =	sst s7  }
0x10: {  	[smem:$0x3FB0] =	sst s8  }
0x11: {  	[smem:$0x3FB1] =	sst s9;
	s0 =	simm.s32 @!p0 $0x0  }
0x12: {  	s1 =	sld [smem:$0x3F97];
	s0 =	simm.s32 @p0 $0x1  }
0x13: {  	[smem:$0x3FB2] =	sst s0;
	s0 =	simm.s32 @!p1 $0x0  }
0x14: {  	s2 =	sld [smem:$0x3F96];
	s0 =	simm.s32 @p1 $0x1  }
0x15: {  	[smem:$0x3FB3] =	sst s0;
	s0 =	simm.s32 @!p2 $0x0  }
0x16: {  	s3 =	sld [smem:$0x3FDB];
	s0 =	simm.s32 @p2 $0x1  }
0x17: {  	s4 =	simm.s32 $0x1BF5;
	[smem:$0x3FB5] =	sst s0  }
0x18: {  	s0 =	sld [smem:$0x3F98];
	_ =	swait.ge [sflag:s4], $0x0  }
0x19: {  	s7 =	sld [smem:$0x3F99]  }
0x1a: {  	s8 =	sadd.s32 $0xFFFFE003, lr  }
0x1b: {  	s9 =	sadd.s32 $0xFFFFFEF7, lr;
	s5 =	simm.s32 $0xFFFFFFFF;
	p2 =	slt.u32 s8, $0xFFFFF086  }
0x1c: {  	p1 =	slt.u32 s9, $0xF7A;
	s5 =	simm.s32 @!p2 $0x0  }
0x1d: {  	s5 =	simm.s32 @p1 $0x1;
	p0 =	seq.s32 s7, s2  }
0x1e: {  	s7 =	smul.u32 @!p0 $0xF7A, s2;
	p2 =	seq.s32 @!p0 s5, $0x0  }
0x1f: {  	s9 =	smul.u32 $0xF7A, s1;
	s8 =	simm.s32 @!p0 $0x1BF5;
	p2 =	por !p2, p0  }
0x20: {  	[sflag:s8] =	ssyncset.s32 @!p0 $0xFFFFF086;
	s6 =	sadd.s32 @!p0 s3, s7;
	s7 =	simm.s32 @!p0 $0x108  }
0x21: {  	s3 =	sadd.s32 s3, s9;
	s6 =	sadd.s32 @!p0 $0x88, s6;
	s7 =	simm.s32 @p2 $0x1082  }
0x22: {  	[simem:s7], [sflag:s8] =	dma.local @!p0 [hbm:s6], $0xF7A  }
0x23: {  	s9 =	sor.u32 $0xD0000000, s2;
	s6 =	simm.s32 $0x108;
	_ =	swait.ge @!p0 [sflag:s8], $0x0  }
0x24: {  	s3 =	sadd.s32 $0x88, s3;
	s6 =	simm.s32 @!p1 $0x1082;
	[sflag:s4] =	ssyncset.s32 $0xFFFFF086  }
0x25: {  	[simem:s6], [sflag:s4] =	dma.local [hbm:s3], $0xF7A  }
0x26: {  	[smem:$0x3F99] =	sst s1;
	(tag) =	ssettag s2;
	_ =	strace s9  }
0x27: {  	s1 =	sld [smem:$0x3FA9]  }
0x28: {  	s2 =	sld [smem:$0x3FAA]  }
0x29: {  	s4 =	sld [smem:$0x3FAC]  }
0x2a: {  	p0 =	seq.s32 s5, $0x0;
	s5 =	sld [smem:$0x3FAD]  }
0x2b: {  	s6 =	sld [smem:$0x3FAE]  }
0x2c: {  	s7 =	sld [smem:$0x3FAF]  }
0x2d: {  	s3 =	simm.s32 $0x108;
	s8 =	sld [smem:$0x3FB0]  }
0x2e: {  	s3 =	simm.s32 @!p0 $0x1082;
	s9 =	sld [smem:$0x3FB1]  }
0x2f: {  	lr =	sadd.s32 s0, s3;
	s0 =	sld [smem:$0x3FA8]  }
0x30: {  	s3 =	sld [smem:$0x3FAB]  }
0x31: {  	[smem:$0x3FB4] =	sst s10  }
0x32: {  	s10 =	sld [smem:$0x3FB2];
	_ =	sdelay $0x3  }
0x33: {  	p0 =	seq.s32 s10, $0x1;
	s10 =	sld [smem:$0x3FB4];
	_ =	sdelay $0x3  }
0x34: {  	[smem:$0x3FB4] =	sst s10  }
0x35: {  	s10 =	sld [smem:$0x3FB3];
	_ =	sdelay $0x3  }
0x36: {  	p1 =	seq.s32 s10, $0x1;
	s10 =	sld [smem:$0x3FB4];
	_ =	sdelay $0x3  }
0x37: {  	[smem:$0x3FB4] =	sst s10  }
0x38: {  	s10 =	sld [smem:$0x3FB5]  }
0x39: {  	_ = 	snop;
	(pc) =	sbr.ind lr, $3  }
0x3a: {  	_ = 	snop  }
0x3b: {  	_ = 	snop  }
0x3c: {  	p2 =	seq.s32 s10, $0x1;
	s10 =	sld [smem:$0x3FB4]  }
0x3d: {  	_ =	shalt  }
0x3e: {  	_ =	shalt  }
0x3f: {  	_ =	shalt  }
0x40: {  	_ =	shalt  }
0x41: {  	_ =	shalt  }
0x42: {  	_ =	shalt  }
0x43: {  	_ =	shalt  }
0x44: {  	_ =	shalt  }
0x45: {  	_ =	shalt  }
0x46: {  	_ =	shalt  }
0x47: {  	_ =	shalt  }
0x48: {  	_ =	shalt  }
0x49: {  	_ =	shalt  }
0x4a: {  	_ =	shalt  }
0x4b: {  	_ =	shalt  }
0x4c: {  	_ =	shalt  }
0x4d: {  	_ =	shalt  }
0x4e: {  	_ =	shalt  }
0x4f: {  	_ =	shalt  }
0x50: {  	_ =	shalt  }
0x51: {  	_ =	shalt  }
0x52: {  	_ =	shalt  }
0x53: {  	_ =	shalt  }
0x54: {  	_ =	shalt  }
0x55: {  	_ =	shalt  }
0x56: {  	_ =	shalt  }
0x57: {  	_ =	shalt  }
0x58: {  	_ =	shalt  }
0x59: {  	_ =	shalt  }
0x5a: {  	_ =	shalt  }
0x5b: {  	_ =	shalt  }
0x5c: {  	_ =	shalt  }
0x5d: {  	_ =	shalt  }
0x5e: {  	_ =	shalt  }
0x5f: {  	_ =	shalt  }
0x60: {  	_ =	shalt  }
0x61: {  	_ =	shalt  }
0x62: {  	_ =	shalt  }
0x63: {  	_ =	shalt  }
0x64: {  	_ =	shalt  }
0x65: {  	_ =	shalt  }
0x66: {  	_ =	shalt  }
0x67: {  	_ =	shalt  }
0x68: {  	_ =	shalt  }
0x69: {  	_ =	shalt  }
0x6a: {  	_ =	shalt  }
0x6b: {  	_ =	shalt  }
0x6c: {  	_ =	shalt  }
0x6d: {  	_ =	shalt  }
0x6e: {  	_ =	shalt  }
0x6f: {  	_ =	shalt  }
0x70: {  	_ =	shalt  }
0x71: {  	_ =	shalt  }
0x72: {  	_ =	shalt  }
0x73: {  	_ =	shalt  }
0x74: {  	_ =	shalt  }
0x75: {  	_ =	shalt  }
0x76: {  	_ =	shalt  }
0x77: {  	_ =	shalt  }
0x78: {  	_ =	shalt  }
0x79: {  	_ =	shalt  }
0x7a: {  	_ =	shalt  }
0x7b: {  	_ =	shalt  }
0x7c: {  	_ =	shalt  }
0x7d: {  	_ =	shalt  }
0x7e: {  	_ =	shalt  }
0x7f: {  	_ =	shalt  }
0x80: {  	_ =	shalt  }
0x81: {  	_ =	shalt  }
0x82: {  	_ =	shalt  }
0x83: {  	_ =	shalt  }
0x84: {  	_ =	shalt  }
0x85: {  	_ =	shalt  }
0x86: {  	_ =	shalt  }
0x87: {  	_ =	shalt  }
.Lfunc_end0:
.L_simem_size_0:
called_computation.4_lowered:
.L_overlay_start_0:
0x88: {  	s2 =	sld [smem:$0x3FD9]  }
0x89: {  	s3 =	sld [smem:$0x3FFE];
	_ =	sdelay $0x1  }
0x8a: {  	s1 =	srdreg.scid  }
0x8b: {  	s0 =	sand.u32 $0x1, s1  }
0x8c: {  	s16 =	sshll.u32 s0, $0xA;
	s2 =	sadd.s32 s3, s2  }
0x8d: {  	s2 =	sadd.s32 s2, s16  }
0x8e: {  	[smem:$0x3FC0] =	sst s2  }
0x8f: {  	_ = 	snop  }
0x90: {  	(tm) =	ssettm $0x1  }
0x91: {  	s17 =	sld [smem:$0x3FFB];
	_ =	sdelay $0x3  }
0x92: {  	_ =	strace s17  }
0x93: {  	s2 =	sld [smem:$0x3FFC];
	_ =	sdelay $0x3  }
0x94: {  	_ =	strace s2  }
0x95: {  	s2 =	sld [smem:$0x3FFD];
	_ =	sdelay $0x3  }
0x96: {  	_ =	strace s2  }
0x97: {  	_ =	strace $0x8FFFFFFF  }
0x98: {  	s18 =	sld [smem:$0x3FDB];
	_ =	sdelay $0x1  }
0x99: {  	s19 =	simm.s32 $_scs_section_size  }
0x9a: {  	s4 =	simm.s32 $_size__tile_overlayer_lowered;
	s5 =	simm.s32 $_tile_overlayer_lowered  }
0x9b: {  	s22 =	simm.s32 $0x1BFF;
	s21 =	sshll.u32 s5, $0x1;
	s2 =	sadd.s32 s19, s18  }
0x9c: {  	s6 =	simm.s32 $0x0;
	s20 =	sshll.u32 s4, $0x1;
	s4 =	sadd.s32 s21, s2  }
0x9d: {  	[timem:s6], [sflag:s22] =	dma.local [hbm:s4], s20  }
0x9e: {  	_ =	swait.ge [sflag:s22], s20  }
0x9f: {  	s3 =	ssub.s32 $0x0, s20;
	[sflag:s22] =	ssyncset.done $0x0  }
0xa0: {  	[sflag:s22] =	ssyncadd.s32 s3;
	_ =	sdelay $0x1  }
0xa1: {  	s23 =	simm.s32 $0x1B8B  }
0xa2: {  	_ =	swait.ge [sflag:s23], $0x1  }
0xa3: {  	[sflag:s23] =	ssyncset.done $0x0  }
0xa4: {  	s25 =	simm.s32 $0x1B8E;
	s24 =	sld [smem:$0x3FFE];
	[sflag:s23] =	ssyncadd.s32 $0xFFFFFFFF  }
0xa5: {  	s26 =	simm.s32 $execute0_lowered;
	[smem:$0x3FD2] =	sst s25  }
0xa6: {  	s4 =	sshll.u32 s26, $0x1;
	_ =	strace $0x80000052;
	[dreg:$0x1] =	wrdreg $0xFFFFFFFF  }
0xa7: {  	s28 =	simm.s32 $_size_execute0_lowered;
	s2 =	sadd.s32 s2, s4;
	[dreg:$0x0] =	wrdreg $0x0  }
0xa8: {  	s4 =	sshll.u32 s28, $0x1;
	[dreg:$0x2] =	wrdreg s2  }
0xa9: {  	[dreg:$0x3] =	wrdreg s4  }
0xaa: {  	[dreg:$0x4] =	wrdreg $0xC0  }
0xab: {  	_ =	task [dreg:s6], $0x5FFFF  }
0xac: {  	[dreg:$0x1] =	wrdreg $0xFFFFFFFF  }
0xad: {  	[dreg:$0x0] =	wrdreg $0x60  }
0xae: {  	[dreg:$0x2] =	wrdreg s24  }
0xaf: {  	[dreg:$0x3] =	wrdreg $0x41000  }
0xb0: {  	[dreg:$0x4] =	wrdreg $0x9  }
0xb1: {  	_ =	task.clear_ibuf [dreg:s6], $0x5FFFF;
	_ =	strace $0x90000052  }
0xb2: {  	s29 =	simm.s32 $0x9;
	_ =	strace $0x80000054  }
0xb3: {  	_ =	swait.ge [sflag:s29], $0x1  }
0xb4: {  	[sflag:s29] =	ssyncadd.s32 $0xFFFFFFFF  }
0xb5: {  	_ =	strace $0x90000054  }
0xb6: {  	_ =	sfence  }
0xb7: {  	s30 =	sld [smem:$0x0];
	_ =	sdelay $0x2  }
0xb8: {  	s31 =	sshll.u32 s1, $0xD;
	s1 =	sshrl.u32 s1, $0x2  }
0xb9: {  	s3 =	sand.u32 $0x4000, s31;
	s1 =	sadd.s32 s1, s30  }
0xba: {  	s0 =	sor.u32 s3, s0;
	s1 =	sshll.u32 s1, $0x11  }
0xbb: {  	s0 =	sor.u32 s1, s0  }
0xbc: {  	s0 =	sadd.s32 $0x8F2B, s0  }
0xbd: {  	[sflag:s0] =	ssyncadd.remote.s32 $0x1  }
0xbe: {  	_ =	sfence.sel $0xFFFF  }
0xbf: {  	[dreg:$0x0] =	wrdreg $0xFFFFFFFF;
	(pc) =	sbr.abs _section_cstart, $3  }
0xc0: {  	[dreg:$0x1] =	wrdreg $0xFFFFFFFF  }
0xc1: {  	_ =	task.clear_ibuf [dreg:s6], $0x2FFFF;
	_ =	strace $0x9FFFFFFF  }
0xc2: {  	(tm) =	ssettm $0x7FFFFFFF  }
0xc3: {  	_ =	shalt  }
tec
execute0_lowered:
.L_overlay_start_1:
0x0: {  	(tag) =	ssettag $0x1  }
0x1: {  	s5 =	rddreg [dreg:$0x0];
	s0 =	stileid.u32  }
0x2: {  	s1 =	srdreg.scid;
	s2 =	rddreg [dreg:$0x1]  }
0x3: {  	s3 =	simm.s32 $0x0;
	s14 =	simm.s32 $0x2;
	s4 =	smul.u32 $0x310000, s0  }
0x4: {  	s15 =	simm.s32 $0x80;
	s16 =	simm.s32 $0x1;
	s8 =	smul.u32 $0xC4000, s0  }
0x5: {  	s6 =	sand.u32 $0x1, s1;
	s1 =	rddreg [dreg:$0x2];
	s11 =	smul.u32 $0xC400, s0  }
0x6: {  	s17 =	simm.s32 $0x0;
	[smem:$0x7FF] =	sst s3;
	s7 =	smul.u32 $0xC40000, s6  }
0x7: {  	_ =	strace $0x80000053;
	s28 =	smul.u32 $0x188000, s6;
	s10 =	ssub.s32 $0x2, s6  }
0x8: {  	s13 =	smul.u32 $0x6200, s6;
	s9 =	sadd.s32 s4, s5;
	s29 =	sshrl.u32 s10, $0x1  }
0x9: {  	s4 =	sadd.s32 $0xC6A00, s5;
	s7 =	sadd.s32 s8, s7;
	s30 =	ssub.s32 s10, s29  }
0xa: {  	s31 =	sadd.s32 s28, s9;
	s8 =	sadd.s32 s13, s11;
	s7 =	sshrl.u32 s7, $0x3  }
0xb: {  	s11 =	simm.s32 $0x40;
	s12 =	sadd.s32 s7, s5;
	s5 =	smul.u32 $0x1880, s0  }
0xc: {  	s13 =	simm.s32 $0x2080;
	s6 =	smax.u32 s30, $0x1;
	s7 =	sadd.s32 $0xB7D400, s31  }
0xd: {  	v0 =	vimm.f32 $0.0e+00;
	v1 =	vlaneseq.u32;
	s9 =	sadd.s32 $0x18AA00, s12;
	s12 =	simm.s32 $0x4080;
	s10 =	sor.u32 $0x30, s5  }
.LBB2_1:
0xe: {  	[tilespmem:$0x2080] =	vst v0  }
0xf: {  	[tilespmem:$0x2100] =	vst v0  }
0x10: {  	[tilespmem:$0x2180] =	vst v0  }
0x11: {  	[tilespmem:$0x2200] =	vst v0  }
0x12: {  	[tilespmem:$0x2280] =	vst v0  }
0x13: {  	[tilespmem:$0x2300] =	vst v0  }
0x14: {  	[tilespmem:$0x2380] =	vst v0  }
0x15: {  	[tilespmem:$0x2400] =	vst v0  }
0x16: {  	[tilespmem:$0x2480] =	vst v0  }
0x17: {  	[tilespmem:$0x2500] =	vst v0  }
0x18: {  	[tilespmem:$0x2580] =	vst v0  }
0x19: {  	[tilespmem:$0x2600] =	vst v0  }
0x1a: {  	[tilespmem:$0x2680] =	vst v0  }
0x1b: {  	[tilespmem:$0x2700] =	vst v0  }
0x1c: {  	[tilespmem:$0x2780] =	vst v0  }
0x1d: {  	[tilespmem:$0x2800] =	vst v0  }
0x1e: {  	[tilespmem:$0x2880] =	vst v0  }
0x1f: {  	[tilespmem:$0x2900] =	vst v0  }
0x20: {  	[tilespmem:$0x2980] =	vst v0  }
0x21: {  	[tilespmem:$0x2A00] =	vst v0  }
0x22: {  	[tilespmem:$0x2A80] =	vst v0  }
0x23: {  	[tilespmem:$0x2B00] =	vst v0  }
0x24: {  	[tilespmem:$0x2B80] =	vst v0  }
0x25: {  	[tilespmem:$0x2C00] =	vst v0  }
0x26: {  	[tilespmem:$0x2C80] =	vst v0  }
0x27: {  	[tilespmem:$0x2D00] =	vst v0  }
0x28: {  	[tilespmem:$0x2D80] =	vst v0  }
0x29: {  	[tilespmem:$0x2E00] =	vst v0  }
0x2a: {  	[tilespmem:$0x2E80] =	vst v0  }
0x2b: {  	[tilespmem:$0x2F00] =	vst v0  }
0x2c: {  	[tilespmem:$0x2F80] =	vst v0  }
0x2d: {  	[tilespmem:$0x3000] =	vst v0  }
0x2e: {  	[tilespmem:$0x3080] =	vst v0  }
0x2f: {  	[tilespmem:$0x3100] =	vst v0  }
0x30: {  	[tilespmem:$0x3180] =	vst v0  }
0x31: {  	[tilespmem:$0x3200] =	vst v0  }
0x32: {  	[tilespmem:$0x3280] =	vst v0  }
0x33: {  	[tilespmem:$0x3300] =	vst v0  }
0x34: {  	[tilespmem:$0x3380] =	vst v0  }
0x35: {  	[tilespmem:$0x3400] =	vst v0  }
0x36: {  	[tilespmem:$0x3480] =	vst v0  }
0x37: {  	[tilespmem:$0x3500] =	vst v0  }
0x38: {  	[tilespmem:$0x3580] =	vst v0  }
0x39: {  	[tilespmem:$0x3600] =	vst v0  }
0x3a: {  	[tilespmem:$0x3680] =	vst v0  }
0x3b: {  	[tilespmem:$0x3700] =	vst v0  }
0x3c: {  	[tilespmem:$0x3780] =	vst v0  }
0x3d: {  	[tilespmem:$0x3800] =	vst v0  }
0x3e: {  	[tilespmem:$0x3880] =	vst v0  }
0x3f: {  	[tilespmem:$0x3900] =	vst v0  }
0x40: {  	[tilespmem:$0x3980] =	vst v0  }
0x41: {  	[tilespmem:$0x3A00] =	vst v0  }
0x42: {  	[tilespmem:$0x3A80] =	vst v0  }
0x43: {  	[tilespmem:$0x3B00] =	vst v0  }
0x44: {  	[tilespmem:$0x3B80] =	vst v0  }
0x45: {  	[tilespmem:$0x3C00] =	vst v0  }
0x46: {  	[tilespmem:$0x3C80] =	vst v0  }
0x47: {  	[tilespmem:$0x3D00] =	vst v0  }
0x48: {  	[tilespmem:$0x3D80] =	vst v0  }
0x49: {  	[tilespmem:$0x3E00] =	vst v0  }
0x4a: {  	[tilespmem:$0x3E80] =	vst v0  }
0x4b: {  	[tilespmem:$0x3F00] =	vst v0  }
0x4c: {  	[tilespmem:$0x3F80] =	vst v0;
	s18 =	sadd.s32 $0x0, s5  }
0x4d: {  	[tilespmem:$0x4000] =	vst v0;
	v2 =	vor.u32 s18, v1;
	s19 =	sadd.s32 $0x30, s18  }
0x4e: {  	s20 =	sadd.s32 $0x20, s18;
	[tilespmem:$0x4080] =	vst v2;
	v3 =	vor.u32 s19, v1  }
0x4f: {  	s19 =	sadd.s32 $0x10, s18;
	v2 =	vor.u32 s20, v1;
	s18 =	simm.s32 $0x40;
	[tilespmem:$0x40B0] =	vst v3  }
.LBB2_2:
0x50: {  	p0 =	sne.s32 s18, $0x1840;
	v3 =	vor.u32 s19, v1;
	[tilespmem:$0x40A0] =	vst v2  }
0x51: {  	[tilespmem:$0x4090] =	vst v3;
	[spmem:s2] =	stream.indirect.scatter [tilespmem:s13], [sflag:$0x2], $0x10, s12, s11, $0xb8  }
.Ltmp0:
0x52: {  	_ =	swait.ge [sflag:s14], $0x400;
	(pc) =	sbr.rel @p0 .LBB2_2-.Ltmp0, $4  }
0x53: {  	s19 =	sadd.s32 s18, s5;
	[sflag:s14] =	ssyncset.done $0x0  }
0x54: {  	v2 =	vor.u32 s19, v1;
	s20 =	sadd.s32 $0x30, s19;
	[sflag:s14] =	ssyncadd.s32 $0xFFFFFC00  }
0x55: {  	s21 =	sadd.s32 $0x20, s19;
	v3 =	vor.u32 s20, v1;
	[tilespmem:$0x4080] =	vst v2  }
0x56: {  	s18 =	sadd.s32 $0x40, s18;
	s19 =	sadd.s32 $0x10, s19;
	v2 =	vor.u32 s21, v1;
	[tilespmem:$0x40B0] =	vst v3  }
0x57: {  	v3 =	vor.u32 s19, v1;
	[tilespmem:$0x40A0] =	vst v2  }
0x58: {  	[tilespmem:$0x4090] =	vst v3  }
0x59: {  	[spmem:s2] =	stream.indirect.scatter [tilespmem:s13], [sflag:$0x2], $0x10, s12, s11, $0xb8;
	[tilespmem:$0x1C900] =	vst v63  }
0x5a: {  	s18 =	simm.s32 $0x0;
	_ =	swait.ge [sflag:s14], $0x400  }
0x5b: {  	s31 =	sadd.s32 $0x0, s8;
	s18 =	sand.u32 $0x70, s18;
	[sflag:s14] =	ssyncset.done $0x0  }
0x5c: {  	s19 =	sand.u32 $0xFFFFF80, s31;
	s18 =	sadd.s32 s4, s18;
	[sflag:s14] =	ssyncadd.s32 $0xFFFFFC00  }
0x5d: {  	s18 =	sadd.s32 s19, s18;
	[bflag:$0x0] =	sbarrier.arrive $0xFFFF  }
0x5e: {  	[tilespmem:s3], [sflag:$0x2] =	stream.linear.gather [hbm4b:s18+s3], $0x80, $0x38;
	[tilespmem:$0x1C900] =	vst v63  }
0x5f: {  	_ =	swait.ge [sflag:s14], $0x80  }
0x60: {  	[sflag:s14] =	ssyncset.done $0x0  }
0x61: {  	[sflag:s14] =	ssyncadd.s32 $0xFFFFFF80  }
0x62: {  	[tilespmem:s15], [sflag:$0x2] =	stream.linear.gather [hbm4b:s7+s3], $0x2000, $0x38;
	[tilespmem:$0x1C900] =	vst v63  }
0x63: {  	_ =	swait.ge [sflag:s14], $0x2000  }
0x64: {  	s20 =	simm.s32 $0x10;
	[sflag:s14] =	ssyncset.done $0x0  }
0x65: {  	s21 =	sadd.s32 $0x10, s8;
	s22 =	sand.u32 $0x70, s20;
	[sflag:s14] =	ssyncadd.s32 $0xFFFFE000  }
0x66: {  	[spmem:s2] =	stream.indirect.scatter.add.f32 [tilespmem:s15], [sflag:$0x2], $0x10, s3, s11, $0xb8;
	[tilespmem:$0x1C900] =	vst v63  }
0x67: {  	s20 =	sand.u32 $0xFFFFF80, s21;
	s21 =	sadd.s32 s4, s22;
	_ =	swait.ge [sflag:s14], $0x400  }
0x68: {  	s19 =	simm.s32 $0x20;
	s18 =	sadd.s32 $0x400, s7;
	[sflag:s14] =	ssyncset.done $0x0  }
.LBB2_4:
0x69: {  	s20 =	sadd.s32 s20, s21  }
0x6a: {  	[sflag:s14] =	ssyncadd.s32 $0xFFFFFC00;
	s21 =	smov.u32 s19;
	s22 =	sadd.s32 $0x10, s19  }
0x6b: {  	[tilespmem:s3], [sflag:$0x2] =	stream.linear.gather [hbm4b:s20+s3], $0x80, $0x38;
	[tilespmem:$0x1C900] =	vst v63  }
0x6c: {  	p0 =	sne.s32 s19, $0x61F0;
	_ =	swait.ge [sflag:s14], $0x80  }
0x6d: {  	[sflag:s14] =	ssyncset.done $0x0  }
0x6e: {  	[sflag:s14] =	ssyncadd.s32 $0xFFFFFF80  }
0x6f: {  	[tilespmem:s15], [sflag:$0x2] =	stream.linear.gather [hbm4b:s18+s3], $0x2000, $0x38;
	[tilespmem:$0x1C900] =	vst v63  }
0x70: {  	_ =	swait.ge [sflag:s14], $0x2000  }
.Ltmp1:
0x71: {  	[sflag:s14] =	ssyncset.done $0x0;
	(pc) =	sbr.rel @p0 .LBB2_4-.Ltmp1, $4  }
0x72: {  	s19 =	sadd.s32 s21, s8;
	s18 =	sadd.s32 $0x400, s18;
	[sflag:s14] =	ssyncadd.s32 $0xFFFFE000  }
0x73: {  	[spmem:s2] =	stream.indirect.scatter.add.f32 [tilespmem:s15], [sflag:$0x2], $0x10, s3, s11, $0xb8;
	[tilespmem:$0x1C900] =	vst v63  }
0x74: {  	s21 =	sand.u32 $0x70, s21;
	s20 =	sand.u32 $0xFFFFF80, s19;
	_ =	swait.ge [sflag:s14], $0x400  }
0x75: {  	s21 =	sadd.s32 s4, s21;
	s19 =	smov.u32 s22;
	[sflag:s14] =	ssyncset.done $0x0  }
0x76: {  	s19 =	sadd.s32 s20, s21;
	[sflag:s14] =	ssyncadd.s32 $0xFFFFFC00  }
0x77: {  	[tilespmem:s3], [sflag:$0x2] =	stream.linear.gather [hbm4b:s19+s3], $0x80, $0x38;
	[tilespmem:$0x1C900] =	vst v63  }
0x78: {  	_ =	swait.ge [sflag:s14], $0x80  }
0x79: {  	[sflag:s14] =	ssyncset.done $0x0  }
0x7a: {  	[sflag:s14] =	ssyncadd.s32 $0xFFFFFF80  }
0x7b: {  	[tilespmem:s15], [sflag:$0x2] =	stream.linear.gather [hbm4b:s18+s3], $0x2000, $0x38;
	[tilespmem:$0x1C900] =	vst v63  }
0x7c: {  	_ =	swait.ge [sflag:s14], $0x2000  }
0x7d: {  	[sflag:s14] =	ssyncset.done $0x0  }
0x7e: {  	[sflag:s14] =	ssyncadd.s32 $0xFFFFE000  }
0x7f: {  	[spmem:s2] =	stream.indirect.scatter.add.f32 [tilespmem:s15], [sflag:$0x2], $0x10, s3, s11, $0xb8;
	[tilespmem:$0x1C900] =	vst v63  }
0x80: {  	_ =	swait.ge [sflag:s14], $0x400  }
0x81: {  	[sflag:s14] =	ssyncset.done $0x0  }
0x82: {  	[sflag:s14] =	ssyncadd.s32 $0xFFFFFC00  }
0x83: {  	s28 =	sadd.s32 $0xFFFFFFF0, s10;
	v2 =	vor.u32 s10, v1;
	[bflag:$0x0] =	sbarrier.arrive $0xFFFF  }
0x84: {  	s29 =	sadd.s32 $0xFFFFFFE0, s10;
	v3 =	vor.u32 s28, v1;
	[tilespmem:$0x40B0] =	vst v2  }
0x85: {  	s30 =	sadd.s32 $0xFFFFFFD0, s10;
	v2 =	vor.u32 s29, v1;
	[tilespmem:$0x40A0] =	vst v3  }
0x86: {  	v3 =	vor.u32 s30, v1;
	[tilespmem:$0x4090] =	vst v2  }
0x87: {  	[tilespmem:$0x4080] =	vst v3  }
0x88: {  	[tilespmem:s13], [sflag:$0x1] =	stream.indirect.gather [spmem:s2], $0x10, s12, s11, $0xb8;
	[tilespmem:$0x1C900] =	vst v63  }
0x89: {  	_ =	swait.ge [sflag:s16], $0x400  }
0x8a: {  	s31 =	sadd.s32 $0x0, s9;
	[sflag:s16] =	ssyncset.done $0x0  }
0x8b: {  	s19 =	smov.u32 s10;
	s18 =	simm.s32 $0x400;
	[sflag:s16] =	ssyncadd.s32 $0xFFFFFC00  }
0x8c: {  	[hbm4b:s31+s3] =	stream.linear.scatter [tilespmem:s13], [sflag:$0x2], $0x2000, $0x38;
	[tilespmem:$0x1C900] =	vst v63  }
.LBB2_6:
0x8d: {  	p0 =	sne.s32 s18, $0x18400  }
0x8e: {  	_ =	swait.ge [sflag:s14], $0x2000;
	s19 =	sadd.s32 $0x40, s19;
	s20 =	smov.u32 s18  }
0x8f: {  	s18 =	sadd.s32 $0x400, s18;
	s21 =	sadd.s32 $0xFFFFFFD0, s19;
	[sflag:s14] =	ssyncset.done $0x0  }
0x90: {  	s22 =	sadd.s32 $0xFFFFFFE0, s19;
	s23 =	sadd.s32 $0xFFFFFFF0, s19;
	v2 =	vor.u32 s19, v1;
	[sflag:s14] =	ssyncadd.s32 $0xFFFFE000  }
0x91: {  	v3 =	vor.u32 s21, v1;
	v4 =	vor.u32 s22, v1;
	v5 =	vor.u32 s23, v1;
	[tilespmem:$0x40B0] =	vst v2  }
0x92: {  	[tilespmem:$0x40A0] =	vst v5  }
0x93: {  	[tilespmem:$0x4090] =	vst v4  }
0x94: {  	[tilespmem:$0x4080] =	vst v3  }
0x95: {  	[tilespmem:s13], [sflag:$0x1] =	stream.indirect.gather [spmem:s2], $0x10, s12, s11, $0xb8;
	[tilespmem:$0x1C900] =	vst v63  }
.Ltmp2:
0x96: {  	_ = 	snop;
	(pc) =	sbr.rel @p0 .LBB2_6-.Ltmp2, $4  }
0x97: {  	_ =	swait.ge [sflag:s16], $0x400  }
0x98: {  	s20 =	sadd.s32 s20, s9;
	[sflag:s16] =	ssyncset.done $0x0  }
0x99: {  	[sflag:s16] =	ssyncadd.s32 $0xFFFFFC00  }
0x9a: {  	[hbm4b:s20+s3] =	stream.linear.scatter [tilespmem:s13], [sflag:$0x2], $0x2000, $0x38;
	[tilespmem:$0x1C900] =	vst v63  }
0x9b: {  	s17 =	sadd.s32 $0x1, s17  }
0x9c: {  	p0 =	sne.s32 s17, s6  }
.Ltmp3:
0x9d: {  	_ = 	snop;
	(pc) =	sbr.rel @p0 .LBB2_1-.Ltmp3, $4  }
0x9e: {  	_ = 	snop  }
0x9f: {  	_ =	swait.ge [sflag:s14], $0x2000  }
0xa0: {  	[sflag:s14] =	ssyncset.done $0x0  }
0xa1: {  	[sflag:s14] =	ssyncadd.s32 $0xFFFFE000  }
0xa2: {  	_ =	sfence.sel $0x180000  }
0xa3: {  	[bflag:$0x0] =	sbarrier.arrive $0xFFFF  }
0xa4: {  	p0 =	sne.s32 s0, $0x0;
	_ =	strace $0x90000053  }
0xa5: {  	s0 =	sadd.s32 @!p0 $0x100000, s1;
	[bflag:$0x2] =	sbarrier.arrive $0xFFFF  }
0xa6: {  	[sflag:s0] =	ssyncadd.tile.s32 @!p0 $0x1;
	_ =	shalt  }
.Lfunc_end2:
_tile_overlayer_lowered:
.L_overlay_start_2:
0xa7: {  	(tag) =	ssettag $0x2  }
0xa8: {  	s0 =	rddreg [dreg:$0x0];
	s2 =	stileid.u32  }
0xa9: {  	s1 =	rddreg [dreg:$0x1];
	p0 =	sne.s32 s2, $0x0  }
0xaa: {  	s3 =	rddreg [dreg:$0x2];
	[bflag:$0x3] =	sbarrier.arrive $0xFFFF;
	s2 =	simm.s32 @!p0 $0x1C02  }
0xab: {  	[timem:s3], [sflag:s2] =	dma.local @!p0 [hbm:s0], s1  }
0xac: {  	s0 =	simm.s32 @!p0 $0x2  }
0xad: {  	_ =	swait.ge @!p0 [sflag:s0], s1  }
0xae: {  	s1 =	ssub.s32 @!p0 $0x0, s1;
	[sflag:s0] =	ssyncset.done @!p0 $0x0  }
0xaf: {  	[sflag:s0] =	ssyncadd.s32 @!p0 s1  }
0xb0: {  	[bflag:$0x3] =	sbarrier.arrive $0xFFFF  }
0xb1: {  	_ =	shalt  }

</sc_bundles>
